<compile_context>
chip_gen: v7x
topology: tpu7x:2x2x1
jax: 0.10.2.dev20260603
libtpu: 0.0.44.dev20260713+nightly
codegen_flags: <defaults>
</compile_context>

<pallas_src>
import struct

import jax
import jax.numpy as jnp
from jax import lax
from jax.experimental import pallas as pl
from jax.experimental.pallas import tpu as pltpu
from jax.experimental.pallas import tpu_sc as plsc

L = 16
B = 8
P = 20000
NCLS = 21
NPROB = B * (NCLS - 1)
PV = P // L
CAP = 512
CAPBIG = 1024
NU = CAP // L
CH = 2000
NCHUNK = P // CH
CV = CH // L
NMS_TOP_K = 400
TOP_K = 200
CONF_THRESH = 0.01
NMS_THRESH = 0.45
V0 = 0.1
V1 = 0.2


def _f32_bits(x):
    return struct.unpack("<i", struct.pack("<f", x))[0]


_B001 = _f32_bits(CONF_THRESH)
_B97 = _f32_bits(0.97)
_B98 = _f32_bits(0.98)
_B99 = _f32_bits(0.99)
_BINF = 0x7F800000

_LAYERS = [(k, j)
           for k in (2, 4, 8, 16, 32)
           for j in (k // 2, k // 4, k // 8, k // 16, k // 32) if j >= 1]


def _iota():
    return lax.iota(jnp.int32, L)


def _full_i(x):
    return jnp.full((L,), x, jnp.int32)


def _lane0(v):
    return lax.squeeze(lax.slice(v, (0,), (1,)), dimensions=(0,))


def _popcnt(m):
    return _lane0(plsc.all_reduce_population_count(m))


def _detect_body(conf_hbm, dx_hbm, dy_hbm, dw_hbm, dh_hbm,
                 px_hbm, py_hbm, pw_hbm, ph_hbm, out_hbm,
                 scores, x1f, y1f, x2f, y2f,
                 ldx, ldy, ldw, ldh, lpx, lpy, lpw, lph,
                 cand_s, cand_i, skey, srt_s, srt_i,
                 x1c, y1c, x2c, y2c, ac, supp, outbuf):
    info = plsc.get_sparse_core_info()
    nc = info.num_cores
    wid = lax.axis_index("s") * nc + lax.axis_index("c")
    nper = NPROB // (nc * info.num_subcores)
    b = (wid * nper) // (NCLS - 1)
    iota = _iota()

    def count_gt(bits):
        thr = lax.bitcast_convert_type(_full_i(bits), jnp.float32)

        def cbody(k, acc):
            a0, a1 = acc
            a0 = a0 + plsc.all_reduce_population_count(
                scores[pl.ds(2 * k * L, L)] > thr)
            a1 = a1 + plsc.all_reduce_population_count(
                scores[pl.ds((2 * k + 1) * L, L)] > thr)
            return a0, a1

        z = jnp.zeros((L,), jnp.int32)
        a0, a1 = lax.fori_loop(0, PV // 2, cbody, (z, z))
        return _lane0(a0) + _lane0(a1)

    def zero_outbuf():
        def zb(k, _):
            outbuf[pl.ds(k * L, L)] = jnp.zeros((L,), jnp.float32)
            return 0
        lax.fori_loop(0, outbuf.shape[0] // L, zb, 0)

    @pl.when(wid < B)
    def _():
        zero_outbuf()
        pltpu.sync_copy(outbuf.at[pl.ds(0, TOP_K * 5)],
                        out_hbm.at[pl.ds(wid * NCLS * TOP_K * 5, TOP_K * 5)])

    def chunk(ci, _):
        off = b * P + ci * CH
        poff = ci * CH
        pltpu.sync_copy(dx_hbm.at[pl.ds(off, CH)], ldx)
        pltpu.sync_copy(dy_hbm.at[pl.ds(off, CH)], ldy)
        pltpu.sync_copy(dw_hbm.at[pl.ds(off, CH)], ldw)
        pltpu.sync_copy(dh_hbm.at[pl.ds(off, CH)], ldh)
        pltpu.sync_copy(px_hbm.at[pl.ds(poff, CH)], lpx)
        pltpu.sync_copy(py_hbm.at[pl.ds(poff, CH)], lpy)
        pltpu.sync_copy(pw_hbm.at[pl.ds(poff, CH)], lpw)
        pltpu.sync_copy(ph_hbm.at[pl.ds(poff, CH)], lph)

        def dec(k, _):
            sl = pl.ds(k * L, L)
            dx = ldx[sl]
            dy = ldy[sl]
            dw = ldw[sl]
            dh = ldh[sl]
            px = lpx[sl]
            py = lpy[sl]
            pw = lpw[sl]
            ph = lph[sl]
            cx = px + dx * jnp.float32(V0) * pw
            cy = py + dy * jnp.float32(V0) * ph
            w = pw * jnp.exp(dw * jnp.float32(V1))
            h = ph * jnp.exp(dh * jnp.float32(V1))
            x1 = cx - w / 2.0
            y1 = cy - h / 2.0
            osl = pl.ds(poff + k * L, L)
            x1f[osl] = x1
            y1f[osl] = y1
            x2f[osl] = x1 + w
            y2f[osl] = y1 + h
            return 0

        lax.fori_loop(0, CV, dec, 0)
        return 0

    lax.fori_loop(0, NCHUNK, chunk, 0)

    def problem(q, _):
        prob = wid * nper + q
        c = prob % (NCLS - 1)

        pltpu.sync_copy(conf_hbm.at[prob], scores)

        K = jnp.int32(NMS_TOP_K)
        t97 = lax.bitcast_convert_type(_full_i(_B97), jnp.float32)

        def collA1(k, st):
            cnt, mnb, mxb = st
            s = scores[pl.ds(k * L, L)]
            m = s > t97

            @pl.when(cnt < jnp.int32(CAPBIG))
            def _():
                plsc.store_compressed(cand_s.at[pl.ds(cnt, L)], s, mask=m)
                plsc.store_compressed(cand_i.at[pl.ds(cnt, L)],
                                      iota + k * L, mask=m)

            sb = lax.bitcast_convert_type(s, jnp.int32)
            mnb = jnp.minimum(mnb, jnp.where(m, sb, jnp.int32(0x7F7FFFFF)))
            mxb = jnp.maximum(mxb, jnp.where(m, sb, jnp.int32(0)))
            cnt = cnt + _popcnt(m)
            return cnt, mnb, mxb

        def collA(k, st):
            return collA1(2 * k + 1, collA1(2 * k, st))

        cntA, mnb_vA, mxb_vA = lax.fori_loop(
            0, PV // 2, collA,
            (jnp.int32(0), _full_i(0x7F7FFFFF), _full_i(0)))
        mnA_s, _e0 = plsc.sort_key_val(mnb_vA, mnb_vA)
        mxA_s, _e1 = plsc.sort_key_val(mxb_vA, mxb_vA, descending=True)
        mnbA = _lane0(mnA_s)
        mxbA = _lane0(mxA_s)

        def cand_count_gt(bits, nblk):
            thr2 = lax.bitcast_convert_type(_full_i(bits), jnp.float32)

            def cb(k, acc):
                m = (cand_s[pl.ds(k * L, L)] > thr2) & (iota + k * L < cntA)
                return acc + plsc.all_reduce_population_count(m)

            return _lane0(lax.fori_loop(0, nblk, cb, jnp.zeros((L,),
                                                               jnp.int32)))

        def fast_path(_):
            nblk = (cntA + (L - 1)) // L

            def s_cond(st):
                lo, hi, cl = st
                return (cl > jnp.int32(CAP)) & (hi - lo > 1)

            def s_body(st):
                lo, hi, cl = st
                mid = lo + (hi - lo) // 2
                cm = cand_count_gt(mid, nblk)
                lo2 = jnp.where(cm >= K, mid, lo)
                cl2 = jnp.where(cm >= K, cm, cl)
                hi2 = jnp.where(cm >= K, hi, mid)
                return lo2, hi2, cl2

            lo_b, _hb, cnt2 = lax.while_loop(
                s_cond, s_body, (jnp.int32(_B97), mxbA, cntA))

            def do_compact(opn):
                lo_b, = opn
                thr2 = lax.bitcast_convert_type(_full_i(lo_b), jnp.float32)

                def fc(k, dst):
                    sl = pl.ds(k * L, L)
                    sv = cand_s[sl]
                    iv = cand_i[sl]
                    m = (sv > thr2) & (iota + k * L < cntA)

                    @pl.when(dst < jnp.int32(CAP))
                    def _():
                        plsc.store_compressed(cand_s.at[pl.ds(dst, L)],
                                              sv, mask=m)
                        plsc.store_compressed(cand_i.at[pl.ds(dst, L)],
                                              iv, mask=m)

                    return dst + _popcnt(m)

                return lax.fori_loop(0, nblk, fc, jnp.int32(0))

            cnt = lax.cond(cntA > jnp.int32(CAP), do_compact,
                           lambda opn: cntA, (lo_b,))
            return cnt

        def slow_path(_):
            c001 = count_gt(jnp.int32(_B001))
            lo_b = jnp.where(cntA >= K, jnp.int32(_B97), jnp.int32(_B001))
            cnt_lo = jnp.where(cntA >= K, cntA, c001)
            hi_b = jnp.where(cntA >= K, jnp.int32(_BINF), jnp.int32(_B97))

            def s_cond(st):
                lo, hi, cl = st
                return (cl > jnp.int32(CAP)) & (hi - lo > 1)

            def s_body(st):
                lo, hi, cl = st
                mid = lo + (hi - lo) // 2
                cm = count_gt(mid)
                lo2 = jnp.where(cm >= K, mid, lo)
                cl2 = jnp.where(cm >= K, cm, cl)
                hi2 = jnp.where(cm >= K, hi, mid)
                return lo2, hi2, cl2

            lo_b, hi_b, cnt_lo = lax.while_loop(s_cond, s_body,
                                                (lo_b, hi_b, cnt_lo))
            thr = lax.bitcast_convert_type(_full_i(lo_b), jnp.float32)

            def coll1(k, cnt):
                s = scores[pl.ds(k * L, L)]
                m = s > thr

                @pl.when(cnt < jnp.int32(CAP))
                def _():
                    plsc.store_compressed(cand_s.at[pl.ds(cnt, L)],
                                          s, mask=m)
                    plsc.store_compressed(cand_i.at[pl.ds(cnt, L)],
                                          iota + k * L, mask=m)

                return cnt + _popcnt(m)

            def coll(k, cnt):
                return coll1(2 * k + 1, coll1(2 * k, cnt))

            cnt = lax.fori_loop(0, PV // 2, coll, jnp.int32(0))

            def mm(k, st):
                mnb, mxb = st
                s = cand_s[pl.ds(k * L, L)]
                ids = iota + k * L
                m = ids < jnp.minimum(cnt, jnp.int32(CAP))
                sb = lax.bitcast_convert_type(s, jnp.int32)
                mnb = jnp.minimum(mnb, jnp.where(m, sb,
                                                 jnp.int32(0x7F7FFFFF)))
                mxb = jnp.maximum(mxb, jnp.where(m, sb, jnp.int32(0)))
                return mnb, mxb

            mn_v, mx_v = lax.fori_loop(0, NU, mm,
                                       (_full_i(0x7F7FFFFF), _full_i(0)))
            mn_s, _d0 = plsc.sort_key_val(mn_v, mn_v)
            mx_s, _d1 = plsc.sort_key_val(mx_v, mx_v, descending=True)
            return cnt, _lane0(mn_s), _lane0(mx_s)

        def fast_wrap(opn):
            return fast_path(opn), mnbA, mxbA

        use_fast = (cntA >= K) & (cntA <= jnp.int32(CAPBIG))
        cnt, mnb, mxb = lax.cond(use_fast, fast_wrap, slow_path, ())
        M = jnp.minimum(cnt, jnp.int32(CAP))
        rng = mxb - mnb

        def sh_cond(sh):
            return lax.shift_right_arithmetic(rng, sh) >= jnp.int32(1 << 22)

        shift = lax.while_loop(sh_cond, lambda sh: sh + 1, jnp.int32(0))
        shv = _full_i(0) + shift

        def mkkey(k, _):
            base = k * L
            ids = iota + base
            valid = ids < M
            sb = lax.bitcast_convert_type(cand_s[pl.ds(base, L)], jnp.int32)
            d = lax.shift_right_arithmetic(sb - mnb, shv)
            key = jnp.bitwise_or(lax.shift_left(d, _full_i(9)),
                                 jnp.int32(CAP - 1) - ids)
            key = jnp.where(valid, key + 1, 0)
            sk, _sv = plsc.sort_key_val(key, key, descending=True)
            skey[pl.ds(base, L)] = sk
            return 0

        lax.fori_loop(0, NU, mkkey, 0)

        for (kk, jj) in _LAYERS:
            def net(t, _, kk=kk, jj=jj):
                sh = jj.bit_length() - 1
                i = ((t >> sh) << (sh + 1)) | (t & (jj - 1))
                l = i + jj
                a = skey[pl.ds(i * L, L)]
                bb = skey[pl.ds(l * L, L)]
                rb = lax.rev(bb, (0,))
                hi = jnp.maximum(a, rb)
                lo = jnp.minimum(a, rb)
                hi_s, _h = plsc.sort_key_val(hi, hi, descending=True)
                lo_s, _l = plsc.sort_key_val(lo, lo, descending=True)
                maxfirst = jnp.bitwise_and(i, jnp.int32(kk)) == 0
                skey[pl.ds(i * L, L)] = jnp.where(maxfirst, hi_s, lo_s)
                skey[pl.ds(l * L, L)] = jnp.where(maxfirst, lo_s, hi_s)
                return 0

            lax.fori_loop(0, NU // 2, net, 0)

        def unp(k, _):
            base = k * L
            sk = skey[pl.ds(base, L)]
            ordv = jnp.where(sk > 0,
                             jnp.int32(CAP - 1) -
                             jnp.bitwise_and(sk - 1, jnp.int32(CAP - 1)),
                             0)
            srt_s[pl.ds(base, L)] = plsc.load_gather(cand_s, [ordv])
            pi = plsc.load_gather(cand_i, [ordv])
            pi = jnp.minimum(jnp.maximum(pi, 0), jnp.int32(P - 1))
            srt_i[pl.ds(base, L)] = pi
            x1 = plsc.load_gather(x1f, [pi])
            y1 = plsc.load_gather(y1f, [pi])
            x2 = plsc.load_gather(x2f, [pi])
            y2 = plsc.load_gather(y2f, [pi])
            x1c[pl.ds(base, L)] = x1
            y1c[pl.ds(base, L)] = y1
            x2c[pl.ds(base, L)] = x2
            y2c[pl.ds(base, L)] = y2
            ac[pl.ds(base, L)] = (x2 - x1) * (y2 - y1)
            supp[pl.ds(base, L)] = jnp.zeros((L,), jnp.float32)
            return 0

        lax.fori_loop(0, NU, unp, 0)

        zero_outbuf()
        Mc = jnp.minimum(M, jnp.int32(NMS_TOP_K))

        def splat(ref, i):
            return plsc.load_gather(ref, [_full_i(0) + i])

        def compact(i, mc):
            blk0 = (i + L) // L
            dst0 = blk0 * L
            nb_old = (mc + (L - 1)) // L

            def cblk(kb2, dst):
                sl = pl.ds(kb2 * L, L)
                jids = iota + kb2 * L
                alive = (supp[sl] == 0.0) & (jids < mc)
                sv = srt_s[sl]
                x1v = x1c[sl]
                y1v = y1c[sl]
                x2v = x2c[sl]
                y2v = y2c[sl]
                av = ac[sl]
                plsc.store_compressed(srt_s.at[pl.ds(dst, L)], sv, mask=alive)
                plsc.store_compressed(x1c.at[pl.ds(dst, L)], x1v, mask=alive)
                plsc.store_compressed(y1c.at[pl.ds(dst, L)], y1v, mask=alive)
                plsc.store_compressed(x2c.at[pl.ds(dst, L)], x2v, mask=alive)
                plsc.store_compressed(y2c.at[pl.ds(dst, L)], y2v, mask=alive)
                plsc.store_compressed(ac.at[pl.ds(dst, L)], av, mask=alive)
                return dst + _popcnt(alive)

            dst = lax.fori_loop(blk0, nb_old, cblk, jnp.int32(dst0))

            def zblk(kb2, _):
                supp[pl.ds(kb2 * L, L)] = jnp.zeros((L,), jnp.float32)
                return 0

            lax.fori_loop(blk0, (dst + (L - 1)) // L, zblk, 0)
            return dst

        def n_cond(st):
            i, nk, mc, nextc = st
            return (i < mc) & (nk < jnp.int32(TOP_K))

        def n_body(st):
            i, nk, mc, nextc = st

            def do_c(opn):
                i, mc = opn
                return compact(i, mc), i + jnp.int32(64)

            def no_c(opn):
                i, mc = opn
                return mc, nextc

            mc, nextc = lax.cond((i >= nextc) & (mc - i > jnp.int32(48)),
                                 do_c, no_c, (i, mc))
            sup_i = _lane0(splat(supp, i))

            def keep(opn):
                i, nk, mc = opn
                NB = (mc + (L - 1)) // L
                sv = splat(srt_s, i)
                x1i = splat(x1c, i)
                y1i = splat(y1c, i)
                x2i = splat(x2c, i)
                y2i = splat(y2c, i)
                ai = splat(ac, i)
                oidx = nk * 5 + iota
                val = sv
                val = jnp.where(iota == 1, x1i, val)
                val = jnp.where(iota == 2, y1i, val)
                val = jnp.where(iota == 3, x2i, val)
                val = jnp.where(iota == 4, y2i, val)
                plsc.store_scatter(outbuf, [oidx], val, mask=iota < 5)

                iv = _full_i(0) + i
                kb = i // L

                def sup_blk(k, _):
                    base = k * L
                    jids = iota + base
                    bx1 = x1c[pl.ds(base, L)]
                    by1 = y1c[pl.ds(base, L)]
                    bx2 = x2c[pl.ds(base, L)]
                    by2 = y2c[pl.ds(base, L)]
                    ba = ac[pl.ds(base, L)]
                    ix1 = jnp.maximum(x1i, bx1)
                    iy1 = jnp.maximum(y1i, by1)
                    ix2 = jnp.minimum(x2i, bx2)
                    iy2 = jnp.minimum(y2i, by2)
                    inter = (jnp.maximum(ix2 - ix1, 0.0) *
                             jnp.maximum(iy2 - iy1, 0.0))
                    union = ai + ba - inter
                    iou = inter / jnp.maximum(union, jnp.float32(1e-12))
                    sup = (iou > jnp.float32(NMS_THRESH)) & (jids > iv)
                    sp = supp[pl.ds(base, L)]
                    supp[pl.ds(base, L)] = jnp.where(sup, 1.0, sp)
                    return 0

                lax.fori_loop(kb, NB, sup_blk, 0)
                return i + 1, nk + 1

            def skip(opn):
                i, nk, mc = opn
                return i + 1, nk

            i2, nk2 = lax.cond(sup_i == 0.0, keep, skip, (i, nk, mc))
            return i2, nk2, mc, nextc

        lax.while_loop(n_cond, n_body,
                       (jnp.int32(0), jnp.int32(0), Mc, jnp.int32(64)))

        off = (b * NCLS + c + 1) * (TOP_K * 5)
        pltpu.sync_copy(outbuf.at[pl.ds(0, TOP_K * 5)],
                        out_hbm.at[pl.ds(off, TOP_K * 5)])
        return 0

    lax.fori_loop(0, nper, problem, 0)


@jax.jit
def _detect(conf_t, dx, dy, dw, dh, px, py, pw, ph):
    mesh = plsc.VectorSubcoreMesh(core_axis_name="c", subcore_axis_name="s")
    f = pl.kernel(
        _detect_body,
        out_type=jax.ShapeDtypeStruct((B * NCLS * TOP_K * 5,), jnp.float32),
        mesh=mesh,
        compiler_params=pltpu.CompilerParams(needs_layout_passes=False,
                                             use_tc_tiling_on_sc=False),
        scratch_types=[
            pltpu.VMEM((P,), jnp.float32),
            pltpu.VMEM((P,), jnp.float32),
            pltpu.VMEM((P,), jnp.float32),
            pltpu.VMEM((P,), jnp.float32),
            pltpu.VMEM((P,), jnp.float32),
            pltpu.VMEM((CH,), jnp.float32),
            pltpu.VMEM((CH,), jnp.float32),
            pltpu.VMEM((CH,), jnp.float32),
            pltpu.VMEM((CH,), jnp.float32),
            pltpu.VMEM((CH,), jnp.float32),
            pltpu.VMEM((CH,), jnp.float32),
            pltpu.VMEM((CH,), jnp.float32),
            pltpu.VMEM((CH,), jnp.float32),
            pltpu.VMEM((CAPBIG + L,), jnp.float32),
            pltpu.VMEM((CAPBIG + L,), jnp.int32),
            pltpu.VMEM((CAP,), jnp.int32),
            pltpu.VMEM((CAP,), jnp.float32),
            pltpu.VMEM((CAP,), jnp.int32),
            pltpu.VMEM((CAP,), jnp.float32),
            pltpu.VMEM((CAP,), jnp.float32),
            pltpu.VMEM((CAP,), jnp.float32),
            pltpu.VMEM((CAP,), jnp.float32),
            pltpu.VMEM((CAP,), jnp.float32),
            pltpu.VMEM((CAP,), jnp.float32),
            pltpu.VMEM((TOP_K * 5 + L - (TOP_K * 5) % L,), jnp.float32),
        ],
    )
    return f(conf_t, dx, dy, dw, dh, px, py, pw, ph)


def kernel(loc_data, conf_data, prior_data):
    conf_t = (conf_data.reshape(B, P, NCLS)
              .transpose(0, 2, 1)[:, 1:, :]
              .reshape(NPROB, P))
    loc4 = loc_data.reshape(B * P, 4)
    dx = loc4[:, 0]
    dy = loc4[:, 1]
    dw = loc4[:, 2]
    dh = loc4[:, 3]
    px = prior_data[:, 0]
    py = prior_data[:, 1]
    pw = prior_data[:, 2]
    ph = prior_data[:, 3]
    out = _detect(conf_t, dx, dy, dw, dh, px, py, pw, ph)
    return out.reshape(B, NCLS, TOP_K, 5)

# --- scband reference (transcript-rebuilt; emitter-appended) ---
"""Pipeline reference for scband-detect-67310727463192 (READ-ONLY COPY).

The authoritative reference and input builder live on the scoring server;
editing this copy changes nothing except your own understanding.
"""

import jax, jax.numpy as jnp
import numpy as np

NUM_CLASSES = 21
CONF_THRESH = 0.01
NMS_THRESH = 0.45
NMS_TOP_K = 400
TOP_K = 200
VARIANCE = (0.1, 0.2)
BATCH = 8
NUM_PRIORS = 20000


def setup_inputs(seed: int = 0):
    key = jax.random.key(seed)
    k1, k2, k3 = jax.random.split(key, 3)
    loc_data = jax.random.normal(k1, (BATCH, NUM_PRIORS * 4), dtype=jnp.float32)
    conf_data = jax.random.uniform(k2, (BATCH * NUM_PRIORS, NUM_CLASSES), dtype=jnp.float32)
    prior_data = jax.random.uniform(k3, (NUM_PRIORS, 4), dtype=jnp.float32)
    return {"loc_data": loc_data, "conf_data": conf_data, "prior_data": prior_data}


def _decode(loc, priors):
    # SSD box decode: loc is (dx, dy, dw, dh), priors are (cx, cy, w, h)
    cxcy = priors[:, :2] + loc[:, :2] * VARIANCE[0] * priors[:, 2:]
    wh = priors[:, 2:] * jnp.exp(loc[:, 2:] * VARIANCE[1])
    mins = cxcy - wh / 2.0
    maxs = mins + wh
    return jnp.concatenate([mins, maxs], axis=1)


def _nms_class(boxes, scores):
    # boxes: [P, 4], scores: [P] -> [TOP_K, 5] rows of (score, x1, y1, x2, y2)
    C = NMS_TOP_K
    s = jnp.where(scores > CONF_THRESH, scores, -jnp.inf)
    top_scores, idx = jax.lax.top_k(s, C)
    cand = boxes[idx]
    valid = top_scores > CONF_THRESH
    x1, y1, x2, y2 = cand[:, 0], cand[:, 1], cand[:, 2], cand[:, 3]
    areas = (x2 - x1) * (y2 - y1)
    ar = jnp.arange(C)

    def step(suppressed, i):
        keep_i = jnp.logical_and(jnp.logical_not(suppressed[i]), valid[i])
        ix1 = jnp.maximum(x1[i], x1)
        iy1 = jnp.maximum(y1[i], y1)
        ix2 = jnp.minimum(x2[i], x2)
        iy2 = jnp.minimum(y2[i], y2)
        inter = jnp.maximum(ix2 - ix1, 0.0) * jnp.maximum(iy2 - iy1, 0.0)
        union = areas[i] + areas - inter
        iou = inter / jnp.maximum(union, 1e-12)
        sup = jnp.logical_and(keep_i, jnp.logical_and(iou > NMS_THRESH, ar > i))
        return jnp.logical_or(suppressed, sup), None

    suppressed, _ = jax.lax.scan(step, jnp.zeros((C,), dtype=bool), jnp.arange(C))
    keep = jnp.logical_and(jnp.logical_not(suppressed), valid)
    # compact kept detections to the front, preserving score-descending order
    order = jnp.argsort(jnp.where(keep, 0, 1))
    ks = top_scores[order]
    kb = cand[order]
    kk = keep[order]
    rows = jnp.where(kk[:, None], jnp.concatenate([ks[:, None], kb], axis=1), 0.0)
    return rows[:TOP_K]


def reference(loc_data, conf_data, prior_data):
    num = loc_data.shape[0]
    P = prior_data.shape[0]
    conf_preds = conf_data.reshape(num, P, NUM_CLASSES).transpose(0, 2, 1)
    batch_priors = jnp.broadcast_to(prior_data[None, :, :], (num, P, 4)).reshape(-1, 4)
    decoded = _decode(loc_data.reshape(-1, 4), batch_priors).reshape(num, P, 4)
    per_cls = jax.vmap(_nms_class, in_axes=(None, 0))
    per_batch = jax.vmap(per_cls, in_axes=(0, 0))
    res = per_batch(decoded, conf_preds[:, 1:, :])  # [num, NUM_CLASSES-1, TOP_K, 5]
    out = jnp.concatenate([jnp.zeros((num, 1, TOP_K, 5), dtype=res.dtype), res], axis=1)
    return out

if __name__ == "__main__":
    import jax
    _d = setup_inputs()
    print(jax.jit(kernel)(*tuple(_d.values())))

</pallas_src>

<mosaic_0001>
#map = affine_map<(d0, d1) -> (0, 0)>
#map1 = affine_map<(d0, d1) -> (0)>
module attributes {stable_mosaic.version = 14 : i64} {
  func.func @_detect_body(%arg0: i32, %arg1: i32, %arg2: memref<160x20000xf32, #tpu.memory_space<hbm>>, %arg3: memref<160000xf32, #tpu.memory_space<hbm>>, %arg4: memref<160000xf32, #tpu.memory_space<hbm>>, %arg5: memref<160000xf32, #tpu.memory_space<hbm>>, %arg6: memref<160000xf32, #tpu.memory_space<hbm>>, %arg7: memref<20000xf32, #tpu.memory_space<hbm>>, %arg8: memref<20000xf32, #tpu.memory_space<hbm>>, %arg9: memref<20000xf32, #tpu.memory_space<hbm>>, %arg10: memref<20000xf32, #tpu.memory_space<hbm>>, %arg11: memref<168000xf32, #tpu.memory_space<hbm>>, %arg12: memref<20000xf32, #tpu.memory_space<vmem>>, %arg13: memref<20000xf32, #tpu.memory_space<vmem>>, %arg14: memref<20000xf32, #tpu.memory_space<vmem>>, %arg15: memref<20000xf32, #tpu.memory_space<vmem>>, %arg16: memref<20000xf32, #tpu.memory_space<vmem>>, %arg17: memref<2000xf32, #tpu.memory_space<vmem>>, %arg18: memref<2000xf32, #tpu.memory_space<vmem>>, %arg19: memref<2000xf32, #tpu.memory_space<vmem>>, %arg20: memref<2000xf32, #tpu.memory_space<vmem>>, %arg21: memref<2000xf32, #tpu.memory_space<vmem>>, %arg22: memref<2000xf32, #tpu.memory_space<vmem>>, %arg23: memref<2000xf32, #tpu.memory_space<vmem>>, %arg24: memref<2000xf32, #tpu.memory_space<vmem>>, %arg25: memref<1040xf32, #tpu.memory_space<vmem>>, %arg26: memref<1040xi32, #tpu.memory_space<vmem>>, %arg27: memref<512xi32, #tpu.memory_space<vmem>>, %arg28: memref<512xf32, #tpu.memory_space<vmem>>, %arg29: memref<512xi32, #tpu.memory_space<vmem>>, %arg30: memref<512xf32, #tpu.memory_space<vmem>>, %arg31: memref<512xf32, #tpu.memory_space<vmem>>, %arg32: memref<512xf32, #tpu.memory_space<vmem>>, %arg33: memref<512xf32, #tpu.memory_space<vmem>>, %arg34: memref<512xf32, #tpu.memory_space<vmem>>, %arg35: memref<512xf32, #tpu.memory_space<vmem>>, %arg36: memref<1008xf32, #tpu.memory_space<vmem>>) attributes {dimension_semantics = [#tpu.dimension_semantics<core_parallel>, #tpu.dimension_semantics<subcore_parallel>], iteration_bounds = array<i64: 2, 16>, scalar_prefetch = 0 : i64, scratch_operands = 25 : i64, tpu.core_type = #tpu.core_type<sc_vector_subcore>, window_params = [{transform_indices = #map}, {transform_indices = #map1}, {transform_indices = #map1}, {transform_indices = #map1}, {transform_indices = #map1}, {transform_indices = #map1}, {transform_indices = #map1}, {transform_indices = #map1}, {transform_indices = #map1}, {transform_indices = #map1}]} {
    %mul3A = arith.constant 2 : i32
    %mul3A_0 = arith.muli %arg1, %mul3A : i32
    %add3A = arith.addi %mul3A_0, %arg0 : i32
    %mul3A_1 = arith.constant 5 : i32
    %mul3A_2 = arith.muli %add3A, %mul3A_1 : i32
    %jit3A = arith.constant 20 : i32
    %div3A = arith.divsi %mul3A_2, %jit3A : i32
    %sign3A = arith.constant 0 : i32
    %sign3A_3 = arith.cmpi sgt, %mul3A_2, %sign3A : i32
    %sign3A_4 = arith.extui %sign3A_3 : i1 to i32
    %sign3A_5 = arith.constant 0 : i32
    %sign3A_6 = arith.cmpi slt, %mul3A_2, %sign3A_5 : i32
    %sign3A_7 = arith.extui %sign3A_6 : i1 to i32
    %sign3A_8 = arith.subi %sign3A_4, %sign3A_7 : i32
    %sign3A_9 = arith.constant 0 : i32
    %sign3A_10 = arith.cmpi sgt, %jit3A, %sign3A_9 : i32
    %sign3A_11 = arith.extui %sign3A_10 : i1 to i32
    %sign3A_12 = arith.constant 0 : i32
    %sign3A_13 = arith.cmpi slt, %jit3A, %sign3A_12 : i32
    %sign3A_14 = arith.extui %sign3A_13 : i1 to i32
    %sign3A_15 = arith.subi %sign3A_11, %sign3A_14 : i32
    %ne3A = arith.cmpi ne, %sign3A_8, %sign3A_15 : i32
    %rem3A = arith.remsi %mul3A_2, %jit3A : i32
    %ne3A_16 = arith.constant 0 : i32
    %ne3A_17 = arith.cmpi ne, %rem3A, %ne3A_16 : i32
    %and3A = arith.andi %ne3A, %ne3A_17 : i1
    %sub3A = arith.constant 1 : i32
    %sub3A_18 = arith.subi %div3A, %sub3A : i32
    %select_n3A = arith.select %and3A, %sub3A_18, %div3A : i32
    %iota3A = tpu.iota {dimensions = array<i32: 0>} : vector<16xi32>
    %lt3A = arith.constant 8 : i32
    %lt3A_19 = arith.cmpi slt, %add3A, %lt3A : i32
    %convert_element_type3A = arith.extui %lt3A_19 : i1 to i32
    %cond3A = arith.constant 0 : i32
    %cond3A_20 = arith.cmpi ne, %convert_element_type3A, %cond3A : i32
    scf.if %cond3A_20 {
      %scan3A_34 = arith.constant 0 : i32
      %scan3A_35 = arith.constant 0 : i32
      %scan3A_36 = arith.constant 63 : i32
      %scan3A_37 = arith.addi %scan3A_35, %scan3A_36 : i32
      %scan3A_38 = arith.constant 1 : i32
      %scan3A_39 = scf.for %scan3A_47 = %scan3A_35 to %scan3A_37 step %scan3A_38 iter_args(%scan3A_48 = %scan3A_34) -> (i32)  : i32 {
        %broadcast_in_dim3A = arith.constant 0.000000e+00 : f32
        %broadcast_in_dim3A_49 = vector.broadcast %broadcast_in_dim3A : f32 to vector<16xf32>
        %mul3A_50 = arith.constant 16 : i32
        %mul3A_51 = arith.muli %scan3A_47, %mul3A_50 : i32
        %swap3A = arith.index_cast %mul3A_51 : i32 to index
        %swap3A_52 = tpu.vector_load %arg36[%swap3A] {strides = array<i32>} : memref<1008xf32, #tpu.memory_space<vmem>>, vector<16xf32>,
        tpu.vector_store %arg36[%swap3A], %broadcast_in_dim3A_49 {strides = array<i32>} : memref<1008xf32, #tpu.memory_space<vmem>>, vector<16xf32>,
        %scan3A_53 = arith.constant 0 : i32
        scf.yield %scan3A_53 : i32
      }
      %scan3A_40 = arith.constant 63 : i32
      %mul3A_41 = arith.constant 21 : i32
      %mul3A_42 = arith.muli %add3A, %mul3A_41 : i32
      %mul3A_43 = arith.constant 200 : i32
      %mul3A_44 = arith.muli %mul3A_42, %mul3A_43 : i32
      %mul3A_45 = arith.constant 5 : i32
      %mul3A_46 = arith.muli %mul3A_44, %mul3A_45 : i32
      "tpu.region"() ({
        %run_scoped3A = tpu.sem_alloc : memref<!tpu.dma_semaphore, #tpu.memory_space<semaphore_mem>>
        %dma_start3A = arith.constant 0 : i32
        %dma_start3A_47 = tpu.memref_slice %arg36[%dma_start3A] : memref<1008xf32, #tpu.memory_space<vmem>> -> memref<1000xf32, #tpu.memory_space<vmem>>
        %dma_start3A_48 = tpu.memref_slice %arg11[%mul3A_46] : memref<168000xf32, #tpu.memory_space<hbm>> -> memref<1000xf32, #tpu.memory_space<hbm>>
        %dma_start3A_49 = tpu.memref_slice %arg11[%mul3A_46] : memref<168000xf32, #tpu.memory_space<hbm>> -> memref<1000xf32, #tpu.memory_space<hbm>>
        %dma_start3A_50 = arith.constant 0 : i32
        %dma_start3A_51 = tpu.memref_slice %arg36[%dma_start3A_50] : memref<1008xf32, #tpu.memory_space<vmem>> -> memref<1000xf32, #tpu.memory_space<vmem>>
        tpu.enqueue_dma source(%dma_start3A_51 : memref<1000xf32, #tpu.memory_space<vmem>>) target(%dma_start3A_49 : memref<1000xf32, #tpu.memory_space<hbm>>) target_semaphore(%run_scoped3A : memref<!tpu.dma_semaphore, #tpu.memory_space<semaphore_mem>>)
        %dma_wait3A = arith.constant 0 : i32
        %dma_wait3A_52 = tpu.memref_slice %arg36[%dma_wait3A] : memref<1008xf32, #tpu.memory_space<vmem>> -> memref<1000xf32, #tpu.memory_space<vmem>>
        %dma_wait3A_53 = tpu.memref_slice %arg11[%mul3A_46] : memref<168000xf32, #tpu.memory_space<hbm>> -> memref<1000xf32, #tpu.memory_space<hbm>>
        %dma_wait3A_54 = tpu.memref_slice %arg11[%mul3A_46] : memref<168000xf32, #tpu.memory_space<hbm>> -> memref<1000xf32, #tpu.memory_space<hbm>>
        %dma_wait3A_55 = arith.constant 0 : i32
        %dma_wait3A_56 = tpu.memref_slice %arg36[%dma_wait3A_55] : memref<1008xf32, #tpu.memory_space<vmem>> -> memref<1000xf32, #tpu.memory_space<vmem>>
        tpu.wait_dma2 semaphore(%run_scoped3A : memref<!tpu.dma_semaphore, #tpu.memory_space<semaphore_mem>>) src(%dma_wait3A_56 : memref<1000xf32, #tpu.memory_space<vmem>>) dst(%dma_wait3A_54 : memref<1000xf32, #tpu.memory_space<hbm>>)
        tpu.yield
      }) : () -> ()
    } else {
    }
    %scan3A = arith.constant 0 : i32
    %scan3A_21 = arith.constant 0 : i32
    %scan3A_22 = arith.constant 10 : i32
    %scan3A_23 = arith.addi %scan3A_21, %scan3A_22 : i32
    %scan3A_24 = arith.constant 1 : i32
    %scan3A_25 = scf.for %scan3A_34 = %scan3A_21 to %scan3A_23 step %scan3A_24 iter_args(%scan3A_35 = %scan3A) -> (i32)  : i32 {
      %mul3A_36 = arith.constant 20000 : i32
      %mul3A_37 = arith.muli %select_n3A, %mul3A_36 : i32
      %mul3A_38 = arith.constant 2000 : i32
      %mul3A_39 = arith.muli %scan3A_34, %mul3A_38 : i32
      %add3A_40 = arith.addi %mul3A_37, %mul3A_39 : i32
      %mul3A_41 = arith.constant 2000 : i32
      %mul3A_42 = arith.muli %scan3A_34, %mul3A_41 : i32
      "tpu.region"() ({
        %run_scoped3A = tpu.sem_alloc : memref<!tpu.dma_semaphore, #tpu.memory_space<semaphore_mem>>
        %dma_start3A = tpu.memref_slice %arg3[%add3A_40] : memref<160000xf32, #tpu.memory_space<hbm>> -> memref<2000xf32, #tpu.memory_space<hbm>>
        %dma_start3A_51 = tpu.memref_slice %arg3[%add3A_40] : memref<160000xf32, #tpu.memory_space<hbm>> -> memref<2000xf32, #tpu.memory_space<hbm>>
        tpu.enqueue_dma source(%dma_start3A_51 : memref<2000xf32, #tpu.memory_space<hbm>>) target(%arg17 : memref<2000xf32, #tpu.memory_space<vmem>>) target_semaphore(%run_scoped3A : memref<!tpu.dma_semaphore, #tpu.memory_space<semaphore_mem>>)
        %dma_wait3A = tpu.memref_slice %arg3[%add3A_40] : memref<160000xf32, #tpu.memory_space<hbm>> -> memref<2000xf32, #tpu.memory_space<hbm>>
        %dma_wait3A_52 = tpu.memref_slice %arg3[%add3A_40] : memref<160000xf32, #tpu.memory_space<hbm>> -> memref<2000xf32, #tpu.memory_space<hbm>>
        tpu.wait_dma2 semaphore(%run_scoped3A : memref<!tpu.dma_semaphore, #tpu.memory_space<semaphore_mem>>) src(%dma_wait3A_52 : memref<2000xf32, #tpu.memory_space<hbm>>) dst(%arg17 : memref<2000xf32, #tpu.memory_space<vmem>>)
        tpu.yield
      }) : () -> ()
      "tpu.region"() ({
        %run_scoped3A = tpu.sem_alloc : memref<!tpu.dma_semaphore, #tpu.memory_space<semaphore_mem>>
        %dma_start3A = tpu.memref_slice %arg4[%add3A_40] : memref<160000xf32, #tpu.memory_space<hbm>> -> memref<2000xf32, #tpu.memory_space<hbm>>
        %dma_start3A_51 = tpu.memref_slice %arg4[%add3A_40] : memref<160000xf32, #tpu.memory_space<hbm>> -> memref<2000xf32, #tpu.memory_space<hbm>>
        tpu.enqueue_dma source(%dma_start3A_51 : memref<2000xf32, #tpu.memory_space<hbm>>) target(%arg18 : memref<2000xf32, #tpu.memory_space<vmem>>) target_semaphore(%run_scoped3A : memref<!tpu.dma_semaphore, #tpu.memory_space<semaphore_mem>>)
        %dma_wait3A = tpu.memref_slice %arg4[%add3A_40] : memref<160000xf32, #tpu.memory_space<hbm>> -> memref<2000xf32, #tpu.memory_space<hbm>>
        %dma_wait3A_52 = tpu.memref_slice %arg4[%add3A_40] : memref<160000xf32, #tpu.memory_space<hbm>> -> memref<2000xf32, #tpu.memory_space<hbm>>
        tpu.wait_dma2 semaphore(%run_scoped3A : memref<!tpu.dma_semaphore, #tpu.memory_space<semaphore_mem>>) src(%dma_wait3A_52 : memref<2000xf32, #tpu.memory_space<hbm>>) dst(%arg18 : memref<2000xf32, #tpu.memory_space<vmem>>)
        tpu.yield
      }) : () -> ()
      "tpu.region"() ({
        %run_scoped3A = tpu.sem_alloc : memref<!tpu.dma_semaphore, #tpu.memory_space<semaphore_mem>>
        %dma_start3A = tpu.memref_slice %arg5[%add3A_40] : memref<160000xf32, #tpu.memory_space<hbm>> -> memref<2000xf32, #tpu.memory_space<hbm>>
        %dma_start3A_51 = tpu.memref_slice %arg5[%add3A_40] : memref<160000xf32, #tpu.memory_space<hbm>> -> memref<2000xf32, #tpu.memory_space<hbm>>
        tpu.enqueue_dma source(%dma_start3A_51 : memref<2000xf32, #tpu.memory_space<hbm>>) target(%arg19 : memref<2000xf32, #tpu.memory_space<vmem>>) target_semaphore(%run_scoped3A : memref<!tpu.dma_semaphore, #tpu.memory_space<semaphore_mem>>)
        %dma_wait3A = tpu.memref_slice %arg5[%add3A_40] : memref<160000xf32, #tpu.memory_space<hbm>> -> memref<2000xf32, #tpu.memory_space<hbm>>
        %dma_wait3A_52 = tpu.memref_slice %arg5[%add3A_40] : memref<160000xf32, #tpu.memory_space<hbm>> -> memref<2000xf32, #tpu.memory_space<hbm>>
        tpu.wait_dma2 semaphore(%run_scoped3A : memref<!tpu.dma_semaphore, #tpu.memory_space<semaphore_mem>>) src(%dma_wait3A_52 : memref<2000xf32, #tpu.memory_space<hbm>>) dst(%arg19 : memref<2000xf32, #tpu.memory_space<vmem>>)
        tpu.yield
      }) : () -> ()
      "tpu.region"() ({
        %run_scoped3A = tpu.sem_alloc : memref<!tpu.dma_semaphore, #tpu.memory_space<semaphore_mem>>
        %dma_start3A = tpu.memref_slice %arg6[%add3A_40] : memref<160000xf32, #tpu.memory_space<hbm>> -> memref<2000xf32, #tpu.memory_space<hbm>>
        %dma_start3A_51 = tpu.memref_slice %arg6[%add3A_40] : memref<160000xf32, #tpu.memory_space<hbm>> -> memref<2000xf32, #tpu.memory_space<hbm>>
        tpu.enqueue_dma source(%dma_start3A_51 : memref<2000xf32, #tpu.memory_space<hbm>>) target(%arg20 : memref<2000xf32, #tpu.memory_space<vmem>>) target_semaphore(%run_scoped3A : memref<!tpu.dma_semaphore, #tpu.memory_space<semaphore_mem>>)
        %dma_wait3A = tpu.memref_slice %arg6[%add3A_40] : memref<160000xf32, #tpu.memory_space<hbm>> -> memref<2000xf32, #tpu.memory_space<hbm>>
        %dma_wait3A_52 = tpu.memref_slice %arg6[%add3A_40] : memref<160000xf32, #tpu.memory_space<hbm>> -> memref<2000xf32, #tpu.memory_space<hbm>>
        tpu.wait_dma2 semaphore(%run_scoped3A : memref<!tpu.dma_semaphore, #tpu.memory_space<semaphore_mem>>) src(%dma_wait3A_52 : memref<2000xf32, #tpu.memory_space<hbm>>) dst(%arg20 : memref<2000xf32, #tpu.memory_space<vmem>>)
        tpu.yield
      }) : () -> ()
      "tpu.region"() ({
        %run_scoped3A = tpu.sem_alloc : memref<!tpu.dma_semaphore, #tpu.memory_space<semaphore_mem>>
        %dma_start3A = tpu.memref_slice %arg7[%mul3A_42] : memref<20000xf32, #tpu.memory_space<hbm>> -> memref<2000xf32, #tpu.memory_space<hbm>>
        %dma_start3A_51 = tpu.memref_slice %arg7[%mul3A_42] : memref<20000xf32, #tpu.memory_space<hbm>> -> memref<2000xf32, #tpu.memory_space<hbm>>
        tpu.enqueue_dma source(%dma_start3A_51 : memref<2000xf32, #tpu.memory_space<hbm>>) target(%arg21 : memref<2000xf32, #tpu.memory_space<vmem>>) target_semaphore(%run_scoped3A : memref<!tpu.dma_semaphore, #tpu.memory_space<semaphore_mem>>)
        %dma_wait3A = tpu.memref_slice %arg7[%mul3A_42] : memref<20000xf32, #tpu.memory_space<hbm>> -> memref<2000xf32, #tpu.memory_space<hbm>>
        %dma_wait3A_52 = tpu.memref_slice %arg7[%mul3A_42] : memref<20000xf32, #tpu.memory_space<hbm>> -> memref<2000xf32, #tpu.memory_space<hbm>>
        tpu.wait_dma2 semaphore(%run_scoped3A : memref<!tpu.dma_semaphore, #tpu.memory_space<semaphore_mem>>) src(%dma_wait3A_52 : memref<2000xf32, #tpu.memory_space<hbm>>) dst(%arg21 : memref<2000xf32, #tpu.memory_space<vmem>>)
        tpu.yield
      }) : () -> ()
      "tpu.region"() ({
        %run_scoped3A = tpu.sem_alloc : memref<!tpu.dma_semaphore, #tpu.memory_space<semaphore_mem>>
        %dma_start3A = tpu.memref_slice %arg8[%mul3A_42] : memref<20000xf32, #tpu.memory_space<hbm>> -> memref<2000xf32, #tpu.memory_space<hbm>>
        %dma_start3A_51 = tpu.memref_slice %arg8[%mul3A_42] : memref<20000xf32, #tpu.memory_space<hbm>> -> memref<2000xf32, #tpu.memory_space<hbm>>
        tpu.enqueue_dma source(%dma_start3A_51 : memref<2000xf32, #tpu.memory_space<hbm>>) target(%arg22 : memref<2000xf32, #tpu.memory_space<vmem>>) target_semaphore(%run_scoped3A : memref<!tpu.dma_semaphore, #tpu.memory_space<semaphore_mem>>)
        %dma_wait3A = tpu.memref_slice %arg8[%mul3A_42] : memref<20000xf32, #tpu.memory_space<hbm>> -> memref<2000xf32, #tpu.memory_space<hbm>>
        %dma_wait3A_52 = tpu.memref_slice %arg8[%mul3A_42] : memref<20000xf32, #tpu.memory_space<hbm>> -> memref<2000xf32, #tpu.memory_space<hbm>>
        tpu.wait_dma2 semaphore(%run_scoped3A : memref<!tpu.dma_semaphore, #tpu.memory_space<semaphore_mem>>) src(%dma_wait3A_52 : memref<2000xf32, #tpu.memory_space<hbm>>) dst(%arg22 : memref<2000xf32, #tpu.memory_space<vmem>>)
        tpu.yield
      }) : () -> ()
      "tpu.region"() ({
        %run_scoped3A = tpu.sem_alloc : memref<!tpu.dma_semaphore, #tpu.memory_space<semaphore_mem>>
        %dma_start3A = tpu.memref_slice %arg9[%mul3A_42] : memref<20000xf32, #tpu.memory_space<hbm>> -> memref<2000xf32, #tpu.memory_space<hbm>>
        %dma_start3A_51 = tpu.memref_slice %arg9[%mul3A_42] : memref<20000xf32, #tpu.memory_space<hbm>> -> memref<2000xf32, #tpu.memory_space<hbm>>
        tpu.enqueue_dma source(%dma_start3A_51 : memref<2000xf32, #tpu.memory_space<hbm>>) target(%arg23 : memref<2000xf32, #tpu.memory_space<vmem>>) target_semaphore(%run_scoped3A : memref<!tpu.dma_semaphore, #tpu.memory_space<semaphore_mem>>)
        %dma_wait3A = tpu.memref_slice %arg9[%mul3A_42] : memref<20000xf32, #tpu.memory_space<hbm>> -> memref<2000xf32, #tpu.memory_space<hbm>>
        %dma_wait3A_52 = tpu.memref_slice %arg9[%mul3A_42] : memref<20000xf32, #tpu.memory_space<hbm>> -> memref<2000xf32, #tpu.memory_space<hbm>>
        tpu.wait_dma2 semaphore(%run_scoped3A : memref<!tpu.dma_semaphore, #tpu.memory_space<semaphore_mem>>) src(%dma_wait3A_52 : memref<2000xf32, #tpu.memory_space<hbm>>) dst(%arg23 : memref<2000xf32, #tpu.memory_space<vmem>>)
        tpu.yield
      }) : () -> ()
      "tpu.region"() ({
        %run_scoped3A = tpu.sem_alloc : memref<!tpu.dma_semaphore, #tpu.memory_space<semaphore_mem>>
        %dma_start3A = tpu.memref_slice %arg10[%mul3A_42] : memref<20000xf32, #tpu.memory_space<hbm>> -> memref<2000xf32, #tpu.memory_space<hbm>>
        %dma_start3A_51 = tpu.memref_slice %arg10[%mul3A_42] : memref<20000xf32, #tpu.memory_space<hbm>> -> memref<2000xf32, #tpu.memory_space<hbm>>
        tpu.enqueue_dma source(%dma_start3A_51 : memref<2000xf32, #tpu.memory_space<hbm>>) target(%arg24 : memref<2000xf32, #tpu.memory_space<vmem>>) target_semaphore(%run_scoped3A : memref<!tpu.dma_semaphore, #tpu.memory_space<semaphore_mem>>)
        %dma_wait3A = tpu.memref_slice %arg10[%mul3A_42] : memref<20000xf32, #tpu.memory_space<hbm>> -> memref<2000xf32, #tpu.memory_space<hbm>>
        %dma_wait3A_52 = tpu.memref_slice %arg10[%mul3A_42] : memref<20000xf32, #tpu.memory_space<hbm>> -> memref<2000xf32, #tpu.memory_space<hbm>>
        tpu.wait_dma2 semaphore(%run_scoped3A : memref<!tpu.dma_semaphore, #tpu.memory_space<semaphore_mem>>) src(%dma_wait3A_52 : memref<2000xf32, #tpu.memory_space<hbm>>) dst(%arg24 : memref<2000xf32, #tpu.memory_space<vmem>>)
        tpu.yield
      }) : () -> ()
      %scan3A_43 = arith.constant 0 : i32
      %scan3A_44 = arith.constant 0 : i32
      %scan3A_45 = arith.constant 125 : i32
      %scan3A_46 = arith.addi %scan3A_44, %scan3A_45 : i32
      %scan3A_47 = arith.constant 1 : i32
      %scan3A_48 = scf.for %scan3A_51 = %scan3A_44 to %scan3A_46 step %scan3A_47 iter_args(%scan3A_52 = %scan3A_43) -> (i32)  : i32 {
        %mul3A_53 = arith.constant 16 : i32
        %mul3A_54 = arith.muli %scan3A_51, %mul3A_53 : i32
        %get3A = arith.index_cast %mul3A_54 : i32 to index
        %get3A_55 = tpu.vector_load %arg17[%get3A] {strides = array<i32>} : memref<2000xf32, #tpu.memory_space<vmem>>, vector<16xf32>,
        %get3A_56 = arith.index_cast %mul3A_54 : i32 to index
        %get3A_57 = tpu.vector_load %arg18[%get3A_56] {strides = array<i32>} : memref<2000xf32, #tpu.memory_space<vmem>>, vector<16xf32>,
        %get3A_58 = arith.index_cast %mul3A_54 : i32 to index
        %get3A_59 = tpu.vector_load %arg19[%get3A_58] {strides = array<i32>} : memref<2000xf32, #tpu.memory_space<vmem>>, vector<16xf32>,
        %get3A_60 = arith.index_cast %mul3A_54 : i32 to index
        %get3A_61 = tpu.vector_load %arg20[%get3A_60] {strides = array<i32>} : memref<2000xf32, #tpu.memory_space<vmem>>, vector<16xf32>,
        %get3A_62 = arith.index_cast %mul3A_54 : i32 to index
        %get3A_63 = tpu.vector_load %arg21[%get3A_62] {strides = array<i32>} : memref<2000xf32, #tpu.memory_space<vmem>>, vector<16xf32>,
        %get3A_64 = arith.index_cast %mul3A_54 : i32 to index
        %get3A_65 = tpu.vector_load %arg22[%get3A_64] {strides = array<i32>} : memref<2000xf32, #tpu.memory_space<vmem>>, vector<16xf32>,
        %get3A_66 = arith.index_cast %mul3A_54 : i32 to index
        %get3A_67 = tpu.vector_load %arg23[%get3A_66] {strides = array<i32>} : memref<2000xf32, #tpu.memory_space<vmem>>, vector<16xf32>,
        %get3A_68 = arith.index_cast %mul3A_54 : i32 to index
        %get3A_69 = tpu.vector_load %arg24[%get3A_68] {strides = array<i32>} : memref<2000xf32, #tpu.memory_space<vmem>>, vector<16xf32>,
        %mul3A_70 = arith.constant 1.000000e-01 : f32
        %mul3A_71 = vector.broadcast %mul3A_70 : f32 to vector<16xf32>
        %mul3A_72 = arith.mulf %get3A_55, %mul3A_71 : vector<16xf32>
        %mul3A_73 = arith.mulf %mul3A_72, %get3A_67 : vector<16xf32>
        %add3A_74 = arith.addf %get3A_63, %mul3A_73 : vector<16xf32>
        %mul3A_75 = arith.constant 1.000000e-01 : f32
        %mul3A_76 = vector.broadcast %mul3A_75 : f32 to vector<16xf32>
        %mul3A_77 = arith.mulf %get3A_57, %mul3A_76 : vector<16xf32>
        %mul3A_78 = arith.mulf %mul3A_77, %get3A_69 : vector<16xf32>
        %add3A_79 = arith.addf %get3A_65, %mul3A_78 : vector<16xf32>
        %mul3A_80 = arith.constant 2.000000e-01 : f32
        %mul3A_81 = vector.broadcast %mul3A_80 : f32 to vector<16xf32>
        %mul3A_82 = arith.mulf %get3A_59, %mul3A_81 : vector<16xf32>
        %exp3A = math.exp %mul3A_82 : vector<16xf32>
        %mul3A_83 = arith.mulf %get3A_67, %exp3A : vector<16xf32>
        %mul3A_84 = arith.constant 2.000000e-01 : f32
        %mul3A_85 = vector.broadcast %mul3A_84 : f32 to vector<16xf32>
        %mul3A_86 = arith.mulf %get3A_61, %mul3A_85 : vector<16xf32>
        %exp3A_87 = math.exp %mul3A_86 : vector<16xf32>
        %mul3A_88 = arith.mulf %get3A_69, %exp3A_87 : vector<16xf32>
        %div3A_89 = arith.constant 2.000000e+00 : f32
        %div3A_90 = vector.broadcast %div3A_89 : f32 to vector<16xf32>
        %div3A_91 = arith.divf %mul3A_83, %div3A_90 : vector<16xf32>
        %sub3A_92 = arith.subf %add3A_74, %div3A_91 : vector<16xf32>
        %div3A_93 = arith.constant 2.000000e+00 : f32
        %div3A_94 = vector.broadcast %div3A_93 : f32 to vector<16xf32>
        %div3A_95 = arith.divf %mul3A_88, %div3A_94 : vector<16xf32>
        %sub3A_96 = arith.subf %add3A_79, %div3A_95 : vector<16xf32>
        %mul3A_97 = arith.constant 16 : i32
        %mul3A_98 = arith.muli %scan3A_51, %mul3A_97 : i32
        %add3A_99 = arith.addi %mul3A_42, %mul3A_98 : i32
        %swap3A = arith.index_cast %add3A_99 : i32 to index
        %swap3A_100 = tpu.vector_load %arg13[%swap3A] {strides = array<i32>} : memref<20000xf32, #tpu.memory_space<vmem>>, vector<16xf32>,
        tpu.vector_store %arg13[%swap3A], %sub3A_92 {strides = array<i32>} : memref<20000xf32, #tpu.memory_space<vmem>>, vector<16xf32>,
        %swap3A_101 = arith.index_cast %add3A_99 : i32 to index
        %swap3A_102 = tpu.vector_load %arg14[%swap3A_101] {strides = array<i32>} : memref<20000xf32, #tpu.memory_space<vmem>>, vector<16xf32>,
        tpu.vector_store %arg14[%swap3A_101], %sub3A_96 {strides = array<i32>} : memref<20000xf32, #tpu.memory_space<vmem>>, vector<16xf32>,
        %add3A_103 = arith.addf %sub3A_92, %mul3A_83 : vector<16xf32>
        %swap3A_104 = arith.index_cast %add3A_99 : i32 to index
        %swap3A_105 = tpu.vector_load %arg15[%swap3A_104] {strides = array<i32>} : memref<20000xf32, #tpu.memory_space<vmem>>, vector<16xf32>,
        tpu.vector_store %arg15[%swap3A_104], %add3A_103 {strides = array<i32>} : memref<20000xf32, #tpu.memory_space<vmem>>, vector<16xf32>,
        %add3A_106 = arith.addf %sub3A_96, %mul3A_88 : vector<16xf32>
        %swap3A_107 = arith.index_cast %add3A_99 : i32 to index
        %swap3A_108 = tpu.vector_load %arg16[%swap3A_107] {strides = array<i32>} : memref<20000xf32, #tpu.memory_space<vmem>>, vector<16xf32>,
        tpu.vector_store %arg16[%swap3A_107], %add3A_106 {strides = array<i32>} : memref<20000xf32, #tpu.memory_space<vmem>>, vector<16xf32>,
        %scan3A_109 = arith.constant 0 : i32
        scf.yield %scan3A_109 : i32
      }
      %scan3A_49 = arith.constant 125 : i32
      %scan3A_50 = arith.constant 0 : i32
      scf.yield %scan3A_50 : i32
    }
    %scan3A_26 = arith.constant 10 : i32
    %scan3A_27 = arith.constant 0 : i32
    %scan3A_28 = arith.constant 0 : i32
    %scan3A_29 = arith.constant 5 : i32
    %scan3A_30 = arith.addi %scan3A_28, %scan3A_29 : i32
    %scan3A_31 = arith.constant 1 : i32
    %scan3A_32 = scf.for %scan3A_34 = %scan3A_28 to %scan3A_30 step %scan3A_31 iter_args(%scan3A_35 = %scan3A_27) -> (i32)  : i32 {
      %mul3A_36 = arith.constant 5 : i32
      %mul3A_37 = arith.muli %add3A, %mul3A_36 : i32
      %add3A_38 = arith.addi %mul3A_37, %scan3A_34 : i32
      %jit3A_39 = arith.constant 20 : i32
      %eq3A = arith.constant 0 : i32
      %eq3A_40 = arith.cmpi eq, %jit3A_39, %eq3A : i32
      %jit3A_41 = arith.constant 1 : i32
      %select_n3A_42 = arith.select %eq3A_40, %jit3A_41, %jit3A_39 : i32
      %rem3A_43 = arith.remsi %add3A_38, %select_n3A_42 : i32
      %ne3A_44 = arith.constant 0 : i32
      %ne3A_45 = arith.cmpi ne, %rem3A_43, %ne3A_44 : i32
      %lt3A_46 = arith.constant 0 : i32
      %lt3A_47 = arith.cmpi slt, %rem3A_43, %lt3A_46 : i32
      %lt3A_48 = arith.constant 0 : i32
      %lt3A_49 = arith.cmpi slt, %select_n3A_42, %lt3A_48 : i32
      %ne3A_50 = arith.xori %lt3A_47, %lt3A_49 : i1
      %and3A_51 = arith.andi %ne3A_50, %ne3A_45 : i1
      %add3A_52 = arith.addi %rem3A_43, %select_n3A_42 : i32
      %select_n3A_53 = arith.select %and3A_51, %add3A_52, %rem3A_43 : i32
      "tpu.region"() ({
        %run_scoped3A = tpu.sem_alloc : memref<!tpu.dma_semaphore, #tpu.memory_space<semaphore_mem>>
        %dma_start3A = arith.constant 0 : i32
        %dma_start3A_238 = tpu.memref_slice %arg2[%add3A_38, %dma_start3A] : memref<160x20000xf32, #tpu.memory_space<hbm>> -> memref<1x20000xf32, #tpu.memory_space<hbm>>
        %dma_start3A_239 = tpu.memref_squeeze %dma_start3A_238 : memref<1x20000xf32, #tpu.memory_space<hbm>> -> memref<20000xf32, #tpu.memory_space<hbm>>
        %dma_start3A_240 = arith.constant 0 : i32
        %dma_start3A_241 = tpu.memref_slice %arg2[%add3A_38, %dma_start3A_240] : memref<160x20000xf32, #tpu.memory_space<hbm>> -> memref<1x20000xf32, #tpu.memory_space<hbm>>
        %dma_start3A_242 = tpu.memref_squeeze %dma_start3A_241 : memref<1x20000xf32, #tpu.memory_space<hbm>> -> memref<20000xf32, #tpu.memory_space<hbm>>
        tpu.enqueue_dma source(%dma_start3A_242 : memref<20000xf32, #tpu.memory_space<hbm>>) target(%arg12 : memref<20000xf32, #tpu.memory_space<vmem>>) target_semaphore(%run_scoped3A : memref<!tpu.dma_semaphore, #tpu.memory_space<semaphore_mem>>)
        %dma_wait3A = arith.constant 0 : i32
        %dma_wait3A_243 = tpu.memref_slice %arg2[%add3A_38, %dma_wait3A] : memref<160x20000xf32, #tpu.memory_space<hbm>> -> memref<1x20000xf32, #tpu.memory_space<hbm>>
        %dma_wait3A_244 = tpu.memref_squeeze %dma_wait3A_243 : memref<1x20000xf32, #tpu.memory_space<hbm>> -> memref<20000xf32, #tpu.memory_space<hbm>>
        %dma_wait3A_245 = arith.constant 0 : i32
        %dma_wait3A_246 = tpu.memref_slice %arg2[%add3A_38, %dma_wait3A_245] : memref<160x20000xf32, #tpu.memory_space<hbm>> -> memref<1x20000xf32, #tpu.memory_space<hbm>>
        %dma_wait3A_247 = tpu.memref_squeeze %dma_wait3A_246 : memref<1x20000xf32, #tpu.memory_space<hbm>> -> memref<20000xf32, #tpu.memory_space<hbm>>
        tpu.wait_dma2 semaphore(%run_scoped3A : memref<!tpu.dma_semaphore, #tpu.memory_space<semaphore_mem>>) src(%dma_wait3A_247 : memref<20000xf32, #tpu.memory_space<hbm>>) dst(%arg12 : memref<20000xf32, #tpu.memory_space<vmem>>)
        tpu.yield
      }) : () -> ()
      %broadcast_in_dim3A = arith.constant 1064849900 : i32
      %broadcast_in_dim3A_54 = vector.broadcast %broadcast_in_dim3A : i32 to vector<16xi32>
      %bitcast_convert_type3A = tpu.bitcast %broadcast_in_dim3A_54 : vector<16xi32> -> vector<16xf32>
      %broadcast_in_dim3A_55 = arith.constant 2139095039 : i32
      %broadcast_in_dim3A_56 = vector.broadcast %broadcast_in_dim3A_55 : i32 to vector<16xi32>
      %broadcast_in_dim3A_57 = arith.constant 0 : i32
      %broadcast_in_dim3A_58 = vector.broadcast %broadcast_in_dim3A_57 : i32 to vector<16xi32>
      %scan3A_59 = arith.constant 0 : i32
      %scan3A_60 = arith.constant 0 : i32
      %scan3A_61 = arith.constant 625 : i32
      %scan3A_62 = arith.addi %scan3A_60, %scan3A_61 : i32
      %scan3A_63 = arith.constant 1 : i32
      %scan3A_64:3 = scf.for %scan3A_238 = %scan3A_60 to %scan3A_62 step %scan3A_63 iter_args(%scan3A_239 = %scan3A_59, %scan3A_240 = %broadcast_in_dim3A_56, %scan3A_241 = %broadcast_in_dim3A_58) -> (i32, vector<16xi32>, vector<16xi32>)  : i32 {
        %mul3A_242 = arith.constant 2 : i32
        %mul3A_243 = arith.muli %mul3A_242, %scan3A_238 : i32
        %add3A_244 = arith.constant 1 : i32
        %add3A_245 = arith.addi %mul3A_243, %add3A_244 : i32
        %mul3A_246 = arith.constant 2 : i32
        %mul3A_247 = arith.muli %mul3A_246, %scan3A_238 : i32
        %mul3A_248 = arith.constant 16 : i32
        %mul3A_249 = arith.muli %mul3A_247, %mul3A_248 : i32
        %get3A = arith.index_cast %mul3A_249 : i32 to index
        %get3A_250 = tpu.vector_load %arg12[%get3A] {strides = array<i32>} : memref<20000xf32, #tpu.memory_space<vmem>>, vector<16xf32>,
        %gt3A = arith.cmpf ogt, %get3A_250, %bitcast_convert_type3A : vector<16xf32>
        %lt3A_251 = arith.constant 1024 : i32
        %lt3A_252 = arith.cmpi slt, %scan3A_239, %lt3A_251 : i32
        %convert_element_type3A_253 = arith.extui %lt3A_252 : i1 to i32
        %cond3A_254 = arith.constant 0 : i32
        %cond3A_255 = arith.cmpi ne, %convert_element_type3A_253, %cond3A_254 : i32
        scf.if %cond3A_255 {
          %swap3A = arith.index_cast %scan3A_239 : i32 to index
          %swap3A_290 = tpu.vector_load %arg25[%swap3A] masked %gt3A {strides = array<i32>} : memref<1040xf32, #tpu.memory_space<vmem>>, vector<16xf32>, vector<16xi1>
          tpu.vector_store %arg25[%swap3A], %get3A_250 masked %gt3A {strides = array<i32>} : memref<1040xf32, #tpu.memory_space<vmem>>, vector<16xf32>, vector<16xi1>
          %mul3A_291 = arith.constant 16 : i32
          %mul3A_292 = arith.muli %mul3A_247, %mul3A_291 : i32
          %add3A_293 = vector.broadcast %mul3A_292 : i32 to vector<16xi32>
          %add3A_294 = arith.addi %iota3A, %add3A_293 : vector<16xi32>
          %swap3A_295 = arith.index_cast %scan3A_239 : i32 to index
          %swap3A_296 = tpu.vector_load %arg26[%swap3A_295] masked %gt3A {strides = array<i32>} : memref<1040xi32, #tpu.memory_space<vmem>>, vector<16xi32>, vector<16xi1>
          tpu.vector_store %arg26[%swap3A_295], %add3A_294 masked %gt3A {strides = array<i32>} : memref<1040xi32, #tpu.memory_space<vmem>>, vector<16xi32>, vector<16xi1>
        } else {
        }
        %bitcast_convert_type3A_256 = tpu.bitcast %get3A_250 : vector<16xf32> -> vector<16xi32>
        %jit3A_257 = arith.constant 2139095039 : i32
        %broadcast_in_dim3A_258 = vector.broadcast %jit3A_257 : i32 to vector<16xi32>
        %select_n3A_259 = arith.select %gt3A, %bitcast_convert_type3A_256, %broadcast_in_dim3A_258 : vector<16xi1>, vector<16xi32>
        %min3A_260 = arith.minsi %scan3A_240, %select_n3A_259 : vector<16xi32>
        %jit3A_261 = arith.constant 0 : i32
        %broadcast_in_dim3A_262 = vector.broadcast %jit3A_261 : i32 to vector<16xi32>
        %select_n3A_263 = arith.select %gt3A, %bitcast_convert_type3A_256, %broadcast_in_dim3A_262 : vector<16xi1>, vector<16xi32>
        %max3A = arith.maxsi %scan3A_241, %select_n3A_263 : vector<16xi32>
        %all_reduce_population_count3A = tpu.all_reduce %gt3A {dim = 0 : i64, kind = #tpu.reduction_kind<sum>} : vector<16xi1> -> vector<16xi32>
        %slice3A_264 = vector.extract_strided_slice %all_reduce_population_count3A {offsets = [0], sizes = [1], strides = [1]} : vector<16xi32> to vector<1xi32>
        %squeeze3A_265 = vector.extract %slice3A_264[0] : i32 from vector<1xi32>
        %add3A_266 = arith.addi %scan3A_239, %squeeze3A_265 : i32
        %mul3A_267 = arith.constant 16 : i32
        %mul3A_268 = arith.muli %add3A_245, %mul3A_267 : i32
        %get3A_269 = arith.index_cast %mul3A_268 : i32 to index
        %get3A_270 = tpu.vector_load %arg12[%get3A_269] {strides = array<i32>} : memref<20000xf32, #tpu.memory_space<vmem>>, vector<16xf32>,
        %gt3A_271 = arith.cmpf ogt, %get3A_270, %bitcast_convert_type3A : vector<16xf32>
        %lt3A_272 = arith.constant 1024 : i32
        %lt3A_273 = arith.cmpi slt, %add3A_266, %lt3A_272 : i32
        %convert_element_type3A_274 = arith.extui %lt3A_273 : i1 to i32
        %cond3A_275 = arith.constant 0 : i32
        %cond3A_276 = arith.cmpi ne, %convert_element_type3A_274, %cond3A_275 : i32
        scf.if %cond3A_276 {
          %swap3A = arith.index_cast %add3A_266 : i32 to index
          %swap3A_290 = tpu.vector_load %arg25[%swap3A] masked %gt3A_271 {strides = array<i32>} : memref<1040xf32, #tpu.memory_space<vmem>>, vector<16xf32>, vector<16xi1>
          tpu.vector_store %arg25[%swap3A], %get3A_270 masked %gt3A_271 {strides = array<i32>} : memref<1040xf32, #tpu.memory_space<vmem>>, vector<16xf32>, vector<16xi1>
          %mul3A_291 = arith.constant 16 : i32
          %mul3A_292 = arith.muli %add3A_245, %mul3A_291 : i32
          %add3A_293 = vector.broadcast %mul3A_292 : i32 to vector<16xi32>
          %add3A_294 = arith.addi %iota3A, %add3A_293 : vector<16xi32>
          %swap3A_295 = arith.index_cast %add3A_266 : i32 to index
          %swap3A_296 = tpu.vector_load %arg26[%swap3A_295] masked %gt3A_271 {strides = array<i32>} : memref<1040xi32, #tpu.memory_space<vmem>>, vector<16xi32>, vector<16xi1>
          tpu.vector_store %arg26[%swap3A_295], %add3A_294 masked %gt3A_271 {strides = array<i32>} : memref<1040xi32, #tpu.memory_space<vmem>>, vector<16xi32>, vector<16xi1>
        } else {
        }
        %bitcast_convert_type3A_277 = tpu.bitcast %get3A_270 : vector<16xf32> -> vector<16xi32>
        %jit3A_278 = arith.constant 2139095039 : i32
        %broadcast_in_dim3A_279 = vector.broadcast %jit3A_278 : i32 to vector<16xi32>
        %select_n3A_280 = arith.select %gt3A_271, %bitcast_convert_type3A_277, %broadcast_in_dim3A_279 : vector<16xi1>, vector<16xi32>
        %min3A_281 = arith.minsi %min3A_260, %select_n3A_280 : vector<16xi32>
        %jit3A_282 = arith.constant 0 : i32
        %broadcast_in_dim3A_283 = vector.broadcast %jit3A_282 : i32 to vector<16xi32>
        %select_n3A_284 = arith.select %gt3A_271, %bitcast_convert_type3A_277, %broadcast_in_dim3A_283 : vector<16xi1>, vector<16xi32>
        %max3A_285 = arith.maxsi %max3A, %select_n3A_284 : vector<16xi32>
        %all_reduce_population_count3A_286 = tpu.all_reduce %gt3A_271 {dim = 0 : i64, kind = #tpu.reduction_kind<sum>} : vector<16xi1> -> vector<16xi32>
        %slice3A_287 = vector.extract_strided_slice %all_reduce_population_count3A_286 {offsets = [0], sizes = [1], strides = [1]} : vector<16xi32> to vector<1xi32>
        %squeeze3A_288 = vector.extract %slice3A_287[0] : i32 from vector<1xi32>
        %add3A_289 = arith.addi %add3A_266, %squeeze3A_288 : i32
        scf.yield %add3A_289, %min3A_281, %max3A_285 : i32, vector<16xi32>, vector<16xi32>
      }
      %scan3A_65 = arith.constant 625 : i32
      %masked_sort3A = arith.constant dense<true> : vector<16xi1>
      %masked_sort3A_66 = arith.constant -2147483648 : i32
      %masked_sort3A_67 = vector.broadcast %masked_sort3A_66 : i32 to vector<16xi32>
      %masked_sort3A_68 = arith.xori %scan3A_64#1, %masked_sort3A_67 : vector<16xi32>
      %masked_sort3A_69, %masked_sort3A_70, %masked_sort3A_71 = tpu.sort %masked_sort3A_68, %scan3A_64#1 masked %masked_sort3A : (vector<16xi32>, vector<16xi32>, vector<16xi1>) -> (vector<16xi1>, vector<16xi32>, vector<16xi32>)
      %masked_sort3A_72 = arith.xori %masked_sort3A_70, %masked_sort3A_67 : vector<16xi32>
      %masked_sort3A_73 = arith.constant dense<true> : vector<16xi1>
      %masked_sort3A_74 = arith.constant -2147483648 : i32
      %masked_sort3A_75 = vector.broadcast %masked_sort3A_74 : i32 to vector<16xi32>
      %masked_sort3A_76 = arith.xori %scan3A_64#2, %masked_sort3A_75 : vector<16xi32>
      %masked_sort3A_77, %masked_sort3A_78, %masked_sort3A_79 = tpu.sort %masked_sort3A_76, %scan3A_64#2 masked %masked_sort3A_73 {descending = true} : (vector<16xi32>, vector<16xi32>, vector<16xi1>) -> (vector<16xi1>, vector<16xi32>, vector<16xi32>)
      %masked_sort3A_80 = arith.xori %masked_sort3A_78, %masked_sort3A_75 : vector<16xi32>
      %slice3A = vector.extract_strided_slice %masked_sort3A_72 {offsets = [0], sizes = [1], strides = [1]} : vector<16xi32> to vector<1xi32>
      %squeeze3A = vector.extract %slice3A[0] : i32 from vector<1xi32>
      %slice3A_81 = vector.extract_strided_slice %masked_sort3A_80 {offsets = [0], sizes = [1], strides = [1]} : vector<16xi32> to vector<1xi32>
      %squeeze3A_82 = vector.extract %slice3A_81[0] : i32 from vector<1xi32>
      %ge3A = arith.constant 400 : i32
      %ge3A_83 = arith.cmpi sge, %scan3A_64#0, %ge3A : i32
      %le3A = arith.constant 1024 : i32
      %le3A_84 = arith.cmpi sle, %scan3A_64#0, %le3A : i32
      %and3A_85 = arith.andi %ge3A_83, %le3A_84 : i1
      %convert_element_type3A_86 = arith.extui %and3A_85 : i1 to i32
      %cond3A_87 = arith.constant 400 : i32
      %cond3A_88 = arith.constant 0 : i32
      %cond3A_89 = arith.cmpi ne, %convert_element_type3A_86, %cond3A_88 : i32
      %cond3A_90:3 = scf.if %cond3A_89 -> (i32, i32, i32) {
        %add3A_238 = arith.constant 15 : i32
        %add3A_239 = arith.addi %scan3A_64#0, %add3A_238 : i32
        %jit3A_240 = arith.constant 16 : i32
        %div3A_241 = arith.divsi %add3A_239, %jit3A_240 : i32
        %sign3A_242 = arith.constant 0 : i32
        %sign3A_243 = arith.cmpi sgt, %add3A_239, %sign3A_242 : i32
        %sign3A_244 = arith.extui %sign3A_243 : i1 to i32
        %sign3A_245 = arith.constant 0 : i32
        %sign3A_246 = arith.cmpi slt, %add3A_239, %sign3A_245 : i32
        %sign3A_247 = arith.extui %sign3A_246 : i1 to i32
        %sign3A_248 = arith.subi %sign3A_244, %sign3A_247 : i32
        %sign3A_249 = arith.constant 0 : i32
        %sign3A_250 = arith.cmpi sgt, %jit3A_240, %sign3A_249 : i32
        %sign3A_251 = arith.extui %sign3A_250 : i1 to i32
        %sign3A_252 = arith.constant 0 : i32
        %sign3A_253 = arith.cmpi slt, %jit3A_240, %sign3A_252 : i32
        %sign3A_254 = arith.extui %sign3A_253 : i1 to i32
        %sign3A_255 = arith.subi %sign3A_251, %sign3A_254 : i32
        %ne3A_256 = arith.cmpi ne, %sign3A_248, %sign3A_255 : i32
        %rem3A_257 = arith.remsi %add3A_239, %jit3A_240 : i32
        %ne3A_258 = arith.constant 0 : i32
        %ne3A_259 = arith.cmpi ne, %rem3A_257, %ne3A_258 : i32
        %and3A_260 = arith.andi %ne3A_256, %ne3A_259 : i1
        %sub3A_261 = arith.constant 1 : i32
        %sub3A_262 = arith.subi %div3A_241, %sub3A_261 : i32
        %select_n3A_263 = arith.select %and3A_260, %sub3A_262, %div3A_241 : i32
        %while3A_264 = arith.constant 1064849900 : i32
        %while3A_265:3 = scf.while (%while3A_271 = %while3A_264, %while3A_272 = %squeeze3A_82, %while3A_273 = %scan3A_64#0) : (i32, i32, i32) -> (i32, i32, i32) {
          %gt3A_274 = arith.constant 512 : i32
          %gt3A_275 = arith.cmpi sgt, %while3A_273, %gt3A_274 : i32
          %sub3A_276 = arith.subi %while3A_272, %while3A_271 : i32
          %gt3A_277 = arith.constant 1 : i32
          %gt3A_278 = arith.cmpi sgt, %sub3A_276, %gt3A_277 : i32
          %and3A_279 = arith.andi %gt3A_275, %gt3A_278 : i1
          scf.condition(%and3A_279) %while3A_271, %while3A_272, %while3A_273 : i32, i32, i32
        } do {
        ^bb0(%while3A_271: i32, %while3A_272: i32, %while3A_273: i32):
          %sub3A_274 = arith.subi %while3A_272, %while3A_271 : i32
          %jit3A_275 = arith.constant 2 : i32
          %div3A_276 = arith.divsi %sub3A_274, %jit3A_275 : i32
          %sign3A_277 = arith.constant 0 : i32
          %sign3A_278 = arith.cmpi sgt, %sub3A_274, %sign3A_277 : i32
          %sign3A_279 = arith.extui %sign3A_278 : i1 to i32
          %sign3A_280 = arith.constant 0 : i32
          %sign3A_281 = arith.cmpi slt, %sub3A_274, %sign3A_280 : i32
          %sign3A_282 = arith.extui %sign3A_281 : i1 to i32
          %sign3A_283 = arith.subi %sign3A_279, %sign3A_282 : i32
          %sign3A_284 = arith.constant 0 : i32
          %sign3A_285 = arith.cmpi sgt, %jit3A_275, %sign3A_284 : i32
          %sign3A_286 = arith.extui %sign3A_285 : i1 to i32
          %sign3A_287 = arith.constant 0 : i32
          %sign3A_288 = arith.cmpi slt, %jit3A_275, %sign3A_287 : i32
          %sign3A_289 = arith.extui %sign3A_288 : i1 to i32
          %sign3A_290 = arith.subi %sign3A_286, %sign3A_289 : i32
          %ne3A_291 = arith.cmpi ne, %sign3A_283, %sign3A_290 : i32
          %rem3A_292 = arith.remsi %sub3A_274, %jit3A_275 : i32
          %ne3A_293 = arith.constant 0 : i32
          %ne3A_294 = arith.cmpi ne, %rem3A_292, %ne3A_293 : i32
          %and3A_295 = arith.andi %ne3A_291, %ne3A_294 : i1
          %sub3A_296 = arith.constant 1 : i32
          %sub3A_297 = arith.subi %div3A_276, %sub3A_296 : i32
          %select_n3A_298 = arith.select %and3A_295, %sub3A_297, %div3A_276 : i32
          %add3A_299 = arith.addi %while3A_271, %select_n3A_298 : i32
          %broadcast_in_dim3A_300 = vector.broadcast %add3A_299 : i32 to vector<16xi32>
          %bitcast_convert_type3A_301 = tpu.bitcast %broadcast_in_dim3A_300 : vector<16xi32> -> vector<16xf32>
          %broadcast_in_dim3A_302 = arith.constant 0 : i32
          %broadcast_in_dim3A_303 = vector.broadcast %broadcast_in_dim3A_302 : i32 to vector<16xi32>
          %while3A_304 = arith.constant 0 : i32
          %while3A_305 = arith.subi %select_n3A_263, %while3A_304 : i32
          %while3A_306 = arith.addi %while3A_304, %while3A_305 : i32
          %while3A_307 = arith.constant 1 : i32
          %while3A_308 = arith.divsi %while3A_305, %while3A_307 : i32
          %while3A_309 = arith.muli %while3A_308, %while3A_307 : i32
          %while3A_310 = arith.addi %while3A_304, %while3A_309 : i32
          %while3A_311 = arith.constant 1 : i32
          %while3A_312 = scf.for %while3A_323 = %while3A_304 to %while3A_310 step %while3A_311 iter_args(%while3A_324 = %broadcast_in_dim3A_303) -> (vector<16xi32>)  : i32 {
            %mul3A_325 = arith.constant 16 : i32
            %mul3A_326 = arith.muli %while3A_323, %mul3A_325 : i32
            %get3A = arith.index_cast %mul3A_326 : i32 to index
            %get3A_327 = tpu.vector_load %arg25[%get3A] {strides = array<i32>} : memref<1040xf32, #tpu.memory_space<vmem>>, vector<16xf32>,
            %gt3A_328 = arith.cmpf ogt, %get3A_327, %bitcast_convert_type3A_301 : vector<16xf32>
            %mul3A_329 = arith.constant 16 : i32
            %mul3A_330 = arith.muli %while3A_323, %mul3A_329 : i32
            %add3A_331 = vector.broadcast %mul3A_330 : i32 to vector<16xi32>
            %add3A_332 = arith.addi %iota3A, %add3A_331 : vector<16xi32>
            %lt3A_333 = vector.broadcast %scan3A_64#0 : i32 to vector<16xi32>
            %lt3A_334 = arith.cmpi slt, %add3A_332, %lt3A_333 : vector<16xi32>
            %and3A_335 = arith.andi %gt3A_328, %lt3A_334 : vector<16xi1>
            %all_reduce_population_count3A = tpu.all_reduce %and3A_335 {dim = 0 : i64, kind = #tpu.reduction_kind<sum>} : vector<16xi1> -> vector<16xi32>
            %add3A_336 = arith.addi %while3A_324, %all_reduce_population_count3A : vector<16xi32>
            scf.yield %add3A_336 : vector<16xi32>
          }
          %while3A_313 = arith.constant 1 : i32
          %while3A_314 = scf.for %while3A_323 = %while3A_310 to %while3A_306 step %while3A_313 iter_args(%while3A_324 = %while3A_312) -> (vector<16xi32>)  : i32 {
            %mul3A_325 = arith.constant 16 : i32
            %mul3A_326 = arith.muli %while3A_323, %mul3A_325 : i32
            %get3A = arith.index_cast %mul3A_326 : i32 to index
            %get3A_327 = tpu.vector_load %arg25[%get3A] {strides = array<i32>} : memref<1040xf32, #tpu.memory_space<vmem>>, vector<16xf32>,
            %gt3A_328 = arith.cmpf ogt, %get3A_327, %bitcast_convert_type3A_301 : vector<16xf32>
            %mul3A_329 = arith.constant 16 : i32
            %mul3A_330 = arith.muli %while3A_323, %mul3A_329 : i32
            %add3A_331 = vector.broadcast %mul3A_330 : i32 to vector<16xi32>
            %add3A_332 = arith.addi %iota3A, %add3A_331 : vector<16xi32>
            %lt3A_333 = vector.broadcast %scan3A_64#0 : i32 to vector<16xi32>
            %lt3A_334 = arith.cmpi slt, %add3A_332, %lt3A_333 : vector<16xi32>
            %and3A_335 = arith.andi %gt3A_328, %lt3A_334 : vector<16xi1>
            %all_reduce_population_count3A = tpu.all_reduce %and3A_335 {dim = 0 : i64, kind = #tpu.reduction_kind<sum>} : vector<16xi1> -> vector<16xi32>
            %add3A_336 = arith.addi %while3A_324, %all_reduce_population_count3A : vector<16xi32>
            scf.yield %add3A_336 : vector<16xi32>
          }
          %slice3A_315 = vector.extract_strided_slice %while3A_314 {offsets = [0], sizes = [1], strides = [1]} : vector<16xi32> to vector<1xi32>
          %squeeze3A_316 = vector.extract %slice3A_315[0] : i32 from vector<1xi32>
          %ge3A_317 = arith.cmpi sge, %squeeze3A_316, %cond3A_87 : i32
          %select_n3A_318 = arith.select %ge3A_317, %add3A_299, %while3A_271 : i32
          %ge3A_319 = arith.cmpi sge, %squeeze3A_316, %cond3A_87 : i32
          %select_n3A_320 = arith.select %ge3A_319, %squeeze3A_316, %while3A_273 : i32
          %ge3A_321 = arith.cmpi sge, %squeeze3A_316, %cond3A_87 : i32
          %select_n3A_322 = arith.select %ge3A_321, %while3A_272, %add3A_299 : i32
          scf.yield %select_n3A_318, %select_n3A_322, %select_n3A_320 : i32, i32, i32
        }
        %gt3A = arith.constant 512 : i32
        %gt3A_266 = arith.cmpi sgt, %scan3A_64#0, %gt3A : i32
        %convert_element_type3A_267 = arith.extui %gt3A_266 : i1 to i32
        %cond3A_268 = arith.constant 0 : i32
        %cond3A_269 = arith.cmpi ne, %convert_element_type3A_267, %cond3A_268 : i32
        %cond3A_270 = scf.if %cond3A_269 -> (i32) {
          %broadcast_in_dim3A_271 = vector.broadcast %while3A_265#0 : i32 to vector<16xi32>
          %bitcast_convert_type3A_272 = tpu.bitcast %broadcast_in_dim3A_271 : vector<16xi32> -> vector<16xf32>
          %while3A_273 = arith.constant 0 : i32
          %while3A_274 = arith.constant 0 : i32
          %while3A_275 = arith.subi %select_n3A_263, %while3A_273 : i32
          %while3A_276 = arith.addi %while3A_273, %while3A_275 : i32
          %while3A_277 = arith.constant 1 : i32
          %while3A_278 = arith.divsi %while3A_275, %while3A_277 : i32
          %while3A_279 = arith.muli %while3A_278, %while3A_277 : i32
          %while3A_280 = arith.addi %while3A_273, %while3A_279 : i32
          %while3A_281 = arith.constant 1 : i32
          %while3A_282 = scf.for %while3A_285 = %while3A_273 to %while3A_280 step %while3A_281 iter_args(%while3A_286 = %while3A_274) -> (i32)  : i32 {
            %mul3A_287 = arith.constant 16 : i32
            %mul3A_288 = arith.muli %while3A_285, %mul3A_287 : i32
            %get3A = arith.index_cast %mul3A_288 : i32 to index
            %get3A_289 = tpu.vector_load %arg25[%get3A] {strides = array<i32>} : memref<1040xf32, #tpu.memory_space<vmem>>, vector<16xf32>,
            %get3A_290 = arith.index_cast %mul3A_288 : i32 to index
            %get3A_291 = tpu.vector_load %arg26[%get3A_290] {strides = array<i32>} : memref<1040xi32, #tpu.memory_space<vmem>>, vector<16xi32>,
            %gt3A_292 = arith.cmpf ogt, %get3A_289, %bitcast_convert_type3A_272 : vector<16xf32>
            %mul3A_293 = arith.constant 16 : i32
            %mul3A_294 = arith.muli %while3A_285, %mul3A_293 : i32
            %add3A_295 = vector.broadcast %mul3A_294 : i32 to vector<16xi32>
            %add3A_296 = arith.addi %iota3A, %add3A_295 : vector<16xi32>
            %lt3A_297 = vector.broadcast %scan3A_64#0 : i32 to vector<16xi32>
            %lt3A_298 = arith.cmpi slt, %add3A_296, %lt3A_297 : vector<16xi32>
            %and3A_299 = arith.andi %gt3A_292, %lt3A_298 : vector<16xi1>
            %lt3A_300 = arith.constant 512 : i32
            %lt3A_301 = arith.cmpi slt, %while3A_286, %lt3A_300 : i32
            %convert_element_type3A_302 = arith.extui %lt3A_301 : i1 to i32
            %cond3A_303 = arith.constant 0 : i32
            %cond3A_304 = arith.cmpi ne, %convert_element_type3A_302, %cond3A_303 : i32
            scf.if %cond3A_304 {
              %swap3A = arith.index_cast %while3A_286 : i32 to index
              %swap3A_308 = tpu.vector_load %arg25[%swap3A] masked %and3A_299 {strides = array<i32>} : memref<1040xf32, #tpu.memory_space<vmem>>, vector<16xf32>, vector<16xi1>
              tpu.vector_store %arg25[%swap3A], %get3A_289 masked %and3A_299 {strides = array<i32>} : memref<1040xf32, #tpu.memory_space<vmem>>, vector<16xf32>, vector<16xi1>
              %swap3A_309 = arith.index_cast %while3A_286 : i32 to index
              %swap3A_310 = tpu.vector_load %arg26[%swap3A_309] masked %and3A_299 {strides = array<i32>} : memref<1040xi32, #tpu.memory_space<vmem>>, vector<16xi32>, vector<16xi1>
              tpu.vector_store %arg26[%swap3A_309], %get3A_291 masked %and3A_299 {strides = array<i32>} : memref<1040xi32, #tpu.memory_space<vmem>>, vector<16xi32>, vector<16xi1>
            } else {
            }
            %all_reduce_population_count3A = tpu.all_reduce %and3A_299 {dim = 0 : i64, kind = #tpu.reduction_kind<sum>} : vector<16xi1> -> vector<16xi32>
            %slice3A_305 = vector.extract_strided_slice %all_reduce_population_count3A {offsets = [0], sizes = [1], strides = [1]} : vector<16xi32> to vector<1xi32>
            %squeeze3A_306 = vector.extract %slice3A_305[0] : i32 from vector<1xi32>
            %add3A_307 = arith.addi %while3A_286, %squeeze3A_306 : i32
            scf.yield %add3A_307 : i32
          }
          %while3A_283 = arith.constant 1 : i32
          %while3A_284 = scf.for %while3A_285 = %while3A_280 to %while3A_276 step %while3A_283 iter_args(%while3A_286 = %while3A_282) -> (i32)  : i32 {
            %mul3A_287 = arith.constant 16 : i32
            %mul3A_288 = arith.muli %while3A_285, %mul3A_287 : i32
            %get3A = arith.index_cast %mul3A_288 : i32 to index
            %get3A_289 = tpu.vector_load %arg25[%get3A] {strides = array<i32>} : memref<1040xf32, #tpu.memory_space<vmem>>, vector<16xf32>,
            %get3A_290 = arith.index_cast %mul3A_288 : i32 to index
            %get3A_291 = tpu.vector_load %arg26[%get3A_290] {strides = array<i32>} : memref<1040xi32, #tpu.memory_space<vmem>>, vector<16xi32>,
            %gt3A_292 = arith.cmpf ogt, %get3A_289, %bitcast_convert_type3A_272 : vector<16xf32>
            %mul3A_293 = arith.constant 16 : i32
            %mul3A_294 = arith.muli %while3A_285, %mul3A_293 : i32
            %add3A_295 = vector.broadcast %mul3A_294 : i32 to vector<16xi32>
            %add3A_296 = arith.addi %iota3A, %add3A_295 : vector<16xi32>
            %lt3A_297 = vector.broadcast %scan3A_64#0 : i32 to vector<16xi32>
            %lt3A_298 = arith.cmpi slt, %add3A_296, %lt3A_297 : vector<16xi32>
            %and3A_299 = arith.andi %gt3A_292, %lt3A_298 : vector<16xi1>
            %lt3A_300 = arith.constant 512 : i32
            %lt3A_301 = arith.cmpi slt, %while3A_286, %lt3A_300 : i32
            %convert_element_type3A_302 = arith.extui %lt3A_301 : i1 to i32
            %cond3A_303 = arith.constant 0 : i32
            %cond3A_304 = arith.cmpi ne, %convert_element_type3A_302, %cond3A_303 : i32
            scf.if %cond3A_304 {
              %swap3A = arith.index_cast %while3A_286 : i32 to index
              %swap3A_308 = tpu.vector_load %arg25[%swap3A] masked %and3A_299 {strides = array<i32>} : memref<1040xf32, #tpu.memory_space<vmem>>, vector<16xf32>, vector<16xi1>
              tpu.vector_store %arg25[%swap3A], %get3A_289 masked %and3A_299 {strides = array<i32>} : memref<1040xf32, #tpu.memory_space<vmem>>, vector<16xf32>, vector<16xi1>
              %swap3A_309 = arith.index_cast %while3A_286 : i32 to index
              %swap3A_310 = tpu.vector_load %arg26[%swap3A_309] masked %and3A_299 {strides = array<i32>} : memref<1040xi32, #tpu.memory_space<vmem>>, vector<16xi32>, vector<16xi1>
              tpu.vector_store %arg26[%swap3A_309], %get3A_291 masked %and3A_299 {strides = array<i32>} : memref<1040xi32, #tpu.memory_space<vmem>>, vector<16xi32>, vector<16xi1>
            } else {
            }
            %all_reduce_population_count3A = tpu.all_reduce %and3A_299 {dim = 0 : i64, kind = #tpu.reduction_kind<sum>} : vector<16xi1> -> vector<16xi32>
            %slice3A_305 = vector.extract_strided_slice %all_reduce_population_count3A {offsets = [0], sizes = [1], strides = [1]} : vector<16xi32> to vector<1xi32>
            %squeeze3A_306 = vector.extract %slice3A_305[0] : i32 from vector<1xi32>
            %add3A_307 = arith.addi %while3A_286, %squeeze3A_306 : i32
            scf.yield %add3A_307 : i32
          }
          scf.yield %while3A_284 : i32
        } else {
          scf.yield %scan3A_64#0 : i32
        }
        scf.yield %cond3A_270, %squeeze3A, %squeeze3A_82 : i32, i32, i32
      } else {
        %broadcast_in_dim3A_238 = arith.constant 1008981770 : i32
        %broadcast_in_dim3A_239 = vector.broadcast %broadcast_in_dim3A_238 : i32 to vector<16xi32>
        %bitcast_convert_type3A_240 = tpu.bitcast %broadcast_in_dim3A_239 : vector<16xi32> -> vector<16xf32>
        %broadcast_in_dim3A_241 = arith.constant 0 : i32
        %broadcast_in_dim3A_242 = vector.broadcast %broadcast_in_dim3A_241 : i32 to vector<16xi32>
        %scan3A_243 = arith.constant 0 : i32
        %scan3A_244 = arith.constant 625 : i32
        %scan3A_245 = arith.addi %scan3A_243, %scan3A_244 : i32
        %scan3A_246 = arith.constant 1 : i32
        %scan3A_247:2 = scf.for %scan3A_304 = %scan3A_243 to %scan3A_245 step %scan3A_246 iter_args(%scan3A_305 = %broadcast_in_dim3A_242, %scan3A_306 = %broadcast_in_dim3A_242) -> (vector<16xi32>, vector<16xi32>)  : i32 {
          %mul3A_307 = arith.constant 2 : i32
          %mul3A_308 = arith.muli %mul3A_307, %scan3A_304 : i32
          %mul3A_309 = arith.constant 16 : i32
          %mul3A_310 = arith.muli %mul3A_308, %mul3A_309 : i32
          %get3A = arith.index_cast %mul3A_310 : i32 to index
          %get3A_311 = tpu.vector_load %arg12[%get3A] {strides = array<i32>} : memref<20000xf32, #tpu.memory_space<vmem>>, vector<16xf32>,
          %gt3A = arith.cmpf ogt, %get3A_311, %bitcast_convert_type3A_240 : vector<16xf32>
          %all_reduce_population_count3A = tpu.all_reduce %gt3A {dim = 0 : i64, kind = #tpu.reduction_kind<sum>} : vector<16xi1> -> vector<16xi32>
          %add3A_312 = arith.addi %scan3A_305, %all_reduce_population_count3A : vector<16xi32>
          %mul3A_313 = arith.constant 2 : i32
          %mul3A_314 = arith.muli %mul3A_313, %scan3A_304 : i32
          %add3A_315 = arith.constant 1 : i32
          %add3A_316 = arith.addi %mul3A_314, %add3A_315 : i32
          %mul3A_317 = arith.constant 16 : i32
          %mul3A_318 = arith.muli %add3A_316, %mul3A_317 : i32
          %get3A_319 = arith.index_cast %mul3A_318 : i32 to index
          %get3A_320 = tpu.vector_load %arg12[%get3A_319] {strides = array<i32>} : memref<20000xf32, #tpu.memory_space<vmem>>, vector<16xf32>,
          %gt3A_321 = arith.cmpf ogt, %get3A_320, %bitcast_convert_type3A_240 : vector<16xf32>
          %all_reduce_population_count3A_322 = tpu.all_reduce %gt3A_321 {dim = 0 : i64, kind = #tpu.reduction_kind<sum>} : vector<16xi1> -> vector<16xi32>
          %add3A_323 = arith.addi %scan3A_306, %all_reduce_population_count3A_322 : vector<16xi32>
          scf.yield %add3A_312, %add3A_323 : vector<16xi32>, vector<16xi32>
        }
        %scan3A_248 = arith.constant 625 : i32
        %slice3A_249 = vector.extract_strided_slice %scan3A_247#0 {offsets = [0], sizes = [1], strides = [1]} : vector<16xi32> to vector<1xi32>
        %squeeze3A_250 = vector.extract %slice3A_249[0] : i32 from vector<1xi32>
        %slice3A_251 = vector.extract_strided_slice %scan3A_247#1 {offsets = [0], sizes = [1], strides = [1]} : vector<16xi32> to vector<1xi32>
        %squeeze3A_252 = vector.extract %slice3A_251[0] : i32 from vector<1xi32>
        %add3A_253 = arith.addi %squeeze3A_250, %squeeze3A_252 : i32
        %ge3A_254 = arith.cmpi sge, %scan3A_64#0, %cond3A_87 : i32
        %jit3A_255 = arith.constant 1064849900 : i32
        %jit3A_256 = arith.constant 1008981770 : i32
        %select_n3A_257 = arith.select %ge3A_254, %jit3A_255, %jit3A_256 : i32
        %ge3A_258 = arith.cmpi sge, %scan3A_64#0, %cond3A_87 : i32
        %select_n3A_259 = arith.select %ge3A_258, %scan3A_64#0, %add3A_253 : i32
        %ge3A_260 = arith.cmpi sge, %scan3A_64#0, %cond3A_87 : i32
        %jit3A_261 = arith.constant 2139095040 : i32
        %jit3A_262 = arith.constant 1064849900 : i32
        %select_n3A_263 = arith.select %ge3A_260, %jit3A_261, %jit3A_262 : i32
        %while3A_264:3 = scf.while (%while3A_304 = %select_n3A_257, %while3A_305 = %select_n3A_263, %while3A_306 = %select_n3A_259) : (i32, i32, i32) -> (i32, i32, i32) {
          %gt3A = arith.constant 512 : i32
          %gt3A_307 = arith.cmpi sgt, %while3A_306, %gt3A : i32
          %sub3A_308 = arith.subi %while3A_305, %while3A_304 : i32
          %gt3A_309 = arith.constant 1 : i32
          %gt3A_310 = arith.cmpi sgt, %sub3A_308, %gt3A_309 : i32
          %and3A_311 = arith.andi %gt3A_307, %gt3A_310 : i1
          scf.condition(%and3A_311) %while3A_304, %while3A_305, %while3A_306 : i32, i32, i32
        } do {
        ^bb0(%while3A_304: i32, %while3A_305: i32, %while3A_306: i32):
          %sub3A_307 = arith.subi %while3A_305, %while3A_304 : i32
          %jit3A_308 = arith.constant 2 : i32
          %div3A_309 = arith.divsi %sub3A_307, %jit3A_308 : i32
          %sign3A_310 = arith.constant 0 : i32
          %sign3A_311 = arith.cmpi sgt, %sub3A_307, %sign3A_310 : i32
          %sign3A_312 = arith.extui %sign3A_311 : i1 to i32
          %sign3A_313 = arith.constant 0 : i32
          %sign3A_314 = arith.cmpi slt, %sub3A_307, %sign3A_313 : i32
          %sign3A_315 = arith.extui %sign3A_314 : i1 to i32
          %sign3A_316 = arith.subi %sign3A_312, %sign3A_315 : i32
          %sign3A_317 = arith.constant 0 : i32
          %sign3A_318 = arith.cmpi sgt, %jit3A_308, %sign3A_317 : i32
          %sign3A_319 = arith.extui %sign3A_318 : i1 to i32
          %sign3A_320 = arith.constant 0 : i32
          %sign3A_321 = arith.cmpi slt, %jit3A_308, %sign3A_320 : i32
          %sign3A_322 = arith.extui %sign3A_321 : i1 to i32
          %sign3A_323 = arith.subi %sign3A_319, %sign3A_322 : i32
          %ne3A_324 = arith.cmpi ne, %sign3A_316, %sign3A_323 : i32
          %rem3A_325 = arith.remsi %sub3A_307, %jit3A_308 : i32
          %ne3A_326 = arith.constant 0 : i32
          %ne3A_327 = arith.cmpi ne, %rem3A_325, %ne3A_326 : i32
          %and3A_328 = arith.andi %ne3A_324, %ne3A_327 : i1
          %sub3A_329 = arith.constant 1 : i32
          %sub3A_330 = arith.subi %div3A_309, %sub3A_329 : i32
          %select_n3A_331 = arith.select %and3A_328, %sub3A_330, %div3A_309 : i32
          %add3A_332 = arith.addi %while3A_304, %select_n3A_331 : i32
          %broadcast_in_dim3A_333 = vector.broadcast %add3A_332 : i32 to vector<16xi32>
          %bitcast_convert_type3A_334 = tpu.bitcast %broadcast_in_dim3A_333 : vector<16xi32> -> vector<16xf32>
          %broadcast_in_dim3A_335 = arith.constant 0 : i32
          %broadcast_in_dim3A_336 = vector.broadcast %broadcast_in_dim3A_335 : i32 to vector<16xi32>
          %scan3A_337 = arith.constant 0 : i32
          %scan3A_338 = arith.constant 625 : i32
          %scan3A_339 = arith.addi %scan3A_337, %scan3A_338 : i32
          %scan3A_340 = arith.constant 1 : i32
          %scan3A_341:2 = scf.for %scan3A_354 = %scan3A_337 to %scan3A_339 step %scan3A_340 iter_args(%scan3A_355 = %broadcast_in_dim3A_336, %scan3A_356 = %broadcast_in_dim3A_336) -> (vector<16xi32>, vector<16xi32>)  : i32 {
            %mul3A_357 = arith.constant 2 : i32
            %mul3A_358 = arith.muli %mul3A_357, %scan3A_354 : i32
            %mul3A_359 = arith.constant 16 : i32
            %mul3A_360 = arith.muli %mul3A_358, %mul3A_359 : i32
            %get3A = arith.index_cast %mul3A_360 : i32 to index
            %get3A_361 = tpu.vector_load %arg12[%get3A] {strides = array<i32>} : memref<20000xf32, #tpu.memory_space<vmem>>, vector<16xf32>,
            %gt3A = arith.cmpf ogt, %get3A_361, %bitcast_convert_type3A_334 : vector<16xf32>
            %all_reduce_population_count3A = tpu.all_reduce %gt3A {dim = 0 : i64, kind = #tpu.reduction_kind<sum>} : vector<16xi1> -> vector<16xi32>
            %add3A_362 = arith.addi %scan3A_355, %all_reduce_population_count3A : vector<16xi32>
            %mul3A_363 = arith.constant 2 : i32
            %mul3A_364 = arith.muli %mul3A_363, %scan3A_354 : i32
            %add3A_365 = arith.constant 1 : i32
            %add3A_366 = arith.addi %mul3A_364, %add3A_365 : i32
            %mul3A_367 = arith.constant 16 : i32
            %mul3A_368 = arith.muli %add3A_366, %mul3A_367 : i32
            %get3A_369 = arith.index_cast %mul3A_368 : i32 to index
            %get3A_370 = tpu.vector_load %arg12[%get3A_369] {strides = array<i32>} : memref<20000xf32, #tpu.memory_space<vmem>>, vector<16xf32>,
            %gt3A_371 = arith.cmpf ogt, %get3A_370, %bitcast_convert_type3A_334 : vector<16xf32>
            %all_reduce_population_count3A_372 = tpu.all_reduce %gt3A_371 {dim = 0 : i64, kind = #tpu.reduction_kind<sum>} : vector<16xi1> -> vector<16xi32>
            %add3A_373 = arith.addi %scan3A_356, %all_reduce_population_count3A_372 : vector<16xi32>
            scf.yield %add3A_362, %add3A_373 : vector<16xi32>, vector<16xi32>
          }
          %scan3A_342 = arith.constant 625 : i32
          %slice3A_343 = vector.extract_strided_slice %scan3A_341#0 {offsets = [0], sizes = [1], strides = [1]} : vector<16xi32> to vector<1xi32>
          %squeeze3A_344 = vector.extract %slice3A_343[0] : i32 from vector<1xi32>
          %slice3A_345 = vector.extract_strided_slice %scan3A_341#1 {offsets = [0], sizes = [1], strides = [1]} : vector<16xi32> to vector<1xi32>
          %squeeze3A_346 = vector.extract %slice3A_345[0] : i32 from vector<1xi32>
          %add3A_347 = arith.addi %squeeze3A_344, %squeeze3A_346 : i32
          %ge3A_348 = arith.cmpi sge, %add3A_347, %cond3A_87 : i32
          %select_n3A_349 = arith.select %ge3A_348, %add3A_332, %while3A_304 : i32
          %ge3A_350 = arith.cmpi sge, %add3A_347, %cond3A_87 : i32
          %select_n3A_351 = arith.select %ge3A_350, %add3A_347, %while3A_306 : i32
          %ge3A_352 = arith.cmpi sge, %add3A_347, %cond3A_87 : i32
          %select_n3A_353 = arith.select %ge3A_352, %while3A_305, %add3A_332 : i32
          scf.yield %select_n3A_349, %select_n3A_353, %select_n3A_351 : i32, i32, i32
        }
        %broadcast_in_dim3A_265 = vector.broadcast %while3A_264#0 : i32 to vector<16xi32>
        %bitcast_convert_type3A_266 = tpu.bitcast %broadcast_in_dim3A_265 : vector<16xi32> -> vector<16xf32>
        %scan3A_267 = arith.constant 0 : i32
        %scan3A_268 = arith.constant 0 : i32
        %scan3A_269 = arith.constant 625 : i32
        %scan3A_270 = arith.addi %scan3A_268, %scan3A_269 : i32
        %scan3A_271 = arith.constant 1 : i32
        %scan3A_272 = scf.for %scan3A_304 = %scan3A_268 to %scan3A_270 step %scan3A_271 iter_args(%scan3A_305 = %scan3A_267) -> (i32)  : i32 {
          %mul3A_306 = arith.constant 2 : i32
          %mul3A_307 = arith.muli %mul3A_306, %scan3A_304 : i32
          %add3A_308 = arith.constant 1 : i32
          %add3A_309 = arith.addi %mul3A_307, %add3A_308 : i32
          %mul3A_310 = arith.constant 2 : i32
          %mul3A_311 = arith.muli %mul3A_310, %scan3A_304 : i32
          %mul3A_312 = arith.constant 16 : i32
          %mul3A_313 = arith.muli %mul3A_311, %mul3A_312 : i32
          %get3A = arith.index_cast %mul3A_313 : i32 to index
          %get3A_314 = tpu.vector_load %arg12[%get3A] {strides = array<i32>} : memref<20000xf32, #tpu.memory_space<vmem>>, vector<16xf32>,
          %gt3A = arith.cmpf ogt, %get3A_314, %bitcast_convert_type3A_266 : vector<16xf32>
          %lt3A_315 = arith.constant 512 : i32
          %lt3A_316 = arith.cmpi slt, %scan3A_305, %lt3A_315 : i32
          %convert_element_type3A_317 = arith.extui %lt3A_316 : i1 to i32
          %cond3A_318 = arith.constant 0 : i32
          %cond3A_319 = arith.cmpi ne, %convert_element_type3A_317, %cond3A_318 : i32
          scf.if %cond3A_319 {
            %swap3A = arith.index_cast %scan3A_305 : i32 to index
            %swap3A_337 = tpu.vector_load %arg25[%swap3A] masked %gt3A {strides = array<i32>} : memref<1040xf32, #tpu.memory_space<vmem>>, vector<16xf32>, vector<16xi1>
            tpu.vector_store %arg25[%swap3A], %get3A_314 masked %gt3A {strides = array<i32>} : memref<1040xf32, #tpu.memory_space<vmem>>, vector<16xf32>, vector<16xi1>
            %mul3A_338 = arith.constant 16 : i32
            %mul3A_339 = arith.muli %mul3A_311, %mul3A_338 : i32
            %add3A_340 = vector.broadcast %mul3A_339 : i32 to vector<16xi32>
            %add3A_341 = arith.addi %iota3A, %add3A_340 : vector<16xi32>
            %swap3A_342 = arith.index_cast %scan3A_305 : i32 to index
            %swap3A_343 = tpu.vector_load %arg26[%swap3A_342] masked %gt3A {strides = array<i32>} : memref<1040xi32, #tpu.memory_space<vmem>>, vector<16xi32>, vector<16xi1>
            tpu.vector_store %arg26[%swap3A_342], %add3A_341 masked %gt3A {strides = array<i32>} : memref<1040xi32, #tpu.memory_space<vmem>>, vector<16xi32>, vector<16xi1>
          } else {
          }
          %all_reduce_population_count3A = tpu.all_reduce %gt3A {dim = 0 : i64, kind = #tpu.reduction_kind<sum>} : vector<16xi1> -> vector<16xi32>
          %slice3A_320 = vector.extract_strided_slice %all_reduce_population_count3A {offsets = [0], sizes = [1], strides = [1]} : vector<16xi32> to vector<1xi32>
          %squeeze3A_321 = vector.extract %slice3A_320[0] : i32 from vector<1xi32>
          %add3A_322 = arith.addi %scan3A_305, %squeeze3A_321 : i32
          %mul3A_323 = arith.constant 16 : i32
          %mul3A_324 = arith.muli %add3A_309, %mul3A_323 : i32
          %get3A_325 = arith.index_cast %mul3A_324 : i32 to index
          %get3A_326 = tpu.vector_load %arg12[%get3A_325] {strides = array<i32>} : memref<20000xf32, #tpu.memory_space<vmem>>, vector<16xf32>,
          %gt3A_327 = arith.cmpf ogt, %get3A_326, %bitcast_convert_type3A_266 : vector<16xf32>
          %lt3A_328 = arith.constant 512 : i32
          %lt3A_329 = arith.cmpi slt, %add3A_322, %lt3A_328 : i32
          %convert_element_type3A_330 = arith.extui %lt3A_329 : i1 to i32
          %cond3A_331 = arith.constant 0 : i32
          %cond3A_332 = arith.cmpi ne, %convert_element_type3A_330, %cond3A_331 : i32
          scf.if %cond3A_332 {
            %swap3A = arith.index_cast %add3A_322 : i32 to index
            %swap3A_337 = tpu.vector_load %arg25[%swap3A] masked %gt3A_327 {strides = array<i32>} : memref<1040xf32, #tpu.memory_space<vmem>>, vector<16xf32>, vector<16xi1>
            tpu.vector_store %arg25[%swap3A], %get3A_326 masked %gt3A_327 {strides = array<i32>} : memref<1040xf32, #tpu.memory_space<vmem>>, vector<16xf32>, vector<16xi1>
            %mul3A_338 = arith.constant 16 : i32
            %mul3A_339 = arith.muli %add3A_309, %mul3A_338 : i32
            %add3A_340 = vector.broadcast %mul3A_339 : i32 to vector<16xi32>
            %add3A_341 = arith.addi %iota3A, %add3A_340 : vector<16xi32>
            %swap3A_342 = arith.index_cast %add3A_322 : i32 to index
            %swap3A_343 = tpu.vector_load %arg26[%swap3A_342] masked %gt3A_327 {strides = array<i32>} : memref<1040xi32, #tpu.memory_space<vmem>>, vector<16xi32>, vector<16xi1>
            tpu.vector_store %arg26[%swap3A_342], %add3A_341 masked %gt3A_327 {strides = array<i32>} : memref<1040xi32, #tpu.memory_space<vmem>>, vector<16xi32>, vector<16xi1>
          } else {
          }
          %all_reduce_population_count3A_333 = tpu.all_reduce %gt3A_327 {dim = 0 : i64, kind = #tpu.reduction_kind<sum>} : vector<16xi1> -> vector<16xi32>
          %slice3A_334 = vector.extract_strided_slice %all_reduce_population_count3A_333 {offsets = [0], sizes = [1], strides = [1]} : vector<16xi32> to vector<1xi32>
          %squeeze3A_335 = vector.extract %slice3A_334[0] : i32 from vector<1xi32>
          %add3A_336 = arith.addi %add3A_322, %squeeze3A_335 : i32
          scf.yield %add3A_336 : i32
        }
        %scan3A_273 = arith.constant 625 : i32
        %broadcast_in_dim3A_274 = arith.constant 2139095039 : i32
        %broadcast_in_dim3A_275 = vector.broadcast %broadcast_in_dim3A_274 : i32 to vector<16xi32>
        %broadcast_in_dim3A_276 = arith.constant 0 : i32
        %broadcast_in_dim3A_277 = vector.broadcast %broadcast_in_dim3A_276 : i32 to vector<16xi32>
        %scan3A_278 = arith.constant 0 : i32
        %scan3A_279 = arith.constant 32 : i32
        %scan3A_280 = arith.addi %scan3A_278, %scan3A_279 : i32
        %scan3A_281 = arith.constant 1 : i32
        %scan3A_282:2 = scf.for %scan3A_304 = %scan3A_278 to %scan3A_280 step %scan3A_281 iter_args(%scan3A_305 = %broadcast_in_dim3A_275, %scan3A_306 = %broadcast_in_dim3A_277) -> (vector<16xi32>, vector<16xi32>)  : i32 {
          %mul3A_307 = arith.constant 16 : i32
          %mul3A_308 = arith.muli %scan3A_304, %mul3A_307 : i32
          %get3A = arith.index_cast %mul3A_308 : i32 to index
          %get3A_309 = tpu.vector_load %arg25[%get3A] {strides = array<i32>} : memref<1040xf32, #tpu.memory_space<vmem>>, vector<16xf32>,
          %mul3A_310 = arith.constant 16 : i32
          %mul3A_311 = arith.muli %scan3A_304, %mul3A_310 : i32
          %add3A_312 = vector.broadcast %mul3A_311 : i32 to vector<16xi32>
          %add3A_313 = arith.addi %iota3A, %add3A_312 : vector<16xi32>
          %min3A_314 = arith.constant 512 : i32
          %min3A_315 = arith.minsi %scan3A_272, %min3A_314 : i32
          %lt3A_316 = vector.broadcast %min3A_315 : i32 to vector<16xi32>
          %lt3A_317 = arith.cmpi slt, %add3A_313, %lt3A_316 : vector<16xi32>
          %bitcast_convert_type3A_318 = tpu.bitcast %get3A_309 : vector<16xf32> -> vector<16xi32>
          %jit3A_319 = arith.constant 2139095039 : i32
          %broadcast_in_dim3A_320 = vector.broadcast %jit3A_319 : i32 to vector<16xi32>
          %select_n3A_321 = arith.select %lt3A_317, %bitcast_convert_type3A_318, %broadcast_in_dim3A_320 : vector<16xi1>, vector<16xi32>
          %min3A_322 = arith.minsi %scan3A_305, %select_n3A_321 : vector<16xi32>
          %jit3A_323 = arith.constant 0 : i32
          %broadcast_in_dim3A_324 = vector.broadcast %jit3A_323 : i32 to vector<16xi32>
          %select_n3A_325 = arith.select %lt3A_317, %bitcast_convert_type3A_318, %broadcast_in_dim3A_324 : vector<16xi1>, vector<16xi32>
          %max3A = arith.maxsi %scan3A_306, %select_n3A_325 : vector<16xi32>
          scf.yield %min3A_322, %max3A : vector<16xi32>, vector<16xi32>
        }
        %scan3A_283 = arith.constant 32 : i32
        %masked_sort3A_284 = arith.constant dense<true> : vector<16xi1>
        %masked_sort3A_285 = arith.constant -2147483648 : i32
        %masked_sort3A_286 = vector.broadcast %masked_sort3A_285 : i32 to vector<16xi32>
        %masked_sort3A_287 = arith.xori %scan3A_282#0, %masked_sort3A_286 : vector<16xi32>
        %masked_sort3A_288, %masked_sort3A_289, %masked_sort3A_290 = tpu.sort %masked_sort3A_287, %scan3A_282#0 masked %masked_sort3A_284 : (vector<16xi32>, vector<16xi32>, vector<16xi1>) -> (vector<16xi1>, vector<16xi32>, vector<16xi32>)
        %masked_sort3A_291 = arith.xori %masked_sort3A_289, %masked_sort3A_286 : vector<16xi32>
        %masked_sort3A_292 = arith.constant dense<true> : vector<16xi1>
        %masked_sort3A_293 = arith.constant -2147483648 : i32
        %masked_sort3A_294 = vector.broadcast %masked_sort3A_293 : i32 to vector<16xi32>
        %masked_sort3A_295 = arith.xori %scan3A_282#1, %masked_sort3A_294 : vector<16xi32>
        %masked_sort3A_296, %masked_sort3A_297, %masked_sort3A_298 = tpu.sort %masked_sort3A_295, %scan3A_282#1 masked %masked_sort3A_292 {descending = true} : (vector<16xi32>, vector<16xi32>, vector<16xi1>) -> (vector<16xi1>, vector<16xi32>, vector<16xi32>)
        %masked_sort3A_299 = arith.xori %masked_sort3A_297, %masked_sort3A_294 : vector<16xi32>
        %slice3A_300 = vector.extract_strided_slice %masked_sort3A_291 {offsets = [0], sizes = [1], strides = [1]} : vector<16xi32> to vector<1xi32>
        %squeeze3A_301 = vector.extract %slice3A_300[0] : i32 from vector<1xi32>
        %slice3A_302 = vector.extract_strided_slice %masked_sort3A_299 {offsets = [0], sizes = [1], strides = [1]} : vector<16xi32> to vector<1xi32>
        %squeeze3A_303 = vector.extract %slice3A_302[0] : i32 from vector<1xi32>
        scf.yield %scan3A_272, %squeeze3A_301, %squeeze3A_303 : i32, i32, i32
      }
      %min3A = arith.constant 512 : i32
      %min3A_91 = arith.minsi %cond3A_90#0, %min3A : i32
      %sub3A_92 = arith.subi %cond3A_90#2, %cond3A_90#1 : i32
      %while3A = arith.constant 0 : i32
      %while3A_93 = scf.while (%while3A_238 = %while3A) : (i32) -> i32 {
        %shift_right_arithmetic3A = arith.shrsi %sub3A_92, %while3A_238 : i32
        %ge3A_239 = arith.constant 4194304 : i32
        %ge3A_240 = arith.cmpi sge, %shift_right_arithmetic3A, %ge3A_239 : i32
        scf.condition(%ge3A_240) %while3A_238 : i32
      } do {
      ^bb0(%while3A_238: i32):
        %add3A_239 = arith.constant 1 : i32
        %add3A_240 = arith.addi %while3A_238, %add3A_239 : i32
        scf.yield %add3A_240 : i32
      }
      %broadcast_in_dim3A_94 = arith.constant 0 : i32
      %broadcast_in_dim3A_95 = vector.broadcast %broadcast_in_dim3A_94 : i32 to vector<16xi32>
      %add3A_96 = vector.broadcast %while3A_93 : i32 to vector<16xi32>
      %add3A_97 = arith.addi %broadcast_in_dim3A_95, %add3A_96 : vector<16xi32>
      %scan3A_98 = arith.constant 0 : i32
      %scan3A_99 = arith.constant 0 : i32
      %scan3A_100 = arith.constant 32 : i32
      %scan3A_101 = arith.addi %scan3A_99, %scan3A_100 : i32
      %scan3A_102 = arith.constant 1 : i32
      %scan3A_103 = scf.for %scan3A_238 = %scan3A_99 to %scan3A_101 step %scan3A_102 iter_args(%scan3A_239 = %scan3A_98) -> (i32)  : i32 {
        %mul3A_240 = arith.constant 16 : i32
        %mul3A_241 = arith.muli %scan3A_238, %mul3A_240 : i32
        %add3A_242 = vector.broadcast %mul3A_241 : i32 to vector<16xi32>
        %add3A_243 = arith.addi %iota3A, %add3A_242 : vector<16xi32>
        %lt3A_244 = vector.broadcast %min3A_91 : i32 to vector<16xi32>
        %lt3A_245 = arith.cmpi slt, %add3A_243, %lt3A_244 : vector<16xi32>
        %get3A = arith.index_cast %mul3A_241 : i32 to index
        %get3A_246 = tpu.vector_load %arg25[%get3A] {strides = array<i32>} : memref<1040xf32, #tpu.memory_space<vmem>>, vector<16xf32>,
        %bitcast_convert_type3A_247 = tpu.bitcast %get3A_246 : vector<16xf32> -> vector<16xi32>
        %sub3A_248 = vector.broadcast %cond3A_90#1 : i32 to vector<16xi32>
        %sub3A_249 = arith.subi %bitcast_convert_type3A_247, %sub3A_248 : vector<16xi32>
        %shift_right_arithmetic3A = arith.shrsi %sub3A_249, %add3A_97 : vector<16xi32>
        %broadcast_in_dim3A_250 = arith.constant 9 : i32
        %broadcast_in_dim3A_251 = vector.broadcast %broadcast_in_dim3A_250 : i32 to vector<16xi32>
        %shift_left3A = arith.shli %shift_right_arithmetic3A, %broadcast_in_dim3A_251 : vector<16xi32>
        %sub3A_252 = arith.constant 511 : i32
        %sub3A_253 = vector.broadcast %sub3A_252 : i32 to vector<16xi32>
        %sub3A_254 = arith.subi %sub3A_253, %add3A_243 : vector<16xi32>
        %or3A = arith.ori %shift_left3A, %sub3A_254 : vector<16xi32>
        %add3A_255 = arith.constant 1 : i32
        %add3A_256 = vector.broadcast %add3A_255 : i32 to vector<16xi32>
        %add3A_257 = arith.addi %or3A, %add3A_256 : vector<16xi32>
        %jit3A_258 = arith.constant 0 : i32
        %broadcast_in_dim3A_259 = vector.broadcast %jit3A_258 : i32 to vector<16xi32>
        %select_n3A_260 = arith.select %lt3A_245, %add3A_257, %broadcast_in_dim3A_259 : vector<16xi1>, vector<16xi32>
        %masked_sort3A_261 = arith.constant dense<true> : vector<16xi1>
        %masked_sort3A_262 = arith.constant -2147483648 : i32
        %masked_sort3A_263 = vector.broadcast %masked_sort3A_262 : i32 to vector<16xi32>
        %masked_sort3A_264 = arith.xori %select_n3A_260, %masked_sort3A_263 : vector<16xi32>
        %masked_sort3A_265, %masked_sort3A_266, %masked_sort3A_267 = tpu.sort %masked_sort3A_264, %select_n3A_260 masked %masked_sort3A_261 {descending = true} : (vector<16xi32>, vector<16xi32>, vector<16xi1>) -> (vector<16xi1>, vector<16xi32>, vector<16xi32>)
        %masked_sort3A_268 = arith.xori %masked_sort3A_266, %masked_sort3A_263 : vector<16xi32>
        %swap3A = arith.index_cast %mul3A_241 : i32 to index
        %swap3A_269 = tpu.vector_load %arg27[%swap3A] {strides = array<i32>} : memref<512xi32, #tpu.memory_space<vmem>>, vector<16xi32>,
        tpu.vector_store %arg27[%swap3A], %masked_sort3A_268 {strides = array<i32>} : memref<512xi32, #tpu.memory_space<vmem>>, vector<16xi32>,
        %scan3A_270 = arith.constant 0 : i32
        scf.yield %scan3A_270 : i32
      }
      %scan3A_104 = arith.constant 32 : i32
      %scan3A_105 = arith.constant 0 : i32
      %scan3A_106 = arith.constant 0 : i32
      %scan3A_107 = arith.constant 16 : i32
      %scan3A_108 = arith.addi %scan3A_106, %scan3A_107 : i32
      %scan3A_109 = arith.constant 1 : i32
      %scan3A_110 = scf.for %scan3A_238 = %scan3A_106 to %scan3A_108 step %scan3A_109 iter_args(%scan3A_239 = %scan3A_105) -> (i32)  : i32 {
        %shift_right_arithmetic3A = arith.constant 0 : i32
        %shift_right_arithmetic3A_240 = arith.shrsi %scan3A_238, %shift_right_arithmetic3A : i32
        %shift_left3A = arith.constant 1 : i32
        %shift_left3A_241 = arith.shli %shift_right_arithmetic3A_240, %shift_left3A : i32
        %and3A_242 = arith.constant 0 : i32
        %and3A_243 = arith.andi %scan3A_238, %and3A_242 : i32
        %or3A = arith.ori %shift_left3A_241, %and3A_243 : i32
        %add3A_244 = arith.constant 1 : i32
        %add3A_245 = arith.addi %or3A, %add3A_244 : i32
        %mul3A_246 = arith.constant 16 : i32
        %mul3A_247 = arith.muli %or3A, %mul3A_246 : i32
        %get3A = arith.index_cast %mul3A_247 : i32 to index
        %get3A_248 = tpu.vector_load %arg27[%get3A] {strides = array<i32>} : memref<512xi32, #tpu.memory_space<vmem>>, vector<16xi32>,
        %mul3A_249 = arith.constant 16 : i32
        %mul3A_250 = arith.muli %add3A_245, %mul3A_249 : i32
        %get3A_251 = arith.index_cast %mul3A_250 : i32 to index
        %get3A_252 = tpu.vector_load %arg27[%get3A_251] {strides = array<i32>} : memref<512xi32, #tpu.memory_space<vmem>>, vector<16xi32>,
        %rev3A = arith.constant 15 : i32
        %rev3A_253 = vector.broadcast %rev3A : i32 to vector<16xi32>
        %rev3A_254 = tpu.iota {dimensions = array<i32: 0>} : vector<16xi32>
        %rev3A_255 = arith.subi %rev3A_253, %rev3A_254 : vector<16xi32>
        %rev3A_256 = tpu.dynamic_gather %get3A_252[%rev3A_255] in [0] : vector<16xi32>, vector<16xi32> -> vector<16xi32>
        %max3A = arith.maxsi %get3A_248, %rev3A_256 : vector<16xi32>
        %min3A_257 = arith.minsi %get3A_248, %rev3A_256 : vector<16xi32>
        %masked_sort3A_258 = arith.constant dense<true> : vector<16xi1>
        %masked_sort3A_259 = arith.constant -2147483648 : i32
        %masked_sort3A_260 = vector.broadcast %masked_sort3A_259 : i32 to vector<16xi32>
        %masked_sort3A_261 = arith.xori %max3A, %masked_sort3A_260 : vector<16xi32>
        %masked_sort3A_262, %masked_sort3A_263, %masked_sort3A_264 = tpu.sort %masked_sort3A_261, %max3A masked %masked_sort3A_258 {descending = true} : (vector<16xi32>, vector<16xi32>, vector<16xi1>) -> (vector<16xi1>, vector<16xi32>, vector<16xi32>)
        %masked_sort3A_265 = arith.xori %masked_sort3A_263, %masked_sort3A_260 : vector<16xi32>
        %masked_sort3A_266 = arith.constant dense<true> : vector<16xi1>
        %masked_sort3A_267 = arith.constant -2147483648 : i32
        %masked_sort3A_268 = vector.broadcast %masked_sort3A_267 : i32 to vector<16xi32>
        %masked_sort3A_269 = arith.xori %min3A_257, %masked_sort3A_268 : vector<16xi32>
        %masked_sort3A_270, %masked_sort3A_271, %masked_sort3A_272 = tpu.sort %masked_sort3A_269, %min3A_257 masked %masked_sort3A_266 {descending = true} : (vector<16xi32>, vector<16xi32>, vector<16xi1>) -> (vector<16xi1>, vector<16xi32>, vector<16xi32>)
        %masked_sort3A_273 = arith.xori %masked_sort3A_271, %masked_sort3A_268 : vector<16xi32>
        %and3A_274 = arith.constant 2 : i32
        %and3A_275 = arith.andi %or3A, %and3A_274 : i32
        %eq3A_276 = arith.constant 0 : i32
        %eq3A_277 = arith.cmpi eq, %and3A_275, %eq3A_276 : i32
        %select_n3A_278 = arith.select %eq3A_277, %masked_sort3A_265, %masked_sort3A_273 : vector<16xi32>
        %mul3A_279 = arith.constant 16 : i32
        %mul3A_280 = arith.muli %or3A, %mul3A_279 : i32
        %swap3A = arith.index_cast %mul3A_280 : i32 to index
        %swap3A_281 = tpu.vector_load %arg27[%swap3A] {strides = array<i32>} : memref<512xi32, #tpu.memory_space<vmem>>, vector<16xi32>,
        tpu.vector_store %arg27[%swap3A], %select_n3A_278 {strides = array<i32>} : memref<512xi32, #tpu.memory_space<vmem>>, vector<16xi32>,
        %select_n3A_282 = arith.select %eq3A_277, %masked_sort3A_273, %masked_sort3A_265 : vector<16xi32>
        %mul3A_283 = arith.constant 16 : i32
        %mul3A_284 = arith.muli %add3A_245, %mul3A_283 : i32
        %swap3A_285 = arith.index_cast %mul3A_284 : i32 to index
        %swap3A_286 = tpu.vector_load %arg27[%swap3A_285] {strides = array<i32>} : memref<512xi32, #tpu.memory_space<vmem>>, vector<16xi32>,
        tpu.vector_store %arg27[%swap3A_285], %select_n3A_282 {strides = array<i32>} : memref<512xi32, #tpu.memory_space<vmem>>, vector<16xi32>,
        %scan3A_287 = arith.constant 0 : i32
        scf.yield %scan3A_287 : i32
      }
      %scan3A_111 = arith.constant 16 : i32
      %scan3A_112 = arith.constant 0 : i32
      %scan3A_113 = arith.constant 0 : i32
      %scan3A_114 = arith.constant 16 : i32
      %scan3A_115 = arith.addi %scan3A_113, %scan3A_114 : i32
      %scan3A_116 = arith.constant 1 : i32
      %scan3A_117 = scf.for %scan3A_238 = %scan3A_113 to %scan3A_115 step %scan3A_116 iter_args(%scan3A_239 = %scan3A_112) -> (i32)  : i32 {
        %shift_right_arithmetic3A = arith.constant 1 : i32
        %shift_right_arithmetic3A_240 = arith.shrsi %scan3A_238, %shift_right_arithmetic3A : i32
        %shift_left3A = arith.constant 2 : i32
        %shift_left3A_241 = arith.shli %shift_right_arithmetic3A_240, %shift_left3A : i32
        %and3A_242 = arith.constant 1 : i32
        %and3A_243 = arith.andi %scan3A_238, %and3A_242 : i32
        %or3A = arith.ori %shift_left3A_241, %and3A_243 : i32
        %add3A_244 = arith.constant 2 : i32
        %add3A_245 = arith.addi %or3A, %add3A_244 : i32
        %mul3A_246 = arith.constant 16 : i32
        %mul3A_247 = arith.muli %or3A, %mul3A_246 : i32
        %get3A = arith.index_cast %mul3A_247 : i32 to index
        %get3A_248 = tpu.vector_load %arg27[%get3A] {strides = array<i32>} : memref<512xi32, #tpu.memory_space<vmem>>, vector<16xi32>,
        %mul3A_249 = arith.constant 16 : i32
        %mul3A_250 = arith.muli %add3A_245, %mul3A_249 : i32
        %get3A_251 = arith.index_cast %mul3A_250 : i32 to index
        %get3A_252 = tpu.vector_load %arg27[%get3A_251] {strides = array<i32>} : memref<512xi32, #tpu.memory_space<vmem>>, vector<16xi32>,
        %rev3A = arith.constant 15 : i32
        %rev3A_253 = vector.broadcast %rev3A : i32 to vector<16xi32>
        %rev3A_254 = tpu.iota {dimensions = array<i32: 0>} : vector<16xi32>
        %rev3A_255 = arith.subi %rev3A_253, %rev3A_254 : vector<16xi32>
        %rev3A_256 = tpu.dynamic_gather %get3A_252[%rev3A_255] in [0] : vector<16xi32>, vector<16xi32> -> vector<16xi32>
        %max3A = arith.maxsi %get3A_248, %rev3A_256 : vector<16xi32>
        %min3A_257 = arith.minsi %get3A_248, %rev3A_256 : vector<16xi32>
        %masked_sort3A_258 = arith.constant dense<true> : vector<16xi1>
        %masked_sort3A_259 = arith.constant -2147483648 : i32
        %masked_sort3A_260 = vector.broadcast %masked_sort3A_259 : i32 to vector<16xi32>
        %masked_sort3A_261 = arith.xori %max3A, %masked_sort3A_260 : vector<16xi32>
        %masked_sort3A_262, %masked_sort3A_263, %masked_sort3A_264 = tpu.sort %masked_sort3A_261, %max3A masked %masked_sort3A_258 {descending = true} : (vector<16xi32>, vector<16xi32>, vector<16xi1>) -> (vector<16xi1>, vector<16xi32>, vector<16xi32>)
        %masked_sort3A_265 = arith.xori %masked_sort3A_263, %masked_sort3A_260 : vector<16xi32>
        %masked_sort3A_266 = arith.constant dense<true> : vector<16xi1>
        %masked_sort3A_267 = arith.constant -2147483648 : i32
        %masked_sort3A_268 = vector.broadcast %masked_sort3A_267 : i32 to vector<16xi32>
        %masked_sort3A_269 = arith.xori %min3A_257, %masked_sort3A_268 : vector<16xi32>
        %masked_sort3A_270, %masked_sort3A_271, %masked_sort3A_272 = tpu.sort %masked_sort3A_269, %min3A_257 masked %masked_sort3A_266 {descending = true} : (vector<16xi32>, vector<16xi32>, vector<16xi1>) -> (vector<16xi1>, vector<16xi32>, vector<16xi32>)
        %masked_sort3A_273 = arith.xori %masked_sort3A_271, %masked_sort3A_268 : vector<16xi32>
        %and3A_274 = arith.constant 4 : i32
        %and3A_275 = arith.andi %or3A, %and3A_274 : i32
        %eq3A_276 = arith.constant 0 : i32
        %eq3A_277 = arith.cmpi eq, %and3A_275, %eq3A_276 : i32
        %select_n3A_278 = arith.select %eq3A_277, %masked_sort3A_265, %masked_sort3A_273 : vector<16xi32>
        %mul3A_279 = arith.constant 16 : i32
        %mul3A_280 = arith.muli %or3A, %mul3A_279 : i32
        %swap3A = arith.index_cast %mul3A_280 : i32 to index
        %swap3A_281 = tpu.vector_load %arg27[%swap3A] {strides = array<i32>} : memref<512xi32, #tpu.memory_space<vmem>>, vector<16xi32>,
        tpu.vector_store %arg27[%swap3A], %select_n3A_278 {strides = array<i32>} : memref<512xi32, #tpu.memory_space<vmem>>, vector<16xi32>,
        %select_n3A_282 = arith.select %eq3A_277, %masked_sort3A_273, %masked_sort3A_265 : vector<16xi32>
        %mul3A_283 = arith.constant 16 : i32
        %mul3A_284 = arith.muli %add3A_245, %mul3A_283 : i32
        %swap3A_285 = arith.index_cast %mul3A_284 : i32 to index
        %swap3A_286 = tpu.vector_load %arg27[%swap3A_285] {strides = array<i32>} : memref<512xi32, #tpu.memory_space<vmem>>, vector<16xi32>,
        tpu.vector_store %arg27[%swap3A_285], %select_n3A_282 {strides = array<i32>} : memref<512xi32, #tpu.memory_space<vmem>>, vector<16xi32>,
        %scan3A_287 = arith.constant 0 : i32
        scf.yield %scan3A_287 : i32
      }
      %scan3A_118 = arith.constant 16 : i32
      %scan3A_119 = arith.constant 0 : i32
      %scan3A_120 = arith.constant 0 : i32
      %scan3A_121 = arith.constant 16 : i32
      %scan3A_122 = arith.addi %scan3A_120, %scan3A_121 : i32
      %scan3A_123 = arith.constant 1 : i32
      %scan3A_124 = scf.for %scan3A_238 = %scan3A_120 to %scan3A_122 step %scan3A_123 iter_args(%scan3A_239 = %scan3A_119) -> (i32)  : i32 {
        %shift_right_arithmetic3A = arith.constant 0 : i32
        %shift_right_arithmetic3A_240 = arith.shrsi %scan3A_238, %shift_right_arithmetic3A : i32
        %shift_left3A = arith.constant 1 : i32
        %shift_left3A_241 = arith.shli %shift_right_arithmetic3A_240, %shift_left3A : i32
        %and3A_242 = arith.constant 0 : i32
        %and3A_243 = arith.andi %scan3A_238, %and3A_242 : i32
        %or3A = arith.ori %shift_left3A_241, %and3A_243 : i32
        %add3A_244 = arith.constant 1 : i32
        %add3A_245 = arith.addi %or3A, %add3A_244 : i32
        %mul3A_246 = arith.constant 16 : i32
        %mul3A_247 = arith.muli %or3A, %mul3A_246 : i32
        %get3A = arith.index_cast %mul3A_247 : i32 to index
        %get3A_248 = tpu.vector_load %arg27[%get3A] {strides = array<i32>} : memref<512xi32, #tpu.memory_space<vmem>>, vector<16xi32>,
        %mul3A_249 = arith.constant 16 : i32
        %mul3A_250 = arith.muli %add3A_245, %mul3A_249 : i32
        %get3A_251 = arith.index_cast %mul3A_250 : i32 to index
        %get3A_252 = tpu.vector_load %arg27[%get3A_251] {strides = array<i32>} : memref<512xi32, #tpu.memory_space<vmem>>, vector<16xi32>,
        %rev3A = arith.constant 15 : i32
        %rev3A_253 = vector.broadcast %rev3A : i32 to vector<16xi32>
        %rev3A_254 = tpu.iota {dimensions = array<i32: 0>} : vector<16xi32>
        %rev3A_255 = arith.subi %rev3A_253, %rev3A_254 : vector<16xi32>
        %rev3A_256 = tpu.dynamic_gather %get3A_252[%rev3A_255] in [0] : vector<16xi32>, vector<16xi32> -> vector<16xi32>
        %max3A = arith.maxsi %get3A_248, %rev3A_256 : vector<16xi32>
        %min3A_257 = arith.minsi %get3A_248, %rev3A_256 : vector<16xi32>
        %masked_sort3A_258 = arith.constant dense<true> : vector<16xi1>
        %masked_sort3A_259 = arith.constant -2147483648 : i32
        %masked_sort3A_260 = vector.broadcast %masked_sort3A_259 : i32 to vector<16xi32>
        %masked_sort3A_261 = arith.xori %max3A, %masked_sort3A_260 : vector<16xi32>
        %masked_sort3A_262, %masked_sort3A_263, %masked_sort3A_264 = tpu.sort %masked_sort3A_261, %max3A masked %masked_sort3A_258 {descending = true} : (vector<16xi32>, vector<16xi32>, vector<16xi1>) -> (vector<16xi1>, vector<16xi32>, vector<16xi32>)
        %masked_sort3A_265 = arith.xori %masked_sort3A_263, %masked_sort3A_260 : vector<16xi32>
        %masked_sort3A_266 = arith.constant dense<true> : vector<16xi1>
        %masked_sort3A_267 = arith.constant -2147483648 : i32
        %masked_sort3A_268 = vector.broadcast %masked_sort3A_267 : i32 to vector<16xi32>
        %masked_sort3A_269 = arith.xori %min3A_257, %masked_sort3A_268 : vector<16xi32>
        %masked_sort3A_270, %masked_sort3A_271, %masked_sort3A_272 = tpu.sort %masked_sort3A_269, %min3A_257 masked %masked_sort3A_266 {descending = true} : (vector<16xi32>, vector<16xi32>, vector<16xi1>) -> (vector<16xi1>, vector<16xi32>, vector<16xi32>)
        %masked_sort3A_273 = arith.xori %masked_sort3A_271, %masked_sort3A_268 : vector<16xi32>
        %and3A_274 = arith.constant 4 : i32
        %and3A_275 = arith.andi %or3A, %and3A_274 : i32
        %eq3A_276 = arith.constant 0 : i32
        %eq3A_277 = arith.cmpi eq, %and3A_275, %eq3A_276 : i32
        %select_n3A_278 = arith.select %eq3A_277, %masked_sort3A_265, %masked_sort3A_273 : vector<16xi32>
        %mul3A_279 = arith.constant 16 : i32
        %mul3A_280 = arith.muli %or3A, %mul3A_279 : i32
        %swap3A = arith.index_cast %mul3A_280 : i32 to index
        %swap3A_281 = tpu.vector_load %arg27[%swap3A] {strides = array<i32>} : memref<512xi32, #tpu.memory_space<vmem>>, vector<16xi32>,
        tpu.vector_store %arg27[%swap3A], %select_n3A_278 {strides = array<i32>} : memref<512xi32, #tpu.memory_space<vmem>>, vector<16xi32>,
        %select_n3A_282 = arith.select %eq3A_277, %masked_sort3A_273, %masked_sort3A_265 : vector<16xi32>
        %mul3A_283 = arith.constant 16 : i32
        %mul3A_284 = arith.muli %add3A_245, %mul3A_283 : i32
        %swap3A_285 = arith.index_cast %mul3A_284 : i32 to index
        %swap3A_286 = tpu.vector_load %arg27[%swap3A_285] {strides = array<i32>} : memref<512xi32, #tpu.memory_space<vmem>>, vector<16xi32>,
        tpu.vector_store %arg27[%swap3A_285], %select_n3A_282 {strides = array<i32>} : memref<512xi32, #tpu.memory_space<vmem>>, vector<16xi32>,
        %scan3A_287 = arith.constant 0 : i32
        scf.yield %scan3A_287 : i32
      }
      %scan3A_125 = arith.constant 16 : i32
      %scan3A_126 = arith.constant 0 : i32
      %scan3A_127 = arith.constant 0 : i32
      %scan3A_128 = arith.constant 16 : i32
      %scan3A_129 = arith.addi %scan3A_127, %scan3A_128 : i32
      %scan3A_130 = arith.constant 1 : i32
      %scan3A_131 = scf.for %scan3A_238 = %scan3A_127 to %scan3A_129 step %scan3A_130 iter_args(%scan3A_239 = %scan3A_126) -> (i32)  : i32 {
        %shift_right_arithmetic3A = arith.constant 2 : i32
        %shift_right_arithmetic3A_240 = arith.shrsi %scan3A_238, %shift_right_arithmetic3A : i32
        %shift_left3A = arith.constant 3 : i32
        %shift_left3A_241 = arith.shli %shift_right_arithmetic3A_240, %shift_left3A : i32
        %and3A_242 = arith.constant 3 : i32
        %and3A_243 = arith.andi %scan3A_238, %and3A_242 : i32
        %or3A = arith.ori %shift_left3A_241, %and3A_243 : i32
        %add3A_244 = arith.constant 4 : i32
        %add3A_245 = arith.addi %or3A, %add3A_244 : i32
        %mul3A_246 = arith.constant 16 : i32
        %mul3A_247 = arith.muli %or3A, %mul3A_246 : i32
        %get3A = arith.index_cast %mul3A_247 : i32 to index
        %get3A_248 = tpu.vector_load %arg27[%get3A] {strides = array<i32>} : memref<512xi32, #tpu.memory_space<vmem>>, vector<16xi32>,
        %mul3A_249 = arith.constant 16 : i32
        %mul3A_250 = arith.muli %add3A_245, %mul3A_249 : i32
        %get3A_251 = arith.index_cast %mul3A_250 : i32 to index
        %get3A_252 = tpu.vector_load %arg27[%get3A_251] {strides = array<i32>} : memref<512xi32, #tpu.memory_space<vmem>>, vector<16xi32>,
        %rev3A = arith.constant 15 : i32
        %rev3A_253 = vector.broadcast %rev3A : i32 to vector<16xi32>
        %rev3A_254 = tpu.iota {dimensions = array<i32: 0>} : vector<16xi32>
        %rev3A_255 = arith.subi %rev3A_253, %rev3A_254 : vector<16xi32>
        %rev3A_256 = tpu.dynamic_gather %get3A_252[%rev3A_255] in [0] : vector<16xi32>, vector<16xi32> -> vector<16xi32>
        %max3A = arith.maxsi %get3A_248, %rev3A_256 : vector<16xi32>
        %min3A_257 = arith.minsi %get3A_248, %rev3A_256 : vector<16xi32>
        %masked_sort3A_258 = arith.constant dense<true> : vector<16xi1>
        %masked_sort3A_259 = arith.constant -2147483648 : i32
        %masked_sort3A_260 = vector.broadcast %masked_sort3A_259 : i32 to vector<16xi32>
        %masked_sort3A_261 = arith.xori %max3A, %masked_sort3A_260 : vector<16xi32>
        %masked_sort3A_262, %masked_sort3A_263, %masked_sort3A_264 = tpu.sort %masked_sort3A_261, %max3A masked %masked_sort3A_258 {descending = true} : (vector<16xi32>, vector<16xi32>, vector<16xi1>) -> (vector<16xi1>, vector<16xi32>, vector<16xi32>)
        %masked_sort3A_265 = arith.xori %masked_sort3A_263, %masked_sort3A_260 : vector<16xi32>
        %masked_sort3A_266 = arith.constant dense<true> : vector<16xi1>
        %masked_sort3A_267 = arith.constant -2147483648 : i32
        %masked_sort3A_268 = vector.broadcast %masked_sort3A_267 : i32 to vector<16xi32>
        %masked_sort3A_269 = arith.xori %min3A_257, %masked_sort3A_268 : vector<16xi32>
        %masked_sort3A_270, %masked_sort3A_271, %masked_sort3A_272 = tpu.sort %masked_sort3A_269, %min3A_257 masked %masked_sort3A_266 {descending = true} : (vector<16xi32>, vector<16xi32>, vector<16xi1>) -> (vector<16xi1>, vector<16xi32>, vector<16xi32>)
        %masked_sort3A_273 = arith.xori %masked_sort3A_271, %masked_sort3A_268 : vector<16xi32>
        %and3A_274 = arith.constant 8 : i32
        %and3A_275 = arith.andi %or3A, %and3A_274 : i32
        %eq3A_276 = arith.constant 0 : i32
        %eq3A_277 = arith.cmpi eq, %and3A_275, %eq3A_276 : i32
        %select_n3A_278 = arith.select %eq3A_277, %masked_sort3A_265, %masked_sort3A_273 : vector<16xi32>
        %mul3A_279 = arith.constant 16 : i32
        %mul3A_280 = arith.muli %or3A, %mul3A_279 : i32
        %swap3A = arith.index_cast %mul3A_280 : i32 to index
        %swap3A_281 = tpu.vector_load %arg27[%swap3A] {strides = array<i32>} : memref<512xi32, #tpu.memory_space<vmem>>, vector<16xi32>,
        tpu.vector_store %arg27[%swap3A], %select_n3A_278 {strides = array<i32>} : memref<512xi32, #tpu.memory_space<vmem>>, vector<16xi32>,
        %select_n3A_282 = arith.select %eq3A_277, %masked_sort3A_273, %masked_sort3A_265 : vector<16xi32>
        %mul3A_283 = arith.constant 16 : i32
        %mul3A_284 = arith.muli %add3A_245, %mul3A_283 : i32
        %swap3A_285 = arith.index_cast %mul3A_284 : i32 to index
        %swap3A_286 = tpu.vector_load %arg27[%swap3A_285] {strides = array<i32>} : memref<512xi32, #tpu.memory_space<vmem>>, vector<16xi32>,
        tpu.vector_store %arg27[%swap3A_285], %select_n3A_282 {strides = array<i32>} : memref<512xi32, #tpu.memory_space<vmem>>, vector<16xi32>,
        %scan3A_287 = arith.constant 0 : i32
        scf.yield %scan3A_287 : i32
      }
      %scan3A_132 = arith.constant 16 : i32
      %scan3A_133 = arith.constant 0 : i32
      %scan3A_134 = arith.constant 0 : i32
      %scan3A_135 = arith.constant 16 : i32
      %scan3A_136 = arith.addi %scan3A_134, %scan3A_135 : i32
      %scan3A_137 = arith.constant 1 : i32
      %scan3A_138 = scf.for %scan3A_238 = %scan3A_134 to %scan3A_136 step %scan3A_137 iter_args(%scan3A_239 = %scan3A_133) -> (i32)  : i32 {
        %shift_right_arithmetic3A = arith.constant 1 : i32
        %shift_right_arithmetic3A_240 = arith.shrsi %scan3A_238, %shift_right_arithmetic3A : i32
        %shift_left3A = arith.constant 2 : i32
        %shift_left3A_241 = arith.shli %shift_right_arithmetic3A_240, %shift_left3A : i32
        %and3A_242 = arith.constant 1 : i32
        %and3A_243 = arith.andi %scan3A_238, %and3A_242 : i32
        %or3A = arith.ori %shift_left3A_241, %and3A_243 : i32
        %add3A_244 = arith.constant 2 : i32
        %add3A_245 = arith.addi %or3A, %add3A_244 : i32
        %mul3A_246 = arith.constant 16 : i32
        %mul3A_247 = arith.muli %or3A, %mul3A_246 : i32
        %get3A = arith.index_cast %mul3A_247 : i32 to index
        %get3A_248 = tpu.vector_load %arg27[%get3A] {strides = array<i32>} : memref<512xi32, #tpu.memory_space<vmem>>, vector<16xi32>,
        %mul3A_249 = arith.constant 16 : i32
        %mul3A_250 = arith.muli %add3A_245, %mul3A_249 : i32
        %get3A_251 = arith.index_cast %mul3A_250 : i32 to index
        %get3A_252 = tpu.vector_load %arg27[%get3A_251] {strides = array<i32>} : memref<512xi32, #tpu.memory_space<vmem>>, vector<16xi32>,
        %rev3A = arith.constant 15 : i32
        %rev3A_253 = vector.broadcast %rev3A : i32 to vector<16xi32>
        %rev3A_254 = tpu.iota {dimensions = array<i32: 0>} : vector<16xi32>
        %rev3A_255 = arith.subi %rev3A_253, %rev3A_254 : vector<16xi32>
        %rev3A_256 = tpu.dynamic_gather %get3A_252[%rev3A_255] in [0] : vector<16xi32>, vector<16xi32> -> vector<16xi32>
        %max3A = arith.maxsi %get3A_248, %rev3A_256 : vector<16xi32>
        %min3A_257 = arith.minsi %get3A_248, %rev3A_256 : vector<16xi32>
        %masked_sort3A_258 = arith.constant dense<true> : vector<16xi1>
        %masked_sort3A_259 = arith.constant -2147483648 : i32
        %masked_sort3A_260 = vector.broadcast %masked_sort3A_259 : i32 to vector<16xi32>
        %masked_sort3A_261 = arith.xori %max3A, %masked_sort3A_260 : vector<16xi32>
        %masked_sort3A_262, %masked_sort3A_263, %masked_sort3A_264 = tpu.sort %masked_sort3A_261, %max3A masked %masked_sort3A_258 {descending = true} : (vector<16xi32>, vector<16xi32>, vector<16xi1>) -> (vector<16xi1>, vector<16xi32>, vector<16xi32>)
        %masked_sort3A_265 = arith.xori %masked_sort3A_263, %masked_sort3A_260 : vector<16xi32>
        %masked_sort3A_266 = arith.constant dense<true> : vector<16xi1>
        %masked_sort3A_267 = arith.constant -2147483648 : i32
        %masked_sort3A_268 = vector.broadcast %masked_sort3A_267 : i32 to vector<16xi32>
        %masked_sort3A_269 = arith.xori %min3A_257, %masked_sort3A_268 : vector<16xi32>
        %masked_sort3A_270, %masked_sort3A_271, %masked_sort3A_272 = tpu.sort %masked_sort3A_269, %min3A_257 masked %masked_sort3A_266 {descending = true} : (vector<16xi32>, vector<16xi32>, vector<16xi1>) -> (vector<16xi1>, vector<16xi32>, vector<16xi32>)
        %masked_sort3A_273 = arith.xori %masked_sort3A_271, %masked_sort3A_268 : vector<16xi32>
        %and3A_274 = arith.constant 8 : i32
        %and3A_275 = arith.andi %or3A, %and3A_274 : i32
        %eq3A_276 = arith.constant 0 : i32
        %eq3A_277 = arith.cmpi eq, %and3A_275, %eq3A_276 : i32
        %select_n3A_278 = arith.select %eq3A_277, %masked_sort3A_265, %masked_sort3A_273 : vector<16xi32>
        %mul3A_279 = arith.constant 16 : i32
        %mul3A_280 = arith.muli %or3A, %mul3A_279 : i32
        %swap3A = arith.index_cast %mul3A_280 : i32 to index
        %swap3A_281 = tpu.vector_load %arg27[%swap3A] {strides = array<i32>} : memref<512xi32, #tpu.memory_space<vmem>>, vector<16xi32>,
        tpu.vector_store %arg27[%swap3A], %select_n3A_278 {strides = array<i32>} : memref<512xi32, #tpu.memory_space<vmem>>, vector<16xi32>,
        %select_n3A_282 = arith.select %eq3A_277, %masked_sort3A_273, %masked_sort3A_265 : vector<16xi32>
        %mul3A_283 = arith.constant 16 : i32
        %mul3A_284 = arith.muli %add3A_245, %mul3A_283 : i32
        %swap3A_285 = arith.index_cast %mul3A_284 : i32 to index
        %swap3A_286 = tpu.vector_load %arg27[%swap3A_285] {strides = array<i32>} : memref<512xi32, #tpu.memory_space<vmem>>, vector<16xi32>,
        tpu.vector_store %arg27[%swap3A_285], %select_n3A_282 {strides = array<i32>} : memref<512xi32, #tpu.memory_space<vmem>>, vector<16xi32>,
        %scan3A_287 = arith.constant 0 : i32
        scf.yield %scan3A_287 : i32
      }
      %scan3A_139 = arith.constant 16 : i32
      %scan3A_140 = arith.constant 0 : i32
      %scan3A_141 = arith.constant 0 : i32
      %scan3A_142 = arith.constant 16 : i32
      %scan3A_143 = arith.addi %scan3A_141, %scan3A_142 : i32
      %scan3A_144 = arith.constant 1 : i32
      %scan3A_145 = scf.for %scan3A_238 = %scan3A_141 to %scan3A_143 step %scan3A_144 iter_args(%scan3A_239 = %scan3A_140) -> (i32)  : i32 {
        %shift_right_arithmetic3A = arith.constant 0 : i32
        %shift_right_arithmetic3A_240 = arith.shrsi %scan3A_238, %shift_right_arithmetic3A : i32
        %shift_left3A = arith.constant 1 : i32
        %shift_left3A_241 = arith.shli %shift_right_arithmetic3A_240, %shift_left3A : i32
        %and3A_242 = arith.constant 0 : i32
        %and3A_243 = arith.andi %scan3A_238, %and3A_242 : i32
        %or3A = arith.ori %shift_left3A_241, %and3A_243 : i32
        %add3A_244 = arith.constant 1 : i32
        %add3A_245 = arith.addi %or3A, %add3A_244 : i32
        %mul3A_246 = arith.constant 16 : i32
        %mul3A_247 = arith.muli %or3A, %mul3A_246 : i32
        %get3A = arith.index_cast %mul3A_247 : i32 to index
        %get3A_248 = tpu.vector_load %arg27[%get3A] {strides = array<i32>} : memref<512xi32, #tpu.memory_space<vmem>>, vector<16xi32>,
        %mul3A_249 = arith.constant 16 : i32
        %mul3A_250 = arith.muli %add3A_245, %mul3A_249 : i32
        %get3A_251 = arith.index_cast %mul3A_250 : i32 to index
        %get3A_252 = tpu.vector_load %arg27[%get3A_251] {strides = array<i32>} : memref<512xi32, #tpu.memory_space<vmem>>, vector<16xi32>,
        %rev3A = arith.constant 15 : i32
        %rev3A_253 = vector.broadcast %rev3A : i32 to vector<16xi32>
        %rev3A_254 = tpu.iota {dimensions = array<i32: 0>} : vector<16xi32>
        %rev3A_255 = arith.subi %rev3A_253, %rev3A_254 : vector<16xi32>
        %rev3A_256 = tpu.dynamic_gather %get3A_252[%rev3A_255] in [0] : vector<16xi32>, vector<16xi32> -> vector<16xi32>
        %max3A = arith.maxsi %get3A_248, %rev3A_256 : vector<16xi32>
        %min3A_257 = arith.minsi %get3A_248, %rev3A_256 : vector<16xi32>
        %masked_sort3A_258 = arith.constant dense<true> : vector<16xi1>
        %masked_sort3A_259 = arith.constant -2147483648 : i32
        %masked_sort3A_260 = vector.broadcast %masked_sort3A_259 : i32 to vector<16xi32>
        %masked_sort3A_261 = arith.xori %max3A, %masked_sort3A_260 : vector<16xi32>
        %masked_sort3A_262, %masked_sort3A_263, %masked_sort3A_264 = tpu.sort %masked_sort3A_261, %max3A masked %masked_sort3A_258 {descending = true} : (vector<16xi32>, vector<16xi32>, vector<16xi1>) -> (vector<16xi1>, vector<16xi32>, vector<16xi32>)
        %masked_sort3A_265 = arith.xori %masked_sort3A_263, %masked_sort3A_260 : vector<16xi32>
        %masked_sort3A_266 = arith.constant dense<true> : vector<16xi1>
        %masked_sort3A_267 = arith.constant -2147483648 : i32
        %masked_sort3A_268 = vector.broadcast %masked_sort3A_267 : i32 to vector<16xi32>
        %masked_sort3A_269 = arith.xori %min3A_257, %masked_sort3A_268 : vector<16xi32>
        %masked_sort3A_270, %masked_sort3A_271, %masked_sort3A_272 = tpu.sort %masked_sort3A_269, %min3A_257 masked %masked_sort3A_266 {descending = true} : (vector<16xi32>, vector<16xi32>, vector<16xi1>) -> (vector<16xi1>, vector<16xi32>, vector<16xi32>)
        %masked_sort3A_273 = arith.xori %masked_sort3A_271, %masked_sort3A_268 : vector<16xi32>
        %and3A_274 = arith.constant 8 : i32
        %and3A_275 = arith.andi %or3A, %and3A_274 : i32
        %eq3A_276 = arith.constant 0 : i32
        %eq3A_277 = arith.cmpi eq, %and3A_275, %eq3A_276 : i32
        %select_n3A_278 = arith.select %eq3A_277, %masked_sort3A_265, %masked_sort3A_273 : vector<16xi32>
        %mul3A_279 = arith.constant 16 : i32
        %mul3A_280 = arith.muli %or3A, %mul3A_279 : i32
        %swap3A = arith.index_cast %mul3A_280 : i32 to index
        %swap3A_281 = tpu.vector_load %arg27[%swap3A] {strides = array<i32>} : memref<512xi32, #tpu.memory_space<vmem>>, vector<16xi32>,
        tpu.vector_store %arg27[%swap3A], %select_n3A_278 {strides = array<i32>} : memref<512xi32, #tpu.memory_space<vmem>>, vector<16xi32>,
        %select_n3A_282 = arith.select %eq3A_277, %masked_sort3A_273, %masked_sort3A_265 : vector<16xi32>
        %mul3A_283 = arith.constant 16 : i32
        %mul3A_284 = arith.muli %add3A_245, %mul3A_283 : i32
        %swap3A_285 = arith.index_cast %mul3A_284 : i32 to index
        %swap3A_286 = tpu.vector_load %arg27[%swap3A_285] {strides = array<i32>} : memref<512xi32, #tpu.memory_space<vmem>>, vector<16xi32>,
        tpu.vector_store %arg27[%swap3A_285], %select_n3A_282 {strides = array<i32>} : memref<512xi32, #tpu.memory_space<vmem>>, vector<16xi32>,
        %scan3A_287 = arith.constant 0 : i32
        scf.yield %scan3A_287 : i32
      }
      %scan3A_146 = arith.constant 16 : i32
      %scan3A_147 = arith.constant 0 : i32
      %scan3A_148 = arith.constant 0 : i32
      %scan3A_149 = arith.constant 16 : i32
      %scan3A_150 = arith.addi %scan3A_148, %scan3A_149 : i32
      %scan3A_151 = arith.constant 1 : i32
      %scan3A_152 = scf.for %scan3A_238 = %scan3A_148 to %scan3A_150 step %scan3A_151 iter_args(%scan3A_239 = %scan3A_147) -> (i32)  : i32 {
        %shift_right_arithmetic3A = arith.constant 3 : i32
        %shift_right_arithmetic3A_240 = arith.shrsi %scan3A_238, %shift_right_arithmetic3A : i32
        %shift_left3A = arith.constant 4 : i32
        %shift_left3A_241 = arith.shli %shift_right_arithmetic3A_240, %shift_left3A : i32
        %and3A_242 = arith.constant 7 : i32
        %and3A_243 = arith.andi %scan3A_238, %and3A_242 : i32
        %or3A = arith.ori %shift_left3A_241, %and3A_243 : i32
        %add3A_244 = arith.constant 8 : i32
        %add3A_245 = arith.addi %or3A, %add3A_244 : i32
        %mul3A_246 = arith.constant 16 : i32
        %mul3A_247 = arith.muli %or3A, %mul3A_246 : i32
        %get3A = arith.index_cast %mul3A_247 : i32 to index
        %get3A_248 = tpu.vector_load %arg27[%get3A] {strides = array<i32>} : memref<512xi32, #tpu.memory_space<vmem>>, vector<16xi32>,
        %mul3A_249 = arith.constant 16 : i32
        %mul3A_250 = arith.muli %add3A_245, %mul3A_249 : i32
        %get3A_251 = arith.index_cast %mul3A_250 : i32 to index
        %get3A_252 = tpu.vector_load %arg27[%get3A_251] {strides = array<i32>} : memref<512xi32, #tpu.memory_space<vmem>>, vector<16xi32>,
        %rev3A = arith.constant 15 : i32
        %rev3A_253 = vector.broadcast %rev3A : i32 to vector<16xi32>
        %rev3A_254 = tpu.iota {dimensions = array<i32: 0>} : vector<16xi32>
        %rev3A_255 = arith.subi %rev3A_253, %rev3A_254 : vector<16xi32>
        %rev3A_256 = tpu.dynamic_gather %get3A_252[%rev3A_255] in [0] : vector<16xi32>, vector<16xi32> -> vector<16xi32>
        %max3A = arith.maxsi %get3A_248, %rev3A_256 : vector<16xi32>
        %min3A_257 = arith.minsi %get3A_248, %rev3A_256 : vector<16xi32>
        %masked_sort3A_258 = arith.constant dense<true> : vector<16xi1>
        %masked_sort3A_259 = arith.constant -2147483648 : i32
        %masked_sort3A_260 = vector.broadcast %masked_sort3A_259 : i32 to vector<16xi32>
        %masked_sort3A_261 = arith.xori %max3A, %masked_sort3A_260 : vector<16xi32>
        %masked_sort3A_262, %masked_sort3A_263, %masked_sort3A_264 = tpu.sort %masked_sort3A_261, %max3A masked %masked_sort3A_258 {descending = true} : (vector<16xi32>, vector<16xi32>, vector<16xi1>) -> (vector<16xi1>, vector<16xi32>, vector<16xi32>)
        %masked_sort3A_265 = arith.xori %masked_sort3A_263, %masked_sort3A_260 : vector<16xi32>
        %masked_sort3A_266 = arith.constant dense<true> : vector<16xi1>
        %masked_sort3A_267 = arith.constant -2147483648 : i32
        %masked_sort3A_268 = vector.broadcast %masked_sort3A_267 : i32 to vector<16xi32>
        %masked_sort3A_269 = arith.xori %min3A_257, %masked_sort3A_268 : vector<16xi32>
        %masked_sort3A_270, %masked_sort3A_271, %masked_sort3A_272 = tpu.sort %masked_sort3A_269, %min3A_257 masked %masked_sort3A_266 {descending = true} : (vector<16xi32>, vector<16xi32>, vector<16xi1>) -> (vector<16xi1>, vector<16xi32>, vector<16xi32>)
        %masked_sort3A_273 = arith.xori %masked_sort3A_271, %masked_sort3A_268 : vector<16xi32>
        %and3A_274 = arith.constant 16 : i32
        %and3A_275 = arith.andi %or3A, %and3A_274 : i32
        %eq3A_276 = arith.constant 0 : i32
        %eq3A_277 = arith.cmpi eq, %and3A_275, %eq3A_276 : i32
        %select_n3A_278 = arith.select %eq3A_277, %masked_sort3A_265, %masked_sort3A_273 : vector<16xi32>
        %mul3A_279 = arith.constant 16 : i32
        %mul3A_280 = arith.muli %or3A, %mul3A_279 : i32
        %swap3A = arith.index_cast %mul3A_280 : i32 to index
        %swap3A_281 = tpu.vector_load %arg27[%swap3A] {strides = array<i32>} : memref<512xi32, #tpu.memory_space<vmem>>, vector<16xi32>,
        tpu.vector_store %arg27[%swap3A], %select_n3A_278 {strides = array<i32>} : memref<512xi32, #tpu.memory_space<vmem>>, vector<16xi32>,
        %select_n3A_282 = arith.select %eq3A_277, %masked_sort3A_273, %masked_sort3A_265 : vector<16xi32>
        %mul3A_283 = arith.constant 16 : i32
        %mul3A_284 = arith.muli %add3A_245, %mul3A_283 : i32
        %swap3A_285 = arith.index_cast %mul3A_284 : i32 to index
        %swap3A_286 = tpu.vector_load %arg27[%swap3A_285] {strides = array<i32>} : memref<512xi32, #tpu.memory_space<vmem>>, vector<16xi32>,
        tpu.vector_store %arg27[%swap3A_285], %select_n3A_282 {strides = array<i32>} : memref<512xi32, #tpu.memory_space<vmem>>, vector<16xi32>,
        %scan3A_287 = arith.constant 0 : i32
        scf.yield %scan3A_287 : i32
      }
      %scan3A_153 = arith.constant 16 : i32
      %scan3A_154 = arith.constant 0 : i32
      %scan3A_155 = arith.constant 0 : i32
      %scan3A_156 = arith.constant 16 : i32
      %scan3A_157 = arith.addi %scan3A_155, %scan3A_156 : i32
      %scan3A_158 = arith.constant 1 : i32
      %scan3A_159 = scf.for %scan3A_238 = %scan3A_155 to %scan3A_157 step %scan3A_158 iter_args(%scan3A_239 = %scan3A_154) -> (i32)  : i32 {
        %shift_right_arithmetic3A = arith.constant 2 : i32
        %shift_right_arithmetic3A_240 = arith.shrsi %scan3A_238, %shift_right_arithmetic3A : i32
        %shift_left3A = arith.constant 3 : i32
        %shift_left3A_241 = arith.shli %shift_right_arithmetic3A_240, %shift_left3A : i32
        %and3A_242 = arith.constant 3 : i32
        %and3A_243 = arith.andi %scan3A_238, %and3A_242 : i32
        %or3A = arith.ori %shift_left3A_241, %and3A_243 : i32
        %add3A_244 = arith.constant 4 : i32
        %add3A_245 = arith.addi %or3A, %add3A_244 : i32
        %mul3A_246 = arith.constant 16 : i32
        %mul3A_247 = arith.muli %or3A, %mul3A_246 : i32
        %get3A = arith.index_cast %mul3A_247 : i32 to index
        %get3A_248 = tpu.vector_load %arg27[%get3A] {strides = array<i32>} : memref<512xi32, #tpu.memory_space<vmem>>, vector<16xi32>,
        %mul3A_249 = arith.constant 16 : i32
        %mul3A_250 = arith.muli %add3A_245, %mul3A_249 : i32
        %get3A_251 = arith.index_cast %mul3A_250 : i32 to index
        %get3A_252 = tpu.vector_load %arg27[%get3A_251] {strides = array<i32>} : memref<512xi32, #tpu.memory_space<vmem>>, vector<16xi32>,
        %rev3A = arith.constant 15 : i32
        %rev3A_253 = vector.broadcast %rev3A : i32 to vector<16xi32>
        %rev3A_254 = tpu.iota {dimensions = array<i32: 0>} : vector<16xi32>
        %rev3A_255 = arith.subi %rev3A_253, %rev3A_254 : vector<16xi32>
        %rev3A_256 = tpu.dynamic_gather %get3A_252[%rev3A_255] in [0] : vector<16xi32>, vector<16xi32> -> vector<16xi32>
        %max3A = arith.maxsi %get3A_248, %rev3A_256 : vector<16xi32>
        %min3A_257 = arith.minsi %get3A_248, %rev3A_256 : vector<16xi32>
        %masked_sort3A_258 = arith.constant dense<true> : vector<16xi1>
        %masked_sort3A_259 = arith.constant -2147483648 : i32
        %masked_sort3A_260 = vector.broadcast %masked_sort3A_259 : i32 to vector<16xi32>
        %masked_sort3A_261 = arith.xori %max3A, %masked_sort3A_260 : vector<16xi32>
        %masked_sort3A_262, %masked_sort3A_263, %masked_sort3A_264 = tpu.sort %masked_sort3A_261, %max3A masked %masked_sort3A_258 {descending = true} : (vector<16xi32>, vector<16xi32>, vector<16xi1>) -> (vector<16xi1>, vector<16xi32>, vector<16xi32>)
        %masked_sort3A_265 = arith.xori %masked_sort3A_263, %masked_sort3A_260 : vector<16xi32>
        %masked_sort3A_266 = arith.constant dense<true> : vector<16xi1>
        %masked_sort3A_267 = arith.constant -2147483648 : i32
        %masked_sort3A_268 = vector.broadcast %masked_sort3A_267 : i32 to vector<16xi32>
        %masked_sort3A_269 = arith.xori %min3A_257, %masked_sort3A_268 : vector<16xi32>
        %masked_sort3A_270, %masked_sort3A_271, %masked_sort3A_272 = tpu.sort %masked_sort3A_269, %min3A_257 masked %masked_sort3A_266 {descending = true} : (vector<16xi32>, vector<16xi32>, vector<16xi1>) -> (vector<16xi1>, vector<16xi32>, vector<16xi32>)
        %masked_sort3A_273 = arith.xori %masked_sort3A_271, %masked_sort3A_268 : vector<16xi32>
        %and3A_274 = arith.constant 16 : i32
        %and3A_275 = arith.andi %or3A, %and3A_274 : i32
        %eq3A_276 = arith.constant 0 : i32
        %eq3A_277 = arith.cmpi eq, %and3A_275, %eq3A_276 : i32
        %select_n3A_278 = arith.select %eq3A_277, %masked_sort3A_265, %masked_sort3A_273 : vector<16xi32>
        %mul3A_279 = arith.constant 16 : i32
        %mul3A_280 = arith.muli %or3A, %mul3A_279 : i32
        %swap3A = arith.index_cast %mul3A_280 : i32 to index
        %swap3A_281 = tpu.vector_load %arg27[%swap3A] {strides = array<i32>} : memref<512xi32, #tpu.memory_space<vmem>>, vector<16xi32>,
        tpu.vector_store %arg27[%swap3A], %select_n3A_278 {strides = array<i32>} : memref<512xi32, #tpu.memory_space<vmem>>, vector<16xi32>,
        %select_n3A_282 = arith.select %eq3A_277, %masked_sort3A_273, %masked_sort3A_265 : vector<16xi32>
        %mul3A_283 = arith.constant 16 : i32
        %mul3A_284 = arith.muli %add3A_245, %mul3A_283 : i32
        %swap3A_285 = arith.index_cast %mul3A_284 : i32 to index
        %swap3A_286 = tpu.vector_load %arg27[%swap3A_285] {strides = array<i32>} : memref<512xi32, #tpu.memory_space<vmem>>, vector<16xi32>,
        tpu.vector_store %arg27[%swap3A_285], %select_n3A_282 {strides = array<i32>} : memref<512xi32, #tpu.memory_space<vmem>>, vector<16xi32>,
        %scan3A_287 = arith.constant 0 : i32
        scf.yield %scan3A_287 : i32
      }
      %scan3A_160 = arith.constant 16 : i32
      %scan3A_161 = arith.constant 0 : i32
      %scan3A_162 = arith.constant 0 : i32
      %scan3A_163 = arith.constant 16 : i32
      %scan3A_164 = arith.addi %scan3A_162, %scan3A_163 : i32
      %scan3A_165 = arith.constant 1 : i32
      %scan3A_166 = scf.for %scan3A_238 = %scan3A_162 to %scan3A_164 step %scan3A_165 iter_args(%scan3A_239 = %scan3A_161) -> (i32)  : i32 {
        %shift_right_arithmetic3A = arith.constant 1 : i32
        %shift_right_arithmetic3A_240 = arith.shrsi %scan3A_238, %shift_right_arithmetic3A : i32
        %shift_left3A = arith.constant 2 : i32
        %shift_left3A_241 = arith.shli %shift_right_arithmetic3A_240, %shift_left3A : i32
        %and3A_242 = arith.constant 1 : i32
        %and3A_243 = arith.andi %scan3A_238, %and3A_242 : i32
        %or3A = arith.ori %shift_left3A_241, %and3A_243 : i32
        %add3A_244 = arith.constant 2 : i32
        %add3A_245 = arith.addi %or3A, %add3A_244 : i32
        %mul3A_246 = arith.constant 16 : i32
        %mul3A_247 = arith.muli %or3A, %mul3A_246 : i32
        %get3A = arith.index_cast %mul3A_247 : i32 to index
        %get3A_248 = tpu.vector_load %arg27[%get3A] {strides = array<i32>} : memref<512xi32, #tpu.memory_space<vmem>>, vector<16xi32>,
        %mul3A_249 = arith.constant 16 : i32
        %mul3A_250 = arith.muli %add3A_245, %mul3A_249 : i32
        %get3A_251 = arith.index_cast %mul3A_250 : i32 to index
        %get3A_252 = tpu.vector_load %arg27[%get3A_251] {strides = array<i32>} : memref<512xi32, #tpu.memory_space<vmem>>, vector<16xi32>,
        %rev3A = arith.constant 15 : i32
        %rev3A_253 = vector.broadcast %rev3A : i32 to vector<16xi32>
        %rev3A_254 = tpu.iota {dimensions = array<i32: 0>} : vector<16xi32>
        %rev3A_255 = arith.subi %rev3A_253, %rev3A_254 : vector<16xi32>
        %rev3A_256 = tpu.dynamic_gather %get3A_252[%rev3A_255] in [0] : vector<16xi32>, vector<16xi32> -> vector<16xi32>
        %max3A = arith.maxsi %get3A_248, %rev3A_256 : vector<16xi32>
        %min3A_257 = arith.minsi %get3A_248, %rev3A_256 : vector<16xi32>
        %masked_sort3A_258 = arith.constant dense<true> : vector<16xi1>
        %masked_sort3A_259 = arith.constant -2147483648 : i32
        %masked_sort3A_260 = vector.broadcast %masked_sort3A_259 : i32 to vector<16xi32>
        %masked_sort3A_261 = arith.xori %max3A, %masked_sort3A_260 : vector<16xi32>
        %masked_sort3A_262, %masked_sort3A_263, %masked_sort3A_264 = tpu.sort %masked_sort3A_261, %max3A masked %masked_sort3A_258 {descending = true} : (vector<16xi32>, vector<16xi32>, vector<16xi1>) -> (vector<16xi1>, vector<16xi32>, vector<16xi32>)
        %masked_sort3A_265 = arith.xori %masked_sort3A_263, %masked_sort3A_260 : vector<16xi32>
        %masked_sort3A_266 = arith.constant dense<true> : vector<16xi1>
        %masked_sort3A_267 = arith.constant -2147483648 : i32
        %masked_sort3A_268 = vector.broadcast %masked_sort3A_267 : i32 to vector<16xi32>
        %masked_sort3A_269 = arith.xori %min3A_257, %masked_sort3A_268 : vector<16xi32>
        %masked_sort3A_270, %masked_sort3A_271, %masked_sort3A_272 = tpu.sort %masked_sort3A_269, %min3A_257 masked %masked_sort3A_266 {descending = true} : (vector<16xi32>, vector<16xi32>, vector<16xi1>) -> (vector<16xi1>, vector<16xi32>, vector<16xi32>)
        %masked_sort3A_273 = arith.xori %masked_sort3A_271, %masked_sort3A_268 : vector<16xi32>
        %and3A_274 = arith.constant 16 : i32
        %and3A_275 = arith.andi %or3A, %and3A_274 : i32
        %eq3A_276 = arith.constant 0 : i32
        %eq3A_277 = arith.cmpi eq, %and3A_275, %eq3A_276 : i32
        %select_n3A_278 = arith.select %eq3A_277, %masked_sort3A_265, %masked_sort3A_273 : vector<16xi32>
        %mul3A_279 = arith.constant 16 : i32
        %mul3A_280 = arith.muli %or3A, %mul3A_279 : i32
        %swap3A = arith.index_cast %mul3A_280 : i32 to index
        %swap3A_281 = tpu.vector_load %arg27[%swap3A] {strides = array<i32>} : memref<512xi32, #tpu.memory_space<vmem>>, vector<16xi32>,
        tpu.vector_store %arg27[%swap3A], %select_n3A_278 {strides = array<i32>} : memref<512xi32, #tpu.memory_space<vmem>>, vector<16xi32>,
        %select_n3A_282 = arith.select %eq3A_277, %masked_sort3A_273, %masked_sort3A_265 : vector<16xi32>
        %mul3A_283 = arith.constant 16 : i32
        %mul3A_284 = arith.muli %add3A_245, %mul3A_283 : i32
        %swap3A_285 = arith.index_cast %mul3A_284 : i32 to index
        %swap3A_286 = tpu.vector_load %arg27[%swap3A_285] {strides = array<i32>} : memref<512xi32, #tpu.memory_space<vmem>>, vector<16xi32>,
        tpu.vector_store %arg27[%swap3A_285], %select_n3A_282 {strides = array<i32>} : memref<512xi32, #tpu.memory_space<vmem>>, vector<16xi32>,
        %scan3A_287 = arith.constant 0 : i32
        scf.yield %scan3A_287 : i32
      }
      %scan3A_167 = arith.constant 16 : i32
      %scan3A_168 = arith.constant 0 : i32
      %scan3A_169 = arith.constant 0 : i32
      %scan3A_170 = arith.constant 16 : i32
      %scan3A_171 = arith.addi %scan3A_169, %scan3A_170 : i32
      %scan3A_172 = arith.constant 1 : i32
      %scan3A_173 = scf.for %scan3A_238 = %scan3A_169 to %scan3A_171 step %scan3A_172 iter_args(%scan3A_239 = %scan3A_168) -> (i32)  : i32 {
        %shift_right_arithmetic3A = arith.constant 0 : i32
        %shift_right_arithmetic3A_240 = arith.shrsi %scan3A_238, %shift_right_arithmetic3A : i32
        %shift_left3A = arith.constant 1 : i32
        %shift_left3A_241 = arith.shli %shift_right_arithmetic3A_240, %shift_left3A : i32
        %and3A_242 = arith.constant 0 : i32
        %and3A_243 = arith.andi %scan3A_238, %and3A_242 : i32
        %or3A = arith.ori %shift_left3A_241, %and3A_243 : i32
        %add3A_244 = arith.constant 1 : i32
        %add3A_245 = arith.addi %or3A, %add3A_244 : i32
        %mul3A_246 = arith.constant 16 : i32
        %mul3A_247 = arith.muli %or3A, %mul3A_246 : i32
        %get3A = arith.index_cast %mul3A_247 : i32 to index
        %get3A_248 = tpu.vector_load %arg27[%get3A] {strides = array<i32>} : memref<512xi32, #tpu.memory_space<vmem>>, vector<16xi32>,
        %mul3A_249 = arith.constant 16 : i32
        %mul3A_250 = arith.muli %add3A_245, %mul3A_249 : i32
        %get3A_251 = arith.index_cast %mul3A_250 : i32 to index
        %get3A_252 = tpu.vector_load %arg27[%get3A_251] {strides = array<i32>} : memref<512xi32, #tpu.memory_space<vmem>>, vector<16xi32>,
        %rev3A = arith.constant 15 : i32
        %rev3A_253 = vector.broadcast %rev3A : i32 to vector<16xi32>
        %rev3A_254 = tpu.iota {dimensions = array<i32: 0>} : vector<16xi32>
        %rev3A_255 = arith.subi %rev3A_253, %rev3A_254 : vector<16xi32>
        %rev3A_256 = tpu.dynamic_gather %get3A_252[%rev3A_255] in [0] : vector<16xi32>, vector<16xi32> -> vector<16xi32>
        %max3A = arith.maxsi %get3A_248, %rev3A_256 : vector<16xi32>
        %min3A_257 = arith.minsi %get3A_248, %rev3A_256 : vector<16xi32>
        %masked_sort3A_258 = arith.constant dense<true> : vector<16xi1>
        %masked_sort3A_259 = arith.constant -2147483648 : i32
        %masked_sort3A_260 = vector.broadcast %masked_sort3A_259 : i32 to vector<16xi32>
        %masked_sort3A_261 = arith.xori %max3A, %masked_sort3A_260 : vector<16xi32>
        %masked_sort3A_262, %masked_sort3A_263, %masked_sort3A_264 = tpu.sort %masked_sort3A_261, %max3A masked %masked_sort3A_258 {descending = true} : (vector<16xi32>, vector<16xi32>, vector<16xi1>) -> (vector<16xi1>, vector<16xi32>, vector<16xi32>)
        %masked_sort3A_265 = arith.xori %masked_sort3A_263, %masked_sort3A_260 : vector<16xi32>
        %masked_sort3A_266 = arith.constant dense<true> : vector<16xi1>
        %masked_sort3A_267 = arith.constant -2147483648 : i32
        %masked_sort3A_268 = vector.broadcast %masked_sort3A_267 : i32 to vector<16xi32>
        %masked_sort3A_269 = arith.xori %min3A_257, %masked_sort3A_268 : vector<16xi32>
        %masked_sort3A_270, %masked_sort3A_271, %masked_sort3A_272 = tpu.sort %masked_sort3A_269, %min3A_257 masked %masked_sort3A_266 {descending = true} : (vector<16xi32>, vector<16xi32>, vector<16xi1>) -> (vector<16xi1>, vector<16xi32>, vector<16xi32>)
        %masked_sort3A_273 = arith.xori %masked_sort3A_271, %masked_sort3A_268 : vector<16xi32>
        %and3A_274 = arith.constant 16 : i32
        %and3A_275 = arith.andi %or3A, %and3A_274 : i32
        %eq3A_276 = arith.constant 0 : i32
        %eq3A_277 = arith.cmpi eq, %and3A_275, %eq3A_276 : i32
        %select_n3A_278 = arith.select %eq3A_277, %masked_sort3A_265, %masked_sort3A_273 : vector<16xi32>
        %mul3A_279 = arith.constant 16 : i32
        %mul3A_280 = arith.muli %or3A, %mul3A_279 : i32
        %swap3A = arith.index_cast %mul3A_280 : i32 to index
        %swap3A_281 = tpu.vector_load %arg27[%swap3A] {strides = array<i32>} : memref<512xi32, #tpu.memory_space<vmem>>, vector<16xi32>,
        tpu.vector_store %arg27[%swap3A], %select_n3A_278 {strides = array<i32>} : memref<512xi32, #tpu.memory_space<vmem>>, vector<16xi32>,
        %select_n3A_282 = arith.select %eq3A_277, %masked_sort3A_273, %masked_sort3A_265 : vector<16xi32>
        %mul3A_283 = arith.constant 16 : i32
        %mul3A_284 = arith.muli %add3A_245, %mul3A_283 : i32
        %swap3A_285 = arith.index_cast %mul3A_284 : i32 to index
        %swap3A_286 = tpu.vector_load %arg27[%swap3A_285] {strides = array<i32>} : memref<512xi32, #tpu.memory_space<vmem>>, vector<16xi32>,
        tpu.vector_store %arg27[%swap3A_285], %select_n3A_282 {strides = array<i32>} : memref<512xi32, #tpu.memory_space<vmem>>, vector<16xi32>,
        %scan3A_287 = arith.constant 0 : i32
        scf.yield %scan3A_287 : i32
      }
      %scan3A_174 = arith.constant 16 : i32
      %scan3A_175 = arith.constant 0 : i32
      %scan3A_176 = arith.constant 0 : i32
      %scan3A_177 = arith.constant 16 : i32
      %scan3A_178 = arith.addi %scan3A_176, %scan3A_177 : i32
      %scan3A_179 = arith.constant 1 : i32
      %scan3A_180 = scf.for %scan3A_238 = %scan3A_176 to %scan3A_178 step %scan3A_179 iter_args(%scan3A_239 = %scan3A_175) -> (i32)  : i32 {
        %shift_right_arithmetic3A = arith.constant 4 : i32
        %shift_right_arithmetic3A_240 = arith.shrsi %scan3A_238, %shift_right_arithmetic3A : i32
        %shift_left3A = arith.constant 5 : i32
        %shift_left3A_241 = arith.shli %shift_right_arithmetic3A_240, %shift_left3A : i32
        %and3A_242 = arith.constant 15 : i32
        %and3A_243 = arith.andi %scan3A_238, %and3A_242 : i32
        %or3A = arith.ori %shift_left3A_241, %and3A_243 : i32
        %add3A_244 = arith.constant 16 : i32
        %add3A_245 = arith.addi %or3A, %add3A_244 : i32
        %mul3A_246 = arith.constant 16 : i32
        %mul3A_247 = arith.muli %or3A, %mul3A_246 : i32
        %get3A = arith.index_cast %mul3A_247 : i32 to index
        %get3A_248 = tpu.vector_load %arg27[%get3A] {strides = array<i32>} : memref<512xi32, #tpu.memory_space<vmem>>, vector<16xi32>,
        %mul3A_249 = arith.constant 16 : i32
        %mul3A_250 = arith.muli %add3A_245, %mul3A_249 : i32
        %get3A_251 = arith.index_cast %mul3A_250 : i32 to index
        %get3A_252 = tpu.vector_load %arg27[%get3A_251] {strides = array<i32>} : memref<512xi32, #tpu.memory_space<vmem>>, vector<16xi32>,
        %rev3A = arith.constant 15 : i32
        %rev3A_253 = vector.broadcast %rev3A : i32 to vector<16xi32>
        %rev3A_254 = tpu.iota {dimensions = array<i32: 0>} : vector<16xi32>
        %rev3A_255 = arith.subi %rev3A_253, %rev3A_254 : vector<16xi32>
        %rev3A_256 = tpu.dynamic_gather %get3A_252[%rev3A_255] in [0] : vector<16xi32>, vector<16xi32> -> vector<16xi32>
        %max3A = arith.maxsi %get3A_248, %rev3A_256 : vector<16xi32>
        %min3A_257 = arith.minsi %get3A_248, %rev3A_256 : vector<16xi32>
        %masked_sort3A_258 = arith.constant dense<true> : vector<16xi1>
        %masked_sort3A_259 = arith.constant -2147483648 : i32
        %masked_sort3A_260 = vector.broadcast %masked_sort3A_259 : i32 to vector<16xi32>
        %masked_sort3A_261 = arith.xori %max3A, %masked_sort3A_260 : vector<16xi32>
        %masked_sort3A_262, %masked_sort3A_263, %masked_sort3A_264 = tpu.sort %masked_sort3A_261, %max3A masked %masked_sort3A_258 {descending = true} : (vector<16xi32>, vector<16xi32>, vector<16xi1>) -> (vector<16xi1>, vector<16xi32>, vector<16xi32>)
        %masked_sort3A_265 = arith.xori %masked_sort3A_263, %masked_sort3A_260 : vector<16xi32>
        %masked_sort3A_266 = arith.constant dense<true> : vector<16xi1>
        %masked_sort3A_267 = arith.constant -2147483648 : i32
        %masked_sort3A_268 = vector.broadcast %masked_sort3A_267 : i32 to vector<16xi32>
        %masked_sort3A_269 = arith.xori %min3A_257, %masked_sort3A_268 : vector<16xi32>
        %masked_sort3A_270, %masked_sort3A_271, %masked_sort3A_272 = tpu.sort %masked_sort3A_269, %min3A_257 masked %masked_sort3A_266 {descending = true} : (vector<16xi32>, vector<16xi32>, vector<16xi1>) -> (vector<16xi1>, vector<16xi32>, vector<16xi32>)
        %masked_sort3A_273 = arith.xori %masked_sort3A_271, %masked_sort3A_268 : vector<16xi32>
        %and3A_274 = arith.constant 32 : i32
        %and3A_275 = arith.andi %or3A, %and3A_274 : i32
        %eq3A_276 = arith.constant 0 : i32
        %eq3A_277 = arith.cmpi eq, %and3A_275, %eq3A_276 : i32
        %select_n3A_278 = arith.select %eq3A_277, %masked_sort3A_265, %masked_sort3A_273 : vector<16xi32>
        %mul3A_279 = arith.constant 16 : i32
        %mul3A_280 = arith.muli %or3A, %mul3A_279 : i32
        %swap3A = arith.index_cast %mul3A_280 : i32 to index
        %swap3A_281 = tpu.vector_load %arg27[%swap3A] {strides = array<i32>} : memref<512xi32, #tpu.memory_space<vmem>>, vector<16xi32>,
        tpu.vector_store %arg27[%swap3A], %select_n3A_278 {strides = array<i32>} : memref<512xi32, #tpu.memory_space<vmem>>, vector<16xi32>,
        %select_n3A_282 = arith.select %eq3A_277, %masked_sort3A_273, %masked_sort3A_265 : vector<16xi32>
        %mul3A_283 = arith.constant 16 : i32
        %mul3A_284 = arith.muli %add3A_245, %mul3A_283 : i32
        %swap3A_285 = arith.index_cast %mul3A_284 : i32 to index
        %swap3A_286 = tpu.vector_load %arg27[%swap3A_285] {strides = array<i32>} : memref<512xi32, #tpu.memory_space<vmem>>, vector<16xi32>,
        tpu.vector_store %arg27[%swap3A_285], %select_n3A_282 {strides = array<i32>} : memref<512xi32, #tpu.memory_space<vmem>>, vector<16xi32>,
        %scan3A_287 = arith.constant 0 : i32
        scf.yield %scan3A_287 : i32
      }
      %scan3A_181 = arith.constant 16 : i32
      %scan3A_182 = arith.constant 0 : i32
      %scan3A_183 = arith.constant 0 : i32
      %scan3A_184 = arith.constant 16 : i32
      %scan3A_185 = arith.addi %scan3A_183, %scan3A_184 : i32
      %scan3A_186 = arith.constant 1 : i32
      %scan3A_187 = scf.for %scan3A_238 = %scan3A_183 to %scan3A_185 step %scan3A_186 iter_args(%scan3A_239 = %scan3A_182) -> (i32)  : i32 {
        %shift_right_arithmetic3A = arith.constant 3 : i32
        %shift_right_arithmetic3A_240 = arith.shrsi %scan3A_238, %shift_right_arithmetic3A : i32
        %shift_left3A = arith.constant 4 : i32
        %shift_left3A_241 = arith.shli %shift_right_arithmetic3A_240, %shift_left3A : i32
        %and3A_242 = arith.constant 7 : i32
        %and3A_243 = arith.andi %scan3A_238, %and3A_242 : i32
        %or3A = arith.ori %shift_left3A_241, %and3A_243 : i32
        %add3A_244 = arith.constant 8 : i32
        %add3A_245 = arith.addi %or3A, %add3A_244 : i32
        %mul3A_246 = arith.constant 16 : i32
        %mul3A_247 = arith.muli %or3A, %mul3A_246 : i32
        %get3A = arith.index_cast %mul3A_247 : i32 to index
        %get3A_248 = tpu.vector_load %arg27[%get3A] {strides = array<i32>} : memref<512xi32, #tpu.memory_space<vmem>>, vector<16xi32>,
        %mul3A_249 = arith.constant 16 : i32
        %mul3A_250 = arith.muli %add3A_245, %mul3A_249 : i32
        %get3A_251 = arith.index_cast %mul3A_250 : i32 to index
        %get3A_252 = tpu.vector_load %arg27[%get3A_251] {strides = array<i32>} : memref<512xi32, #tpu.memory_space<vmem>>, vector<16xi32>,
        %rev3A = arith.constant 15 : i32
        %rev3A_253 = vector.broadcast %rev3A : i32 to vector<16xi32>
        %rev3A_254 = tpu.iota {dimensions = array<i32: 0>} : vector<16xi32>
        %rev3A_255 = arith.subi %rev3A_253, %rev3A_254 : vector<16xi32>
        %rev3A_256 = tpu.dynamic_gather %get3A_252[%rev3A_255] in [0] : vector<16xi32>, vector<16xi32> -> vector<16xi32>
        %max3A = arith.maxsi %get3A_248, %rev3A_256 : vector<16xi32>
        %min3A_257 = arith.minsi %get3A_248, %rev3A_256 : vector<16xi32>
        %masked_sort3A_258 = arith.constant dense<true> : vector<16xi1>
        %masked_sort3A_259 = arith.constant -2147483648 : i32
        %masked_sort3A_260 = vector.broadcast %masked_sort3A_259 : i32 to vector<16xi32>
        %masked_sort3A_261 = arith.xori %max3A, %masked_sort3A_260 : vector<16xi32>
        %masked_sort3A_262, %masked_sort3A_263, %masked_sort3A_264 = tpu.sort %masked_sort3A_261, %max3A masked %masked_sort3A_258 {descending = true} : (vector<16xi32>, vector<16xi32>, vector<16xi1>) -> (vector<16xi1>, vector<16xi32>, vector<16xi32>)
        %masked_sort3A_265 = arith.xori %masked_sort3A_263, %masked_sort3A_260 : vector<16xi32>
        %masked_sort3A_266 = arith.constant dense<true> : vector<16xi1>
        %masked_sort3A_267 = arith.constant -2147483648 : i32
        %masked_sort3A_268 = vector.broadcast %masked_sort3A_267 : i32 to vector<16xi32>
        %masked_sort3A_269 = arith.xori %min3A_257, %masked_sort3A_268 : vector<16xi32>
        %masked_sort3A_270, %masked_sort3A_271, %masked_sort3A_272 = tpu.sort %masked_sort3A_269, %min3A_257 masked %masked_sort3A_266 {descending = true} : (vector<16xi32>, vector<16xi32>, vector<16xi1>) -> (vector<16xi1>, vector<16xi32>, vector<16xi32>)
        %masked_sort3A_273 = arith.xori %masked_sort3A_271, %masked_sort3A_268 : vector<16xi32>
        %and3A_274 = arith.constant 32 : i32
        %and3A_275 = arith.andi %or3A, %and3A_274 : i32
        %eq3A_276 = arith.constant 0 : i32
        %eq3A_277 = arith.cmpi eq, %and3A_275, %eq3A_276 : i32
        %select_n3A_278 = arith.select %eq3A_277, %masked_sort3A_265, %masked_sort3A_273 : vector<16xi32>
        %mul3A_279 = arith.constant 16 : i32
        %mul3A_280 = arith.muli %or3A, %mul3A_279 : i32
        %swap3A = arith.index_cast %mul3A_280 : i32 to index
        %swap3A_281 = tpu.vector_load %arg27[%swap3A] {strides = array<i32>} : memref<512xi32, #tpu.memory_space<vmem>>, vector<16xi32>,
        tpu.vector_store %arg27[%swap3A], %select_n3A_278 {strides = array<i32>} : memref<512xi32, #tpu.memory_space<vmem>>, vector<16xi32>,
        %select_n3A_282 = arith.select %eq3A_277, %masked_sort3A_273, %masked_sort3A_265 : vector<16xi32>
        %mul3A_283 = arith.constant 16 : i32
        %mul3A_284 = arith.muli %add3A_245, %mul3A_283 : i32
        %swap3A_285 = arith.index_cast %mul3A_284 : i32 to index
        %swap3A_286 = tpu.vector_load %arg27[%swap3A_285] {strides = array<i32>} : memref<512xi32, #tpu.memory_space<vmem>>, vector<16xi32>,
        tpu.vector_store %arg27[%swap3A_285], %select_n3A_282 {strides = array<i32>} : memref<512xi32, #tpu.memory_space<vmem>>, vector<16xi32>,
        %scan3A_287 = arith.constant 0 : i32
        scf.yield %scan3A_287 : i32
      }
      %scan3A_188 = arith.constant 16 : i32
      %scan3A_189 = arith.constant 0 : i32
      %scan3A_190 = arith.constant 0 : i32
      %scan3A_191 = arith.constant 16 : i32
      %scan3A_192 = arith.addi %scan3A_190, %scan3A_191 : i32
      %scan3A_193 = arith.constant 1 : i32
      %scan3A_194 = scf.for %scan3A_238 = %scan3A_190 to %scan3A_192 step %scan3A_193 iter_args(%scan3A_239 = %scan3A_189) -> (i32)  : i32 {
        %shift_right_arithmetic3A = arith.constant 2 : i32
        %shift_right_arithmetic3A_240 = arith.shrsi %scan3A_238, %shift_right_arithmetic3A : i32
        %shift_left3A = arith.constant 3 : i32
        %shift_left3A_241 = arith.shli %shift_right_arithmetic3A_240, %shift_left3A : i32
        %and3A_242 = arith.constant 3 : i32
        %and3A_243 = arith.andi %scan3A_238, %and3A_242 : i32
        %or3A = arith.ori %shift_left3A_241, %and3A_243 : i32
        %add3A_244 = arith.constant 4 : i32
        %add3A_245 = arith.addi %or3A, %add3A_244 : i32
        %mul3A_246 = arith.constant 16 : i32
        %mul3A_247 = arith.muli %or3A, %mul3A_246 : i32
        %get3A = arith.index_cast %mul3A_247 : i32 to index
        %get3A_248 = tpu.vector_load %arg27[%get3A] {strides = array<i32>} : memref<512xi32, #tpu.memory_space<vmem>>, vector<16xi32>,
        %mul3A_249 = arith.constant 16 : i32
        %mul3A_250 = arith.muli %add3A_245, %mul3A_249 : i32
        %get3A_251 = arith.index_cast %mul3A_250 : i32 to index
        %get3A_252 = tpu.vector_load %arg27[%get3A_251] {strides = array<i32>} : memref<512xi32, #tpu.memory_space<vmem>>, vector<16xi32>,
        %rev3A = arith.constant 15 : i32
        %rev3A_253 = vector.broadcast %rev3A : i32 to vector<16xi32>
        %rev3A_254 = tpu.iota {dimensions = array<i32: 0>} : vector<16xi32>
        %rev3A_255 = arith.subi %rev3A_253, %rev3A_254 : vector<16xi32>
        %rev3A_256 = tpu.dynamic_gather %get3A_252[%rev3A_255] in [0] : vector<16xi32>, vector<16xi32> -> vector<16xi32>
        %max3A = arith.maxsi %get3A_248, %rev3A_256 : vector<16xi32>
        %min3A_257 = arith.minsi %get3A_248, %rev3A_256 : vector<16xi32>
        %masked_sort3A_258 = arith.constant dense<true> : vector<16xi1>
        %masked_sort3A_259 = arith.constant -2147483648 : i32
        %masked_sort3A_260 = vector.broadcast %masked_sort3A_259 : i32 to vector<16xi32>
        %masked_sort3A_261 = arith.xori %max3A, %masked_sort3A_260 : vector<16xi32>
        %masked_sort3A_262, %masked_sort3A_263, %masked_sort3A_264 = tpu.sort %masked_sort3A_261, %max3A masked %masked_sort3A_258 {descending = true} : (vector<16xi32>, vector<16xi32>, vector<16xi1>) -> (vector<16xi1>, vector<16xi32>, vector<16xi32>)
        %masked_sort3A_265 = arith.xori %masked_sort3A_263, %masked_sort3A_260 : vector<16xi32>
        %masked_sort3A_266 = arith.constant dense<true> : vector<16xi1>
        %masked_sort3A_267 = arith.constant -2147483648 : i32
        %masked_sort3A_268 = vector.broadcast %masked_sort3A_267 : i32 to vector<16xi32>
        %masked_sort3A_269 = arith.xori %min3A_257, %masked_sort3A_268 : vector<16xi32>
        %masked_sort3A_270, %masked_sort3A_271, %masked_sort3A_272 = tpu.sort %masked_sort3A_269, %min3A_257 masked %masked_sort3A_266 {descending = true} : (vector<16xi32>, vector<16xi32>, vector<16xi1>) -> (vector<16xi1>, vector<16xi32>, vector<16xi32>)
        %masked_sort3A_273 = arith.xori %masked_sort3A_271, %masked_sort3A_268 : vector<16xi32>
        %and3A_274 = arith.constant 32 : i32
        %and3A_275 = arith.andi %or3A, %and3A_274 : i32
        %eq3A_276 = arith.constant 0 : i32
        %eq3A_277 = arith.cmpi eq, %and3A_275, %eq3A_276 : i32
        %select_n3A_278 = arith.select %eq3A_277, %masked_sort3A_265, %masked_sort3A_273 : vector<16xi32>
        %mul3A_279 = arith.constant 16 : i32
        %mul3A_280 = arith.muli %or3A, %mul3A_279 : i32
        %swap3A = arith.index_cast %mul3A_280 : i32 to index
        %swap3A_281 = tpu.vector_load %arg27[%swap3A] {strides = array<i32>} : memref<512xi32, #tpu.memory_space<vmem>>, vector<16xi32>,
        tpu.vector_store %arg27[%swap3A], %select_n3A_278 {strides = array<i32>} : memref<512xi32, #tpu.memory_space<vmem>>, vector<16xi32>,
        %select_n3A_282 = arith.select %eq3A_277, %masked_sort3A_273, %masked_sort3A_265 : vector<16xi32>
        %mul3A_283 = arith.constant 16 : i32
        %mul3A_284 = arith.muli %add3A_245, %mul3A_283 : i32
        %swap3A_285 = arith.index_cast %mul3A_284 : i32 to index
        %swap3A_286 = tpu.vector_load %arg27[%swap3A_285] {strides = array<i32>} : memref<512xi32, #tpu.memory_space<vmem>>, vector<16xi32>,
        tpu.vector_store %arg27[%swap3A_285], %select_n3A_282 {strides = array<i32>} : memref<512xi32, #tpu.memory_space<vmem>>, vector<16xi32>,
        %scan3A_287 = arith.constant 0 : i32
        scf.yield %scan3A_287 : i32
      }
      %scan3A_195 = arith.constant 16 : i32
      %scan3A_196 = arith.constant 0 : i32
      %scan3A_197 = arith.constant 0 : i32
      %scan3A_198 = arith.constant 16 : i32
      %scan3A_199 = arith.addi %scan3A_197, %scan3A_198 : i32
      %scan3A_200 = arith.constant 1 : i32
      %scan3A_201 = scf.for %scan3A_238 = %scan3A_197 to %scan3A_199 step %scan3A_200 iter_args(%scan3A_239 = %scan3A_196) -> (i32)  : i32 {
        %shift_right_arithmetic3A = arith.constant 1 : i32
        %shift_right_arithmetic3A_240 = arith.shrsi %scan3A_238, %shift_right_arithmetic3A : i32
        %shift_left3A = arith.constant 2 : i32
        %shift_left3A_241 = arith.shli %shift_right_arithmetic3A_240, %shift_left3A : i32
        %and3A_242 = arith.constant 1 : i32
        %and3A_243 = arith.andi %scan3A_238, %and3A_242 : i32
        %or3A = arith.ori %shift_left3A_241, %and3A_243 : i32
        %add3A_244 = arith.constant 2 : i32
        %add3A_245 = arith.addi %or3A, %add3A_244 : i32
        %mul3A_246 = arith.constant 16 : i32
        %mul3A_247 = arith.muli %or3A, %mul3A_246 : i32
        %get3A = arith.index_cast %mul3A_247 : i32 to index
        %get3A_248 = tpu.vector_load %arg27[%get3A] {strides = array<i32>} : memref<512xi32, #tpu.memory_space<vmem>>, vector<16xi32>,
        %mul3A_249 = arith.constant 16 : i32
        %mul3A_250 = arith.muli %add3A_245, %mul3A_249 : i32
        %get3A_251 = arith.index_cast %mul3A_250 : i32 to index
        %get3A_252 = tpu.vector_load %arg27[%get3A_251] {strides = array<i32>} : memref<512xi32, #tpu.memory_space<vmem>>, vector<16xi32>,
        %rev3A = arith.constant 15 : i32
        %rev3A_253 = vector.broadcast %rev3A : i32 to vector<16xi32>
        %rev3A_254 = tpu.iota {dimensions = array<i32: 0>} : vector<16xi32>
        %rev3A_255 = arith.subi %rev3A_253, %rev3A_254 : vector<16xi32>
        %rev3A_256 = tpu.dynamic_gather %get3A_252[%rev3A_255] in [0] : vector<16xi32>, vector<16xi32> -> vector<16xi32>
        %max3A = arith.maxsi %get3A_248, %rev3A_256 : vector<16xi32>
        %min3A_257 = arith.minsi %get3A_248, %rev3A_256 : vector<16xi32>
        %masked_sort3A_258 = arith.constant dense<true> : vector<16xi1>
        %masked_sort3A_259 = arith.constant -2147483648 : i32
        %masked_sort3A_260 = vector.broadcast %masked_sort3A_259 : i32 to vector<16xi32>
        %masked_sort3A_261 = arith.xori %max3A, %masked_sort3A_260 : vector<16xi32>
        %masked_sort3A_262, %masked_sort3A_263, %masked_sort3A_264 = tpu.sort %masked_sort3A_261, %max3A masked %masked_sort3A_258 {descending = true} : (vector<16xi32>, vector<16xi32>, vector<16xi1>) -> (vector<16xi1>, vector<16xi32>, vector<16xi32>)
        %masked_sort3A_265 = arith.xori %masked_sort3A_263, %masked_sort3A_260 : vector<16xi32>
        %masked_sort3A_266 = arith.constant dense<true> : vector<16xi1>
        %masked_sort3A_267 = arith.constant -2147483648 : i32
        %masked_sort3A_268 = vector.broadcast %masked_sort3A_267 : i32 to vector<16xi32>
        %masked_sort3A_269 = arith.xori %min3A_257, %masked_sort3A_268 : vector<16xi32>
        %masked_sort3A_270, %masked_sort3A_271, %masked_sort3A_272 = tpu.sort %masked_sort3A_269, %min3A_257 masked %masked_sort3A_266 {descending = true} : (vector<16xi32>, vector<16xi32>, vector<16xi1>) -> (vector<16xi1>, vector<16xi32>, vector<16xi32>)
        %masked_sort3A_273 = arith.xori %masked_sort3A_271, %masked_sort3A_268 : vector<16xi32>
        %and3A_274 = arith.constant 32 : i32
        %and3A_275 = arith.andi %or3A, %and3A_274 : i32
        %eq3A_276 = arith.constant 0 : i32
        %eq3A_277 = arith.cmpi eq, %and3A_275, %eq3A_276 : i32
        %select_n3A_278 = arith.select %eq3A_277, %masked_sort3A_265, %masked_sort3A_273 : vector<16xi32>
        %mul3A_279 = arith.constant 16 : i32
        %mul3A_280 = arith.muli %or3A, %mul3A_279 : i32
        %swap3A = arith.index_cast %mul3A_280 : i32 to index
        %swap3A_281 = tpu.vector_load %arg27[%swap3A] {strides = array<i32>} : memref<512xi32, #tpu.memory_space<vmem>>, vector<16xi32>,
        tpu.vector_store %arg27[%swap3A], %select_n3A_278 {strides = array<i32>} : memref<512xi32, #tpu.memory_space<vmem>>, vector<16xi32>,
        %select_n3A_282 = arith.select %eq3A_277, %masked_sort3A_273, %masked_sort3A_265 : vector<16xi32>
        %mul3A_283 = arith.constant 16 : i32
        %mul3A_284 = arith.muli %add3A_245, %mul3A_283 : i32
        %swap3A_285 = arith.index_cast %mul3A_284 : i32 to index
        %swap3A_286 = tpu.vector_load %arg27[%swap3A_285] {strides = array<i32>} : memref<512xi32, #tpu.memory_space<vmem>>, vector<16xi32>,
        tpu.vector_store %arg27[%swap3A_285], %select_n3A_282 {strides = array<i32>} : memref<512xi32, #tpu.memory_space<vmem>>, vector<16xi32>,
        %scan3A_287 = arith.constant 0 : i32
        scf.yield %scan3A_287 : i32
      }
      %scan3A_202 = arith.constant 16 : i32
      %scan3A_203 = arith.constant 0 : i32
      %scan3A_204 = arith.constant 0 : i32
      %scan3A_205 = arith.constant 16 : i32
      %scan3A_206 = arith.addi %scan3A_204, %scan3A_205 : i32
      %scan3A_207 = arith.constant 1 : i32
      %scan3A_208 = scf.for %scan3A_238 = %scan3A_204 to %scan3A_206 step %scan3A_207 iter_args(%scan3A_239 = %scan3A_203) -> (i32)  : i32 {
        %shift_right_arithmetic3A = arith.constant 0 : i32
        %shift_right_arithmetic3A_240 = arith.shrsi %scan3A_238, %shift_right_arithmetic3A : i32
        %shift_left3A = arith.constant 1 : i32
        %shift_left3A_241 = arith.shli %shift_right_arithmetic3A_240, %shift_left3A : i32
        %and3A_242 = arith.constant 0 : i32
        %and3A_243 = arith.andi %scan3A_238, %and3A_242 : i32
        %or3A = arith.ori %shift_left3A_241, %and3A_243 : i32
        %add3A_244 = arith.constant 1 : i32
        %add3A_245 = arith.addi %or3A, %add3A_244 : i32
        %mul3A_246 = arith.constant 16 : i32
        %mul3A_247 = arith.muli %or3A, %mul3A_246 : i32
        %get3A = arith.index_cast %mul3A_247 : i32 to index
        %get3A_248 = tpu.vector_load %arg27[%get3A] {strides = array<i32>} : memref<512xi32, #tpu.memory_space<vmem>>, vector<16xi32>,
        %mul3A_249 = arith.constant 16 : i32
        %mul3A_250 = arith.muli %add3A_245, %mul3A_249 : i32
        %get3A_251 = arith.index_cast %mul3A_250 : i32 to index
        %get3A_252 = tpu.vector_load %arg27[%get3A_251] {strides = array<i32>} : memref<512xi32, #tpu.memory_space<vmem>>, vector<16xi32>,
        %rev3A = arith.constant 15 : i32
        %rev3A_253 = vector.broadcast %rev3A : i32 to vector<16xi32>
        %rev3A_254 = tpu.iota {dimensions = array<i32: 0>} : vector<16xi32>
        %rev3A_255 = arith.subi %rev3A_253, %rev3A_254 : vector<16xi32>
        %rev3A_256 = tpu.dynamic_gather %get3A_252[%rev3A_255] in [0] : vector<16xi32>, vector<16xi32> -> vector<16xi32>
        %max3A = arith.maxsi %get3A_248, %rev3A_256 : vector<16xi32>
        %min3A_257 = arith.minsi %get3A_248, %rev3A_256 : vector<16xi32>
        %masked_sort3A_258 = arith.constant dense<true> : vector<16xi1>
        %masked_sort3A_259 = arith.constant -2147483648 : i32
        %masked_sort3A_260 = vector.broadcast %masked_sort3A_259 : i32 to vector<16xi32>
        %masked_sort3A_261 = arith.xori %max3A, %masked_sort3A_260 : vector<16xi32>
        %masked_sort3A_262, %masked_sort3A_263, %masked_sort3A_264 = tpu.sort %masked_sort3A_261, %max3A masked %masked_sort3A_258 {descending = true} : (vector<16xi32>, vector<16xi32>, vector<16xi1>) -> (vector<16xi1>, vector<16xi32>, vector<16xi32>)
        %masked_sort3A_265 = arith.xori %masked_sort3A_263, %masked_sort3A_260 : vector<16xi32>
        %masked_sort3A_266 = arith.constant dense<true> : vector<16xi1>
        %masked_sort3A_267 = arith.constant -2147483648 : i32
        %masked_sort3A_268 = vector.broadcast %masked_sort3A_267 : i32 to vector<16xi32>
        %masked_sort3A_269 = arith.xori %min3A_257, %masked_sort3A_268 : vector<16xi32>
        %masked_sort3A_270, %masked_sort3A_271, %masked_sort3A_272 = tpu.sort %masked_sort3A_269, %min3A_257 masked %masked_sort3A_266 {descending = true} : (vector<16xi32>, vector<16xi32>, vector<16xi1>) -> (vector<16xi1>, vector<16xi32>, vector<16xi32>)
        %masked_sort3A_273 = arith.xori %masked_sort3A_271, %masked_sort3A_268 : vector<16xi32>
        %and3A_274 = arith.constant 32 : i32
        %and3A_275 = arith.andi %or3A, %and3A_274 : i32
        %eq3A_276 = arith.constant 0 : i32
        %eq3A_277 = arith.cmpi eq, %and3A_275, %eq3A_276 : i32
        %select_n3A_278 = arith.select %eq3A_277, %masked_sort3A_265, %masked_sort3A_273 : vector<16xi32>
        %mul3A_279 = arith.constant 16 : i32
        %mul3A_280 = arith.muli %or3A, %mul3A_279 : i32
        %swap3A = arith.index_cast %mul3A_280 : i32 to index
        %swap3A_281 = tpu.vector_load %arg27[%swap3A] {strides = array<i32>} : memref<512xi32, #tpu.memory_space<vmem>>, vector<16xi32>,
        tpu.vector_store %arg27[%swap3A], %select_n3A_278 {strides = array<i32>} : memref<512xi32, #tpu.memory_space<vmem>>, vector<16xi32>,
        %select_n3A_282 = arith.select %eq3A_277, %masked_sort3A_273, %masked_sort3A_265 : vector<16xi32>
        %mul3A_283 = arith.constant 16 : i32
        %mul3A_284 = arith.muli %add3A_245, %mul3A_283 : i32
        %swap3A_285 = arith.index_cast %mul3A_284 : i32 to index
        %swap3A_286 = tpu.vector_load %arg27[%swap3A_285] {strides = array<i32>} : memref<512xi32, #tpu.memory_space<vmem>>, vector<16xi32>,
        tpu.vector_store %arg27[%swap3A_285], %select_n3A_282 {strides = array<i32>} : memref<512xi32, #tpu.memory_space<vmem>>, vector<16xi32>,
        %scan3A_287 = arith.constant 0 : i32
        scf.yield %scan3A_287 : i32
      }
      %scan3A_209 = arith.constant 16 : i32
      %scan3A_210 = arith.constant 0 : i32
      %scan3A_211 = arith.constant 0 : i32
      %scan3A_212 = arith.constant 32 : i32
      %scan3A_213 = arith.addi %scan3A_211, %scan3A_212 : i32
      %scan3A_214 = arith.constant 1 : i32
      %scan3A_215 = scf.for %scan3A_238 = %scan3A_211 to %scan3A_213 step %scan3A_214 iter_args(%scan3A_239 = %scan3A_210) -> (i32)  : i32 {
        %mul3A_240 = arith.constant 16 : i32
        %mul3A_241 = arith.muli %scan3A_238, %mul3A_240 : i32
        %get3A = arith.index_cast %mul3A_241 : i32 to index
        %get3A_242 = tpu.vector_load %arg27[%get3A] {strides = array<i32>} : memref<512xi32, #tpu.memory_space<vmem>>, vector<16xi32>,
        %gt3A = arith.constant 0 : i32
        %gt3A_243 = vector.broadcast %gt3A : i32 to vector<16xi32>
        %gt3A_244 = arith.cmpi sgt, %get3A_242, %gt3A_243 : vector<16xi32>
        %sub3A_245 = arith.constant 1 : i32
        %sub3A_246 = vector.broadcast %sub3A_245 : i32 to vector<16xi32>
        %sub3A_247 = arith.subi %get3A_242, %sub3A_246 : vector<16xi32>
        %and3A_248 = arith.constant 511 : i32
        %and3A_249 = vector.broadcast %and3A_248 : i32 to vector<16xi32>
        %and3A_250 = arith.andi %sub3A_247, %and3A_249 : vector<16xi32>
        %sub3A_251 = arith.constant 511 : i32
        %sub3A_252 = vector.broadcast %sub3A_251 : i32 to vector<16xi32>
        %sub3A_253 = arith.subi %sub3A_252, %and3A_250 : vector<16xi32>
        %jit3A_254 = arith.constant 0 : i32
        %broadcast_in_dim3A_255 = vector.broadcast %jit3A_254 : i32 to vector<16xi32>
        %select_n3A_256 = arith.select %gt3A_244, %sub3A_253, %broadcast_in_dim3A_255 : vector<16xi1>, vector<16xi32>
        %gather3A = tpu.vector_load_idx %arg25[%select_n3A_256] : memref<1040xf32, #tpu.memory_space<vmem>>[vector<16xi32>], vector<16xf32>,
        %swap3A = arith.index_cast %mul3A_241 : i32 to index
        %swap3A_257 = tpu.vector_load %arg28[%swap3A] {strides = array<i32>} : memref<512xf32, #tpu.memory_space<vmem>>, vector<16xf32>,
        tpu.vector_store %arg28[%swap3A], %gather3A {strides = array<i32>} : memref<512xf32, #tpu.memory_space<vmem>>, vector<16xf32>,
        %gather3A_258 = tpu.vector_load_idx %arg26[%select_n3A_256] : memref<1040xi32, #tpu.memory_space<vmem>>[vector<16xi32>], vector<16xi32>,
        %max3A = arith.constant 0 : i32
        %max3A_259 = vector.broadcast %max3A : i32 to vector<16xi32>
        %max3A_260 = arith.maxsi %gather3A_258, %max3A_259 : vector<16xi32>
        %min3A_261 = arith.constant 19999 : i32
        %min3A_262 = vector.broadcast %min3A_261 : i32 to vector<16xi32>
        %min3A_263 = arith.minsi %max3A_260, %min3A_262 : vector<16xi32>
        %swap3A_264 = arith.index_cast %mul3A_241 : i32 to index
        %swap3A_265 = tpu.vector_load %arg29[%swap3A_264] {strides = array<i32>} : memref<512xi32, #tpu.memory_space<vmem>>, vector<16xi32>,
        tpu.vector_store %arg29[%swap3A_264], %min3A_263 {strides = array<i32>} : memref<512xi32, #tpu.memory_space<vmem>>, vector<16xi32>,
        %gather3A_266 = tpu.vector_load_idx %arg13[%min3A_263] : memref<20000xf32, #tpu.memory_space<vmem>>[vector<16xi32>], vector<16xf32>,
        %gather3A_267 = tpu.vector_load_idx %arg14[%min3A_263] : memref<20000xf32, #tpu.memory_space<vmem>>[vector<16xi32>], vector<16xf32>,
        %gather3A_268 = tpu.vector_load_idx %arg15[%min3A_263] : memref<20000xf32, #tpu.memory_space<vmem>>[vector<16xi32>], vector<16xf32>,
        %gather3A_269 = tpu.vector_load_idx %arg16[%min3A_263] : memref<20000xf32, #tpu.memory_space<vmem>>[vector<16xi32>], vector<16xf32>,
        %swap3A_270 = arith.index_cast %mul3A_241 : i32 to index
        %swap3A_271 = tpu.vector_load %arg30[%swap3A_270] {strides = array<i32>} : memref<512xf32, #tpu.memory_space<vmem>>, vector<16xf32>,
        tpu.vector_store %arg30[%swap3A_270], %gather3A_266 {strides = array<i32>} : memref<512xf32, #tpu.memory_space<vmem>>, vector<16xf32>,
        %swap3A_272 = arith.index_cast %mul3A_241 : i32 to index
        %swap3A_273 = tpu.vector_load %arg31[%swap3A_272] {strides = array<i32>} : memref<512xf32, #tpu.memory_space<vmem>>, vector<16xf32>,
        tpu.vector_store %arg31[%swap3A_272], %gather3A_267 {strides = array<i32>} : memref<512xf32, #tpu.memory_space<vmem>>, vector<16xf32>,
        %swap3A_274 = arith.index_cast %mul3A_241 : i32 to index
        %swap3A_275 = tpu.vector_load %arg32[%swap3A_274] {strides = array<i32>} : memref<512xf32, #tpu.memory_space<vmem>>, vector<16xf32>,
        tpu.vector_store %arg32[%swap3A_274], %gather3A_268 {strides = array<i32>} : memref<512xf32, #tpu.memory_space<vmem>>, vector<16xf32>,
        %swap3A_276 = arith.index_cast %mul3A_241 : i32 to index
        %swap3A_277 = tpu.vector_load %arg33[%swap3A_276] {strides = array<i32>} : memref<512xf32, #tpu.memory_space<vmem>>, vector<16xf32>,
        tpu.vector_store %arg33[%swap3A_276], %gather3A_269 {strides = array<i32>} : memref<512xf32, #tpu.memory_space<vmem>>, vector<16xf32>,
        %sub3A_278 = arith.subf %gather3A_268, %gather3A_266 : vector<16xf32>
        %sub3A_279 = arith.subf %gather3A_269, %gather3A_267 : vector<16xf32>
        %mul3A_280 = arith.mulf %sub3A_278, %sub3A_279 : vector<16xf32>
        %swap3A_281 = arith.index_cast %mul3A_241 : i32 to index
        %swap3A_282 = tpu.vector_load %arg34[%swap3A_281] {strides = array<i32>} : memref<512xf32, #tpu.memory_space<vmem>>, vector<16xf32>,
        tpu.vector_store %arg34[%swap3A_281], %mul3A_280 {strides = array<i32>} : memref<512xf32, #tpu.memory_space<vmem>>, vector<16xf32>,
        %broadcast_in_dim3A_283 = arith.constant 0.000000e+00 : f32
        %broadcast_in_dim3A_284 = vector.broadcast %broadcast_in_dim3A_283 : f32 to vector<16xf32>
        %swap3A_285 = arith.index_cast %mul3A_241 : i32 to index
        %swap3A_286 = tpu.vector_load %arg35[%swap3A_285] {strides = array<i32>} : memref<512xf32, #tpu.memory_space<vmem>>, vector<16xf32>,
        tpu.vector_store %arg35[%swap3A_285], %broadcast_in_dim3A_284 {strides = array<i32>} : memref<512xf32, #tpu.memory_space<vmem>>, vector<16xf32>,
        %scan3A_287 = arith.constant 0 : i32
        scf.yield %scan3A_287 : i32
      }
      %scan3A_216 = arith.constant 32 : i32
      %scan3A_217 = arith.constant 0 : i32
      %scan3A_218 = arith.constant 0 : i32
      %scan3A_219 = arith.constant 63 : i32
      %scan3A_220 = arith.addi %scan3A_218, %scan3A_219 : i32
      %scan3A_221 = arith.constant 1 : i32
      %scan3A_222 = scf.for %scan3A_238 = %scan3A_218 to %scan3A_220 step %scan3A_221 iter_args(%scan3A_239 = %scan3A_217) -> (i32)  : i32 {
        %broadcast_in_dim3A_240 = arith.constant 0.000000e+00 : f32
        %broadcast_in_dim3A_241 = vector.broadcast %broadcast_in_dim3A_240 : f32 to vector<16xf32>
        %mul3A_242 = arith.constant 16 : i32
        %mul3A_243 = arith.muli %scan3A_238, %mul3A_242 : i32
        %swap3A = arith.index_cast %mul3A_243 : i32 to index
        %swap3A_244 = tpu.vector_load %arg36[%swap3A] {strides = array<i32>} : memref<1008xf32, #tpu.memory_space<vmem>>, vector<16xf32>,
        tpu.vector_store %arg36[%swap3A], %broadcast_in_dim3A_241 {strides = array<i32>} : memref<1008xf32, #tpu.memory_space<vmem>>, vector<16xf32>,
        %scan3A_245 = arith.constant 0 : i32
        scf.yield %scan3A_245 : i32
      }
      %scan3A_223 = arith.constant 63 : i32
      %min3A_224 = arith.constant 400 : i32
      %min3A_225 = arith.minsi %min3A_91, %min3A_224 : i32
      %while3A_226 = arith.constant 0 : i32
      %while3A_227 = arith.constant 0 : i32
      %while3A_228 = arith.constant 64 : i32
      %while3A_229:4 = scf.while (%while3A_238 = %while3A_226, %while3A_239 = %while3A_227, %while3A_240 = %min3A_225, %while3A_241 = %while3A_228) : (i32, i32, i32, i32) -> (i32, i32, i32, i32) {
        %lt3A_242 = arith.cmpi slt, %while3A_238, %while3A_240 : i32
        %lt3A_243 = arith.constant 200 : i32
        %lt3A_244 = arith.cmpi slt, %while3A_239, %lt3A_243 : i32
        %and3A_245 = arith.andi %lt3A_242, %lt3A_244 : i1
        scf.condition(%and3A_245) %while3A_238, %while3A_239, %while3A_240, %while3A_241 : i32, i32, i32, i32
      } do {
      ^bb0(%while3A_238: i32, %while3A_239: i32, %while3A_240: i32, %while3A_241: i32):
        %ge3A_242 = arith.cmpi sge, %while3A_238, %while3A_241 : i32
        %sub3A_243 = arith.subi %while3A_240, %while3A_238 : i32
        %gt3A = arith.constant 48 : i32
        %gt3A_244 = arith.cmpi sgt, %sub3A_243, %gt3A : i32
        %and3A_245 = arith.andi %ge3A_242, %gt3A_244 : i1
        %convert_element_type3A_246 = arith.extui %and3A_245 : i1 to i32
        %cond3A_247 = arith.constant 0 : i32
        %cond3A_248 = arith.cmpi ne, %convert_element_type3A_246, %cond3A_247 : i32
        %cond3A_249:2 = scf.if %cond3A_248 -> (i32, i32) {
          %add3A_262 = arith.constant 16 : i32
          %add3A_263 = arith.addi %while3A_238, %add3A_262 : i32
          %jit3A_264 = arith.constant 16 : i32
          %div3A_265 = arith.divsi %add3A_263, %jit3A_264 : i32
          %sign3A_266 = arith.constant 0 : i32
          %sign3A_267 = arith.cmpi sgt, %add3A_263, %sign3A_266 : i32
          %sign3A_268 = arith.extui %sign3A_267 : i1 to i32
          %sign3A_269 = arith.constant 0 : i32
          %sign3A_270 = arith.cmpi slt, %add3A_263, %sign3A_269 : i32
          %sign3A_271 = arith.extui %sign3A_270 : i1 to i32
          %sign3A_272 = arith.subi %sign3A_268, %sign3A_271 : i32
          %sign3A_273 = arith.constant 0 : i32
          %sign3A_274 = arith.cmpi sgt, %jit3A_264, %sign3A_273 : i32
          %sign3A_275 = arith.extui %sign3A_274 : i1 to i32
          %sign3A_276 = arith.constant 0 : i32
          %sign3A_277 = arith.cmpi slt, %jit3A_264, %sign3A_276 : i32
          %sign3A_278 = arith.extui %sign3A_277 : i1 to i32
          %sign3A_279 = arith.subi %sign3A_275, %sign3A_278 : i32
          %ne3A_280 = arith.cmpi ne, %sign3A_272, %sign3A_279 : i32
          %rem3A_281 = arith.remsi %add3A_263, %jit3A_264 : i32
          %ne3A_282 = arith.constant 0 : i32
          %ne3A_283 = arith.cmpi ne, %rem3A_281, %ne3A_282 : i32
          %and3A_284 = arith.andi %ne3A_280, %ne3A_283 : i1
          %sub3A_285 = arith.constant 1 : i32
          %sub3A_286 = arith.subi %div3A_265, %sub3A_285 : i32
          %select_n3A_287 = arith.select %and3A_284, %sub3A_286, %div3A_265 : i32
          %mul3A_288 = arith.constant 16 : i32
          %mul3A_289 = arith.muli %select_n3A_287, %mul3A_288 : i32
          %add3A_290 = arith.constant 15 : i32
          %add3A_291 = arith.addi %while3A_240, %add3A_290 : i32
          %jit3A_292 = arith.constant 16 : i32
          %div3A_293 = arith.divsi %add3A_291, %jit3A_292 : i32
          %sign3A_294 = arith.constant 0 : i32
          %sign3A_295 = arith.cmpi sgt, %add3A_291, %sign3A_294 : i32
          %sign3A_296 = arith.extui %sign3A_295 : i1 to i32
          %sign3A_297 = arith.constant 0 : i32
          %sign3A_298 = arith.cmpi slt, %add3A_291, %sign3A_297 : i32
          %sign3A_299 = arith.extui %sign3A_298 : i1 to i32
          %sign3A_300 = arith.subi %sign3A_296, %sign3A_299 : i32
          %sign3A_301 = arith.constant 0 : i32
          %sign3A_302 = arith.cmpi sgt, %jit3A_292, %sign3A_301 : i32
          %sign3A_303 = arith.extui %sign3A_302 : i1 to i32
          %sign3A_304 = arith.constant 0 : i32
          %sign3A_305 = arith.cmpi slt, %jit3A_292, %sign3A_304 : i32
          %sign3A_306 = arith.extui %sign3A_305 : i1 to i32
          %sign3A_307 = arith.subi %sign3A_303, %sign3A_306 : i32
          %ne3A_308 = arith.cmpi ne, %sign3A_300, %sign3A_307 : i32
          %rem3A_309 = arith.remsi %add3A_291, %jit3A_292 : i32
          %ne3A_310 = arith.constant 0 : i32
          %ne3A_311 = arith.cmpi ne, %rem3A_309, %ne3A_310 : i32
          %and3A_312 = arith.andi %ne3A_308, %ne3A_311 : i1
          %sub3A_313 = arith.constant 1 : i32
          %sub3A_314 = arith.subi %div3A_293, %sub3A_313 : i32
          %select_n3A_315 = arith.select %and3A_312, %sub3A_314, %div3A_293 : i32
          %while3A_316 = arith.subi %select_n3A_315, %select_n3A_287 : i32
          %while3A_317 = arith.addi %select_n3A_287, %while3A_316 : i32
          %while3A_318 = arith.constant 1 : i32
          %while3A_319 = arith.divsi %while3A_316, %while3A_318 : i32
          %while3A_320 = arith.muli %while3A_319, %while3A_318 : i32
          %while3A_321 = arith.addi %select_n3A_287, %while3A_320 : i32
          %while3A_322 = arith.constant 1 : i32
          %while3A_323 = scf.for %while3A_365 = %select_n3A_287 to %while3A_321 step %while3A_322 iter_args(%while3A_366 = %mul3A_289) -> (i32)  : i32 {
            %mul3A_367 = arith.constant 16 : i32
            %mul3A_368 = arith.muli %while3A_365, %mul3A_367 : i32
            %mul3A_369 = arith.constant 16 : i32
            %mul3A_370 = arith.muli %while3A_365, %mul3A_369 : i32
            %add3A_371 = vector.broadcast %mul3A_370 : i32 to vector<16xi32>
            %add3A_372 = arith.addi %iota3A, %add3A_371 : vector<16xi32>
            %get3A = arith.index_cast %mul3A_368 : i32 to index
            %get3A_373 = tpu.vector_load %arg35[%get3A] {strides = array<i32>} : memref<512xf32, #tpu.memory_space<vmem>>, vector<16xf32>,
            %eq3A_374 = arith.constant 0.000000e+00 : f32
            %eq3A_375 = vector.broadcast %eq3A_374 : f32 to vector<16xf32>
            %eq3A_376 = arith.cmpf oeq, %get3A_373, %eq3A_375 : vector<16xf32>
            %lt3A_377 = vector.broadcast %while3A_240 : i32 to vector<16xi32>
            %lt3A_378 = arith.cmpi slt, %add3A_372, %lt3A_377 : vector<16xi32>
            %and3A_379 = arith.andi %eq3A_376, %lt3A_378 : vector<16xi1>
            %get3A_380 = arith.index_cast %mul3A_368 : i32 to index
            %get3A_381 = tpu.vector_load %arg28[%get3A_380] {strides = array<i32>} : memref<512xf32, #tpu.memory_space<vmem>>, vector<16xf32>,
            %get3A_382 = arith.index_cast %mul3A_368 : i32 to index
            %get3A_383 = tpu.vector_load %arg30[%get3A_382] {strides = array<i32>} : memref<512xf32, #tpu.memory_space<vmem>>, vector<16xf32>,
            %get3A_384 = arith.index_cast %mul3A_368 : i32 to index
            %get3A_385 = tpu.vector_load %arg31[%get3A_384] {strides = array<i32>} : memref<512xf32, #tpu.memory_space<vmem>>, vector<16xf32>,
            %get3A_386 = arith.index_cast %mul3A_368 : i32 to index
            %get3A_387 = tpu.vector_load %arg32[%get3A_386] {strides = array<i32>} : memref<512xf32, #tpu.memory_space<vmem>>, vector<16xf32>,
            %get3A_388 = arith.index_cast %mul3A_368 : i32 to index
            %get3A_389 = tpu.vector_load %arg33[%get3A_388] {strides = array<i32>} : memref<512xf32, #tpu.memory_space<vmem>>, vector<16xf32>,
            %get3A_390 = arith.index_cast %mul3A_368 : i32 to index
            %get3A_391 = tpu.vector_load %arg34[%get3A_390] {strides = array<i32>} : memref<512xf32, #tpu.memory_space<vmem>>, vector<16xf32>,
            %swap3A = arith.index_cast %while3A_366 : i32 to index
            %swap3A_392 = tpu.vector_load %arg28[%swap3A] masked %and3A_379 {strides = array<i32>} : memref<512xf32, #tpu.memory_space<vmem>>, vector<16xf32>, vector<16xi1>
            tpu.vector_store %arg28[%swap3A], %get3A_381 masked %and3A_379 {strides = array<i32>} : memref<512xf32, #tpu.memory_space<vmem>>, vector<16xf32>, vector<16xi1>
            %swap3A_393 = arith.index_cast %while3A_366 : i32 to index
            %swap3A_394 = tpu.vector_load %arg30[%swap3A_393] masked %and3A_379 {strides = array<i32>} : memref<512xf32, #tpu.memory_space<vmem>>, vector<16xf32>, vector<16xi1>
            tpu.vector_store %arg30[%swap3A_393], %get3A_383 masked %and3A_379 {strides = array<i32>} : memref<512xf32, #tpu.memory_space<vmem>>, vector<16xf32>, vector<16xi1>
            %swap3A_395 = arith.index_cast %while3A_366 : i32 to index
            %swap3A_396 = tpu.vector_load %arg31[%swap3A_395] masked %and3A_379 {strides = array<i32>} : memref<512xf32, #tpu.memory_space<vmem>>, vector<16xf32>, vector<16xi1>
            tpu.vector_store %arg31[%swap3A_395], %get3A_385 masked %and3A_379 {strides = array<i32>} : memref<512xf32, #tpu.memory_space<vmem>>, vector<16xf32>, vector<16xi1>
            %swap3A_397 = arith.index_cast %while3A_366 : i32 to index
            %swap3A_398 = tpu.vector_load %arg32[%swap3A_397] masked %and3A_379 {strides = array<i32>} : memref<512xf32, #tpu.memory_space<vmem>>, vector<16xf32>, vector<16xi1>
            tpu.vector_store %arg32[%swap3A_397], %get3A_387 masked %and3A_379 {strides = array<i32>} : memref<512xf32, #tpu.memory_space<vmem>>, vector<16xf32>, vector<16xi1>
            %swap3A_399 = arith.index_cast %while3A_366 : i32 to index
            %swap3A_400 = tpu.vector_load %arg33[%swap3A_399] masked %and3A_379 {strides = array<i32>} : memref<512xf32, #tpu.memory_space<vmem>>, vector<16xf32>, vector<16xi1>
            tpu.vector_store %arg33[%swap3A_399], %get3A_389 masked %and3A_379 {strides = array<i32>} : memref<512xf32, #tpu.memory_space<vmem>>, vector<16xf32>, vector<16xi1>
            %swap3A_401 = arith.index_cast %while3A_366 : i32 to index
            %swap3A_402 = tpu.vector_load %arg34[%swap3A_401] masked %and3A_379 {strides = array<i32>} : memref<512xf32, #tpu.memory_space<vmem>>, vector<16xf32>, vector<16xi1>
            tpu.vector_store %arg34[%swap3A_401], %get3A_391 masked %and3A_379 {strides = array<i32>} : memref<512xf32, #tpu.memory_space<vmem>>, vector<16xf32>, vector<16xi1>
            %all_reduce_population_count3A = tpu.all_reduce %and3A_379 {dim = 0 : i64, kind = #tpu.reduction_kind<sum>} : vector<16xi1> -> vector<16xi32>
            %slice3A_403 = vector.extract_strided_slice %all_reduce_population_count3A {offsets = [0], sizes = [1], strides = [1]} : vector<16xi32> to vector<1xi32>
            %squeeze3A_404 = vector.extract %slice3A_403[0] : i32 from vector<1xi32>
            %add3A_405 = arith.addi %while3A_366, %squeeze3A_404 : i32
            scf.yield %add3A_405 : i32
          }
          %while3A_324 = arith.constant 1 : i32
          %while3A_325 = scf.for %while3A_365 = %while3A_321 to %while3A_317 step %while3A_324 iter_args(%while3A_366 = %while3A_323) -> (i32)  : i32 {
            %mul3A_367 = arith.constant 16 : i32
            %mul3A_368 = arith.muli %while3A_365, %mul3A_367 : i32
            %mul3A_369 = arith.constant 16 : i32
            %mul3A_370 = arith.muli %while3A_365, %mul3A_369 : i32
            %add3A_371 = vector.broadcast %mul3A_370 : i32 to vector<16xi32>
            %add3A_372 = arith.addi %iota3A, %add3A_371 : vector<16xi32>
            %get3A = arith.index_cast %mul3A_368 : i32 to index
            %get3A_373 = tpu.vector_load %arg35[%get3A] {strides = array<i32>} : memref<512xf32, #tpu.memory_space<vmem>>, vector<16xf32>,
            %eq3A_374 = arith.constant 0.000000e+00 : f32
            %eq3A_375 = vector.broadcast %eq3A_374 : f32 to vector<16xf32>
            %eq3A_376 = arith.cmpf oeq, %get3A_373, %eq3A_375 : vector<16xf32>
            %lt3A_377 = vector.broadcast %while3A_240 : i32 to vector<16xi32>
            %lt3A_378 = arith.cmpi slt, %add3A_372, %lt3A_377 : vector<16xi32>
            %and3A_379 = arith.andi %eq3A_376, %lt3A_378 : vector<16xi1>
            %get3A_380 = arith.index_cast %mul3A_368 : i32 to index
            %get3A_381 = tpu.vector_load %arg28[%get3A_380] {strides = array<i32>} : memref<512xf32, #tpu.memory_space<vmem>>, vector<16xf32>,
            %get3A_382 = arith.index_cast %mul3A_368 : i32 to index
            %get3A_383 = tpu.vector_load %arg30[%get3A_382] {strides = array<i32>} : memref<512xf32, #tpu.memory_space<vmem>>, vector<16xf32>,
            %get3A_384 = arith.index_cast %mul3A_368 : i32 to index
            %get3A_385 = tpu.vector_load %arg31[%get3A_384] {strides = array<i32>} : memref<512xf32, #tpu.memory_space<vmem>>, vector<16xf32>,
            %get3A_386 = arith.index_cast %mul3A_368 : i32 to index
            %get3A_387 = tpu.vector_load %arg32[%get3A_386] {strides = array<i32>} : memref<512xf32, #tpu.memory_space<vmem>>, vector<16xf32>,
            %get3A_388 = arith.index_cast %mul3A_368 : i32 to index
            %get3A_389 = tpu.vector_load %arg33[%get3A_388] {strides = array<i32>} : memref<512xf32, #tpu.memory_space<vmem>>, vector<16xf32>,
            %get3A_390 = arith.index_cast %mul3A_368 : i32 to index
            %get3A_391 = tpu.vector_load %arg34[%get3A_390] {strides = array<i32>} : memref<512xf32, #tpu.memory_space<vmem>>, vector<16xf32>,
            %swap3A = arith.index_cast %while3A_366 : i32 to index
            %swap3A_392 = tpu.vector_load %arg28[%swap3A] masked %and3A_379 {strides = array<i32>} : memref<512xf32, #tpu.memory_space<vmem>>, vector<16xf32>, vector<16xi1>
            tpu.vector_store %arg28[%swap3A], %get3A_381 masked %and3A_379 {strides = array<i32>} : memref<512xf32, #tpu.memory_space<vmem>>, vector<16xf32>, vector<16xi1>
            %swap3A_393 = arith.index_cast %while3A_366 : i32 to index
            %swap3A_394 = tpu.vector_load %arg30[%swap3A_393] masked %and3A_379 {strides = array<i32>} : memref<512xf32, #tpu.memory_space<vmem>>, vector<16xf32>, vector<16xi1>
            tpu.vector_store %arg30[%swap3A_393], %get3A_383 masked %and3A_379 {strides = array<i32>} : memref<512xf32, #tpu.memory_space<vmem>>, vector<16xf32>, vector<16xi1>
            %swap3A_395 = arith.index_cast %while3A_366 : i32 to index
            %swap3A_396 = tpu.vector_load %arg31[%swap3A_395] masked %and3A_379 {strides = array<i32>} : memref<512xf32, #tpu.memory_space<vmem>>, vector<16xf32>, vector<16xi1>
            tpu.vector_store %arg31[%swap3A_395], %get3A_385 masked %and3A_379 {strides = array<i32>} : memref<512xf32, #tpu.memory_space<vmem>>, vector<16xf32>, vector<16xi1>
            %swap3A_397 = arith.index_cast %while3A_366 : i32 to index
            %swap3A_398 = tpu.vector_load %arg32[%swap3A_397] masked %and3A_379 {strides = array<i32>} : memref<512xf32, #tpu.memory_space<vmem>>, vector<16xf32>, vector<16xi1>
            tpu.vector_store %arg32[%swap3A_397], %get3A_387 masked %and3A_379 {strides = array<i32>} : memref<512xf32, #tpu.memory_space<vmem>>, vector<16xf32>, vector<16xi1>
            %swap3A_399 = arith.index_cast %while3A_366 : i32 to index
            %swap3A_400 = tpu.vector_load %arg33[%swap3A_399] masked %and3A_379 {strides = array<i32>} : memref<512xf32, #tpu.memory_space<vmem>>, vector<16xf32>, vector<16xi1>
            tpu.vector_store %arg33[%swap3A_399], %get3A_389 masked %and3A_379 {strides = array<i32>} : memref<512xf32, #tpu.memory_space<vmem>>, vector<16xf32>, vector<16xi1>
            %swap3A_401 = arith.index_cast %while3A_366 : i32 to index
            %swap3A_402 = tpu.vector_load %arg34[%swap3A_401] masked %and3A_379 {strides = array<i32>} : memref<512xf32, #tpu.memory_space<vmem>>, vector<16xf32>, vector<16xi1>
            tpu.vector_store %arg34[%swap3A_401], %get3A_391 masked %and3A_379 {strides = array<i32>} : memref<512xf32, #tpu.memory_space<vmem>>, vector<16xf32>, vector<16xi1>
            %all_reduce_population_count3A = tpu.all_reduce %and3A_379 {dim = 0 : i64, kind = #tpu.reduction_kind<sum>} : vector<16xi1> -> vector<16xi32>
            %slice3A_403 = vector.extract_strided_slice %all_reduce_population_count3A {offsets = [0], sizes = [1], strides = [1]} : vector<16xi32> to vector<1xi32>
            %squeeze3A_404 = vector.extract %slice3A_403[0] : i32 from vector<1xi32>
            %add3A_405 = arith.addi %while3A_366, %squeeze3A_404 : i32
            scf.yield %add3A_405 : i32
          }
          %add3A_326 = arith.constant 15 : i32
          %add3A_327 = arith.addi %while3A_325, %add3A_326 : i32
          %jit3A_328 = arith.constant 16 : i32
          %div3A_329 = arith.divsi %add3A_327, %jit3A_328 : i32
          %sign3A_330 = arith.constant 0 : i32
          %sign3A_331 = arith.cmpi sgt, %add3A_327, %sign3A_330 : i32
          %sign3A_332 = arith.extui %sign3A_331 : i1 to i32
          %sign3A_333 = arith.constant 0 : i32
          %sign3A_334 = arith.cmpi slt, %add3A_327, %sign3A_333 : i32
          %sign3A_335 = arith.extui %sign3A_334 : i1 to i32
          %sign3A_336 = arith.subi %sign3A_332, %sign3A_335 : i32
          %sign3A_337 = arith.constant 0 : i32
          %sign3A_338 = arith.cmpi sgt, %jit3A_328, %sign3A_337 : i32
          %sign3A_339 = arith.extui %sign3A_338 : i1 to i32
          %sign3A_340 = arith.constant 0 : i32
          %sign3A_341 = arith.cmpi slt, %jit3A_328, %sign3A_340 : i32
          %sign3A_342 = arith.extui %sign3A_341 : i1 to i32
          %sign3A_343 = arith.subi %sign3A_339, %sign3A_342 : i32
          %ne3A_344 = arith.cmpi ne, %sign3A_336, %sign3A_343 : i32
          %rem3A_345 = arith.remsi %add3A_327, %jit3A_328 : i32
          %ne3A_346 = arith.constant 0 : i32
          %ne3A_347 = arith.cmpi ne, %rem3A_345, %ne3A_346 : i32
          %and3A_348 = arith.andi %ne3A_344, %ne3A_347 : i1
          %sub3A_349 = arith.constant 1 : i32
          %sub3A_350 = arith.subi %div3A_329, %sub3A_349 : i32
          %select_n3A_351 = arith.select %and3A_348, %sub3A_350, %div3A_329 : i32
          %while3A_352 = arith.constant 0 : i32
          %while3A_353 = arith.subi %select_n3A_351, %select_n3A_287 : i32
          %while3A_354 = arith.addi %select_n3A_287, %while3A_353 : i32
          %while3A_355 = arith.constant 1 : i32
          %while3A_356 = arith.divsi %while3A_353, %while3A_355 : i32
          %while3A_357 = arith.muli %while3A_356, %while3A_355 : i32
          %while3A_358 = arith.addi %select_n3A_287, %while3A_357 : i32
          %while3A_359 = arith.constant 1 : i32
          %while3A_360 = scf.for %while3A_365 = %select_n3A_287 to %while3A_358 step %while3A_359 iter_args(%while3A_366 = %while3A_352) -> (i32)  : i32 {
            %broadcast_in_dim3A_367 = arith.constant 0.000000e+00 : f32
            %broadcast_in_dim3A_368 = vector.broadcast %broadcast_in_dim3A_367 : f32 to vector<16xf32>
            %mul3A_369 = arith.constant 16 : i32
            %mul3A_370 = arith.muli %while3A_365, %mul3A_369 : i32
            %swap3A = arith.index_cast %mul3A_370 : i32 to index
            %swap3A_371 = tpu.vector_load %arg35[%swap3A] {strides = array<i32>} : memref<512xf32, #tpu.memory_space<vmem>>, vector<16xf32>,
            tpu.vector_store %arg35[%swap3A], %broadcast_in_dim3A_368 {strides = array<i32>} : memref<512xf32, #tpu.memory_space<vmem>>, vector<16xf32>,
            %while3A_372 = arith.constant 0 : i32
            scf.yield %while3A_372 : i32
          }
          %while3A_361 = arith.constant 1 : i32
          %while3A_362 = scf.for %while3A_365 = %while3A_358 to %while3A_354 step %while3A_361 iter_args(%while3A_366 = %while3A_360) -> (i32)  : i32 {
            %broadcast_in_dim3A_367 = arith.constant 0.000000e+00 : f32
            %broadcast_in_dim3A_368 = vector.broadcast %broadcast_in_dim3A_367 : f32 to vector<16xf32>
            %mul3A_369 = arith.constant 16 : i32
            %mul3A_370 = arith.muli %while3A_365, %mul3A_369 : i32
            %swap3A = arith.index_cast %mul3A_370 : i32 to index
            %swap3A_371 = tpu.vector_load %arg35[%swap3A] {strides = array<i32>} : memref<512xf32, #tpu.memory_space<vmem>>, vector<16xf32>,
            tpu.vector_store %arg35[%swap3A], %broadcast_in_dim3A_368 {strides = array<i32>} : memref<512xf32, #tpu.memory_space<vmem>>, vector<16xf32>,
            %while3A_372 = arith.constant 0 : i32
            scf.yield %while3A_372 : i32
          }
          %add3A_363 = arith.constant 64 : i32
          %add3A_364 = arith.addi %while3A_238, %add3A_363 : i32
          scf.yield %while3A_325, %add3A_364 : i32, i32
        } else {
          scf.yield %while3A_240, %while3A_241 : i32, i32
        }
        %broadcast_in_dim3A_250 = arith.constant 0 : i32
        %broadcast_in_dim3A_251 = vector.broadcast %broadcast_in_dim3A_250 : i32 to vector<16xi32>
        %add3A_252 = vector.broadcast %while3A_238 : i32 to vector<16xi32>
        %add3A_253 = arith.addi %broadcast_in_dim3A_251, %add3A_252 : vector<16xi32>
        %gather3A = tpu.vector_load_idx %arg35[%add3A_253] : memref<512xf32, #tpu.memory_space<vmem>>[vector<16xi32>], vector<16xf32>,
        %slice3A_254 = vector.extract_strided_slice %gather3A {offsets = [0], sizes = [1], strides = [1]} : vector<16xf32> to vector<1xf32>
        %squeeze3A_255 = vector.extract %slice3A_254[0] : f32 from vector<1xf32>
        %eq3A_256 = arith.constant 0.000000e+00 : f32
        %eq3A_257 = arith.cmpf oeq, %squeeze3A_255, %eq3A_256 : f32
        %convert_element_type3A_258 = arith.extui %eq3A_257 : i1 to i32
        %cond3A_259 = arith.constant 0 : i32
        %cond3A_260 = arith.cmpi ne, %convert_element_type3A_258, %cond3A_259 : i32
        %cond3A_261:2 = scf.if %cond3A_260 -> (i32, i32) {
          %add3A_262 = arith.constant 15 : i32
          %add3A_263 = arith.addi %cond3A_249#0, %add3A_262 : i32
          %jit3A_264 = arith.constant 16 : i32
          %div3A_265 = arith.divsi %add3A_263, %jit3A_264 : i32
          %sign3A_266 = arith.constant 0 : i32
          %sign3A_267 = arith.cmpi sgt, %add3A_263, %sign3A_266 : i32
          %sign3A_268 = arith.extui %sign3A_267 : i1 to i32
          %sign3A_269 = arith.constant 0 : i32
          %sign3A_270 = arith.cmpi slt, %add3A_263, %sign3A_269 : i32
          %sign3A_271 = arith.extui %sign3A_270 : i1 to i32
          %sign3A_272 = arith.subi %sign3A_268, %sign3A_271 : i32
          %sign3A_273 = arith.constant 0 : i32
          %sign3A_274 = arith.cmpi sgt, %jit3A_264, %sign3A_273 : i32
          %sign3A_275 = arith.extui %sign3A_274 : i1 to i32
          %sign3A_276 = arith.constant 0 : i32
          %sign3A_277 = arith.cmpi slt, %jit3A_264, %sign3A_276 : i32
          %sign3A_278 = arith.extui %sign3A_277 : i1 to i32
          %sign3A_279 = arith.subi %sign3A_275, %sign3A_278 : i32
          %ne3A_280 = arith.cmpi ne, %sign3A_272, %sign3A_279 : i32
          %rem3A_281 = arith.remsi %add3A_263, %jit3A_264 : i32
          %ne3A_282 = arith.constant 0 : i32
          %ne3A_283 = arith.cmpi ne, %rem3A_281, %ne3A_282 : i32
          %and3A_284 = arith.andi %ne3A_280, %ne3A_283 : i1
          %sub3A_285 = arith.constant 1 : i32
          %sub3A_286 = arith.subi %div3A_265, %sub3A_285 : i32
          %select_n3A_287 = arith.select %and3A_284, %sub3A_286, %div3A_265 : i32
          %broadcast_in_dim3A_288 = arith.constant 0 : i32
          %broadcast_in_dim3A_289 = vector.broadcast %broadcast_in_dim3A_288 : i32 to vector<16xi32>
          %add3A_290 = vector.broadcast %while3A_238 : i32 to vector<16xi32>
          %add3A_291 = arith.addi %broadcast_in_dim3A_289, %add3A_290 : vector<16xi32>
          %gather3A_292 = tpu.vector_load_idx %arg28[%add3A_291] : memref<512xf32, #tpu.memory_space<vmem>>[vector<16xi32>], vector<16xf32>,
          %broadcast_in_dim3A_293 = arith.constant 0 : i32
          %broadcast_in_dim3A_294 = vector.broadcast %broadcast_in_dim3A_293 : i32 to vector<16xi32>
          %add3A_295 = vector.broadcast %while3A_238 : i32 to vector<16xi32>
          %add3A_296 = arith.addi %broadcast_in_dim3A_294, %add3A_295 : vector<16xi32>
          %gather3A_297 = tpu.vector_load_idx %arg30[%add3A_296] : memref<512xf32, #tpu.memory_space<vmem>>[vector<16xi32>], vector<16xf32>,
          %broadcast_in_dim3A_298 = arith.constant 0 : i32
          %broadcast_in_dim3A_299 = vector.broadcast %broadcast_in_dim3A_298 : i32 to vector<16xi32>
          %add3A_300 = vector.broadcast %while3A_238 : i32 to vector<16xi32>
          %add3A_301 = arith.addi %broadcast_in_dim3A_299, %add3A_300 : vector<16xi32>
          %gather3A_302 = tpu.vector_load_idx %arg31[%add3A_301] : memref<512xf32, #tpu.memory_space<vmem>>[vector<16xi32>], vector<16xf32>,
          %broadcast_in_dim3A_303 = arith.constant 0 : i32
          %broadcast_in_dim3A_304 = vector.broadcast %broadcast_in_dim3A_303 : i32 to vector<16xi32>
          %add3A_305 = vector.broadcast %while3A_238 : i32 to vector<16xi32>
          %add3A_306 = arith.addi %broadcast_in_dim3A_304, %add3A_305 : vector<16xi32>
          %gather3A_307 = tpu.vector_load_idx %arg32[%add3A_306] : memref<512xf32, #tpu.memory_space<vmem>>[vector<16xi32>], vector<16xf32>,
          %broadcast_in_dim3A_308 = arith.constant 0 : i32
          %broadcast_in_dim3A_309 = vector.broadcast %broadcast_in_dim3A_308 : i32 to vector<16xi32>
          %add3A_310 = vector.broadcast %while3A_238 : i32 to vector<16xi32>
          %add3A_311 = arith.addi %broadcast_in_dim3A_309, %add3A_310 : vector<16xi32>
          %gather3A_312 = tpu.vector_load_idx %arg33[%add3A_311] : memref<512xf32, #tpu.memory_space<vmem>>[vector<16xi32>], vector<16xf32>,
          %broadcast_in_dim3A_313 = arith.constant 0 : i32
          %broadcast_in_dim3A_314 = vector.broadcast %broadcast_in_dim3A_313 : i32 to vector<16xi32>
          %add3A_315 = vector.broadcast %while3A_238 : i32 to vector<16xi32>
          %add3A_316 = arith.addi %broadcast_in_dim3A_314, %add3A_315 : vector<16xi32>
          %gather3A_317 = tpu.vector_load_idx %arg34[%add3A_316] : memref<512xf32, #tpu.memory_space<vmem>>[vector<16xi32>], vector<16xf32>,
          %mul3A_318 = arith.constant 5 : i32
          %mul3A_319 = arith.muli %while3A_239, %mul3A_318 : i32
          %add3A_320 = vector.broadcast %mul3A_319 : i32 to vector<16xi32>
          %add3A_321 = arith.addi %add3A_320, %iota3A : vector<16xi32>
          %eq3A_322 = arith.constant 1 : i32
          %eq3A_323 = vector.broadcast %eq3A_322 : i32 to vector<16xi32>
          %eq3A_324 = arith.cmpi eq, %iota3A, %eq3A_323 : vector<16xi32>
          %select_n3A_325 = arith.select %eq3A_324, %gather3A_297, %gather3A_292 : vector<16xi1>, vector<16xf32>
          %eq3A_326 = arith.constant 2 : i32
          %eq3A_327 = vector.broadcast %eq3A_326 : i32 to vector<16xi32>
          %eq3A_328 = arith.cmpi eq, %iota3A, %eq3A_327 : vector<16xi32>
          %select_n3A_329 = arith.select %eq3A_328, %gather3A_302, %select_n3A_325 : vector<16xi1>, vector<16xf32>
          %eq3A_330 = arith.constant 3 : i32
          %eq3A_331 = vector.broadcast %eq3A_330 : i32 to vector<16xi32>
          %eq3A_332 = arith.cmpi eq, %iota3A, %eq3A_331 : vector<16xi32>
          %select_n3A_333 = arith.select %eq3A_332, %gather3A_307, %select_n3A_329 : vector<16xi1>, vector<16xf32>
          %eq3A_334 = arith.constant 4 : i32
          %eq3A_335 = vector.broadcast %eq3A_334 : i32 to vector<16xi32>
          %eq3A_336 = arith.cmpi eq, %iota3A, %eq3A_335 : vector<16xi32>
          %select_n3A_337 = arith.select %eq3A_336, %gather3A_312, %select_n3A_333 : vector<16xi1>, vector<16xf32>
          %lt3A_338 = arith.constant 5 : i32
          %lt3A_339 = vector.broadcast %lt3A_338 : i32 to vector<16xi32>
          %lt3A_340 = arith.cmpi slt, %iota3A, %lt3A_339 : vector<16xi32>
          tpu.vector_store_idx %arg36[%add3A_321], %select_n3A_337 masked %lt3A_340 : memref<1008xf32, #tpu.memory_space<vmem>>[vector<16xi32>], vector<16xf32>, vector<16xi1>
          %broadcast_in_dim3A_341 = arith.constant 0 : i32
          %broadcast_in_dim3A_342 = vector.broadcast %broadcast_in_dim3A_341 : i32 to vector<16xi32>
          %add3A_343 = vector.broadcast %while3A_238 : i32 to vector<16xi32>
          %add3A_344 = arith.addi %broadcast_in_dim3A_342, %add3A_343 : vector<16xi32>
          %jit3A_345 = arith.constant 16 : i32
          %div3A_346 = arith.divsi %while3A_238, %jit3A_345 : i32
          %sign3A_347 = arith.constant 0 : i32
          %sign3A_348 = arith.cmpi sgt, %while3A_238, %sign3A_347 : i32
          %sign3A_349 = arith.extui %sign3A_348 : i1 to i32
          %sign3A_350 = arith.constant 0 : i32
          %sign3A_351 = arith.cmpi slt, %while3A_238, %sign3A_350 : i32
          %sign3A_352 = arith.extui %sign3A_351 : i1 to i32
          %sign3A_353 = arith.subi %sign3A_349, %sign3A_352 : i32
          %sign3A_354 = arith.constant 0 : i32
          %sign3A_355 = arith.cmpi sgt, %jit3A_345, %sign3A_354 : i32
          %sign3A_356 = arith.extui %sign3A_355 : i1 to i32
          %sign3A_357 = arith.constant 0 : i32
          %sign3A_358 = arith.cmpi slt, %jit3A_345, %sign3A_357 : i32
          %sign3A_359 = arith.extui %sign3A_358 : i1 to i32
          %sign3A_360 = arith.subi %sign3A_356, %sign3A_359 : i32
          %ne3A_361 = arith.cmpi ne, %sign3A_353, %sign3A_360 : i32
          %rem3A_362 = arith.remsi %while3A_238, %jit3A_345 : i32
          %ne3A_363 = arith.constant 0 : i32
          %ne3A_364 = arith.cmpi ne, %rem3A_362, %ne3A_363 : i32
          %and3A_365 = arith.andi %ne3A_361, %ne3A_364 : i1
          %sub3A_366 = arith.constant 1 : i32
          %sub3A_367 = arith.subi %div3A_346, %sub3A_366 : i32
          %select_n3A_368 = arith.select %and3A_365, %sub3A_367, %div3A_346 : i32
          %while3A_369 = arith.constant 0 : i32
          %while3A_370 = arith.subi %select_n3A_287, %select_n3A_368 : i32
          %while3A_371 = arith.addi %select_n3A_368, %while3A_370 : i32
          %while3A_372 = arith.constant 1 : i32
          %while3A_373 = arith.divsi %while3A_370, %while3A_372 : i32
          %while3A_374 = arith.muli %while3A_373, %while3A_372 : i32
          %while3A_375 = arith.addi %select_n3A_368, %while3A_374 : i32
          %while3A_376 = arith.constant 1 : i32
          %while3A_377 = scf.for %while3A_384 = %select_n3A_368 to %while3A_375 step %while3A_376 iter_args(%while3A_385 = %while3A_369) -> (i32)  : i32 {
            %mul3A_386 = arith.constant 16 : i32
            %mul3A_387 = arith.muli %while3A_384, %mul3A_386 : i32
            %add3A_388 = vector.broadcast %mul3A_387 : i32 to vector<16xi32>
            %add3A_389 = arith.addi %iota3A, %add3A_388 : vector<16xi32>
            %get3A = arith.index_cast %mul3A_387 : i32 to index
            %get3A_390 = tpu.vector_load %arg30[%get3A] {strides = array<i32>} : memref<512xf32, #tpu.memory_space<vmem>>, vector<16xf32>,
            %get3A_391 = arith.index_cast %mul3A_387 : i32 to index
            %get3A_392 = tpu.vector_load %arg31[%get3A_391] {strides = array<i32>} : memref<512xf32, #tpu.memory_space<vmem>>, vector<16xf32>,
            %get3A_393 = arith.index_cast %mul3A_387 : i32 to index
            %get3A_394 = tpu.vector_load %arg32[%get3A_393] {strides = array<i32>} : memref<512xf32, #tpu.memory_space<vmem>>, vector<16xf32>,
            %get3A_395 = arith.index_cast %mul3A_387 : i32 to index
            %get3A_396 = tpu.vector_load %arg33[%get3A_395] {strides = array<i32>} : memref<512xf32, #tpu.memory_space<vmem>>, vector<16xf32>,
            %get3A_397 = arith.index_cast %mul3A_387 : i32 to index
            %get3A_398 = tpu.vector_load %arg34[%get3A_397] {strides = array<i32>} : memref<512xf32, #tpu.memory_space<vmem>>, vector<16xf32>,
            %max3A = arith.maximumf %gather3A_297, %get3A_390 : vector<16xf32>
            %max3A_399 = arith.maximumf %gather3A_302, %get3A_392 : vector<16xf32>
            %min3A_400 = arith.minimumf %gather3A_307, %get3A_394 : vector<16xf32>
            %min3A_401 = arith.minimumf %gather3A_312, %get3A_396 : vector<16xf32>
            %sub3A_402 = arith.subf %min3A_400, %max3A : vector<16xf32>
            %max3A_403 = arith.constant 0.000000e+00 : f32
            %max3A_404 = vector.broadcast %max3A_403 : f32 to vector<16xf32>
            %max3A_405 = arith.maximumf %sub3A_402, %max3A_404 : vector<16xf32>
            %sub3A_406 = arith.subf %min3A_401, %max3A_399 : vector<16xf32>
            %max3A_407 = arith.constant 0.000000e+00 : f32
            %max3A_408 = vector.broadcast %max3A_407 : f32 to vector<16xf32>
            %max3A_409 = arith.maximumf %sub3A_406, %max3A_408 : vector<16xf32>
            %mul3A_410 = arith.mulf %max3A_405, %max3A_409 : vector<16xf32>
            %add3A_411 = arith.addf %gather3A_317, %get3A_398 : vector<16xf32>
            %sub3A_412 = arith.subf %add3A_411, %mul3A_410 : vector<16xf32>
            %max3A_413 = arith.constant 9.99999996E-13 : f32
            %max3A_414 = vector.broadcast %max3A_413 : f32 to vector<16xf32>
            %max3A_415 = arith.maximumf %sub3A_412, %max3A_414 : vector<16xf32>
            %div3A_416 = arith.divf %mul3A_410, %max3A_415 : vector<16xf32>
            %gt3A_417 = arith.constant 4.500000e-01 : f32
            %gt3A_418 = vector.broadcast %gt3A_417 : f32 to vector<16xf32>
            %gt3A_419 = arith.cmpf ogt, %div3A_416, %gt3A_418 : vector<16xf32>
            %gt3A_420 = arith.cmpi sgt, %add3A_389, %add3A_344 : vector<16xi32>
            %and3A_421 = arith.andi %gt3A_419, %gt3A_420 : vector<16xi1>
            %get3A_422 = arith.index_cast %mul3A_387 : i32 to index
            %get3A_423 = tpu.vector_load %arg35[%get3A_422] {strides = array<i32>} : memref<512xf32, #tpu.memory_space<vmem>>, vector<16xf32>,
            %jit3A_424 = arith.constant 1.000000e+00 : f32
            %broadcast_in_dim3A_425 = vector.broadcast %jit3A_424 : f32 to vector<16xf32>
            %select_n3A_426 = arith.select %and3A_421, %broadcast_in_dim3A_425, %get3A_423 : vector<16xi1>, vector<16xf32>
            %swap3A = arith.index_cast %mul3A_387 : i32 to index
            %swap3A_427 = tpu.vector_load %arg35[%swap3A] {strides = array<i32>} : memref<512xf32, #tpu.memory_space<vmem>>, vector<16xf32>,
            tpu.vector_store %arg35[%swap3A], %select_n3A_426 {strides = array<i32>} : memref<512xf32, #tpu.memory_space<vmem>>, vector<16xf32>,
            %while3A_428 = arith.constant 0 : i32
            scf.yield %while3A_428 : i32
          }
          %while3A_378 = arith.constant 1 : i32
          %while3A_379 = scf.for %while3A_384 = %while3A_375 to %while3A_371 step %while3A_378 iter_args(%while3A_385 = %while3A_377) -> (i32)  : i32 {
            %mul3A_386 = arith.constant 16 : i32
            %mul3A_387 = arith.muli %while3A_384, %mul3A_386 : i32
            %add3A_388 = vector.broadcast %mul3A_387 : i32 to vector<16xi32>
            %add3A_389 = arith.addi %iota3A, %add3A_388 : vector<16xi32>
            %get3A = arith.index_cast %mul3A_387 : i32 to index
            %get3A_390 = tpu.vector_load %arg30[%get3A] {strides = array<i32>} : memref<512xf32, #tpu.memory_space<vmem>>, vector<16xf32>,
            %get3A_391 = arith.index_cast %mul3A_387 : i32 to index
            %get3A_392 = tpu.vector_load %arg31[%get3A_391] {strides = array<i32>} : memref<512xf32, #tpu.memory_space<vmem>>, vector<16xf32>,
            %get3A_393 = arith.index_cast %mul3A_387 : i32 to index
            %get3A_394 = tpu.vector_load %arg32[%get3A_393] {strides = array<i32>} : memref<512xf32, #tpu.memory_space<vmem>>, vector<16xf32>,
            %get3A_395 = arith.index_cast %mul3A_387 : i32 to index
            %get3A_396 = tpu.vector_load %arg33[%get3A_395] {strides = array<i32>} : memref<512xf32, #tpu.memory_space<vmem>>, vector<16xf32>,
            %get3A_397 = arith.index_cast %mul3A_387 : i32 to index
            %get3A_398 = tpu.vector_load %arg34[%get3A_397] {strides = array<i32>} : memref<512xf32, #tpu.memory_space<vmem>>, vector<16xf32>,
            %max3A = arith.maximumf %gather3A_297, %get3A_390 : vector<16xf32>
            %max3A_399 = arith.maximumf %gather3A_302, %get3A_392 : vector<16xf32>
            %min3A_400 = arith.minimumf %gather3A_307, %get3A_394 : vector<16xf32>
            %min3A_401 = arith.minimumf %gather3A_312, %get3A_396 : vector<16xf32>
            %sub3A_402 = arith.subf %min3A_400, %max3A : vector<16xf32>
            %max3A_403 = arith.constant 0.000000e+00 : f32
            %max3A_404 = vector.broadcast %max3A_403 : f32 to vector<16xf32>
            %max3A_405 = arith.maximumf %sub3A_402, %max3A_404 : vector<16xf32>
            %sub3A_406 = arith.subf %min3A_401, %max3A_399 : vector<16xf32>
            %max3A_407 = arith.constant 0.000000e+00 : f32
            %max3A_408 = vector.broadcast %max3A_407 : f32 to vector<16xf32>
            %max3A_409 = arith.maximumf %sub3A_406, %max3A_408 : vector<16xf32>
            %mul3A_410 = arith.mulf %max3A_405, %max3A_409 : vector<16xf32>
            %add3A_411 = arith.addf %gather3A_317, %get3A_398 : vector<16xf32>
            %sub3A_412 = arith.subf %add3A_411, %mul3A_410 : vector<16xf32>
            %max3A_413 = arith.constant 9.99999996E-13 : f32
            %max3A_414 = vector.broadcast %max3A_413 : f32 to vector<16xf32>
            %max3A_415 = arith.maximumf %sub3A_412, %max3A_414 : vector<16xf32>
            %div3A_416 = arith.divf %mul3A_410, %max3A_415 : vector<16xf32>
            %gt3A_417 = arith.constant 4.500000e-01 : f32
            %gt3A_418 = vector.broadcast %gt3A_417 : f32 to vector<16xf32>
            %gt3A_419 = arith.cmpf ogt, %div3A_416, %gt3A_418 : vector<16xf32>
            %gt3A_420 = arith.cmpi sgt, %add3A_389, %add3A_344 : vector<16xi32>
            %and3A_421 = arith.andi %gt3A_419, %gt3A_420 : vector<16xi1>
            %get3A_422 = arith.index_cast %mul3A_387 : i32 to index
            %get3A_423 = tpu.vector_load %arg35[%get3A_422] {strides = array<i32>} : memref<512xf32, #tpu.memory_space<vmem>>, vector<16xf32>,
            %jit3A_424 = arith.constant 1.000000e+00 : f32
            %broadcast_in_dim3A_425 = vector.broadcast %jit3A_424 : f32 to vector<16xf32>
            %select_n3A_426 = arith.select %and3A_421, %broadcast_in_dim3A_425, %get3A_423 : vector<16xi1>, vector<16xf32>
            %swap3A = arith.index_cast %mul3A_387 : i32 to index
            %swap3A_427 = tpu.vector_load %arg35[%swap3A] {strides = array<i32>} : memref<512xf32, #tpu.memory_space<vmem>>, vector<16xf32>,
            tpu.vector_store %arg35[%swap3A], %select_n3A_426 {strides = array<i32>} : memref<512xf32, #tpu.memory_space<vmem>>, vector<16xf32>,
            %while3A_428 = arith.constant 0 : i32
            scf.yield %while3A_428 : i32
          }
          %add3A_380 = arith.constant 1 : i32
          %add3A_381 = arith.addi %while3A_238, %add3A_380 : i32
          %add3A_382 = arith.constant 1 : i32
          %add3A_383 = arith.addi %while3A_239, %add3A_382 : i32
          scf.yield %add3A_381, %add3A_383 : i32, i32
        } else {
          %add3A_262 = arith.constant 1 : i32
          %add3A_263 = arith.addi %while3A_238, %add3A_262 : i32
          scf.yield %add3A_263, %while3A_239 : i32, i32
        }
        scf.yield %cond3A_261#0, %cond3A_261#1, %cond3A_249#0, %cond3A_249#1 : i32, i32, i32, i32
      }
      %mul3A_230 = arith.constant 21 : i32
      %mul3A_231 = arith.muli %select_n3A, %mul3A_230 : i32
      %add3A_232 = arith.addi %mul3A_231, %select_n3A_53 : i32
      %add3A_233 = arith.constant 1 : i32
      %add3A_234 = arith.addi %add3A_232, %add3A_233 : i32
      %mul3A_235 = arith.constant 1000 : i32
      %mul3A_236 = arith.muli %add3A_234, %mul3A_235 : i32
      "tpu.region"() ({
        %run_scoped3A = tpu.sem_alloc : memref<!tpu.dma_semaphore, #tpu.memory_space<semaphore_mem>>
        %dma_start3A = arith.constant 0 : i32
        %dma_start3A_238 = tpu.memref_slice %arg36[%dma_start3A] : memref<1008xf32, #tpu.memory_space<vmem>> -> memref<1000xf32, #tpu.memory_space<vmem>>
        %dma_start3A_239 = tpu.memref_slice %arg11[%mul3A_236] : memref<168000xf32, #tpu.memory_space<hbm>> -> memref<1000xf32, #tpu.memory_space<hbm>>
        %dma_start3A_240 = tpu.memref_slice %arg11[%mul3A_236] : memref<168000xf32, #tpu.memory_space<hbm>> -> memref<1000xf32, #tpu.memory_space<hbm>>
        %dma_start3A_241 = arith.constant 0 : i32
        %dma_start3A_242 = tpu.memref_slice %arg36[%dma_start3A_241] : memref<1008xf32, #tpu.memory_space<vmem>> -> memref<1000xf32, #tpu.memory_space<vmem>>
        tpu.enqueue_dma source(%dma_start3A_242 : memref<1000xf32, #tpu.memory_space<vmem>>) target(%dma_start3A_240 : memref<1000xf32, #tpu.memory_space<hbm>>) target_semaphore(%run_scoped3A : memref<!tpu.dma_semaphore, #tpu.memory_space<semaphore_mem>>)
        %dma_wait3A = arith.constant 0 : i32
        %dma_wait3A_243 = tpu.memref_slice %arg36[%dma_wait3A] : memref<1008xf32, #tpu.memory_space<vmem>> -> memref<1000xf32, #tpu.memory_space<vmem>>
        %dma_wait3A_244 = tpu.memref_slice %arg11[%mul3A_236] : memref<168000xf32, #tpu.memory_space<hbm>> -> memref<1000xf32, #tpu.memory_space<hbm>>
        %dma_wait3A_245 = tpu.memref_slice %arg11[%mul3A_236] : memref<168000xf32, #tpu.memory_space<hbm>> -> memref<1000xf32, #tpu.memory_space<hbm>>
        %dma_wait3A_246 = arith.constant 0 : i32
        %dma_wait3A_247 = tpu.memref_slice %arg36[%dma_wait3A_246] : memref<1008xf32, #tpu.memory_space<vmem>> -> memref<1000xf32, #tpu.memory_space<vmem>>
        tpu.wait_dma2 semaphore(%run_scoped3A : memref<!tpu.dma_semaphore, #tpu.memory_space<semaphore_mem>>) src(%dma_wait3A_247 : memref<1000xf32, #tpu.memory_space<vmem>>) dst(%dma_wait3A_245 : memref<1000xf32, #tpu.memory_space<hbm>>)
        tpu.yield
      }) : () -> ()
      %scan3A_237 = arith.constant 0 : i32
      scf.yield %scan3A_237 : i32
    }
    %scan3A_33 = arith.constant 5 : i32
    return
  }
}

</mosaic_0001>

<sc_bundles>
// kernel: _detect.3.cloned.1.call-start
scs
__scs_entry_jumppad:
0x0: {  	(pc) =	sbr.rel $0x88, $3  }
0x1: {  	(tag) =	ssettag $0x0;
	lr =	simm.s32 $0x1  }
0x2: {  	[smem:$0x3F98] =	sst lr;
	_ =	strace $0xD0000000  }
0x3: {  	_ = 	snop  }
0x4: {  	_ = 	snop  }
0x5: {  	_ = 	snop  }
0x6: {  	_ = 	snop  }
0x7: {  	_ = 	snop  }
__scs_overlays_trampoline_lowered:
0x8: {  	[smem:$0x3FA7] =	sst s0  }
0x9: {  	[smem:$0x3FA8] =	sst s1  }
0xa: {  	[smem:$0x3FA9] =	sst s2  }
0xb: {  	[smem:$0x3FAA] =	sst s3  }
0xc: {  	[smem:$0x3FAB] =	sst s4  }
0xd: {  	[smem:$0x3FAC] =	sst s5  }
0xe: {  	[smem:$0x3FAD] =	sst s6  }
0xf: {  	[smem:$0x3FAE] =	sst s7  }
0x10: {  	[smem:$0x3FAF] =	sst s8  }
0x11: {  	[smem:$0x3FB0] =	sst s9;
	s0 =	simm.s32 @!p0 $0x0  }
0x12: {  	s1 =	sld [smem:$0x3F96];
	s0 =	simm.s32 @p0 $0x1  }
0x13: {  	[smem:$0x3FB1] =	sst s0;
	s0 =	simm.s32 @!p1 $0x0  }
0x14: {  	s2 =	sld [smem:$0x3F95];
	s0 =	simm.s32 @p1 $0x1  }
0x15: {  	[smem:$0x3FB2] =	sst s0;
	s0 =	simm.s32 @!p2 $0x0  }
0x16: {  	s3 =	sld [smem:$0x3FDB];
	s0 =	simm.s32 @p2 $0x1  }
0x17: {  	s4 =	simm.s32 $0x1BF5;
	[smem:$0x3FB4] =	sst s0  }
0x18: {  	s0 =	sld [smem:$0x3F97];
	_ =	swait.ge [sflag:s4], $0x0  }
0x19: {  	s7 =	sld [smem:$0x3F98]  }
0x1a: {  	s8 =	sadd.s32 $0xFFFFE003, lr  }
0x1b: {  	s9 =	sadd.s32 $0xFFFFFEF7, lr;
	s5 =	simm.s32 $0xFFFFFFFF;
	p2 =	slt.u32 s8, $0xFFFFF086  }
0x1c: {  	p1 =	slt.u32 s9, $0xF7A;
	s5 =	simm.s32 @!p2 $0x0  }
0x1d: {  	s5 =	simm.s32 @p1 $0x1;
	p0 =	seq.s32 s7, s2  }
0x1e: {  	s7 =	smul.u32 @!p0 $0xF7A, s2;
	p2 =	seq.s32 @!p0 s5, $0x0  }
0x1f: {  	s9 =	smul.u32 $0xF7A, s1;
	s8 =	simm.s32 @!p0 $0x1BF5;
	p2 =	por !p2, p0  }
0x20: {  	[sflag:s8] =	ssyncset.s32 @!p0 $0xFFFFF086;
	s6 =	sadd.s32 @!p0 s3, s7;
	s7 =	simm.s32 @!p0 $0x108  }
0x21: {  	s3 =	sadd.s32 s3, s9;
	s6 =	sadd.s32 @!p0 $0x88, s6;
	s7 =	simm.s32 @p2 $0x1082  }
0x22: {  	[simem:s7], [sflag:s8] =	dma.local @!p0 [hbm:s6], $0xF7A  }
0x23: {  	s9 =	sor.u32 $0xD0000000, s2;
	s6 =	simm.s32 $0x108;
	_ =	swait.ge @!p0 [sflag:s8], $0x0  }
0x24: {  	s3 =	sadd.s32 $0x88, s3;
	s6 =	simm.s32 @!p1 $0x1082;
	[sflag:s4] =	ssyncset.s32 $0xFFFFF086  }
0x25: {  	[simem:s6], [sflag:s4] =	dma.local [hbm:s3], $0xF7A  }
0x26: {  	[smem:$0x3F98] =	sst s1;
	(tag) =	ssettag s2;
	_ =	strace s9  }
0x27: {  	s1 =	sld [smem:$0x3FA8]  }
0x28: {  	s2 =	sld [smem:$0x3FA9]  }
0x29: {  	s4 =	sld [smem:$0x3FAB]  }
0x2a: {  	p0 =	seq.s32 s5, $0x0;
	s5 =	sld [smem:$0x3FAC]  }
0x2b: {  	s6 =	sld [smem:$0x3FAD]  }
0x2c: {  	s7 =	sld [smem:$0x3FAE]  }
0x2d: {  	s3 =	simm.s32 $0x108;
	s8 =	sld [smem:$0x3FAF]  }
0x2e: {  	s3 =	simm.s32 @!p0 $0x1082;
	s9 =	sld [smem:$0x3FB0]  }
0x2f: {  	lr =	sadd.s32 s0, s3;
	s0 =	sld [smem:$0x3FA7]  }
0x30: {  	s3 =	sld [smem:$0x3FAA]  }
0x31: {  	[smem:$0x3FB3] =	sst s10  }
0x32: {  	s10 =	sld [smem:$0x3FB1];
	_ =	sdelay $0x3  }
0x33: {  	p0 =	seq.s32 s10, $0x1;
	s10 =	sld [smem:$0x3FB3];
	_ =	sdelay $0x3  }
0x34: {  	[smem:$0x3FB3] =	sst s10  }
0x35: {  	s10 =	sld [smem:$0x3FB2];
	_ =	sdelay $0x3  }
0x36: {  	p1 =	seq.s32 s10, $0x1;
	s10 =	sld [smem:$0x3FB3];
	_ =	sdelay $0x3  }
0x37: {  	[smem:$0x3FB3] =	sst s10  }
0x38: {  	s10 =	sld [smem:$0x3FB4]  }
0x39: {  	_ = 	snop;
	(pc) =	sbr.ind lr, $3  }
0x3a: {  	_ = 	snop  }
0x3b: {  	_ = 	snop  }
0x3c: {  	p2 =	seq.s32 s10, $0x1;
	s10 =	sld [smem:$0x3FB3]  }
0x3d: {  	_ =	shalt  }
0x3e: {  	_ =	shalt  }
0x3f: {  	_ =	shalt  }
0x40: {  	_ =	shalt  }
0x41: {  	_ =	shalt  }
0x42: {  	_ =	shalt  }
0x43: {  	_ =	shalt  }
0x44: {  	_ =	shalt  }
0x45: {  	_ =	shalt  }
0x46: {  	_ =	shalt  }
0x47: {  	_ =	shalt  }
0x48: {  	_ =	shalt  }
0x49: {  	_ =	shalt  }
0x4a: {  	_ =	shalt  }
0x4b: {  	_ =	shalt  }
0x4c: {  	_ =	shalt  }
0x4d: {  	_ =	shalt  }
0x4e: {  	_ =	shalt  }
0x4f: {  	_ =	shalt  }
0x50: {  	_ =	shalt  }
0x51: {  	_ =	shalt  }
0x52: {  	_ =	shalt  }
0x53: {  	_ =	shalt  }
0x54: {  	_ =	shalt  }
0x55: {  	_ =	shalt  }
0x56: {  	_ =	shalt  }
0x57: {  	_ =	shalt  }
0x58: {  	_ =	shalt  }
0x59: {  	_ =	shalt  }
0x5a: {  	_ =	shalt  }
0x5b: {  	_ =	shalt  }
0x5c: {  	_ =	shalt  }
0x5d: {  	_ =	shalt  }
0x5e: {  	_ =	shalt  }
0x5f: {  	_ =	shalt  }
0x60: {  	_ =	shalt  }
0x61: {  	_ =	shalt  }
0x62: {  	_ =	shalt  }
0x63: {  	_ =	shalt  }
0x64: {  	_ =	shalt  }
0x65: {  	_ =	shalt  }
0x66: {  	_ =	shalt  }
0x67: {  	_ =	shalt  }
0x68: {  	_ =	shalt  }
0x69: {  	_ =	shalt  }
0x6a: {  	_ =	shalt  }
0x6b: {  	_ =	shalt  }
0x6c: {  	_ =	shalt  }
0x6d: {  	_ =	shalt  }
0x6e: {  	_ =	shalt  }
0x6f: {  	_ =	shalt  }
0x70: {  	_ =	shalt  }
0x71: {  	_ =	shalt  }
0x72: {  	_ =	shalt  }
0x73: {  	_ =	shalt  }
0x74: {  	_ =	shalt  }
0x75: {  	_ =	shalt  }
0x76: {  	_ =	shalt  }
0x77: {  	_ =	shalt  }
0x78: {  	_ =	shalt  }
0x79: {  	_ =	shalt  }
0x7a: {  	_ =	shalt  }
0x7b: {  	_ =	shalt  }
0x7c: {  	_ =	shalt  }
0x7d: {  	_ =	shalt  }
0x7e: {  	_ =	shalt  }
0x7f: {  	_ =	shalt  }
0x80: {  	_ =	shalt  }
0x81: {  	_ =	shalt  }
0x82: {  	_ =	shalt  }
0x83: {  	_ =	shalt  }
0x84: {  	_ =	shalt  }
0x85: {  	_ =	shalt  }
0x86: {  	_ =	shalt  }
0x87: {  	_ =	shalt  }
.Lfunc_end0:
.L_simem_size_0:
called_computation_lowered:
.L_overlay_start_0:
0x88: {  	s2 =	sld [smem:$0x3FD9]  }
0x89: {  	s3 =	sld [smem:$0x3FFE];
	_ =	sdelay $0x1  }
0x8a: {  	s1 =	srdreg.scid  }
0x8b: {  	s0 =	sand.u32 $0x1, s1  }
0x8c: {  	s17 =	sshll.u32 s0, $0xA;
	s2 =	sadd.s32 s3, s2  }
0x8d: {  	s2 =	sadd.s32 s2, s17  }
0x8e: {  	[smem:$0x3FBF] =	sst s2  }
0x8f: {  	_ = 	snop  }
0x90: {  	s2 =	sld [smem:$0x3FC8]  }
0x91: {  	s18 =	sld [smem:$0x3FC7]  }
0x92: {  	s4 =	sld [smem:$0x3FC6]  }
0x93: {  	s5 =	sld [smem:$0x3FC5]  }
0x94: {  	s6 =	sld [smem:$0x3FC4]  }
0x95: {  	s7 =	sld [smem:$0x3FC3]  }
0x96: {  	s8 =	sld [smem:$0x3FC2]  }
0x97: {  	s9 =	sld [smem:$0x3FC1]  }
0x98: {  	s10 =	sld [smem:$0x3FD0];
	(tm) =	ssettm $0x1  }
0x99: {  	s11 =	sld [smem:$0x3FFB];
	_ =	sdelay $0x3  }
0x9a: {  	_ =	strace s11  }
0x9b: {  	s11 =	sld [smem:$0x3FFC];
	_ =	sdelay $0x3  }
0x9c: {  	_ =	strace s11  }
0x9d: {  	s11 =	sld [smem:$0x3FFD];
	_ =	sdelay $0x3  }
0x9e: {  	_ =	strace s11  }
0x9f: {  	_ =	strace $0x8FFFFFFF  }
0xa0: {  	s19 =	sld [smem:$0x3FDB];
	_ =	sdelay $0x1  }
0xa1: {  	s12 =	simm.s32 $_scs_section_size  }
0xa2: {  	s13 =	simm.s32 $_size__tile_overlayer_lowered;
	s14 =	simm.s32 $_tile_overlayer_lowered  }
0xa3: {  	s22 =	simm.s32 $0x1BFF;
	s21 =	sshll.u32 s14, $0x1;
	s11 =	sadd.s32 s12, s19  }
0xa4: {  	s15 =	simm.s32 $0x0;
	s20 =	sshll.u32 s13, $0x1;
	s13 =	sadd.s32 s21, s11  }
0xa5: {  	[timem:s15], [sflag:s22] =	dma.local [hbm:s13], s20  }
0xa6: {  	_ =	swait.ge [sflag:s22], s20  }
0xa7: {  	s12 =	ssub.s32 $0x0, s20;
	[sflag:s22] =	ssyncset.done $0x0  }
0xa8: {  	[sflag:s22] =	ssyncadd.s32 s12;
	_ =	sdelay $0x1  }
0xa9: {  	s23 =	simm.s32 $0x1B8B  }
0xaa: {  	_ =	swait.ge [sflag:s23], $0x1  }
0xab: {  	[sflag:s23] =	ssyncset.done $0x0  }
0xac: {  	s25 =	simm.s32 $0x1B8E;
	s24 =	sld [smem:$0x3FFE];
	[sflag:s23] =	ssyncadd.s32 $0xFFFFFFFF  }
0xad: {  	s26 =	simm.s32 $execute0_lowered;
	[smem:$0x3FD2] =	sst s25  }
0xae: {  	s13 =	sshll.u32 s26, $0x1;
	_ =	strace $0x80000046;
	[dreg:$0x1] =	wrdreg $0xFFFFFFFF  }
0xaf: {  	s28 =	simm.s32 $_size_execute0_lowered;
	s11 =	sadd.s32 s11, s13;
	[dreg:$0x0] =	wrdreg $0x0  }
0xb0: {  	s13 =	sshll.u32 s28, $0x1;
	[dreg:$0x2] =	wrdreg s11  }
0xb1: {  	[dreg:$0x3] =	wrdreg s13  }
0xb2: {  	[dreg:$0x4] =	wrdreg $0xC0  }
0xb3: {  	_ =	task [dreg:s15], $0x5FFFF  }
0xb4: {  	[dreg:$0x1] =	wrdreg $0xFFFFFFFF  }
0xb5: {  	[dreg:$0x0] =	wrdreg $0x60  }
0xb6: {  	[dreg:$0x2] =	wrdreg s24  }
0xb7: {  	[dreg:$0x3] =	wrdreg s2  }
0xb8: {  	[dreg:$0x4] =	wrdreg s18  }
0xb9: {  	[dreg:$0x5] =	wrdreg s4  }
0xba: {  	[dreg:$0x6] =	wrdreg s5  }
0xbb: {  	[dreg:$0x7] =	wrdreg s6  }
0xbc: {  	[dreg:$0x8] =	wrdreg s7  }
0xbd: {  	[dreg:$0x9] =	wrdreg s8  }
0xbe: {  	[dreg:$0xa] =	wrdreg s9  }
0xbf: {  	[dreg:$0xb] =	wrdreg s10  }
0xc0: {  	[dreg:$0xc] =	wrdreg $0x9  }
0xc1: {  	_ =	task.clear_ibuf [dreg:s15], $0xDFFFF;
	_ =	strace $0x90000046  }
0xc2: {  	s29 =	simm.s32 $0x9;
	_ =	strace $0x80000048  }
0xc3: {  	_ =	swait.ge [sflag:s29], $0x1  }
0xc4: {  	[sflag:s29] =	ssyncadd.s32 $0xFFFFFFFF  }
0xc5: {  	_ =	strace $0x90000048  }
0xc6: {  	_ =	sfence  }
0xc7: {  	s30 =	sld [smem:$0x0];
	_ =	sdelay $0x2  }
0xc8: {  	s31 =	sshll.u32 s1, $0xD;
	s1 =	sshrl.u32 s1, $0x2  }
0xc9: {  	s3 =	sand.u32 $0x4000, s31;
	s1 =	sadd.s32 s1, s30  }
0xca: {  	s0 =	sor.u32 s3, s0;
	s1 =	sshll.u32 s1, $0x11  }
0xcb: {  	s0 =	sor.u32 s1, s0  }
0xcc: {  	s0 =	sadd.s32 $0x8F2B, s0  }
0xcd: {  	[sflag:s0] =	ssyncadd.remote.s32 $0x1  }
0xce: {  	_ =	sfence.sel $0xFFFF  }
0xcf: {  	[dreg:$0x0] =	wrdreg $0xFFFFFFFF;
	(pc) =	sbr.abs _section_cstart, $3  }
0xd0: {  	[dreg:$0x1] =	wrdreg $0xFFFFFFFF  }
0xd1: {  	_ =	task.clear_ibuf [dreg:s15], $0x2FFFF;
	_ =	strace $0x9FFFFFFF  }
0xd2: {  	(tm) =	ssettm $0x7FFFFFFF  }
0xd3: {  	_ =	shalt  }
tec
execute0_lowered:
.L_overlay_start_1:
0x0: {  	(tag) =	ssettag $0x1  }
0x1: {  	s0 =	rddreg [dreg:$0x0]  }
0x2: {  	s5 =	rddreg [dreg:$0x9];
	s2 =	simm.s32 $0x0;
	s1 =	srdreg.scid  }
0x3: {  	s4 =	stileid.u32;
	s18 =	simm.s32 $0x1DF40;
	s19 =	simm.s32 $0x1  }
0x4: {  	s29 =	simm.s32 $0x1C520;
	s30 =	simm.s32 $0x1C930;
	[smem:$0x7FF] =	sst s2  }
0x5: {  	v0 =	vimm.f32 $2.000000000e+00;
	s31 =	simm.s32 $0x4E20;
	s9 =	simm.s32 $0xEA60;
	_ =	strace $0x80000047  }
0x6: {  	s14 =	simm.s32 $0x13880;
	s17 =	simm.s32 $0x1DD40;
	s25 =	sshrl.u32 s4, $0x1;
	(erf) = vrcp.f32 v0  }
0x7: {  	s1 =	sand.u32 $0x1, s1;
	s22 =	sshll.u32 s4, $0x1;
	s26 =	smul.u32 $0x4E20, s25  }
0x8: {  	s6 =	simm.s32 $0x1DB40;
	s2 =	sor.u32 s1, s22;
	s28 =	smul.u32 $0x15, s25  }
0x9: {  	s7 =	simm.s32 $0x0;
	s0 =	sadd.s32 $0x400, s0;
	s24 =	smul.u32 $0xA41, s2  }
0xa: {  	p0 =	sgt.u32 s4, $0x3;
	[dreg:$0xb] =	wrdreg s0;
	s2 =	smul.u32 $0x5, s2  }
.Ltmp0:
0xb: {  	s23 =	ssub.s32 $0x2, s1;
	[dreg:$0xe] =	wrdreg s26;
	(pc) =	sbr.rel .LBB2_1-.Ltmp0, $4  }
0xc: {  	s4 =	simm.s32 $0x1D740;
	s3 =	sshrl.u32 s23, $0x1;
	v0 =	vlaneseq.u32;
	[dreg:$0xf] =	wrdreg s28  }
0xd: {  	v2 =	vimm.f32 $0.0e+00;
	v5 =	vimm.s32 $0x0;
	s0 =	ssub.s32 s23, s3;
	v1 =	vmul.u32 $0xFFFFFFFF, v0;
	[dreg:$0xc] =	wrdreg s2;
	s1 =	sadd.s32 s5, s24  }
0xe: {  	vm0 =	vcmask $0x314;
	vm1 =	vcmask $0x714;
	vm2 =	vcmask $0xB14;
	s3 =	simm.s32 $0x9C40;
	s0 =	smax.u32 s0, $0x1;
	[dreg:$0xd] =	wrdreg s1  }
0xf: {  	vm3 =	vcmask $0xF14;
	s2 =	simm.s32 $0x1D540;
	s5 =	simm.s32 $0x1D940;
	[dreg:$0x10] =	wrdreg s0;
	v3 =	vadd.s32 $0x200, v1;
	v4 =	vadd.s32 $0xF, v1;
	v6 =	vpop (erf)  }
.LBB2_107:
0x10: {  	s7 =	rddreg [dreg:$0x11]  }
0x11: {  	s0 =	rddreg [dreg:$0x10];
	s7 =	sadd.s32 $0x1, s7  }
0x12: {  	p1 =	sne.s32 s7, s0  }
.Ltmp1:
0x13: {  	_ = 	snop;
	(pc) =	sbr.rel @!p1 .LBB2_108-.Ltmp1, $1  }
0x14: {  	_ =	sdelay $0x3  }
.LBB2_1:
.Ltmp2:
0x15: {  	(pc) =	sbr.rel @p0 .LBB2_5-.Ltmp2, $2  }
0x16: {  	_ =	sdelay $0x2  }
0x17: {  	[dreg:$0x11] =	wrdreg s7  }
0x18: {  	s0 =	simm.s32 $0x40;
	s7 =	simm.s32 $0x0  }
.LBB2_3:
0x19: {  	p1 =	sne.s32 s0, $0xF80;
	[tilespmem:s7+$0x1DF40] =	vst v2;
	s7 =	smov.u32 s0;
	s0 =	sadd.s32 $0x40, s0  }
.Ltmp3:
0x1a: {  	(pc) =	sbr.rel @p1 .LBB2_3-.Ltmp3, $2  }
0x1b: {  	_ =	sdelay $0x2  }
0x1c: {  	s7 =	sshra.s32 s7, $0x2  }
0x1d: {  	[tilespmem:s7+$0x1DF40] =	vst v2;
	s0 =	simm.s32 $0x0;
	s28 =	rddreg [dreg:$0xd]  }
0x1e: {  	[hbm4b:s28+s0] =	stream.linear.scatter [tilespmem:s18], [sflag:$0x1], $0x3E8, $0x38;
	[tilespmem:$0x1E330] =	vst v63  }
0x1f: {  	_ =	swait.ge [sflag:s19], $0x3E8  }
0x20: {  	[sflag:s19] =	ssyncset.done $0x0  }
0x21: {  	[sflag:s19] =	ssyncadd.s32 $0xFFFFFC18  }
.LBB2_5:
0x22: {  	s8 =	simm.s32 $0x0;
	s10 =	simm.s32 $0x4E20;
	s20 =	simm.s32 $0x9C40  }
0x23: {  	s21 =	simm.s32 $0xEA60;
	s22 =	simm.s32 $0x13880;
	s23 =	simm.s32 $0x0  }
.LBB2_6:
0x24: {  	s0 =	smul.u32 $0x7D0, s23  }
0x25: {  	s7 =	rddreg [dreg:$0xe]  }
0x26: {  	s7 =	sadd.s32 s7, s0  }
0x27: {  	s11 =	rddreg [dreg:$0x1];
	s7 =	sshrl.u32 s7, $0x3  }
0x28: {  	s12 =	simm.s32 $0x186A0;
	s11 =	sadd.s32 s11, s7  }
0x29: {  	[tilespmem:s12], [sflag:$0x1] =	stream.linear.gather [hbm4b:s11+s8], $0x7D0, $0x38;
	[tilespmem:$0x1E330] =	vst v63  }
0x2a: {  	_ =	swait.ge [sflag:s19], $0x7D0  }
0x2b: {  	[sflag:s19] =	ssyncset.done $0x0  }
0x2c: {  	[sflag:s19] =	ssyncadd.s32 $0xFFFFF830  }
0x2d: {  	s16 =	rddreg [dreg:$0x2]  }
0x2e: {  	s24 =	simm.s32 $0x18E70;
	s11 =	sadd.s32 s16, s7  }
0x2f: {  	[tilespmem:s24], [sflag:$0x1] =	stream.linear.gather [hbm4b:s11+s8], $0x7D0, $0x38;
	[tilespmem:$0x1E330] =	vst v63  }
0x30: {  	_ =	swait.ge [sflag:s19], $0x7D0  }
0x31: {  	[sflag:s19] =	ssyncset.done $0x0  }
0x32: {  	[sflag:s19] =	ssyncadd.s32 $0xFFFFF830  }
0x33: {  	s25 =	rddreg [dreg:$0x3]  }
0x34: {  	s26 =	simm.s32 $0x19640;
	s11 =	sadd.s32 s25, s7  }
0x35: {  	[tilespmem:s26], [sflag:$0x1] =	stream.linear.gather [hbm4b:s11+s8], $0x7D0, $0x38;
	[tilespmem:$0x1E330] =	vst v63  }
0x36: {  	_ =	swait.ge [sflag:s19], $0x7D0  }
0x37: {  	[sflag:s19] =	ssyncset.done $0x0  }
0x38: {  	[sflag:s19] =	ssyncadd.s32 $0xFFFFF830  }
0x39: {  	s28 =	rddreg [dreg:$0x4]  }
0x3a: {  	s1 =	simm.s32 $0x19E10;
	s7 =	sadd.s32 s28, s7  }
0x3b: {  	[tilespmem:s1], [sflag:$0x1] =	stream.linear.gather [hbm4b:s7+s8], $0x7D0, $0x38;
	[tilespmem:$0x1E330] =	vst v63  }
0x3c: {  	_ =	swait.ge [sflag:s19], $0x7D0  }
0x3d: {  	[sflag:s19] =	ssyncset.done $0x0  }
0x3e: {  	[sflag:s19] =	ssyncadd.s32 $0xFFFFF830  }
0x3f: {  	s0 =	sshrl.u32 s0, $0x3;
	s12 =	rddreg [dreg:$0x5]  }
0x40: {  	s13 =	simm.s32 $0x1A5E0;
	s7 =	sadd.s32 s12, s0  }
0x41: {  	[tilespmem:s13], [sflag:$0x1] =	stream.linear.gather [hbm4b:s7+s8], $0x7D0, $0x38;
	[tilespmem:$0x1E330] =	vst v63  }
0x42: {  	_ =	swait.ge [sflag:s19], $0x7D0  }
0x43: {  	[sflag:s19] =	ssyncset.done $0x0  }
0x44: {  	[sflag:s19] =	ssyncadd.s32 $0xFFFFF830  }
0x45: {  	s15 =	rddreg [dreg:$0x6]  }
0x46: {  	s16 =	simm.s32 $0x1ADB0;
	s7 =	sadd.s32 s15, s0  }
0x47: {  	[tilespmem:s16], [sflag:$0x1] =	stream.linear.gather [hbm4b:s7+s8], $0x7D0, $0x38;
	[tilespmem:$0x1E330] =	vst v63  }
0x48: {  	_ =	swait.ge [sflag:s19], $0x7D0  }
0x49: {  	[sflag:s19] =	ssyncset.done $0x0  }
0x4a: {  	[sflag:s19] =	ssyncadd.s32 $0xFFFFF830  }
0x4b: {  	s24 =	rddreg [dreg:$0x7]  }
0x4c: {  	s25 =	simm.s32 $0x1B580;
	s7 =	sadd.s32 s24, s0  }
0x4d: {  	[tilespmem:s25], [sflag:$0x1] =	stream.linear.gather [hbm4b:s7+s8], $0x7D0, $0x38;
	[tilespmem:$0x1E330] =	vst v63  }
0x4e: {  	_ =	swait.ge [sflag:s19], $0x7D0  }
0x4f: {  	[sflag:s19] =	ssyncset.done $0x0  }
0x50: {  	[sflag:s19] =	ssyncadd.s32 $0xFFFFF830  }
0x51: {  	s26 =	rddreg [dreg:$0x8]  }
0x52: {  	s28 =	simm.s32 $0x1BD50;
	s0 =	sadd.s32 s26, s0  }
0x53: {  	[tilespmem:s28], [sflag:$0x1] =	stream.linear.gather [hbm4b:s0+s8], $0x7D0, $0x38;
	[tilespmem:$0x1E330] =	vst v63  }
0x54: {  	_ =	swait.ge [sflag:s19], $0x7D0  }
0x55: {  	[sflag:s19] =	ssyncset.done $0x0  }
0x56: {  	s7 =	simm.s32 $0x0;
	[sflag:s19] =	ssyncadd.s32 $0xFFFFF830  }
0x57: {  	v7 =	vld [tilespmem:s7+$0x19640];
	_ =	sdelay $0x1  }
0x58: {  	v8 =	vld [tilespmem:s7+$0x19E10];
	_ =	sdelay $0x2  }
0x59: {  	v7 =	vmul.f32 $2.000000030e-01, v7;
	_ =	sdelay $0x1  }
0x5a: {  	v8 =	vmul.f32 $2.000000030e-01, v8;
	v7 =	vmul.f32 $1.442695020e+00, v7;
	_ =	sdelay $0x1  }
0x5b: {  	v8 =	vmul.f32 $1.442695020e+00, v8;
	(erf) = vpow2.f32 v7;
	_ =	sdelay $0x1  }
0x5c: {  	(erf) = vpow2.f32 v8  }
0x5d: {  	v7 =	vld [tilespmem:s7+$0x186A0]  }
0x5e: {  	v8 =	vld [tilespmem:s7+$0x18E70]  }
0x5f: {  	v9 =	vld [tilespmem:s7+$0x1B580]  }
0x60: {  	v10 =	vld [tilespmem:s7+$0x1BD50]  }
0x61: {  	v11 =	vld [tilespmem:s7+$0x1A5E0]  }
0x62: {  	v12 =	vld [tilespmem:s7+$0x1ADB0];
	v7 =	vmul.f32 $1.000000010e-01, v7  }
0x63: {  	v8 =	vmul.f32 $1.000000010e-01, v8;
	v13 =	vpop (erf)  }
0x64: {  	v14 =	vmul.f32 v9, v7;
	v13 =	vmul.f32 v9, v13  }
0x65: {  	v7 =	vmov s10;
	v15 =	vmul.f32 v10, v8;
	v9 =	vpop (erf)  }
0x66: {  	v16 =	vmul.f32 v10, v9;
	v10 =	vadd.f32 v14, v11;
	v11 =	vmul.f32 v13, v6  }
0x67: {  	v8 =	vmov s20;
	v12 =	vadd.f32 v15, v12  }
0x68: {  	v9 =	vmov s21;
	v62 =	vmul.f32 v16, v6;
	v10 =	vsub.f32 v10, v11;
	_ =	sdelay $0x1  }
0x69: {  	v11 =	vsub.f32 v12, v62;
	[tilespmem:v7+s7+$0x0 ss:$0x1] =	vst.idx.msk $0xffff, v10;
	v63 =	vadd.f32 v10, v13;
	v10 =	vmov s22;
	_ =	sdelay $0x1  }
0x6a: {  	[tilespmem:v8+s7+$0x0 ss:$0x1] =	vst.idx.msk $0xffff, v11  }
0x6b: {  	s11 =	simm.s32 $0x40;
	s12 =	simm.s32 $0x80;
	v11 =	vadd.f32 v11, v16;
	[tilespmem:v9+s7+$0x0 ss:$0x1] =	vst.idx.msk $0xffff, v63  }
.LBB2_7:
0x6c: {  	p1 =	sne.s32 s12, $0x1F00  }
0x6d: {  	[tilespmem:v10+s7+$0x0 ss:$0x1] =	vst.idx.msk $0xffff, v11;
	s7 =	sshra.s32 s11, $0x2;
	s11 =	smov.u32 s12;
	s12 =	sadd.s32 $0x40, s12  }
0x6e: {  	v11 =	vld [tilespmem:s7+$0x19640]  }
0x6f: {  	v12 =	vld [tilespmem:s7+$0x19E10];
	_ =	sdelay $0x3  }
0x70: {  	v11 =	vmul.f32 $2.000000030e-01, v11  }
0x71: {  	v12 =	vmul.f32 $2.000000030e-01, v12  }
0x72: {  	v11 =	vmul.f32 $1.442695020e+00, v11  }
0x73: {  	v12 =	vmul.f32 $1.442695020e+00, v12  }
0x74: {  	(erf) = vpow2.f32 v11  }
0x75: {  	(erf) = vpow2.f32 v12;
	_ =	sdelay $0x1  }
0x76: {  	v11 =	vld [tilespmem:s7+$0x186A0]  }
0x77: {  	v12 =	vld [tilespmem:s7+$0x18E70]  }
0x78: {  	v13 =	vld [tilespmem:s7+$0x1B580]  }
0x79: {  	v14 =	vld [tilespmem:s7+$0x1BD50]  }
0x7a: {  	v15 =	vld [tilespmem:s7+$0x1A5E0]  }
0x7b: {  	v16 =	vld [tilespmem:s7+$0x1ADB0];
	v11 =	vmul.f32 $1.000000010e-01, v11  }
0x7c: {  	v12 =	vmul.f32 $1.000000010e-01, v12;
	v17 =	vpop (erf)  }
0x7d: {  	v11 =	vmul.f32 v13, v11;
	v13 =	vmul.f32 v13, v17;
	v17 =	vpop (erf)  }
0x7e: {  	v12 =	vmul.f32 v14, v12;
	v14 =	vmul.f32 v14, v17  }
0x7f: {  	v11 =	vadd.f32 v11, v15;
	v15 =	vmul.f32 v13, v6  }
0x80: {  	v12 =	vadd.f32 v12, v16;
	v16 =	vmul.f32 v14, v6  }
.Ltmp4:
0x81: {  	v11 =	vsub.f32 v11, v15;
	(pc) =	sbr.rel @p1 .LBB2_7-.Ltmp4, $4  }
0x82: {  	v12 =	vsub.f32 v12, v16  }
0x83: {  	[tilespmem:v7+s7+$0x0 ss:$0x1] =	vst.idx.msk $0xffff, v11;
	v13 =	vadd.f32 v11, v13  }
0x84: {  	[tilespmem:v8+s7+$0x0 ss:$0x1] =	vst.idx.msk $0xffff, v12;
	v11 =	vadd.f32 v12, v14  }
0x85: {  	[tilespmem:v9+s7+$0x0 ss:$0x1] =	vst.idx.msk $0xffff, v13  }
0x86: {  	_ =	sdelay $0x3  }
0x87: {  	s0 =	sshra.s32 s11, $0x2;
	[tilespmem:v10+s7+$0x0 ss:$0x1] =	vst.idx.msk $0xffff, v11  }
0x88: {  	v11 =	vld [tilespmem:s0+$0x19640]  }
0x89: {  	v12 =	vld [tilespmem:s0+$0x19E10];
	_ =	sdelay $0x3  }
0x8a: {  	v11 =	vmul.f32 $2.000000030e-01, v11  }
0x8b: {  	v12 =	vmul.f32 $2.000000030e-01, v12  }
0x8c: {  	v11 =	vmul.f32 $1.442695020e+00, v11  }
0x8d: {  	v12 =	vmul.f32 $1.442695020e+00, v12  }
0x8e: {  	(erf) = vpow2.f32 v11  }
0x8f: {  	(erf) = vpow2.f32 v12;
	_ =	sdelay $0x1  }
0x90: {  	v59 =	vld [tilespmem:s0+$0x186A0]  }
0x91: {  	v60 =	vld [tilespmem:s0+$0x18E70]  }
0x92: {  	v13 =	vld [tilespmem:s0+$0x1B580]  }
0x93: {  	v14 =	vld [tilespmem:s0+$0x1BD50]  }
0x94: {  	v15 =	vld [tilespmem:s0+$0x1A5E0]  }
0x95: {  	v16 =	vld [tilespmem:s0+$0x1ADB0];
	v11 =	vmul.f32 $1.000000010e-01, v59  }
0x96: {  	v12 =	vmul.f32 $1.000000010e-01, v60;
	v17 =	vpop (erf)  }
0x97: {  	v11 =	vmul.f32 v13, v11;
	v13 =	vmul.f32 v13, v17;
	v61 =	vpop (erf)  }
0x98: {  	v12 =	vmul.f32 v14, v12;
	v14 =	vmul.f32 v14, v61  }
0x99: {  	v11 =	vadd.f32 v11, v15;
	v62 =	vmul.f32 v13, v6  }
0x9a: {  	s23 =	sadd.s32 $0x1, s23;
	v12 =	vadd.f32 v12, v16;
	v63 =	vmul.f32 v14, v6  }
0x9b: {  	p1 =	sne.s32 s23, $0xA;
	v11 =	vsub.f32 v11, v62  }
.Ltmp5:
0x9c: {  	v12 =	vsub.f32 v12, v63;
	(pc) =	sbr.rel @p1 .LBB2_6-.Ltmp5, $4  }
0x9d: {  	[tilespmem:v7+s0+$0x0 ss:$0x1] =	vst.idx.msk $0xffff, v11;
	v7 =	vadd.f32 v11, v13  }
0x9e: {  	[tilespmem:v8+s0+$0x0 ss:$0x1] =	vst.idx.msk $0xffff, v12;
	v8 =	vadd.f32 v12, v14  }
0x9f: {  	s10 =	sadd.s32 $0x7D0, s10;
	s20 =	sadd.s32 $0x7D0, s20;
	[tilespmem:v9+s0+$0x0 ss:$0x1] =	vst.idx.msk $0xffff, v7  }
0xa0: {  	s21 =	sadd.s32 $0x7D0, s21;
	s22 =	sadd.s32 $0x7D0, s22;
	s11 =	simm.s32 $0x0;
	[tilespmem:v10+s0+$0x0 ss:$0x1] =	vst.idx.msk $0xffff, v8  }
.Ltmp6:
0xa1: {  	(pc) =	sbr.rel .LBB2_10-.Ltmp6, $2  }
0xa2: {  	_ =	sdelay $0x2  }
0xa3: {  	s24 =	simm.s32 $0x0  }
.LBB2_106:
0xa4: {  	s0 =	rddreg [dreg:$0xf]  }
0xa5: {  	s7 =	rddreg [dreg:$0x12]  }
0xa6: {  	s0 =	sadd.s32 s0, s7  }
0xa7: {  	s0 =	smul.u32 $0x3E8, s0;
	_ =	sdelay $0x1  }
0xa8: {  	s24 =	sadd.s32 $0x1, s1;
	s0 =	sadd.s32 $0x3E8, s0  }
0xa9: {  	s26 =	rddreg [dreg:$0x9];
	p1 =	sne.s32 s24, $0x5;
	s0 =	sshrl.u32 s0, $0x3  }
.Ltmp7:
0xaa: {  	s28 =	simm.s32 $0x0;
	s0 =	sadd.s32 s26, s0;
	(pc) =	sbr.rel @!p1 .LBB2_107-.Ltmp7, $4  }
0xab: {  	[hbm4b:s0+s28] =	stream.linear.scatter [tilespmem:s18], [sflag:$0x1], $0x3E8, $0x38;
	[tilespmem:$0x1E330] =	vst v63  }
0xac: {  	_ =	swait.ge [sflag:s19], $0x3E8  }
0xad: {  	[sflag:s19] =	ssyncset.done $0x0  }
0xae: {  	s11 =	simm.s32 $0x0;
	[sflag:s19] =	ssyncadd.s32 $0xFFFFFC18  }
.LBB2_10:
0xaf: {  	s0 =	rddreg [dreg:$0xc]  }
0xb0: {  	s10 =	sadd.s32 s0, s24  }
0xb1: {  	s0 =	smul.u32 $0x9C4, s10  }
0xb2: {  	s7 =	rddreg [dreg:$0xb]  }
0xb3: {  	s0 =	sadd.s32 s7, s0  }
0xb4: {  	[tilespmem:s11], [sflag:$0x1] =	stream.linear.gather [hbm4b:s0+s11], $0x4E20, $0x38;
	[tilespmem:$0x1E330] =	vst v63  }
0xb5: {  	_ =	swait.ge [sflag:s19], $0x4E20  }
0xb6: {  	[sflag:s19] =	ssyncset.done $0x0  }
0xb7: {  	s0 =	simm.s32 $0x10;
	[sflag:s19] =	ssyncadd.s32 $0xFFFFB1E0  }
0xb8: {  	v7 =	vld [tilespmem:s0+$0xFFFFFFF0];
	_ =	sdelay $0x3  }
0xb9: {  	p1 =	por $0x0, $0x0  }
0xba: {  	v8 =	vlaneseq.u32 @!p1;
	s7 =	simm.s32 $0x0;
	vm4 =	vgt.f32 @!p1 v7, $9.700000280e-01  }
0xbb: {  	v8 =	vor.u32 @!p1 s7, v8;
	vm5 =	vgt.f32 v7, $9.700000280e-01;
	[tilespmem:s11+$0x1C520] =	vst.msk @!p1 vm4, v7  }
0xbc: {  	[tilespmem:s11+$0x1C930] =	vst.msk @!p1 vm4, v8;
	v8 =	vmpcnt.ones.xlane vm5;
	_ =	sdelay $0x1  }
0xbd: {  	v9 =	vld [tilespmem:s0+$0x0];
	(v2sf) =	vpush v8, $0x0;
	_ =	sdelay $0x4  }
0xbe: {  	vm4 =	vgt.f32 v9, $9.700000280e-01  }
0xbf: {  	v8 =	vmpcnt.ones.xlane vm4;
	_ =	sdelay $0x1  }
0xc0: {  	(v2sf) =	vpush v8, $0x0;
	_ =	sdelay $0x6  }
0xc1: {  	v10 =	vnsel vm5, $0x7F7FFFFF, v7;
	v8 =	vimm.s32 $0x7F7FFFFF;
	s28 =	spop (v2sf)  }
0xc2: {  	v11 =	vimm.s32 $0x0;
	v7 =	vnsel vm5, $0x0, v7;
	vm5 =	vlt.s32 v8, v10;
	s7 =	sadd.s32 $0x0, s28  }
0xc3: {  	v8 =	vsel vm5, v8, v10;
	vm5 =	vgt.s32 v11, v7;
	p1 =	sgt.s32 s7, $0x3FF  }
0xc4: {  	v7 =	vsel vm5, v11, v7;
	vm5 =	vgt.f32 @!p1 v9, $9.700000280e-01;
	v10 =	vlaneseq.u32 @!p1  }
0xc5: {  	v12 =	vnsel vm4, $0x0, v9;
	v11 =	vnsel vm4, $0x7F7FFFFF, v9;
	[tilespmem:s7+$0x1C520] =	vst.msk @!p1 vm5, v9;
	v9 =	vor.u32 @!p1 s0, v10  }
0xc6: {  	s21 =	simm.s32 $0x30;
	[tilespmem:s7+$0x1C930] =	vst.msk @!p1 vm5, v9  }
0xc7: {  	v9 =	vld [tilespmem:s21+$0xFFFFFFF0]  }
0xc8: {  	vm4 =	vlt.s32 v8, v11;
	vm5 =	vgt.s32 v7, v12  }
0xc9: {  	s12 =	simm.s32 $0x50;
	s11 =	simm.s32 $0x30;
	v8 =	vsel vm4, v8, v11;
	v7 =	vsel vm5, v7, v12;
	s0 =	spop (v2sf)  }
.LBB2_11:
0xca: {  	s0 =	sadd.s32 s7, s0;
	s8 =	smov.u32 s12;
	s12 =	sadd.s32 $0x20, s12  }
0xcb: {  	p1 =	sne.s32 s12, $0x4E30;
	p2 =	sgt.s32 s0, $0x3FF  }
0xcc: {  	s7 =	sadd.s32 $0xFFFFFFF0, s21;
	vm4 =	vgt.f32 @!p2 v9, $9.700000280e-01;
	v10 =	vlaneseq.u32 @!p2;
	vm5 =	vgt.f32 v9, $9.700000280e-01  }
0xcd: {  	[tilespmem:s0+$0x1C520] =	vst.msk @!p2 vm4, v9;
	v10 =	vor.u32 @!p2 s7, v10;
	v11 =	vnsel vm5, $0x7F7FFFFF, v9;
	v12 =	vmpcnt.ones.xlane vm5  }
0xce: {  	v9 =	vnsel vm5, $0x0, v9;
	[tilespmem:s0+$0x1C930] =	vst.msk @!p2 vm4, v10;
	vm4 =	vlt.s32 v8, v11  }
0xcf: {  	v10 =	vld [tilespmem:s11+$0x0];
	(v2sf) =	vpush v12, $0x0;
	_ =	sdelay $0x3  }
0xd0: {  	vm5 =	vgt.s32 v7, v9  }
0xd1: {  	v8 =	vsel vm4, v8, v11;
	v7 =	vsel vm5, v7, v9;
	vm4 =	vgt.f32 v10, $9.700000280e-01  }
0xd2: {  	v9 =	vnsel vm4, $0x7F7FFFFF, v10;
	v11 =	vnsel vm4, $0x0, v10;
	v12 =	vmpcnt.ones.xlane vm4  }
0xd3: {  	vm4 =	vlt.s32 v8, v9;
	vm5 =	vgt.s32 v7, v11  }
0xd4: {  	v8 =	vsel vm4, v8, v9;
	v7 =	vsel vm5, v7, v11;
	(v2sf) =	vpush v12, $0x0;
	_ =	sdelay $0x6  }
0xd5: {  	s7 =	spop (v2sf)  }
0xd6: {  	s7 =	sadd.s32 s0, s7  }
0xd7: {  	p2 =	sgt.s32 s7, $0x3FF  }
0xd8: {  	vm4 =	vgt.f32 @!p2 v10, $9.700000280e-01;
	v9 =	vlaneseq.u32 @!p2  }
.Ltmp8:
0xd9: {  	[tilespmem:s7+$0x1C520] =	vst.msk @!p2 vm4, v10;
	v9 =	vor.u32 @!p2 s21, v9;
	s21 =	smov.u32 s8;
	(pc) =	sbr.rel @p1 .LBB2_11-.Ltmp8, $3  }
0xda: {  	s11 =	sadd.s32 $0x20, s11;
	[tilespmem:s7+$0x1C930] =	vst.msk @!p2 vm4, v9  }
0xdb: {  	v9 =	vld [tilespmem:s11+$0xFFFFFFF0];
	_ =	sdelay $0x1  }
0xdc: {  	s0 =	spop (v2sf)  }
0xdd: {  	s0 =	sadd.s32 s7, s0  }
0xde: {  	p1 =	sgt.s32 s0, $0x3FF  }
0xdf: {  	s7 =	sadd.s32 $0xFFFFFFF0, s21;
	vm4 =	vgt.f32 @!p1 v9, $9.700000280e-01;
	v10 =	vlaneseq.u32 @!p1  }
0xe0: {  	[tilespmem:s0+$0x1C520] =	vst.msk @!p1 vm4, v9;
	v10 =	vor.u32 @!p1 s7, v10  }
0xe1: {  	[tilespmem:s0+$0x1C930] =	vst.msk @!p1 vm4, v10  }
0xe2: {  	v10 =	vld [tilespmem:s11+$0x0];
	_ =	sdelay $0x2  }
0xe3: {  	vm4 =	vgt.f32 v9, $9.700000280e-01  }
0xe4: {  	v11 =	vnsel vm4, $0x7F7FFFFF, v9  }
0xe5: {  	v60 =	vnsel vm4, $0x0, v9;
	vm5 =	vlt.s32 v8, v11;
	vm6 =	vgt.f32 v10, $9.700000280e-01  }
0xe6: {  	v8 =	vsel vm5, v8, v11;
	vm5 =	vgt.s32 v7, v60;
	v61 =	vnsel vm6, $0x7F7FFFFF, v10  }
0xe7: {  	v7 =	vsel vm5, v7, v60;
	v62 =	vnsel vm6, $0x0, v10;
	vm5 =	vlt.s32 v8, v61  }
0xe8: {  	v8 =	vsel vm5, v8, v61;
	vm5 =	vgt.s32 v7, v62  }
0xe9: {  	v7 =	vsel vm5, v7, v62;
	v63 =	vxor.u32 $0x80000000, v8  }
0xea: {  	(xrf1) =	vsort.ascd.msk.u32 $0xffff, v63, v8;
	v8 =	vxor.u32 $0x80000000, v7  }
0xeb: {  	(xrf1) =	vsort.dscd.msk.u32 $0xffff, v8, v7;
	_ =	sdelay $0x3  }
0xec: {  	v7 =	vmpcnt.ones.xlane vm4  }
0xed: {  	v8 =	vmpcnt.ones.xlane vm6  }
0xee: {  	(v2sf) =	vpush v7, $0x0  }
0xef: {  	(v2sf) =	vpush v8, $0x0;
	_ =	sdelay $0x5  }
0xf0: {  	v7, _, _ =	vpop (xrf1)  }
0xf1: {  	v8, _, _ =	vpop (xrf1);
	(v2sf) =	vpush v7, $0x0  }
0xf2: {  	(v2sf) =	vpush v8, $0x0;
	_ =	sdelay $0x5  }
0xf3: {  	s26 =	spop (v2sf)  }
0xf4: {  	s8 =	spop (v2sf);
	s0 =	sadd.s32 s0, s26  }
0xf5: {  	s20 =	sadd.s32 s0, s8  }
0xf6: {  	s28 =	sadd.s32 $0xFFFFFE70, s20  }
0xf7: {  	p2 =	sgt.u32 s28, $0x270  }
.Ltmp9:
0xf8: {  	_ = 	snop;
	(pc) =	sbr.rel @p2 .LBB2_13-.Ltmp9, $4  }
0xf9: {  	p1 =	sgt.s32 s0, $0x3FF  }
0xfa: {  	vm4 =	vgt.f32 @!p1 v10, $9.700000280e-01;
	v7 =	vlaneseq.u32 @!p1  }
0xfb: {  	[tilespmem:s0+$0x1C520] =	vst.msk @!p1 vm4, v10;
	v7 =	vor.u32 @!p1 s21, v7;
	s21 =	spop (v2sf)  }
0xfc: {  	[tilespmem:s0+$0x1C930] =	vst.msk @!p1 vm4, v7;
	s0 =	spop (v2sf)  }
0xfd: {  	p1 =	slt.u32 s20, $0x201;
	s15 =	sadd.s32 $0x4087AE14, s0  }
0xfe: {  	p2 =	slt.s32 @!p1 s15, $0x2  }
0xff: {  	p2 =	por p1, p2  }
.Ltmp10:
0x100: {  	_ = 	snop;
	(pc) =	sbr.rel @p2 .LBB2_27-.Ltmp10, $3  }
0x101: {  	_ =	sdelay $0x1  }
0x102: {  	s7 =	sadd.s32 $0xF, s20  }
0x103: {  	s22 =	sxor.u32 $0x80000000, s0;
	v7 =	vmov s20;
	s12 =	simm.s32 $0x3F7851EC;
	s11 =	sshrl.u32 s7, $0x4  }
0x104: {  	s7 =	smov.u32 s20;
	s8 =	smov.u32 s22  }
.LBB2_29:
0x105: {  	s0 =	simm.s32 $0x1C520  }
0x106: {  	s13 =	sshrl.u32 s15, $0x1;
	p2 =	sne.s32 s11, $0x1;
	v10 =	vld [tilespmem:s0+$0x0]  }
.Ltmp11:
0x107: {  	s13 =	sadd.s32 s12, s13;
	(pc) =	sbr.rel @!p2 .LBB2_31-.Ltmp11, $4  }
0x108: {  	v8 =	vmov s13  }
0x109: {  	s15 =	simm.s32 $0x0;
	v8 =	vbroadcast v8, $0x0  }
0x10a: {  	v11 =	vor.u32 s15, v0  }
0x10b: {  	v9 =	vimm.s32 $0x0;
	s16 =	sadd.s32 $0xFFFFFFFF, s11;
	s23 =	simm.s32 $0x1C530;
	vm5 =	vlt.s32 v11, v7;
	vm4 =	vgt.f32 v10, v8  }
.LBB2_30:
0x10c: {  	v10 =	vld [tilespmem:s23+$0x0];
	p2 =	sne.s32 s16, $0x1;
	s16 =	sadd.s32 $0xFFFFFFFF, s16;
	vm4 =	vmand vm5, vm4  }
.Ltmp12:
0x10d: {  	v11 =	vmpcnt.ones.xlane vm4;
	(pc) =	sbr.rel @p2 .LBB2_30-.Ltmp12, $4  }
0x10e: {  	_ = 	snop  }
0x10f: {  	s15 =	sadd.s32 $0x10, s15;
	v9 =	vadd.s32 v9, v11  }
0x110: {  	v11 =	vor.u32 s15, v0  }
0x111: {  	s23 =	sadd.s32 $0x10, s23;
	vm5 =	vlt.s32 v11, v7;
	vm4 =	vgt.f32 v10, v8  }
.LBB2_31:
0x112: {  	vm4 =	vmand vm5, vm4  }
0x113: {  	v8 =	vmpcnt.ones.xlane vm4;
	_ =	sdelay $0x1  }
0x114: {  	v8 =	vadd.s32 v9, v8  }
0x115: {  	(v2sf) =	vpush v8, $0x0;
	_ =	sdelay $0xe  }
0x116: {  	s0 =	spop (v2sf)  }
0x117: {  	p2 =	sgt.s32 s0, $0x18F  }
0x118: {  	s12 =	smov.u32 @p2 s13;
	s7 =	smov.u32 @p2 s0;
	s13 =	smov.u32 @p2 s8  }
0x119: {  	p2 =	slt.s32 s7, $0x201;
	s15 =	ssub.s32 s13, s12  }
0x11a: {  	p3 =	sgt.s32 @!p2 s15, $0x1  }
0x11b: {  	p3 =	por p2, !p3  }
.Ltmp13:
0x11c: {  	_ = 	snop;
	(pc) =	sbr.rel @!p3 .LBB2_29-.Ltmp13, $2  }
0x11d: {  	_ =	sdelay $0x2  }
0x11e: {  	s8 =	smov.u32 s13  }
.Ltmp14:
0x11f: {  	(pc) =	sbr.rel .LBB2_33-.Ltmp14, $2  }
0x120: {  	_ =	sdelay $0x2  }
0x121: {  	s12 =	smov.u32 @p2 s12  }
.LBB2_13:
0x122: {  	s0 =	simm.s32 $0x0  }
0x123: {  	v9 =	vld [tilespmem:s0+$0x10]  }
0x124: {  	v10 =	vld [tilespmem:s0+$0x0];
	_ =	sdelay $0x1  }
0x125: {  	v7 =	vimm.s32 $0x0;
	s7 =	simm.s32 $0x80;
	v8 =	vimm.s32 $0x0  }
.LBB2_14:
0x126: {  	p1 =	sne.s32 s7, $0x13800  }
.Ltmp15:
0x127: {  	s0 =	sshra.s32 s7, $0x2;
	s7 =	sadd.s32 $0x80, s7;
	vm4 =	vgt.f32 v9, $9.999999770e-03;
	(pc) =	sbr.rel @p1 .LBB2_14-.Ltmp15, $4  }
0x128: {  	v9 =	vld [tilespmem:s0+$0x10];
	vm5 =	vgt.f32 v10, $9.999999770e-03;
	v11 =	vmpcnt.ones.xlane vm4  }
0x129: {  	v10 =	vld [tilespmem:s0+$0x0];
	v12 =	vmpcnt.ones.xlane vm5  }
0x12a: {  	v7 =	vadd.s32 v7, v11  }
0x12b: {  	v8 =	vadd.s32 v8, v12  }
0x12c: {  	_ =	sdelay $0x1  }
0x12d: {  	vm4 =	vgt.f32 v10, $9.999999770e-03  }
0x12e: {  	vm5 =	vgt.f32 v9, $9.999999770e-03;
	v62 =	vmpcnt.ones.xlane vm4  }
0x12f: {  	v63 =	vmpcnt.ones.xlane vm5  }
0x130: {  	v8 =	vadd.s32 v8, v62  }
0x131: {  	v7 =	vadd.s32 v7, v63;
	(v2sf) =	vpush v8, $0x0  }
0x132: {  	(v2sf) =	vpush v7, $0x0;
	_ =	sdelay $0xd  }
0x133: {  	s0 =	spop (v2sf)  }
0x134: {  	s7 =	spop (v2sf)  }
0x135: {  	p1 =	sgt.s32 s20, $0x18F;
	s12 =	sadd.s32 s0, s7  }
0x136: {  	s12 =	smov.u32 @p1 s20  }
0x137: {  	p2 =	slt.s32 s12, $0x201  }
.Ltmp16:
0x138: {  	_ = 	snop;
	(pc) =	sbr.rel @p2 .LBB2_21-.Ltmp16, $3  }
0x139: {  	_ =	sdelay $0x1  }
0x13a: {  	s11 =	simm.s32 $0x3F7851EC  }
0x13b: {  	s11 =	simm.s32 @!p1 $0x3C23D70A  }
0x13c: {  	s0 =	simm.s32 $0x4007AE14;
	s7 =	simm.s32 $0x7F800000  }
0x13d: {  	s0 =	simm.s32 @!p1 $0x3547AE2;
	s7 =	simm.s32 @!p1 $0x3F7851EC  }
.LBB2_17:
0x13e: {  	s28 =	simm.s32 $0x0  }
0x13f: {  	s0 =	sshrl.u32 s0, $0x1;
	v9 =	vld [tilespmem:s28+$0x10]  }
0x140: {  	s8 =	sadd.s32 s11, s0;
	v11 =	vld [tilespmem:s28+$0x0]  }
0x141: {  	v7 =	vmov s8  }
0x142: {  	s13 =	simm.s32 $0x80;
	v10 =	vimm.s32 $0x0;
	v8 =	vbroadcast v7, $0x0;
	v7 =	vimm.s32 $0x0  }
.LBB2_18:
0x143: {  	p1 =	sne.s32 s13, $0x13800  }
.Ltmp17:
0x144: {  	s0 =	sshra.s32 s13, $0x2;
	s13 =	sadd.s32 $0x80, s13;
	vm4 =	vgt.f32 v9, v8;
	(pc) =	sbr.rel @p1 .LBB2_18-.Ltmp17, $4  }
0x145: {  	v9 =	vld [tilespmem:s0+$0x10];
	vm5 =	vgt.f32 v11, v8;
	v12 =	vmpcnt.ones.xlane vm4  }
0x146: {  	v11 =	vld [tilespmem:s0+$0x0];
	v13 =	vmpcnt.ones.xlane vm5  }
0x147: {  	v7 =	vadd.s32 v7, v12  }
0x148: {  	v10 =	vadd.s32 v10, v13  }
0x149: {  	_ =	sdelay $0x1  }
0x14a: {  	vm4 =	vgt.f32 v11, v8  }
0x14b: {  	vm5 =	vgt.f32 v9, v8;
	v8 =	vmpcnt.ones.xlane vm4  }
0x14c: {  	v9 =	vmpcnt.ones.xlane vm5  }
0x14d: {  	v8 =	vadd.s32 v10, v8  }
0x14e: {  	v7 =	vadd.s32 v7, v9;
	(v2sf) =	vpush v8, $0x0  }
0x14f: {  	(v2sf) =	vpush v7, $0x0;
	_ =	sdelay $0xd  }
0x150: {  	s0 =	spop (v2sf)  }
0x151: {  	s13 =	spop (v2sf)  }
0x152: {  	s0 =	sadd.s32 s0, s13  }
0x153: {  	p1 =	sgt.s32 s0, $0x18F  }
0x154: {  	s11 =	smov.u32 @p1 s8;
	s12 =	smov.u32 @p1 s0;
	s8 =	smov.u32 @p1 s7  }
0x155: {  	p1 =	slt.s32 s12, $0x201;
	s0 =	ssub.s32 s8, s11  }
0x156: {  	p2 =	sgt.s32 @!p1 s0, $0x1  }
0x157: {  	p2 =	por p1, !p2  }
.Ltmp18:
0x158: {  	_ = 	snop;
	(pc) =	sbr.rel @!p2 .LBB2_17-.Ltmp18, $2  }
0x159: {  	_ =	sdelay $0x2  }
0x15a: {  	s7 =	smov.u32 s8  }
0x15b: {  	s11 =	smov.u32 @p1 s11  }
.LBB2_21:
0x15c: {  	s8 =	simm.s32 $0x10  }
0x15d: {  	v8 =	vld [tilespmem:s8+$0xFFFFFFF0];
	_ =	sdelay $0x1  }
0x15e: {  	v7 =	vmov s11  }
0x15f: {  	v7 =	vbroadcast v7, $0x0  }
0x160: {  	p1 =	por $0x0, $0x0  }
0x161: {  	s0 =	simm.s32 $0x0;
	s7 =	simm.s32 $0x0;
	v9 =	vlaneseq.u32 @!p1;
	vm4 =	vgt.f32 @!p1 v8, v7;
	vm5 =	vgt.f32 v8, v7  }
0x162: {  	v9 =	vor.u32 @!p1 s7, v9;
	[tilespmem:s0+$0x1C520] =	vst.msk @!p1 vm4, v8;
	v8 =	vmpcnt.ones.xlane vm5  }
0x163: {  	[tilespmem:s0+$0x1C930] =	vst.msk @!p1 vm4, v9  }
0x164: {  	v9 =	vld [tilespmem:s8+$0x0];
	(v2sf) =	vpush v8, $0x0;
	_ =	sdelay $0x4  }
0x165: {  	vm4 =	vgt.f32 v9, v7  }
0x166: {  	v8 =	vmpcnt.ones.xlane vm4;
	_ =	sdelay $0x1  }
0x167: {  	(v2sf) =	vpush v8, $0x0;
	_ =	sdelay $0x6  }
0x168: {  	s28 =	spop (v2sf)  }
0x169: {  	s7 =	sadd.s32 $0x0, s28  }
0x16a: {  	p1 =	sgt.s32 s7, $0x1FF  }
0x16b: {  	vm4 =	vgt.f32 @!p1 v9, v7;
	v8 =	vlaneseq.u32 @!p1  }
0x16c: {  	[tilespmem:s7+$0x1C520] =	vst.msk @!p1 vm4, v9;
	v8 =	vor.u32 @!p1 s8, v8  }
0x16d: {  	s11 =	simm.s32 $0x30;
	[tilespmem:s7+$0x1C930] =	vst.msk @!p1 vm4, v8  }
0x16e: {  	v8 =	vld [tilespmem:s11+$0xFFFFFFF0];
	_ =	sdelay $0x1  }
0x16f: {  	s13 =	simm.s32 $0x50;
	s12 =	simm.s32 $0x30;
	s0 =	spop (v2sf)  }
.LBB2_22:
0x170: {  	s0 =	sadd.s32 s7, s0;
	s8 =	smov.u32 s13;
	s13 =	sadd.s32 $0x20, s13  }
0x171: {  	p1 =	seq.s32 s13, $0x4E30;
	p2 =	sgt.s32 s0, $0x1FF  }
0x172: {  	s7 =	sadd.s32 $0xFFFFFFF0, s11;
	vm4 =	vgt.f32 @!p2 v8, v7;
	v9 =	vlaneseq.u32 @!p2;
	vm5 =	vgt.f32 v8, v7  }
0x173: {  	[tilespmem:s0+$0x1C520] =	vst.msk @!p2 vm4, v8;
	v8 =	vor.u32 @!p2 s7, v9;
	v9 =	vmpcnt.ones.xlane vm5  }
0x174: {  	[tilespmem:s0+$0x1C930] =	vst.msk @!p2 vm4, v8  }
0x175: {  	v8 =	vld [tilespmem:s12+$0x0];
	(v2sf) =	vpush v9, $0x0;
	_ =	sdelay $0x4  }
0x176: {  	vm4 =	vgt.f32 v8, v7  }
0x177: {  	v9 =	vmpcnt.ones.xlane vm4;
	_ =	sdelay $0x1  }
0x178: {  	(v2sf) =	vpush v9, $0x0;
	_ =	sdelay $0x6  }
0x179: {  	s7 =	spop (v2sf)  }
0x17a: {  	s7 =	sadd.s32 s0, s7  }
0x17b: {  	p2 =	sgt.s32 s7, $0x1FF  }
0x17c: {  	vm4 =	vgt.f32 @!p2 v8, v7;
	v9 =	vlaneseq.u32 @!p2  }
.Ltmp19:
0x17d: {  	[tilespmem:s7+$0x1C520] =	vst.msk @!p2 vm4, v8;
	v8 =	vor.u32 @!p2 s11, v9;
	s11 =	smov.u32 s8;
	(pc) =	sbr.rel @!p1 .LBB2_22-.Ltmp19, $3  }
0x17e: {  	s12 =	sadd.s32 $0x20, s12;
	[tilespmem:s7+$0x1C930] =	vst.msk @!p2 vm4, v8  }
0x17f: {  	v8 =	vld [tilespmem:s12+$0xFFFFFFF0];
	_ =	sdelay $0x1  }
0x180: {  	s0 =	spop (v2sf)  }
0x181: {  	s0 =	sadd.s32 s7, s0  }
0x182: {  	p1 =	sgt.s32 s0, $0x1FF  }
0x183: {  	s7 =	sadd.s32 $0xFFFFFFF0, s11;
	vm4 =	vgt.f32 @!p1 v8, v7;
	v9 =	vlaneseq.u32 @!p1  }
0x184: {  	[tilespmem:s0+$0x1C520] =	vst.msk @!p1 vm4, v8;
	v9 =	vor.u32 @!p1 s7, v9  }
0x185: {  	[tilespmem:s0+$0x1C930] =	vst.msk @!p1 vm4, v9  }
0x186: {  	vm4 =	vgt.f32 v8, v7;
	v9 =	vld [tilespmem:s12+$0x0]  }
0x187: {  	v8 =	vmpcnt.ones.xlane vm4;
	_ =	sdelay $0x1  }
0x188: {  	(v2sf) =	vpush v8, $0x0;
	_ =	sdelay $0x1  }
0x189: {  	vm4 =	vgt.f32 v9, v7  }
0x18a: {  	v8 =	vmpcnt.ones.xlane vm4;
	_ =	sdelay $0x1  }
0x18b: {  	(v2sf) =	vpush v8, $0x0;
	_ =	sdelay $0x9  }
0x18c: {  	s23 =	spop (v2sf)  }
0x18d: {  	s0 =	sadd.s32 s0, s23  }
0x18e: {  	p1 =	sgt.s32 s0, $0x1FF  }
0x18f: {  	vm4 =	vgt.f32 @!p1 v9, v7;
	v7 =	vlaneseq.u32 @!p1  }
0x190: {  	[tilespmem:s0+$0x1C520] =	vst.msk @!p1 vm4, v9;
	v7 =	vor.u32 @!p1 s11, v7  }
0x191: {  	s28 =	simm.s32 $0x1C520;
	[tilespmem:s0+$0x1C930] =	vst.msk @!p1 vm4, v7;
	s25 =	spop (v2sf)  }
0x192: {  	v11 =	vld [tilespmem:s28+$0x0];
	s20 =	sadd.s32 s0, s25  }
0x193: {  	p1 =	slt.s32 s20, $0x200;
	s0 =	smov.u32 s20  }
0x194: {  	s26 =	simm.s32 $0x0;
	s0 =	simm.s32 @!p1 $0x200  }
0x195: {  	v10 =	vor.u32 s26, v0;
	v9 =	vmov s0  }
0x196: {  	v8 =	vimm.s32 $0x0;
	vm4 =	vlt.s32 v10, v9  }
0x197: {  	s8 =	simm.s32 $0x1C530;
	s7 =	simm.s32 $0x10;
	v7 =	vimm.s32 $0x7F7FFFFF;
	v10 =	vnsel vm4, $0x7F7FFFFF, v11;
	v11 =	vnsel vm4, $0x0, v11  }
.LBB2_24:
0x198: {  	v12 =	vld [tilespmem:s8+$0x0];
	p1 =	sne.s32 s7, $0x1F0;
	vm4 =	vlt.s32 v7, v10;
	vm5 =	vgt.s32 v8, v11;
	s0 =	smov.u32 s7;
	s7 =	sadd.s32 $0x10, s7  }
.Ltmp20:
0x199: {  	v7 =	vsel vm4, v7, v10;
	v8 =	vsel vm5, v8, v11;
	(pc) =	sbr.rel @p1 .LBB2_24-.Ltmp20, $4  }
0x19a: {  	_ = 	snop  }
0x19b: {  	v10 =	vor.u32 s0, v0  }
0x19c: {  	vm4 =	vlt.s32 v10, v9  }
0x19d: {  	s8 =	sadd.s32 $0x10, s8;
	v10 =	vnsel vm4, $0x7F7FFFFF, v12;
	v11 =	vnsel vm4, $0x0, v12  }
0x19e: {  	vm4 =	vlt.s32 v7, v10  }
0x19f: {  	vm5 =	vgt.s32 v8, v11;
	v7 =	vsel vm4, v7, v10  }
0x1a0: {  	v8 =	vsel vm5, v8, v11;
	v9 =	vxor.u32 $0x80000000, v7  }
0x1a1: {  	(xrf1) =	vsort.ascd.msk.u32 $0xffff, v9, v7;
	v7 =	vxor.u32 $0x80000000, v8  }
0x1a2: {  	(xrf1) =	vsort.dscd.msk.u32 $0xffff, v7, v8;
	_ =	sdelay $0xc  }
0x1a3: {  	v7, _, _ =	vpop (xrf1)  }
0x1a4: {  	v8, _, _ =	vpop (xrf1);
	(v2sf) =	vpush v7, $0x0  }
0x1a5: {  	(v2sf) =	vpush v8, $0x0;
	_ =	sdelay $0xb  }
.Ltmp21:
0x1a6: {  	_ = 	snop;
	(pc) =	sbr.rel .LBB2_38-.Ltmp21, $4  }
0x1a7: {  	_ = 	snop  }
0x1a8: {  	s21 =	spop (v2sf)  }
0x1a9: {  	s0 =	spop (v2sf)  }
0x1aa: {  	s22 =	sxor.u32 $0x80000000, s0  }
.LBB2_27:
0x1ab: {  	s12 =	simm.s32 @p1 $0x3F7851EC  }
.LBB2_33:
0x1ac: {  	p2 =	seq.s32 @!p1 s11, $0x0  }
0x1ad: {  	p2 =	por p1, p2  }
.Ltmp22:
0x1ae: {  	_ = 	snop;
	(pc) =	sbr.rel @p2 .LBB2_34-.Ltmp22, $1  }
0x1af: {  	_ =	sdelay $0x3  }
0x1b0: {  	s0 =	simm.s32 $0x1C520  }
0x1b1: {  	v9 =	vld [tilespmem:s0+$0x0];
	_ =	sdelay $0x1  }
0x1b2: {  	v8 =	vmov @!p1 s12  }
0x1b3: {  	s7 =	simm.s32 $0x0;
	v8 =	vbroadcast @!p1 v8, $0x0  }
0x1b4: {  	v10 =	vor.u32 s7, v0  }
0x1b5: {  	vm5 =	vlt.s32 v10, v7;
	vm4 =	vgt.f32 v9, v8  }
0x1b6: {  	vm4 =	vmand vm5, vm4  }
0x1b7: {  	v10 =	vmpcnt.ones.xlane vm4;
	_ =	sdelay $0x1  }
0x1b8: {  	(v2sf) =	vpush v10, $0x0  }
0x1b9: {  	s8 =	simm.s32 $0x1C930;
	s11 =	sadd.s32 $0xFFFFFFFF, s11;
	p1 =	por $0x0, $0x0  }
0x1ba: {  	p2 =	seq.s32 s11, $0x0;
	v11 =	vld @!p1 [tilespmem:s8+$0x0]  }
.Ltmp23:
0x1bb: {  	_ = 	snop;
	(pc) =	sbr.rel @p2 .LBB2_37-.Ltmp23, $3  }
0x1bc: {  	_ =	sdelay $0x1  }
0x1bd: {  	[tilespmem:s7+$0x1C520] =	vst.msk @!p1 vm4, v9  }
0x1be: {  	s12 =	simm.s32 $0x1C530;
	s13 =	simm.s32 $0x0;
	[tilespmem:s7+$0x1C930] =	vst.msk @!p1 vm4, v11  }
.LBB2_36:
0x1bf: {  	v9 =	vld [tilespmem:s12+$0x0];
	s11 =	sadd.s32 $0xFFFFFFFF, s11  }
0x1c0: {  	p1 =	seq.s32 s11, $0x0;
	_ =	sdelay $0x1  }
0x1c1: {  	s13 =	sadd.s32 $0x10, s13  }
0x1c2: {  	v10 =	vor.u32 s13, v0  }
0x1c3: {  	vm5 =	vlt.s32 v10, v7;
	vm4 =	vgt.f32 v9, v8  }
0x1c4: {  	vm4 =	vmand vm5, vm4  }
0x1c5: {  	v10 =	vmpcnt.ones.xlane vm4;
	s0 =	spop (v2sf)  }
0x1c6: {  	s7 =	sadd.s32 s7, s0  }
0x1c7: {  	s8 =	sadd.s32 $0x10, s8;
	p2 =	sgt.s32 s7, $0x1FF;
	(v2sf) =	vpush v10, $0x0  }
0x1c8: {  	v10 =	vld @!p2 [tilespmem:s8+$0x0];
	[tilespmem:s7+$0x1C520] =	vst.msk @!p2 vm4, v9;
	_ =	sdelay $0x1  }
.Ltmp24:
0x1c9: {  	(pc) =	sbr.rel @!p1 .LBB2_36-.Ltmp24, $3  }
0x1ca: {  	_ =	sdelay $0x1  }
0x1cb: {  	[tilespmem:s7+$0x1C930] =	vst.msk @!p2 vm4, v10  }
0x1cc: {  	s12 =	sadd.s32 $0x10, s12  }
.LBB2_37:
0x1cd: {  	_ =	sdelay $0x3  }
.Ltmp25:
0x1ce: {  	_ = 	snop;
	(pc) =	sbr.rel .LBB2_38-.Ltmp25, $3  }
0x1cf: {  	_ =	sdelay $0x1  }
0x1d0: {  	s0 =	spop (v2sf)  }
0x1d1: {  	s20 =	sadd.s32 s7, s0  }
.LBB2_34:
0x1d2: {  	s20 =	simm.s32 @!p1 $0x0;
	s21 =	smov.u32 @p1 s21;
	s22 =	smov.u32 @p1 s22  }
.LBB2_38:
0x1d3: {  	s0 =	smulhi.u32 $0xCCCCCCCD, s10;
	_ =	sdelay $0x1  }
0x1d4: {  	s0 =	sshrl.u32 s0, $0x4  }
0x1d5: {  	s7 =	smul.u32 $0x14, s0  }
0x1d6: {  	s0 =	sxor.u32 $0x80000000, s21  }
0x1d7: {  	s8 =	ssub.s32 s22, s0;
	s1 =	ssub.s32 s10, s7;
	s7 =	simm.s32 $0xFFFFFFFF  }
.LBB2_39:
0x1d8: {  	s7 =	sadd.s32 $0x1, s7  }
0x1d9: {  	s10 =	sshra.s32 s8, s7  }
0x1da: {  	p1 =	sgt.s32 s10, $0x3FFFFF  }
.Ltmp26:
0x1db: {  	_ = 	snop;
	(pc) =	sbr.rel @p1 .LBB2_39-.Ltmp26, $1  }
0x1dc: {  	_ =	sdelay $0x3  }
0x1dd: {  	s8 =	simm.s32 $0x1C520  }
0x1de: {  	v9 =	vld [tilespmem:s8+$0x0];
	_ =	sdelay $0x3  }
0x1df: {  	v8 =	vmov s0  }
0x1e0: {  	v7 =	vmov s7;
	v9 =	vsub.s32 v9, v8  }
0x1e1: {  	p1 =	slt.s32 s20, $0x200;
	s0 =	smov.u32 s20;
	s21 =	simm.s32 $0x0;
	v9 =	vshra.s32 v9, v7  }
0x1e2: {  	s0 =	simm.s32 @!p1 $0x200;
	v10 =	vmov s21;
	v11 =	vshll.u32 v9, $0x9  }
0x1e3: {  	v12 =	vor.u32 s21, v0;
	v9 =	vmov s0;
	v10 =	vsub.s32 v11, v10  }
0x1e4: {  	vm4 =	vlt.s32 v12, v9;
	v10 =	vadd.s32 v3, v10  }
0x1e5: {  	v10 =	vnsel vm4, $0x0, v10  }
0x1e6: {  	v11 =	vxor.u32 $0x80000000, v10  }
0x1e7: {  	(xrf1) =	vsort.dscd.msk.u32 $0xffff, v11, v10;
	_ =	sdelay $0xd  }
0x1e8: {  	v10, _, _ =	vpop (xrf1)  }
0x1e9: {  	s11 =	simm.s32 $0x1CD40;
	v10 =	vxor.u32 $0x80000000, v10  }
0x1ea: {  	s8 =	simm.s32 $0x1C530;
	[tilespmem:s11+$0x0] =	vst v10  }
0x1eb: {  	s7 =	simm.s32 $0x10;
	s10 =	simm.s32 $0x20;
	v10 =	vld [tilespmem:s8+$0x0]  }
.LBB2_41:
0x1ec: {  	p1 =	sne.s32 s10, $0x1F0;
	_ =	sdelay $0x3  }
0x1ed: {  	v10 =	vsub.s32 v10, v8  }
0x1ee: {  	v10 =	vshra.s32 v10, v7  }
0x1ef: {  	v11 =	vmov s7;
	v10 =	vshll.u32 v10, $0x9  }
0x1f0: {  	v12 =	vor.u32 s7, v0;
	s7 =	smov.u32 s10;
	v10 =	vsub.s32 v10, v11  }
0x1f1: {  	vm4 =	vlt.s32 v12, v9;
	v10 =	vadd.s32 v3, v10  }
0x1f2: {  	v10 =	vnsel vm4, $0x0, v10  }
0x1f3: {  	v11 =	vxor.u32 $0x80000000, v10  }
0x1f4: {  	(xrf1) =	vsort.dscd.msk.u32 $0xffff, v11, v10;
	_ =	sdelay $0xc  }
.Ltmp27:
0x1f5: {  	(pc) =	sbr.rel @p1 .LBB2_41-.Ltmp27, $4  }
0x1f6: {  	v10, _, _ =	vpop (xrf1)  }
0x1f7: {  	s11 =	sadd.s32 $0x10, s11;
	v10 =	vxor.u32 $0x80000000, v10  }
0x1f8: {  	s8 =	sadd.s32 $0x10, s8;
	[tilespmem:s11+$0x0] =	vst v10  }
0x1f9: {  	s10 =	sadd.s32 $0x10, s10;
	v10 =	vld [tilespmem:s8+$0x0]  }
0x1fa: {  	_ =	sdelay $0x3  }
0x1fb: {  	v8 =	vsub.s32 v10, v8  }
0x1fc: {  	v7 =	vshra.s32 v8, v7  }
0x1fd: {  	v8 =	vmov s7;
	v7 =	vshll.u32 v7, $0x9  }
0x1fe: {  	v63 =	vor.u32 s7, v0;
	v7 =	vsub.s32 v7, v8  }
0x1ff: {  	vm4 =	vlt.s32 v63, v9;
	v7 =	vadd.s32 v3, v7  }
0x200: {  	v7 =	vnsel vm4, $0x0, v7  }
0x201: {  	v8 =	vxor.u32 $0x80000000, v7  }
0x202: {  	(xrf1) =	vsort.dscd.msk.u32 $0xffff, v8, v7;
	_ =	sdelay $0xd  }
0x203: {  	v7, _, _ =	vpop (xrf1)  }
0x204: {  	s0 =	sadd.s32 $0x10, s11;
	v7 =	vxor.u32 $0x80000000, v7  }
0x205: {  	s12 =	simm.s32 $0x1CD50;
	[tilespmem:s0+$0x0] =	vst v7  }
0x206: {  	v7 =	vld [tilespmem:s12+$0x0]  }
0x207: {  	s10 =	simm.s32 $0x1;
	s11 =	simm.s32 $0x1CD50  }
.LBB2_43:
0x208: {  	p1 =	sne.s32 s10, $0xF;
	v8 =	vld [tilespmem:s12+$0xFFFFFFF0];
	_ =	sdelay $0x2  }
0x209: {  	v7 =	vperm.xlane v7, v4;
	_ =	sdelay $0x1  }
0x20a: {  	vm4 =	vgt.s32 v8, v7  }
0x20b: {  	v9 =	vsel vm4, v8, v7  }
0x20c: {  	v7 =	vsel vm4, v7, v8;
	v8 =	vxor.u32 $0x80000000, v9  }
0x20d: {  	v10 =	vxor.u32 $0x80000000, v7;
	(xrf1) =	vsort.dscd.msk.u32 $0xffff, v8, v9  }
0x20e: {  	(xrf1) =	vsort.dscd.msk.u32 $0xffff, v10, v7;
	_ =	sdelay $0xc  }
0x20f: {  	v7, _, _ =	vpop (xrf1)  }
0x210: {  	s0 =	sand.u32 $0x1, s21;
	s21 =	smov.u32 s10;
	v8, _, _ =	vpop (xrf1)  }
.Ltmp28:
0x211: {  	p2 =	seq.s32 s0, $0x1;
	v7 =	vxor.u32 $0x80000000, v7;
	v8 =	vxor.u32 $0x80000000, v8;
	(pc) =	sbr.rel @p1 .LBB2_43-.Ltmp28, $4  }
0x212: {  	v9 =	vpsel p2, v8, v7;
	v7 =	vpsel p2, v7, v8  }
0x213: {  	s12 =	sadd.s32 $0x20, s12;
	[tilespmem:s11+$0x0] =	vst v7  }
0x214: {  	v7 =	vld [tilespmem:s12+$0x0];
	[tilespmem:s11+$0xFFFFFFF0] =	vst v9;
	s11 =	smov.u32 s12  }
0x215: {  	s10 =	sadd.s32 $0x1, s10  }
0x216: {  	v8 =	vld [tilespmem:s12+$0xFFFFFFF0];
	_ =	sdelay $0x2  }
0x217: {  	v7 =	vperm.xlane v7, v4;
	_ =	sdelay $0x1  }
0x218: {  	vm4 =	vgt.s32 v8, v7  }
0x219: {  	v9 =	vsel vm4, v8, v7  }
0x21a: {  	v7 =	vsel vm4, v7, v8;
	v8 =	vxor.u32 $0x80000000, v9  }
0x21b: {  	v10 =	vxor.u32 $0x80000000, v7;
	(xrf1) =	vsort.dscd.msk.u32 $0xffff, v8, v9  }
0x21c: {  	(xrf1) =	vsort.dscd.msk.u32 $0xffff, v10, v7;
	_ =	sdelay $0xc  }
0x21d: {  	v7, _, _ =	vpop (xrf1)  }
0x21e: {  	s0 =	sand.u32 $0x1, s21;
	v8, _, _ =	vpop (xrf1)  }
0x21f: {  	s21 =	simm.s32 $0x0;
	p1 =	seq.s32 s0, $0x1;
	v7 =	vxor.u32 $0x80000000, v7;
	v8 =	vxor.u32 $0x80000000, v8  }
0x220: {  	s25 =	sand.u32 $0x1C, s21;
	s7 =	sand.u32 $0x1, s21;
	v9 =	vpsel p1, v7, v8  }
0x221: {  	s0 =	sor.u32 s7, s25;
	v7 =	vpsel p1, v8, v7;
	[tilespmem:s11+$0x0] =	vst v9  }
0x222: {  	[tilespmem:s11+$0xFFFFFFF0] =	vst v7;
	s11 =	sshll.u32 s0, $0x4  }
0x223: {  	v7 =	vld [tilespmem:s11+$0x1CD60];
	_ =	sdelay $0x1  }
0x224: {  	v8 =	vld [tilespmem:s11+$0x1CD40];
	_ =	sdelay $0x2  }
0x225: {  	v7 =	vperm.xlane v7, v4;
	_ =	sdelay $0x1  }
0x226: {  	vm4 =	vgt.s32 v8, v7  }
0x227: {  	v9 =	vsel vm4, v8, v7  }
0x228: {  	v7 =	vsel vm4, v7, v8;
	v8 =	vxor.u32 $0x80000000, v9  }
0x229: {  	v10 =	vxor.u32 $0x80000000, v7;
	(xrf1) =	vsort.dscd.msk.u32 $0xffff, v8, v9  }
0x22a: {  	(xrf1) =	vsort.dscd.msk.u32 $0xffff, v10, v7;
	_ =	sdelay $0xc  }
0x22b: {  	v7, _, _ =	vpop (xrf1)  }
0x22c: {  	s22 =	simm.s32 $0x1;
	s13 =	simm.s32 $0x2;
	s26 =	sand.u32 $0x2, s21;
	v8, _, _ =	vpop (xrf1)  }
0x22d: {  	s28 =	sand.u32 $0x1C, s13;
	s8 =	sand.u32 $0x1, s22;
	p6 =	seq.s32 s26, $0x0;
	v9 =	vxor.u32 $0x80000000, v7;
	v8 =	vxor.u32 $0x80000000, v8  }
0x22e: {  	s15 =	simm.s32 $0x2;
	s12 =	simm.s32 $0x1;
	s0 =	sor.u32 s8, s28;
	v7 =	vpsel p6, v9, v8;
	v8 =	vpsel p6, v8, v9  }
.LBB2_45:
0x22f: {  	p1 =	sne.s32 s15, $0xF;
	s0 =	sshll.u32 s0, $0x4;
	[tilespmem:s11+$0x1CD60] =	vst v8  }
0x230: {  	v8 =	vld [tilespmem:s0+$0x1CD60];
	[tilespmem:s11+$0x1CD40] =	vst v7;
	s11 =	smov.u32 s0;
	_ =	sdelay $0x1  }
0x231: {  	v7 =	vld [tilespmem:s11+$0x1CD40];
	_ =	sdelay $0x2  }
0x232: {  	v8 =	vperm.xlane v8, v4;
	_ =	sdelay $0x1  }
0x233: {  	vm4 =	vgt.s32 v7, v8  }
0x234: {  	v9 =	vsel vm4, v7, v8  }
0x235: {  	v7 =	vsel vm4, v8, v7;
	v8 =	vxor.u32 $0x80000000, v9  }
0x236: {  	v10 =	vxor.u32 $0x80000000, v7;
	(xrf1) =	vsort.dscd.msk.u32 $0xffff, v8, v9  }
0x237: {  	(xrf1) =	vsort.dscd.msk.u32 $0xffff, v10, v7;
	_ =	sdelay $0xb  }
.Ltmp29:
0x238: {  	(pc) =	sbr.rel @p1 .LBB2_45-.Ltmp29, $4  }
0x239: {  	v7, _, _ =	vpop (xrf1)  }
0x23a: {  	s13 =	sadd.s32 $0x2, s13;
	s0 =	sand.u32 $0x2, s12;
	s12 =	smov.u32 s15;
	v8, _, _ =	vpop (xrf1)  }
0x23b: {  	s8 =	sand.u32 $0x1, s15;
	s7 =	sand.u32 $0x1C, s13;
	p2 =	seq.s32 s0, $0x0;
	v9 =	vxor.u32 $0x80000000, v7;
	v8 =	vxor.u32 $0x80000000, v8  }
0x23c: {  	s15 =	sadd.s32 $0x1, s15;
	s0 =	sor.u32 s8, s7;
	v7 =	vpsel p2, v9, v8;
	v8 =	vpsel p2, v8, v9  }
0x23d: {  	s0 =	sshll.u32 s0, $0x4;
	[tilespmem:s11+$0x1CD60] =	vst v8  }
0x23e: {  	v8 =	vld [tilespmem:s0+$0x1CD60]  }
0x23f: {  	[tilespmem:s11+$0x1CD40] =	vst v7  }
0x240: {  	v7 =	vld [tilespmem:s0+$0x1CD40];
	_ =	sdelay $0x2  }
0x241: {  	v8 =	vperm.xlane v8, v4;
	_ =	sdelay $0x1  }
0x242: {  	vm4 =	vgt.s32 v7, v8  }
0x243: {  	v9 =	vsel vm4, v7, v8  }
0x244: {  	v7 =	vsel vm4, v8, v7;
	v8 =	vxor.u32 $0x80000000, v9  }
0x245: {  	v10 =	vxor.u32 $0x80000000, v7;
	(xrf1) =	vsort.dscd.msk.u32 $0xffff, v8, v9  }
0x246: {  	(xrf1) =	vsort.dscd.msk.u32 $0xffff, v10, v7;
	_ =	sdelay $0xc  }
0x247: {  	v7, _, _ =	vpop (xrf1)  }
0x248: {  	s7 =	sand.u32 $0x2, s12;
	v8, _, _ =	vpop (xrf1)  }
0x249: {  	p1 =	seq.s32 s7, $0x0;
	v7 =	vxor.u32 $0x80000000, v7;
	v8 =	vxor.u32 $0x80000000, v8  }
0x24a: {  	v63 =	vpsel p1, v8, v7  }
0x24b: {  	v7 =	vpsel p1, v7, v8;
	[tilespmem:s0+$0x1CD60] =	vst v63  }
0x24c: {  	s12 =	simm.s32 $0x1CD50;
	[tilespmem:s0+$0x1CD40] =	vst v7  }
0x24d: {  	v7 =	vld [tilespmem:s12+$0x0]  }
0x24e: {  	s11 =	simm.s32 $0x1CD50  }
.LBB2_47:
0x24f: {  	p1 =	sne.s32 s22, $0xF;
	v8 =	vld [tilespmem:s12+$0xFFFFFFF0];
	_ =	sdelay $0x2  }
0x250: {  	v7 =	vperm.xlane v7, v4;
	_ =	sdelay $0x1  }
0x251: {  	vm4 =	vgt.s32 v8, v7  }
0x252: {  	v9 =	vsel vm4, v8, v7  }
0x253: {  	v7 =	vsel vm4, v7, v8;
	v8 =	vxor.u32 $0x80000000, v9  }
0x254: {  	v10 =	vxor.u32 $0x80000000, v7;
	(xrf1) =	vsort.dscd.msk.u32 $0xffff, v8, v9  }
0x255: {  	(xrf1) =	vsort.dscd.msk.u32 $0xffff, v10, v7;
	_ =	sdelay $0xc  }
0x256: {  	v7, _, _ =	vpop (xrf1)  }
0x257: {  	s0 =	sand.u32 $0x2, s21;
	s21 =	smov.u32 s22;
	v8, _, _ =	vpop (xrf1)  }
.Ltmp30:
0x258: {  	p2 =	seq.s32 s0, $0x0;
	v7 =	vxor.u32 $0x80000000, v7;
	v8 =	vxor.u32 $0x80000000, v8;
	(pc) =	sbr.rel @p1 .LBB2_47-.Ltmp30, $4  }
0x259: {  	v9 =	vpsel p2, v7, v8;
	v7 =	vpsel p2, v8, v7  }
0x25a: {  	s12 =	sadd.s32 $0x20, s12;
	[tilespmem:s11+$0x0] =	vst v7  }
0x25b: {  	v7 =	vld [tilespmem:s12+$0x0];
	[tilespmem:s11+$0xFFFFFFF0] =	vst v9;
	s11 =	smov.u32 s12  }
0x25c: {  	s22 =	sadd.s32 $0x1, s22  }
0x25d: {  	v8 =	vld [tilespmem:s12+$0xFFFFFFF0];
	_ =	sdelay $0x2  }
0x25e: {  	v7 =	vperm.xlane v7, v4;
	_ =	sdelay $0x1  }
0x25f: {  	vm4 =	vgt.s32 v8, v7  }
0x260: {  	v9 =	vsel vm4, v8, v7  }
0x261: {  	v7 =	vsel vm4, v7, v8;
	v8 =	vxor.u32 $0x80000000, v9  }
0x262: {  	v10 =	vxor.u32 $0x80000000, v7;
	(xrf1) =	vsort.dscd.msk.u32 $0xffff, v8, v9  }
0x263: {  	(xrf1) =	vsort.dscd.msk.u32 $0xffff, v10, v7;
	_ =	sdelay $0xc  }
0x264: {  	v7, _, _ =	vpop (xrf1)  }
0x265: {  	s0 =	sand.u32 $0x2, s21;
	v8, _, _ =	vpop (xrf1)  }
0x266: {  	s22 =	simm.s32 $0x0;
	p1 =	seq.s32 s0, $0x0;
	v7 =	vxor.u32 $0x80000000, v7;
	v8 =	vxor.u32 $0x80000000, v8  }
0x267: {  	s25 =	sand.u32 $0x18, s22;
	s7 =	sand.u32 $0x3, s22;
	v9 =	vpsel p1, v8, v7  }
0x268: {  	s0 =	sor.u32 s7, s25;
	v7 =	vpsel p1, v7, v8;
	[tilespmem:s11+$0x0] =	vst v9  }
0x269: {  	[tilespmem:s11+$0xFFFFFFF0] =	vst v7;
	s11 =	sshll.u32 s0, $0x4  }
0x26a: {  	v7 =	vld [tilespmem:s11+$0x1CD80];
	_ =	sdelay $0x1  }
0x26b: {  	v8 =	vld [tilespmem:s11+$0x1CD40];
	_ =	sdelay $0x2  }
0x26c: {  	v7 =	vperm.xlane v7, v4;
	_ =	sdelay $0x1  }
0x26d: {  	vm4 =	vgt.s32 v8, v7  }
0x26e: {  	v9 =	vsel vm4, v8, v7  }
0x26f: {  	v7 =	vsel vm4, v7, v8;
	v8 =	vxor.u32 $0x80000000, v9  }
0x270: {  	v10 =	vxor.u32 $0x80000000, v7;
	(xrf1) =	vsort.dscd.msk.u32 $0xffff, v8, v9  }
0x271: {  	(xrf1) =	vsort.dscd.msk.u32 $0xffff, v10, v7;
	_ =	sdelay $0xc  }
0x272: {  	v7, _, _ =	vpop (xrf1)  }
0x273: {  	s21 =	simm.s32 $0x1;
	s13 =	simm.s32 $0x2;
	s26 =	sand.u32 $0x4, s22;
	v8, _, _ =	vpop (xrf1)  }
0x274: {  	s28 =	sand.u32 $0x18, s13;
	s8 =	sand.u32 $0x3, s21;
	p1 =	seq.s32 s26, $0x0;
	v9 =	vxor.u32 $0x80000000, v7;
	v8 =	vxor.u32 $0x80000000, v8  }
0x275: {  	s15 =	simm.s32 $0x2;
	s12 =	simm.s32 $0x1;
	s0 =	sor.u32 s8, s28;
	v7 =	vpsel p1, v9, v8;
	v8 =	vpsel p1, v8, v9  }
.LBB2_49:
0x276: {  	p2 =	sne.s32 s15, $0xF;
	s0 =	sshll.u32 s0, $0x4;
	[tilespmem:s11+$0x1CD80] =	vst v8  }
0x277: {  	v8 =	vld [tilespmem:s0+$0x1CD80];
	[tilespmem:s11+$0x1CD40] =	vst v7;
	s11 =	smov.u32 s0;
	_ =	sdelay $0x1  }
0x278: {  	v7 =	vld [tilespmem:s11+$0x1CD40];
	_ =	sdelay $0x2  }
0x279: {  	v8 =	vperm.xlane v8, v4;
	_ =	sdelay $0x1  }
0x27a: {  	vm4 =	vgt.s32 v7, v8  }
0x27b: {  	v9 =	vsel vm4, v7, v8  }
0x27c: {  	v7 =	vsel vm4, v8, v7;
	v8 =	vxor.u32 $0x80000000, v9  }
0x27d: {  	v10 =	vxor.u32 $0x80000000, v7;
	(xrf1) =	vsort.dscd.msk.u32 $0xffff, v8, v9  }
0x27e: {  	(xrf1) =	vsort.dscd.msk.u32 $0xffff, v10, v7;
	_ =	sdelay $0xb  }
.Ltmp31:
0x27f: {  	(pc) =	sbr.rel @p2 .LBB2_49-.Ltmp31, $4  }
0x280: {  	v7, _, _ =	vpop (xrf1)  }
0x281: {  	s13 =	sadd.s32 $0x2, s13;
	s0 =	sand.u32 $0x4, s12;
	s12 =	smov.u32 s15;
	v8, _, _ =	vpop (xrf1)  }
0x282: {  	s8 =	sand.u32 $0x3, s15;
	s7 =	sand.u32 $0x18, s13;
	p3 =	seq.s32 s0, $0x0;
	v9 =	vxor.u32 $0x80000000, v7;
	v8 =	vxor.u32 $0x80000000, v8  }
0x283: {  	s15 =	sadd.s32 $0x1, s15;
	s0 =	sor.u32 s8, s7;
	v7 =	vpsel p3, v9, v8;
	v8 =	vpsel p3, v8, v9  }
0x284: {  	s0 =	sshll.u32 s0, $0x4;
	[tilespmem:s11+$0x1CD80] =	vst v8  }
0x285: {  	v8 =	vld [tilespmem:s0+$0x1CD80]  }
0x286: {  	[tilespmem:s11+$0x1CD40] =	vst v7  }
0x287: {  	v7 =	vld [tilespmem:s0+$0x1CD40];
	_ =	sdelay $0x2  }
0x288: {  	v8 =	vperm.xlane v8, v4;
	_ =	sdelay $0x1  }
0x289: {  	vm4 =	vgt.s32 v7, v8  }
0x28a: {  	v9 =	vsel vm4, v7, v8  }
0x28b: {  	v7 =	vsel vm4, v8, v7;
	v8 =	vxor.u32 $0x80000000, v9  }
0x28c: {  	v10 =	vxor.u32 $0x80000000, v7;
	(xrf1) =	vsort.dscd.msk.u32 $0xffff, v8, v9  }
0x28d: {  	(xrf1) =	vsort.dscd.msk.u32 $0xffff, v10, v7;
	_ =	sdelay $0xc  }
0x28e: {  	v7, _, _ =	vpop (xrf1)  }
0x28f: {  	s7 =	sand.u32 $0x4, s12;
	v8, _, _ =	vpop (xrf1)  }
0x290: {  	p2 =	seq.s32 s7, $0x0;
	v7 =	vxor.u32 $0x80000000, v7;
	v8 =	vxor.u32 $0x80000000, v8  }
0x291: {  	s25 =	sand.u32 $0x1C, s22;
	s8 =	sand.u32 $0x1, s22;
	v9 =	vpsel p2, v8, v7  }
0x292: {  	s7 =	sor.u32 s8, s25;
	v7 =	vpsel p2, v7, v8;
	[tilespmem:s0+$0x1CD80] =	vst v9  }
0x293: {  	s11 =	sshll.u32 s7, $0x4;
	[tilespmem:s0+$0x1CD40] =	vst v7  }
0x294: {  	v7 =	vld [tilespmem:s11+$0x1CD60];
	_ =	sdelay $0x1  }
0x295: {  	v8 =	vld [tilespmem:s11+$0x1CD40];
	_ =	sdelay $0x2  }
0x296: {  	v7 =	vperm.xlane v7, v4;
	_ =	sdelay $0x1  }
0x297: {  	vm4 =	vgt.s32 v8, v7  }
0x298: {  	v9 =	vsel vm4, v8, v7  }
0x299: {  	v7 =	vsel vm4, v7, v8;
	v8 =	vxor.u32 $0x80000000, v9  }
0x29a: {  	v10 =	vxor.u32 $0x80000000, v7;
	(xrf1) =	vsort.dscd.msk.u32 $0xffff, v8, v9  }
0x29b: {  	(xrf1) =	vsort.dscd.msk.u32 $0xffff, v10, v7;
	_ =	sdelay $0xc  }
0x29c: {  	v7, _, _ =	vpop (xrf1)  }
0x29d: {  	s12 =	simm.s32 $0x2;
	v8, _, _ =	vpop (xrf1)  }
0x29e: {  	s28 =	sand.u32 $0x1, s21;
	s26 =	sand.u32 $0x1C, s12;
	v9 =	vxor.u32 $0x80000000, v7;
	v8 =	vxor.u32 $0x80000000, v8  }
0x29f: {  	s13 =	simm.s32 $0x2;
	s0 =	sor.u32 s28, s26;
	v7 =	vpsel p1, v9, v8;
	v8 =	vpsel p1, v8, v9  }
.LBB2_51:
0x2a0: {  	p1 =	sne.s32 s13, $0xF;
	s0 =	sshll.u32 s0, $0x4;
	[tilespmem:s11+$0x1CD60] =	vst v8  }
0x2a1: {  	v8 =	vld [tilespmem:s0+$0x1CD60];
	[tilespmem:s11+$0x1CD40] =	vst v7;
	s11 =	smov.u32 s0;
	_ =	sdelay $0x1  }
0x2a2: {  	v7 =	vld [tilespmem:s11+$0x1CD40];
	_ =	sdelay $0x2  }
0x2a3: {  	v8 =	vperm.xlane v8, v4;
	_ =	sdelay $0x1  }
0x2a4: {  	vm4 =	vgt.s32 v7, v8  }
0x2a5: {  	v9 =	vsel vm4, v7, v8  }
0x2a6: {  	v7 =	vsel vm4, v8, v7;
	v8 =	vxor.u32 $0x80000000, v9  }
0x2a7: {  	v10 =	vxor.u32 $0x80000000, v7;
	(xrf1) =	vsort.dscd.msk.u32 $0xffff, v8, v9  }
0x2a8: {  	(xrf1) =	vsort.dscd.msk.u32 $0xffff, v10, v7;
	_ =	sdelay $0xb  }
.Ltmp32:
0x2a9: {  	(pc) =	sbr.rel @p1 .LBB2_51-.Ltmp32, $4  }
0x2aa: {  	v7, _, _ =	vpop (xrf1)  }
0x2ab: {  	s12 =	sadd.s32 $0x2, s12;
	s0 =	sand.u32 $0x4, s21;
	s21 =	smov.u32 s13;
	v8, _, _ =	vpop (xrf1)  }
0x2ac: {  	s8 =	sand.u32 $0x1, s13;
	s7 =	sand.u32 $0x1C, s12;
	p2 =	seq.s32 s0, $0x0;
	v9 =	vxor.u32 $0x80000000, v7;
	v8 =	vxor.u32 $0x80000000, v8  }
0x2ad: {  	s13 =	sadd.s32 $0x1, s13;
	s0 =	sor.u32 s8, s7;
	v7 =	vpsel p2, v9, v8;
	v8 =	vpsel p2, v8, v9  }
0x2ae: {  	s0 =	sshll.u32 s0, $0x4;
	[tilespmem:s11+$0x1CD60] =	vst v8  }
0x2af: {  	v8 =	vld [tilespmem:s0+$0x1CD60]  }
0x2b0: {  	[tilespmem:s11+$0x1CD40] =	vst v7  }
0x2b1: {  	v7 =	vld [tilespmem:s0+$0x1CD40];
	_ =	sdelay $0x2  }
0x2b2: {  	v8 =	vperm.xlane v8, v4;
	_ =	sdelay $0x1  }
0x2b3: {  	vm4 =	vgt.s32 v7, v8  }
0x2b4: {  	v9 =	vsel vm4, v7, v8  }
0x2b5: {  	v7 =	vsel vm4, v8, v7;
	v8 =	vxor.u32 $0x80000000, v9  }
0x2b6: {  	v10 =	vxor.u32 $0x80000000, v7;
	(xrf1) =	vsort.dscd.msk.u32 $0xffff, v8, v9  }
0x2b7: {  	(xrf1) =	vsort.dscd.msk.u32 $0xffff, v10, v7;
	_ =	sdelay $0xc  }
0x2b8: {  	v7, _, _ =	vpop (xrf1)  }
0x2b9: {  	s7 =	sand.u32 $0x4, s21;
	v8, _, _ =	vpop (xrf1)  }
0x2ba: {  	p1 =	seq.s32 s7, $0x0;
	v7 =	vxor.u32 $0x80000000, v7;
	v8 =	vxor.u32 $0x80000000, v8  }
0x2bb: {  	v63 =	vpsel p1, v8, v7  }
0x2bc: {  	v7 =	vpsel p1, v7, v8;
	[tilespmem:s0+$0x1CD60] =	vst v63  }
0x2bd: {  	s15 =	simm.s32 $0x1CD50;
	[tilespmem:s0+$0x1CD40] =	vst v7  }
0x2be: {  	s10 =	simm.s32 $0x1;
	v7 =	vld [tilespmem:s15+$0x0]  }
0x2bf: {  	s13 =	simm.s32 $0x0;
	s12 =	simm.s32 $0x1CD50;
	s11 =	simm.s32 $0x0  }
.LBB2_53:
0x2c0: {  	p1 =	sne.s32 s10, $0xF;
	v8 =	vld [tilespmem:s15+$0xFFFFFFF0];
	_ =	sdelay $0x2  }
0x2c1: {  	v7 =	vperm.xlane v7, v4;
	_ =	sdelay $0x1  }
0x2c2: {  	vm4 =	vgt.s32 v8, v7  }
0x2c3: {  	v9 =	vsel vm4, v8, v7  }
0x2c4: {  	v7 =	vsel vm4, v7, v8;
	v8 =	vxor.u32 $0x80000000, v9  }
0x2c5: {  	v10 =	vxor.u32 $0x80000000, v7;
	(xrf1) =	vsort.dscd.msk.u32 $0xffff, v8, v9  }
0x2c6: {  	(xrf1) =	vsort.dscd.msk.u32 $0xffff, v10, v7;
	_ =	sdelay $0xc  }
0x2c7: {  	v7, _, _ =	vpop (xrf1)  }
0x2c8: {  	s0 =	sand.u32 $0x4, s13;
	s13 =	smov.u32 s10;
	v8, _, _ =	vpop (xrf1)  }
.Ltmp33:
0x2c9: {  	p2 =	seq.s32 s0, $0x0;
	v7 =	vxor.u32 $0x80000000, v7;
	v8 =	vxor.u32 $0x80000000, v8;
	(pc) =	sbr.rel @p1 .LBB2_53-.Ltmp33, $4  }
0x2ca: {  	v9 =	vpsel p2, v7, v8;
	v7 =	vpsel p2, v8, v7  }
0x2cb: {  	s15 =	sadd.s32 $0x20, s15;
	[tilespmem:s12+$0x0] =	vst v7  }
0x2cc: {  	v7 =	vld [tilespmem:s15+$0x0];
	[tilespmem:s12+$0xFFFFFFF0] =	vst v9;
	s12 =	smov.u32 s15  }
0x2cd: {  	s10 =	sadd.s32 $0x1, s10  }
0x2ce: {  	v8 =	vld [tilespmem:s15+$0xFFFFFFF0];
	_ =	sdelay $0x2  }
0x2cf: {  	v7 =	vperm.xlane v7, v4;
	_ =	sdelay $0x1  }
0x2d0: {  	vm4 =	vgt.s32 v8, v7  }
0x2d1: {  	v9 =	vsel vm4, v8, v7  }
0x2d2: {  	v7 =	vsel vm4, v7, v8;
	v8 =	vxor.u32 $0x80000000, v9  }
0x2d3: {  	v10 =	vxor.u32 $0x80000000, v7;
	(xrf1) =	vsort.dscd.msk.u32 $0xffff, v8, v9  }
0x2d4: {  	(xrf1) =	vsort.dscd.msk.u32 $0xffff, v10, v7;
	_ =	sdelay $0xc  }
0x2d5: {  	v7, _, _ =	vpop (xrf1)  }
0x2d6: {  	s0 =	sand.u32 $0x4, s13;
	v8, _, _ =	vpop (xrf1)  }
0x2d7: {  	p1 =	seq.s32 s0, $0x0;
	v7 =	vxor.u32 $0x80000000, v7;
	v8 =	vxor.u32 $0x80000000, v8  }
0x2d8: {  	s25 =	sand.u32 $0x10, s11;
	s7 =	sand.u32 $0x7, s11;
	v9 =	vpsel p1, v8, v7  }
0x2d9: {  	s0 =	sor.u32 s7, s25;
	v7 =	vpsel p1, v7, v8;
	[tilespmem:s12+$0x0] =	vst v9  }
0x2da: {  	s11 =	sshll.u32 s0, $0x4;
	[tilespmem:s12+$0xFFFFFFF0] =	vst v7  }
0x2db: {  	v7 =	vld [tilespmem:s11+$0x1CDC0];
	_ =	sdelay $0x1  }
0x2dc: {  	v8 =	vld [tilespmem:s11+$0x1CD40];
	_ =	sdelay $0x2  }
0x2dd: {  	v7 =	vperm.xlane v7, v4;
	_ =	sdelay $0x1  }
0x2de: {  	vm4 =	vgt.s32 v8, v7  }
0x2df: {  	v9 =	vsel vm4, v8, v7  }
0x2e0: {  	v7 =	vsel vm4, v7, v8;
	v8 =	vxor.u32 $0x80000000, v9  }
0x2e1: {  	v10 =	vxor.u32 $0x80000000, v7;
	(xrf1) =	vsort.dscd.msk.u32 $0xffff, v8, v9  }
0x2e2: {  	(xrf1) =	vsort.dscd.msk.u32 $0xffff, v10, v7;
	_ =	sdelay $0xc  }
0x2e3: {  	v7, _, _ =	vpop (xrf1)  }
0x2e4: {  	s13 =	simm.s32 $0x2;
	s12 =	simm.s32 $0x1;
	v8, _, _ =	vpop (xrf1)  }
0x2e5: {  	p6 =	por $0x1, $0x1;
	s26 =	sand.u32 $0x10, s13;
	s28 =	sand.u32 $0x7, s12;
	v9 =	vxor.u32 $0x80000000, v7;
	v8 =	vxor.u32 $0x80000000, v8  }
0x2e6: {  	s15 =	simm.s32 $0x2;
	s0 =	sor.u32 s28, s26;
	v7 =	vpsel p6, v9, v8;
	v8 =	vpsel p6, v8, v9  }
.LBB2_55:
0x2e7: {  	p1 =	sne.s32 s15, $0xF;
	s0 =	sshll.u32 s0, $0x4;
	[tilespmem:s11+$0x1CDC0] =	vst v8  }
0x2e8: {  	v8 =	vld [tilespmem:s0+$0x1CDC0];
	[tilespmem:s11+$0x1CD40] =	vst v7;
	s11 =	smov.u32 s0;
	_ =	sdelay $0x1  }
0x2e9: {  	v7 =	vld [tilespmem:s11+$0x1CD40];
	_ =	sdelay $0x2  }
0x2ea: {  	v8 =	vperm.xlane v8, v4;
	_ =	sdelay $0x1  }
0x2eb: {  	vm4 =	vgt.s32 v7, v8  }
0x2ec: {  	v9 =	vsel vm4, v7, v8  }
0x2ed: {  	v7 =	vsel vm4, v8, v7;
	v8 =	vxor.u32 $0x80000000, v9  }
0x2ee: {  	v10 =	vxor.u32 $0x80000000, v7;
	(xrf1) =	vsort.dscd.msk.u32 $0xffff, v8, v9  }
0x2ef: {  	(xrf1) =	vsort.dscd.msk.u32 $0xffff, v10, v7;
	_ =	sdelay $0xb  }
.Ltmp34:
0x2f0: {  	(pc) =	sbr.rel @p1 .LBB2_55-.Ltmp34, $4  }
0x2f1: {  	v7, _, _ =	vpop (xrf1)  }
0x2f2: {  	s13 =	sadd.s32 $0x2, s13;
	v8, _, _ =	vpop (xrf1)  }
0x2f3: {  	s7 =	sand.u32 $0x7, s15;
	p2 =	slt.u32 s12, $0x8;
	s0 =	sand.u32 $0x10, s13;
	v9 =	vxor.u32 $0x80000000, v7;
	v8 =	vxor.u32 $0x80000000, v8  }
0x2f4: {  	s12 =	smov.u32 s15;
	s15 =	sadd.s32 $0x1, s15;
	s0 =	sor.u32 s7, s0;
	v7 =	vpsel p2, v9, v8;
	v8 =	vpsel p2, v8, v9  }
0x2f5: {  	s0 =	sshll.u32 s0, $0x4;
	[tilespmem:s11+$0x1CDC0] =	vst v8  }
0x2f6: {  	v8 =	vld [tilespmem:s0+$0x1CDC0]  }
0x2f7: {  	[tilespmem:s11+$0x1CD40] =	vst v7  }
0x2f8: {  	v7 =	vld [tilespmem:s0+$0x1CD40];
	_ =	sdelay $0x2  }
0x2f9: {  	v8 =	vperm.xlane v8, v4;
	_ =	sdelay $0x1  }
0x2fa: {  	vm4 =	vgt.s32 v7, v8  }
0x2fb: {  	v9 =	vsel vm4, v7, v8  }
0x2fc: {  	v7 =	vsel vm4, v8, v7;
	v8 =	vxor.u32 $0x80000000, v9  }
0x2fd: {  	v10 =	vxor.u32 $0x80000000, v7;
	(xrf1) =	vsort.dscd.msk.u32 $0xffff, v8, v9  }
0x2fe: {  	(xrf1) =	vsort.dscd.msk.u32 $0xffff, v10, v7;
	_ =	sdelay $0xc  }
0x2ff: {  	v7, _, _ =	vpop (xrf1)  }
0x300: {  	v8, _, _ =	vpop (xrf1)  }
0x301: {  	p1 =	slt.u32 s12, $0x8;
	s22 =	simm.s32 $0x0;
	v7 =	vxor.u32 $0x80000000, v7;
	v8 =	vxor.u32 $0x80000000, v8  }
0x302: {  	s7 =	sand.u32 $0x18, s22;
	s8 =	sand.u32 $0x3, s22;
	v9 =	vpsel p1, v8, v7  }
0x303: {  	s7 =	sor.u32 s8, s7;
	v7 =	vpsel p1, v7, v8;
	[tilespmem:s0+$0x1CDC0] =	vst v9  }
0x304: {  	s11 =	sshll.u32 s7, $0x4;
	[tilespmem:s0+$0x1CD40] =	vst v7  }
0x305: {  	v7 =	vld [tilespmem:s11+$0x1CD80];
	_ =	sdelay $0x1  }
0x306: {  	v8 =	vld [tilespmem:s11+$0x1CD40];
	_ =	sdelay $0x2  }
0x307: {  	v7 =	vperm.xlane v7, v4;
	_ =	sdelay $0x1  }
0x308: {  	vm4 =	vgt.s32 v8, v7  }
0x309: {  	v9 =	vsel vm4, v8, v7  }
0x30a: {  	v7 =	vsel vm4, v7, v8;
	v8 =	vxor.u32 $0x80000000, v9  }
0x30b: {  	v10 =	vxor.u32 $0x80000000, v7;
	(xrf1) =	vsort.dscd.msk.u32 $0xffff, v8, v9  }
0x30c: {  	(xrf1) =	vsort.dscd.msk.u32 $0xffff, v10, v7;
	_ =	sdelay $0xc  }
0x30d: {  	v7, _, _ =	vpop (xrf1)  }
0x30e: {  	s21 =	simm.s32 $0x1;
	s13 =	simm.s32 $0x2;
	v8, _, _ =	vpop (xrf1)  }
0x30f: {  	s26 =	sand.u32 $0x18, s13;
	s28 =	sand.u32 $0x3, s21;
	p1 =	por $0x1, $0x1;
	v9 =	vxor.u32 $0x80000000, v7;
	v8 =	vxor.u32 $0x80000000, v8  }
0x310: {  	s15 =	simm.s32 $0x2;
	s12 =	simm.s32 $0x1;
	s0 =	sor.u32 s28, s26;
	v7 =	vpsel p1, v9, v8;
	v8 =	vpsel p1, v8, v9  }
.LBB2_57:
0x311: {  	p2 =	sne.s32 s15, $0xF;
	s0 =	sshll.u32 s0, $0x4;
	[tilespmem:s11+$0x1CD80] =	vst v8  }
0x312: {  	v8 =	vld [tilespmem:s0+$0x1CD80];
	[tilespmem:s11+$0x1CD40] =	vst v7;
	s11 =	smov.u32 s0;
	_ =	sdelay $0x1  }
0x313: {  	v7 =	vld [tilespmem:s11+$0x1CD40];
	_ =	sdelay $0x2  }
0x314: {  	v8 =	vperm.xlane v8, v4;
	_ =	sdelay $0x1  }
0x315: {  	vm4 =	vgt.s32 v7, v8  }
0x316: {  	v9 =	vsel vm4, v7, v8  }
0x317: {  	v7 =	vsel vm4, v8, v7;
	v8 =	vxor.u32 $0x80000000, v9  }
0x318: {  	v10 =	vxor.u32 $0x80000000, v7;
	(xrf1) =	vsort.dscd.msk.u32 $0xffff, v8, v9  }
0x319: {  	(xrf1) =	vsort.dscd.msk.u32 $0xffff, v10, v7;
	_ =	sdelay $0xb  }
.Ltmp35:
0x31a: {  	(pc) =	sbr.rel @p2 .LBB2_57-.Ltmp35, $4  }
0x31b: {  	v7, _, _ =	vpop (xrf1)  }
0x31c: {  	s13 =	sadd.s32 $0x2, s13;
	v8, _, _ =	vpop (xrf1)  }
0x31d: {  	s7 =	sand.u32 $0x3, s15;
	p3 =	slt.u32 s12, $0x8;
	s0 =	sand.u32 $0x18, s13;
	v9 =	vxor.u32 $0x80000000, v7;
	v8 =	vxor.u32 $0x80000000, v8  }
0x31e: {  	s12 =	smov.u32 s15;
	s15 =	sadd.s32 $0x1, s15;
	s0 =	sor.u32 s7, s0;
	v7 =	vpsel p3, v9, v8;
	v8 =	vpsel p3, v8, v9  }
0x31f: {  	s0 =	sshll.u32 s0, $0x4;
	[tilespmem:s11+$0x1CD80] =	vst v8  }
0x320: {  	v8 =	vld [tilespmem:s0+$0x1CD80]  }
0x321: {  	[tilespmem:s11+$0x1CD40] =	vst v7  }
0x322: {  	v7 =	vld [tilespmem:s0+$0x1CD40];
	_ =	sdelay $0x2  }
0x323: {  	v8 =	vperm.xlane v8, v4;
	_ =	sdelay $0x1  }
0x324: {  	vm4 =	vgt.s32 v7, v8  }
0x325: {  	v9 =	vsel vm4, v7, v8  }
0x326: {  	v7 =	vsel vm4, v8, v7;
	v8 =	vxor.u32 $0x80000000, v9  }
0x327: {  	v10 =	vxor.u32 $0x80000000, v7;
	(xrf1) =	vsort.dscd.msk.u32 $0xffff, v8, v9  }
0x328: {  	(xrf1) =	vsort.dscd.msk.u32 $0xffff, v10, v7;
	_ =	sdelay $0xc  }
0x329: {  	v7, _, _ =	vpop (xrf1)  }
0x32a: {  	v8, _, _ =	vpop (xrf1)  }
0x32b: {  	p2 =	slt.u32 s12, $0x8;
	v7 =	vxor.u32 $0x80000000, v7;
	v8 =	vxor.u32 $0x80000000, v8  }
0x32c: {  	s7 =	sand.u32 $0x1C, s22;
	s8 =	sand.u32 $0x1, s22;
	v9 =	vpsel p2, v8, v7  }
0x32d: {  	s7 =	sor.u32 s8, s7;
	v7 =	vpsel p2, v7, v8;
	[tilespmem:s0+$0x1CD80] =	vst v9  }
0x32e: {  	s11 =	sshll.u32 s7, $0x4;
	[tilespmem:s0+$0x1CD40] =	vst v7  }
0x32f: {  	v7 =	vld [tilespmem:s11+$0x1CD60];
	_ =	sdelay $0x1  }
0x330: {  	v8 =	vld [tilespmem:s11+$0x1CD40];
	_ =	sdelay $0x2  }
0x331: {  	v7 =	vperm.xlane v7, v4;
	_ =	sdelay $0x1  }
0x332: {  	vm4 =	vgt.s32 v8, v7  }
0x333: {  	v9 =	vsel vm4, v8, v7  }
0x334: {  	v7 =	vsel vm4, v7, v8;
	v8 =	vxor.u32 $0x80000000, v9  }
0x335: {  	v10 =	vxor.u32 $0x80000000, v7;
	(xrf1) =	vsort.dscd.msk.u32 $0xffff, v8, v9  }
0x336: {  	(xrf1) =	vsort.dscd.msk.u32 $0xffff, v10, v7;
	_ =	sdelay $0xc  }
0x337: {  	v7, _, _ =	vpop (xrf1)  }
0x338: {  	s12 =	simm.s32 $0x2;
	v8, _, _ =	vpop (xrf1)  }
0x339: {  	s28 =	sand.u32 $0x1, s21;
	s26 =	sand.u32 $0x1C, s12;
	v9 =	vxor.u32 $0x80000000, v7;
	v8 =	vxor.u32 $0x80000000, v8  }
0x33a: {  	s13 =	simm.s32 $0x2;
	s0 =	sor.u32 s28, s26;
	v7 =	vpsel p1, v9, v8;
	v8 =	vpsel p1, v8, v9  }
.LBB2_59:
0x33b: {  	p1 =	sne.s32 s13, $0xF;
	s0 =	sshll.u32 s0, $0x4;
	[tilespmem:s11+$0x1CD60] =	vst v8  }
0x33c: {  	v8 =	vld [tilespmem:s0+$0x1CD60];
	[tilespmem:s11+$0x1CD40] =	vst v7;
	s11 =	smov.u32 s0;
	_ =	sdelay $0x1  }
0x33d: {  	v7 =	vld [tilespmem:s11+$0x1CD40];
	_ =	sdelay $0x2  }
0x33e: {  	v8 =	vperm.xlane v8, v4;
	_ =	sdelay $0x1  }
0x33f: {  	vm4 =	vgt.s32 v7, v8  }
0x340: {  	v9 =	vsel vm4, v7, v8  }
0x341: {  	v7 =	vsel vm4, v8, v7;
	v8 =	vxor.u32 $0x80000000, v9  }
0x342: {  	v10 =	vxor.u32 $0x80000000, v7;
	(xrf1) =	vsort.dscd.msk.u32 $0xffff, v8, v9  }
0x343: {  	(xrf1) =	vsort.dscd.msk.u32 $0xffff, v10, v7;
	_ =	sdelay $0xb  }
.Ltmp36:
0x344: {  	(pc) =	sbr.rel @p1 .LBB2_59-.Ltmp36, $4  }
0x345: {  	v7, _, _ =	vpop (xrf1)  }
0x346: {  	s12 =	sadd.s32 $0x2, s12;
	v8, _, _ =	vpop (xrf1)  }
0x347: {  	s7 =	sand.u32 $0x1, s13;
	p2 =	slt.u32 s21, $0x8;
	s0 =	sand.u32 $0x1C, s12;
	v9 =	vxor.u32 $0x80000000, v7;
	v8 =	vxor.u32 $0x80000000, v8  }
0x348: {  	s21 =	smov.u32 s13;
	s13 =	sadd.s32 $0x1, s13;
	s0 =	sor.u32 s7, s0;
	v7 =	vpsel p2, v9, v8;
	v8 =	vpsel p2, v8, v9  }
0x349: {  	s0 =	sshll.u32 s0, $0x4;
	[tilespmem:s11+$0x1CD60] =	vst v8  }
0x34a: {  	v8 =	vld [tilespmem:s0+$0x1CD60]  }
0x34b: {  	[tilespmem:s11+$0x1CD40] =	vst v7  }
0x34c: {  	v7 =	vld [tilespmem:s0+$0x1CD40];
	_ =	sdelay $0x2  }
0x34d: {  	v8 =	vperm.xlane v8, v4;
	_ =	sdelay $0x1  }
0x34e: {  	vm4 =	vgt.s32 v7, v8  }
0x34f: {  	v9 =	vsel vm4, v7, v8  }
0x350: {  	v7 =	vsel vm4, v8, v7;
	v8 =	vxor.u32 $0x80000000, v9  }
0x351: {  	v10 =	vxor.u32 $0x80000000, v7;
	(xrf1) =	vsort.dscd.msk.u32 $0xffff, v8, v9  }
0x352: {  	(xrf1) =	vsort.dscd.msk.u32 $0xffff, v10, v7;
	_ =	sdelay $0xc  }
0x353: {  	v7, _, _ =	vpop (xrf1)  }
0x354: {  	v8, _, _ =	vpop (xrf1)  }
0x355: {  	p1 =	slt.u32 s21, $0x8;
	v7 =	vxor.u32 $0x80000000, v7;
	v8 =	vxor.u32 $0x80000000, v8  }
0x356: {  	v63 =	vpsel p1, v8, v7  }
0x357: {  	v7 =	vpsel p1, v7, v8;
	[tilespmem:s0+$0x1CD60] =	vst v63  }
0x358: {  	s13 =	simm.s32 $0x1CD50;
	[tilespmem:s0+$0x1CD40] =	vst v7  }
0x359: {  	v7 =	vld [tilespmem:s13+$0x0]  }
0x35a: {  	s12 =	simm.s32 $0x0;
	s7 =	simm.s32 $0x1;
	s11 =	simm.s32 $0x1CD50  }
.LBB2_61:
0x35b: {  	p1 =	sne.s32 s7, $0xF;
	v8 =	vld [tilespmem:s13+$0xFFFFFFF0];
	_ =	sdelay $0x2  }
0x35c: {  	v7 =	vperm.xlane v7, v4;
	_ =	sdelay $0x1  }
0x35d: {  	vm4 =	vgt.s32 v8, v7  }
0x35e: {  	v9 =	vsel vm4, v8, v7  }
0x35f: {  	v7 =	vsel vm4, v7, v8;
	v8 =	vxor.u32 $0x80000000, v9  }
0x360: {  	v10 =	vxor.u32 $0x80000000, v7;
	(xrf1) =	vsort.dscd.msk.u32 $0xffff, v8, v9  }
0x361: {  	(xrf1) =	vsort.dscd.msk.u32 $0xffff, v10, v7;
	_ =	sdelay $0xc  }
0x362: {  	v7, _, _ =	vpop (xrf1)  }
0x363: {  	v8, _, _ =	vpop (xrf1)  }
.Ltmp37:
0x364: {  	p2 =	slt.u32 s12, $0x8;
	s12 =	smov.u32 s7;
	v7 =	vxor.u32 $0x80000000, v7;
	v8 =	vxor.u32 $0x80000000, v8;
	(pc) =	sbr.rel @p1 .LBB2_61-.Ltmp37, $4  }
0x365: {  	v9 =	vpsel p2, v7, v8;
	v7 =	vpsel p2, v8, v7  }
0x366: {  	s13 =	sadd.s32 $0x20, s13;
	[tilespmem:s11+$0x0] =	vst v7  }
0x367: {  	v7 =	vld [tilespmem:s13+$0x0];
	[tilespmem:s11+$0xFFFFFFF0] =	vst v9;
	s11 =	smov.u32 s13  }
0x368: {  	s7 =	sadd.s32 $0x1, s7  }
0x369: {  	v8 =	vld [tilespmem:s13+$0xFFFFFFF0];
	_ =	sdelay $0x2  }
0x36a: {  	v7 =	vperm.xlane v7, v4;
	_ =	sdelay $0x1  }
0x36b: {  	vm4 =	vgt.s32 v8, v7  }
0x36c: {  	v9 =	vsel vm4, v8, v7  }
0x36d: {  	v7 =	vsel vm4, v7, v8;
	v8 =	vxor.u32 $0x80000000, v9  }
0x36e: {  	v10 =	vxor.u32 $0x80000000, v7;
	(xrf1) =	vsort.dscd.msk.u32 $0xffff, v8, v9  }
0x36f: {  	(xrf1) =	vsort.dscd.msk.u32 $0xffff, v10, v7;
	_ =	sdelay $0xc  }
0x370: {  	v7, _, _ =	vpop (xrf1)  }
0x371: {  	v8, _, _ =	vpop (xrf1)  }
0x372: {  	p1 =	slt.u32 s12, $0x8;
	v7 =	vxor.u32 $0x80000000, v7;
	v8 =	vxor.u32 $0x80000000, v8  }
0x373: {  	v61 =	vpsel p1, v8, v7  }
0x374: {  	v7 =	vpsel p1, v7, v8;
	[tilespmem:s11+$0x0] =	vst v61  }
0x375: {  	[tilespmem:s11+$0xFFFFFFF0] =	vst v7;
	s11 =	simm.s32 $0x0  }
0x376: {  	v7 =	vld [tilespmem:s11+$0x1CE40];
	_ =	sdelay $0x1  }
0x377: {  	v8 =	vld [tilespmem:s11+$0x1CD40];
	_ =	sdelay $0x2  }
0x378: {  	v7 =	vperm.xlane v7, v4;
	_ =	sdelay $0x1  }
0x379: {  	vm4 =	vgt.s32 v8, v7  }
0x37a: {  	v62 =	vsel vm4, v7, v8  }
0x37b: {  	v7 =	vsel vm4, v8, v7;
	v8 =	vxor.u32 $0x80000000, v62  }
0x37c: {  	v63 =	vxor.u32 $0x80000000, v7;
	(xrf1) =	vsort.dscd.msk.u32 $0xffff, v8, v62  }
0x37d: {  	(xrf1) =	vsort.dscd.msk.u32 $0xffff, v63, v7;
	_ =	sdelay $0xc  }
0x37e: {  	v7, _, _ =	vpop (xrf1)  }
0x37f: {  	v8 =	vxor.u32 $0x80000000, v7;
	v7, _, _ =	vpop (xrf1)  }
0x380: {  	s8 =	simm.s32 $0x10;
	s7 =	simm.s32 $0x80;
	v7 =	vxor.u32 $0x80000000, v7;
	[tilespmem:s11+$0x1CE40] =	vst v8  }
.LBB2_63:
0x381: {  	p1 =	sne.s32 s7, $0x3C0;
	v8 =	vld [tilespmem:s8+$0x1CE40];
	[tilespmem:s11+$0x1CD40] =	vst v7;
	s11 =	smov.u32 s8;
	_ =	sdelay $0x1  }
0x382: {  	v7 =	vld [tilespmem:s11+$0x1CD40];
	_ =	sdelay $0x2  }
0x383: {  	v8 =	vperm.xlane v8, v4;
	_ =	sdelay $0x1  }
0x384: {  	vm4 =	vgt.s32 v7, v8  }
0x385: {  	v9 =	vsel vm4, v7, v8;
	v7 =	vsel vm4, v8, v7  }
0x386: {  	v8 =	vxor.u32 $0x80000000, v9;
	v10 =	vxor.u32 $0x80000000, v7  }
0x387: {  	(xrf1) =	vsort.dscd.msk.u32 $0xffff, v10, v7  }
0x388: {  	(xrf1) =	vsort.dscd.msk.u32 $0xffff, v8, v9;
	_ =	sdelay $0xa  }
.Ltmp38:
0x389: {  	(pc) =	sbr.rel @p1 .LBB2_63-.Ltmp38, $4  }
0x38a: {  	_ = 	snop  }
0x38b: {  	v7, _, _ =	vpop (xrf1)  }
0x38c: {  	v8 =	vxor.u32 $0x80000000, v7;
	v7, _, _ =	vpop (xrf1)  }
0x38d: {  	s8 =	sshra.s32 s7, $0x2;
	s7 =	sadd.s32 $0x40, s7;
	v7 =	vxor.u32 $0x80000000, v7;
	[tilespmem:s11+$0x1CE40] =	vst v8  }
0x38e: {  	v8 =	vld [tilespmem:s8+$0x1CE40]  }
0x38f: {  	[tilespmem:s11+$0x1CD40] =	vst v7  }
0x390: {  	v7 =	vld [tilespmem:s8+$0x1CD40];
	_ =	sdelay $0x2  }
0x391: {  	v8 =	vperm.xlane v8, v4;
	_ =	sdelay $0x1  }
0x392: {  	vm4 =	vgt.s32 v7, v8  }
0x393: {  	v9 =	vsel vm4, v8, v7  }
0x394: {  	v7 =	vsel vm4, v7, v8;
	v8 =	vxor.u32 $0x80000000, v9  }
0x395: {  	v10 =	vxor.u32 $0x80000000, v7;
	(xrf1) =	vsort.dscd.msk.u32 $0xffff, v8, v9  }
0x396: {  	(xrf1) =	vsort.dscd.msk.u32 $0xffff, v10, v7;
	_ =	sdelay $0xa  }
0x397: {  	p2 =	por $0x1, $0x1  }
.Ltmp39:
0x398: {  	_ = 	snop;
	(pc) =	sbr.rel @!p2 .LBB2_65-.Ltmp39, $4  }
0x399: {  	v7, _, _ =	vpop (xrf1)  }
0x39a: {  	v7 =	vxor.u32 $0x80000000, v7;
	v8, _, _ =	vpop (xrf1)  }
0x39b: {  	s22 =	simm.s32 $0x0;
	s21 =	simm.s32 $0x1;
	v8 =	vxor.u32 $0x80000000, v8;
	[tilespmem:s8+$0x1CE40] =	vst v7  }
0x39c: {  	p1 =	por $0x0, $0x0;
	s10 =	sand.u32 $0x10, s22;
	[tilespmem:s8+$0x1CD40] =	vst v8;
	s8 =	sand.u32 $0x7, s22  }
0x39d: {  	s0 =	sor.u32 s8, s10  }
0x39e: {  	s11 =	sshll.u32 s0, $0x4  }
0x39f: {  	v7 =	vld [tilespmem:s11+$0x1CDC0];
	_ =	sdelay $0x1  }
0x3a0: {  	v8 =	vld [tilespmem:s11+$0x1CD40];
	_ =	sdelay $0x2  }
0x3a1: {  	v7 =	vperm.xlane v7, v4;
	_ =	sdelay $0x1  }
0x3a2: {  	vm4 =	vgt.s32 v8, v7  }
0x3a3: {  	v9 =	vsel vm4, v7, v8  }
0x3a4: {  	v7 =	vsel vm4, v8, v7;
	v10 =	vxor.u32 $0x80000000, v9  }
0x3a5: {  	v8 =	vxor.u32 $0x80000000, v7;
	(xrf1) =	vsort.dscd.msk.u32 $0xffff, v10, v9  }
0x3a6: {  	(xrf1) =	vsort.dscd.msk.u32 $0xffff, v8, v7;
	_ =	sdelay $0x7  }
0x3a7: {  	p4 =	por $0x1, $0x1  }
.Ltmp40:
0x3a8: {  	_ = 	snop;
	(pc) =	sbr.rel @!p4 .LBB2_68-.Ltmp40, $3  }
0x3a9: {  	_ =	sdelay $0x1  }
0x3aa: {  	s12 =	simm.s32 $0x2;
	s8 =	sand.u32 $0x7, s21  }
0x3ab: {  	s7 =	simm.s32 $0x2;
	p3 =	por $0x1, $0x1;
	s10 =	sand.u32 $0x10, s12;
	v7, _, _ =	vpop (xrf1)  }
.LBB2_67:
0x3ac: {  	p4 =	sne.s32 s7, $0xF;
	s0 =	sor.u32 s8, s10;
	v7 =	vxor.u32 $0x80000000, v7;
	v8, _, _ =	vpop (xrf1)  }
0x3ad: {  	s0 =	sshll.u32 s0, $0x4;
	v8 =	vxor.u32 $0x80000000, v8;
	[tilespmem:s11+$0x1CDC0] =	vst v7  }
0x3ae: {  	v7 =	vld [tilespmem:s0+$0x1CDC0];
	[tilespmem:s11+$0x1CD40] =	vst v8;
	s11 =	smov.u32 s0;
	_ =	sdelay $0x1  }
0x3af: {  	v8 =	vld [tilespmem:s11+$0x1CD40];
	_ =	sdelay $0x2  }
0x3b0: {  	v7 =	vperm.xlane v7, v4;
	_ =	sdelay $0x1  }
0x3b1: {  	vm4 =	vgt.s32 v8, v7  }
0x3b2: {  	v9 =	vsel vm4, v8, v7;
	v7 =	vsel vm4, v7, v8  }
0x3b3: {  	v8 =	vxor.u32 $0x80000000, v9;
	v10 =	vxor.u32 $0x80000000, v7  }
0x3b4: {  	(xrf1) =	vsort.dscd.msk.u32 $0xffff, v10, v7  }
0x3b5: {  	(xrf1) =	vsort.dscd.msk.u32 $0xffff, v8, v9;
	_ =	sdelay $0x8  }
.Ltmp41:
0x3b6: {  	(pc) =	sbr.rel @p4 .LBB2_67-.Ltmp41, $3  }
0x3b7: {  	_ =	sdelay $0x1  }
0x3b8: {  	s12 =	sadd.s32 $0x2, s12  }
0x3b9: {  	s8 =	sand.u32 $0x7, s7;
	s7 =	sadd.s32 $0x1, s7;
	s10 =	sand.u32 $0x10, s12;
	v7, _, _ =	vpop (xrf1)  }
.LBB2_68:
0x3ba: {  	s0 =	sor.u32 s8, s10;
	v7 =	vxor.u32 @p3 $0x80000000, v7  }
0x3bb: {  	v8, _, _ =	vpop @p3 (xrf1);
	s0 =	sshll.u32 s0, $0x4;
	[tilespmem:s11+$0x1CDC0] =	vst @p3 v7  }
0x3bc: {  	v7 =	vxor.u32 @p3 $0x80000000, v8;
	v8 =	vld [tilespmem:s0+$0x1CDC0]  }
0x3bd: {  	[tilespmem:s11+$0x1CD40] =	vst @p3 v7  }
0x3be: {  	v7 =	vld [tilespmem:s0+$0x1CD40];
	_ =	sdelay $0x2  }
0x3bf: {  	v8 =	vperm.xlane v8, v4;
	_ =	sdelay $0x1  }
0x3c0: {  	vm4 =	vgt.s32 v7, v8  }
0x3c1: {  	v9 =	vsel vm4, v8, v7  }
0x3c2: {  	v7 =	vsel vm4, v7, v8;
	v8 =	vxor.u32 $0x80000000, v9  }
0x3c3: {  	v10 =	vxor.u32 $0x80000000, v7;
	(xrf1) =	vsort.dscd.msk.u32 $0xffff, v8, v9  }
0x3c4: {  	(xrf1) =	vsort.dscd.msk.u32 $0xffff, v10, v7;
	_ =	sdelay $0xb  }
.Ltmp42:
0x3c5: {  	_ = 	snop;
	(pc) =	sbr.rel @!p2 .LBB2_69-.Ltmp42, $4  }
0x3c6: {  	v7, _, _ =	vpop (xrf1)  }
0x3c7: {  	v7 =	vxor.u32 $0x80000000, v7;
	v8, _, _ =	vpop (xrf1)  }
0x3c8: {  	v8 =	vxor.u32 $0x80000000, v8;
	[tilespmem:s0+$0x1CDC0] =	vst v7  }
0x3c9: {  	s8 =	sand.u32 $0x18, s22;
	s10 =	sand.u32 $0x3, s22;
	[tilespmem:s0+$0x1CD40] =	vst v8  }
0x3ca: {  	s0 =	sor.u32 s10, s8  }
0x3cb: {  	s11 =	sshll.u32 s0, $0x4  }
0x3cc: {  	v7 =	vld [tilespmem:s11+$0x1CD80];
	_ =	sdelay $0x1  }
0x3cd: {  	v8 =	vld [tilespmem:s11+$0x1CD40];
	_ =	sdelay $0x2  }
0x3ce: {  	v7 =	vperm.xlane v7, v4;
	_ =	sdelay $0x1  }
0x3cf: {  	vm4 =	vgt.s32 v8, v7  }
0x3d0: {  	v9 =	vsel vm4, v7, v8  }
0x3d1: {  	v7 =	vsel vm4, v8, v7;
	v10 =	vxor.u32 $0x80000000, v9  }
0x3d2: {  	v8 =	vxor.u32 $0x80000000, v7;
	(xrf1) =	vsort.dscd.msk.u32 $0xffff, v10, v9  }
0x3d3: {  	(xrf1) =	vsort.dscd.msk.u32 $0xffff, v8, v7;
	_ =	sdelay $0x7  }
0x3d4: {  	p2 =	por $0x1, $0x1  }
.Ltmp43:
0x3d5: {  	_ = 	snop;
	(pc) =	sbr.rel @!p2 .LBB2_72-.Ltmp43, $3  }
0x3d6: {  	_ =	sdelay $0x1  }
0x3d7: {  	s12 =	simm.s32 $0x2;
	s10 =	sand.u32 $0x3, s21  }
0x3d8: {  	s7 =	simm.s32 $0x2;
	p1 =	por $0x1, $0x1;
	s8 =	sand.u32 $0x18, s12;
	v7, _, _ =	vpop (xrf1)  }
.LBB2_71:
0x3d9: {  	p2 =	sne.s32 s7, $0xF;
	s0 =	sor.u32 s10, s8;
	v7 =	vxor.u32 $0x80000000, v7;
	v8, _, _ =	vpop (xrf1)  }
0x3da: {  	s0 =	sshll.u32 s0, $0x4;
	v8 =	vxor.u32 $0x80000000, v8;
	[tilespmem:s11+$0x1CD80] =	vst v7  }
0x3db: {  	v7 =	vld [tilespmem:s0+$0x1CD80];
	[tilespmem:s11+$0x1CD40] =	vst v8;
	s11 =	smov.u32 s0;
	_ =	sdelay $0x1  }
0x3dc: {  	v8 =	vld [tilespmem:s11+$0x1CD40];
	_ =	sdelay $0x2  }
0x3dd: {  	v7 =	vperm.xlane v7, v4;
	_ =	sdelay $0x1  }
0x3de: {  	vm4 =	vgt.s32 v8, v7  }
0x3df: {  	v9 =	vsel vm4, v8, v7;
	v7 =	vsel vm4, v7, v8  }
0x3e0: {  	v8 =	vxor.u32 $0x80000000, v9;
	v10 =	vxor.u32 $0x80000000, v7  }
0x3e1: {  	(xrf1) =	vsort.dscd.msk.u32 $0xffff, v10, v7  }
0x3e2: {  	(xrf1) =	vsort.dscd.msk.u32 $0xffff, v8, v9;
	_ =	sdelay $0x8  }
.Ltmp44:
0x3e3: {  	(pc) =	sbr.rel @p2 .LBB2_71-.Ltmp44, $3  }
0x3e4: {  	_ =	sdelay $0x1  }
0x3e5: {  	s12 =	sadd.s32 $0x2, s12  }
0x3e6: {  	s10 =	sand.u32 $0x3, s7;
	s7 =	sadd.s32 $0x1, s7;
	s8 =	sand.u32 $0x18, s12;
	v7, _, _ =	vpop (xrf1)  }
.LBB2_72:
0x3e7: {  	s0 =	sor.u32 s10, s8;
	v7 =	vxor.u32 @p1 $0x80000000, v7  }
0x3e8: {  	v8, _, _ =	vpop @p1 (xrf1);
	s0 =	sshll.u32 s0, $0x4;
	[tilespmem:s11+$0x1CD80] =	vst @p1 v7  }
0x3e9: {  	v7 =	vxor.u32 @p1 $0x80000000, v8;
	v8 =	vld [tilespmem:s0+$0x1CD80]  }
0x3ea: {  	[tilespmem:s11+$0x1CD40] =	vst @p1 v7  }
0x3eb: {  	v7 =	vld [tilespmem:s0+$0x1CD40];
	_ =	sdelay $0x2  }
0x3ec: {  	v8 =	vperm.xlane v8, v4;
	_ =	sdelay $0x1  }
0x3ed: {  	vm4 =	vgt.s32 v7, v8  }
0x3ee: {  	v9 =	vsel vm4, v8, v7  }
0x3ef: {  	v7 =	vsel vm4, v7, v8;
	v8 =	vxor.u32 $0x80000000, v9  }
0x3f0: {  	v10 =	vxor.u32 $0x80000000, v7;
	(xrf1) =	vsort.dscd.msk.u32 $0xffff, v8, v9  }
0x3f1: {  	(xrf1) =	vsort.dscd.msk.u32 $0xffff, v10, v7;
	_ =	sdelay $0xc  }
0x3f2: {  	s7 =	simm.s32 $0x0;
	v7, _, _ =	vpop (xrf1)  }
0x3f3: {  	s26 =	sand.u32 $0x1C, s7;
	s7 =	sand.u32 $0x1, s7;
	v7 =	vxor.u32 $0x80000000, v7;
	v8, _, _ =	vpop (xrf1)  }
0x3f4: {  	s7 =	sor.u32 s7, s26;
	v8 =	vxor.u32 $0x80000000, v8;
	[tilespmem:s0+$0x1CD80] =	vst v7  }
0x3f5: {  	s11 =	sshll.u32 s7, $0x4;
	[tilespmem:s0+$0x1CD40] =	vst v8  }
0x3f6: {  	v7 =	vld [tilespmem:s11+$0x1CD60];
	_ =	sdelay $0x1  }
0x3f7: {  	v8 =	vld [tilespmem:s11+$0x1CD40];
	_ =	sdelay $0x2  }
0x3f8: {  	v7 =	vperm.xlane v7, v4;
	_ =	sdelay $0x1  }
0x3f9: {  	vm4 =	vgt.s32 v8, v7  }
0x3fa: {  	v62 =	vsel vm4, v7, v8  }
0x3fb: {  	v7 =	vsel vm4, v8, v7;
	v63 =	vxor.u32 $0x80000000, v62  }
0x3fc: {  	v8 =	vxor.u32 $0x80000000, v7;
	(xrf1) =	vsort.dscd.msk.u32 $0xffff, v63, v62  }
0x3fd: {  	(xrf1) =	vsort.dscd.msk.u32 $0xffff, v8, v7;
	_ =	sdelay $0xb  }
0x3fe: {  	s28 =	simm.s32 $0x1;
	s10 =	simm.s32 $0x2  }
0x3ff: {  	s8 =	sand.u32 $0x1, s28;
	s7 =	simm.s32 $0x2;
	s0 =	sand.u32 $0x1C, s10;
	v7, _, _ =	vpop (xrf1)  }
.LBB2_73:
0x400: {  	p1 =	sne.s32 s7, $0xF;
	s0 =	sor.u32 s8, s0;
	v7 =	vxor.u32 $0x80000000, v7;
	v8, _, _ =	vpop (xrf1)  }
0x401: {  	s0 =	sshll.u32 s0, $0x4;
	v8 =	vxor.u32 $0x80000000, v8;
	[tilespmem:s11+$0x1CD60] =	vst v7  }
0x402: {  	v7 =	vld [tilespmem:s0+$0x1CD60];
	[tilespmem:s11+$0x1CD40] =	vst v8;
	s11 =	smov.u32 s0;
	_ =	sdelay $0x1  }
0x403: {  	v8 =	vld [tilespmem:s11+$0x1CD40];
	_ =	sdelay $0x2  }
0x404: {  	v7 =	vperm.xlane v7, v4;
	_ =	sdelay $0x1  }
0x405: {  	vm4 =	vgt.s32 v8, v7  }
0x406: {  	v9 =	vsel vm4, v8, v7;
	v7 =	vsel vm4, v7, v8  }
0x407: {  	v8 =	vxor.u32 $0x80000000, v9;
	v10 =	vxor.u32 $0x80000000, v7  }
0x408: {  	(xrf1) =	vsort.dscd.msk.u32 $0xffff, v10, v7  }
0x409: {  	(xrf1) =	vsort.dscd.msk.u32 $0xffff, v8, v9;
	_ =	sdelay $0x8  }
.Ltmp45:
0x40a: {  	(pc) =	sbr.rel @p1 .LBB2_73-.Ltmp45, $3  }
0x40b: {  	_ =	sdelay $0x1  }
0x40c: {  	s10 =	sadd.s32 $0x2, s10  }
0x40d: {  	s8 =	sand.u32 $0x1, s7;
	s7 =	sadd.s32 $0x1, s7;
	s0 =	sand.u32 $0x1C, s10;
	v7, _, _ =	vpop (xrf1)  }
0x40e: {  	s0 =	sor.u32 s8, s0;
	v7 =	vxor.u32 $0x80000000, v7  }
0x40f: {  	v8, _, _ =	vpop (xrf1);
	s0 =	sshll.u32 s0, $0x4;
	[tilespmem:s11+$0x1CD60] =	vst v7  }
0x410: {  	v7 =	vxor.u32 $0x80000000, v8;
	v8 =	vld [tilespmem:s0+$0x1CD60]  }
0x411: {  	[tilespmem:s11+$0x1CD40] =	vst v7  }
0x412: {  	v7 =	vld [tilespmem:s0+$0x1CD40];
	_ =	sdelay $0x2  }
0x413: {  	v8 =	vperm.xlane v8, v4;
	_ =	sdelay $0x1  }
0x414: {  	vm4 =	vgt.s32 v7, v8  }
0x415: {  	v9 =	vsel vm4, v8, v7  }
0x416: {  	v7 =	vsel vm4, v7, v8;
	v8 =	vxor.u32 $0x80000000, v9  }
0x417: {  	v10 =	vxor.u32 $0x80000000, v7;
	(xrf1) =	vsort.dscd.msk.u32 $0xffff, v8, v9  }
0x418: {  	(xrf1) =	vsort.dscd.msk.u32 $0xffff, v10, v7;
	_ =	sdelay $0xc  }
0x419: {  	v7, _, _ =	vpop (xrf1)  }
0x41a: {  	v7 =	vxor.u32 $0x80000000, v7;
	v8, _, _ =	vpop (xrf1)  }
0x41b: {  	v8 =	vxor.u32 $0x80000000, v8;
	[tilespmem:s0+$0x1CD60] =	vst v7  }
0x41c: {  	s11 =	simm.s32 $0x0;
	[tilespmem:s0+$0x1CD40] =	vst v8  }
0x41d: {  	v7 =	vld [tilespmem:s11+$0x1CD50];
	_ =	sdelay $0x1  }
0x41e: {  	v8 =	vld [tilespmem:s11+$0x1CD40];
	_ =	sdelay $0x2  }
0x41f: {  	v7 =	vperm.xlane v7, v4;
	_ =	sdelay $0x1  }
0x420: {  	vm4 =	vgt.s32 v8, v7  }
0x421: {  	v62 =	vsel vm4, v7, v8  }
0x422: {  	v7 =	vsel vm4, v8, v7;
	v8 =	vxor.u32 $0x80000000, v62  }
0x423: {  	v63 =	vxor.u32 $0x80000000, v7;
	(xrf1) =	vsort.dscd.msk.u32 $0xffff, v8, v62  }
0x424: {  	(xrf1) =	vsort.dscd.msk.u32 $0xffff, v63, v7;
	_ =	sdelay $0xc  }
0x425: {  	v7, _, _ =	vpop (xrf1)  }
0x426: {  	v8 =	vxor.u32 $0x80000000, v7;
	v7, _, _ =	vpop (xrf1)  }
0x427: {  	s8 =	simm.s32 $0x20;
	s7 =	simm.s32 $0x100;
	v7 =	vxor.u32 $0x80000000, v7;
	[tilespmem:s11+$0x1CD50] =	vst v8  }
.LBB2_75:
0x428: {  	p1 =	sne.s32 s7, $0x780;
	v8 =	vld [tilespmem:s8+$0x1CD50];
	[tilespmem:s11+$0x1CD40] =	vst v7;
	s11 =	smov.u32 s8;
	_ =	sdelay $0x1  }
0x429: {  	v7 =	vld [tilespmem:s11+$0x1CD40];
	_ =	sdelay $0x2  }
0x42a: {  	v8 =	vperm.xlane v8, v4;
	_ =	sdelay $0x1  }
0x42b: {  	vm4 =	vgt.s32 v7, v8  }
0x42c: {  	v9 =	vsel vm4, v7, v8;
	v7 =	vsel vm4, v8, v7  }
0x42d: {  	v8 =	vxor.u32 $0x80000000, v9;
	v10 =	vxor.u32 $0x80000000, v7  }
0x42e: {  	(xrf1) =	vsort.dscd.msk.u32 $0xffff, v10, v7  }
0x42f: {  	(xrf1) =	vsort.dscd.msk.u32 $0xffff, v8, v9;
	_ =	sdelay $0xa  }
.Ltmp46:
0x430: {  	(pc) =	sbr.rel @p1 .LBB2_75-.Ltmp46, $4  }
0x431: {  	_ = 	snop  }
0x432: {  	v7, _, _ =	vpop (xrf1)  }
0x433: {  	v8 =	vxor.u32 $0x80000000, v7;
	v7, _, _ =	vpop (xrf1)  }
0x434: {  	s8 =	sshra.s32 s7, $0x2;
	s7 =	sadd.s32 $0x80, s7;
	v7 =	vxor.u32 $0x80000000, v7;
	[tilespmem:s11+$0x1CD50] =	vst v8  }
0x435: {  	v8 =	vld [tilespmem:s8+$0x1CD50]  }
0x436: {  	[tilespmem:s11+$0x1CD40] =	vst v7  }
0x437: {  	v7 =	vld [tilespmem:s8+$0x1CD40];
	_ =	sdelay $0x2  }
0x438: {  	v8 =	vperm.xlane v8, v4;
	_ =	sdelay $0x1  }
0x439: {  	vm4 =	vgt.s32 v7, v8  }
0x43a: {  	v9 =	vsel vm4, v8, v7  }
0x43b: {  	v7 =	vsel vm4, v7, v8;
	v8 =	vxor.u32 $0x80000000, v9  }
0x43c: {  	v10 =	vxor.u32 $0x80000000, v7;
	(xrf1) =	vsort.dscd.msk.u32 $0xffff, v8, v9  }
0x43d: {  	(xrf1) =	vsort.dscd.msk.u32 $0xffff, v10, v7;
	_ =	sdelay $0xc  }
0x43e: {  	v7, _, _ =	vpop (xrf1)  }
0x43f: {  	v7 =	vxor.u32 $0x80000000, v7;
	v8, _, _ =	vpop (xrf1)  }
0x440: {  	v8 =	vxor.u32 $0x80000000, v8;
	[tilespmem:s8+$0x1CD50] =	vst v7  }
0x441: {  	s22 =	simm.s32 $0x0;
	[tilespmem:s8+$0x1CD40] =	vst v8  }
0x442: {  	p2 =	por $0x1, $0x1;
	v7 =	vld [tilespmem:s22+$0x1CD40]  }
.Ltmp47:
0x443: {  	_ = 	snop;
	(pc) =	sbr.rel @!p2 .LBB2_77-.Ltmp47, $2  }
0x444: {  	_ =	sdelay $0x2  }
0x445: {  	s21 =	simm.s32 $0x40;
	p1 =	por $0x0, $0x0;
	[dreg:$0x12] =	wrdreg s1;
	v12 =	vsub.s32 $0x0, v7  }
0x446: {  	vm4 =	vlt.s32 v5, v7;
	v7 =	vand.u32 $0x1FF, v12  }
0x447: {  	v7 =	vnsel vm4, $0x0, v7;
	_ =	sdelay $0x4  }
0x448: {  	v8 =	vld.idx.msk [tilespmem:v7+s29+$0x0], $0xffff;
	_ =	sdelay $0x4  }
0x449: {  	[tilespmem:s22+$0x1CF40] =	vst v8  }
0x44a: {  	v7 =	vld.idx.msk [tilespmem:v7+s30+$0x0], $0xffff;
	_ =	sdelay $0x4  }
0x44b: {  	vm4 =	vgt.s32 v7, $0x0  }
0x44c: {  	v7 =	vnsel vm4, $0x0, v7  }
0x44d: {  	v11 =	vmin.u32 v7, $0x4E1F;
	_ =	sdelay $0x2  }
0x44e: {  	s11 =	simm.s32 $0x10  }
0x44f: {  	v7 =	vld [tilespmem:s11+$0x1CD40];
	[tilespmem:s22+$0x1D140] =	vst v11  }
0x450: {  	p2 =	por $0x1, $0x1;
	v9 =	vld.idx.msk [tilespmem:v11+s31+$0x0], $0xffff  }
.Ltmp48:
0x451: {  	v8 =	vld.idx.msk [tilespmem:v11+s14+$0x0], $0xffff;
	(pc) =	sbr.rel @!p2 .LBB2_79-.Ltmp48, $4  }
0x452: {  	v10 =	vld.idx.msk [tilespmem:v11+s9+$0x0], $0xffff  }
0x453: {  	v11 =	vld.idx.msk [tilespmem:v11+s3+$0x0], $0xffff  }
0x454: {  	[tilespmem:s22+$0x1DD40] =	vst v2  }
0x455: {  	s13 =	simm.s32 $0x80;
	p1 =	por $0x1, $0x1;
	s12 =	simm.s32 $0x0;
	v12 =	vsub.s32 $0x0, v7;
	[tilespmem:s22+$0x1D340] =	vst v9  }
.LBB2_80:
0x456: {  	p2 =	sne.s32 s13, $0x7C0;
	s0 =	smov.u32 s13;
	s13 =	sadd.s32 $0x40, s13  }
0x457: {  	vm4 =	vlt.s32 v5, v7;
	v7 =	vand.u32 $0x1FF, v12;
	v9 =	vsub.f32 v10, v9;
	[tilespmem:s12+$0x1D740] =	vst v10  }
0x458: {  	v7 =	vnsel vm4, $0x0, v7;
	v10 =	vsub.f32 v8, v11;
	[tilespmem:s12+$0x1D540] =	vst v11;
	_ =	sdelay $0x1  }
0x459: {  	v9 =	vmul.f32 v10, v9  }
0x45a: {  	[tilespmem:s12+$0x1D940] =	vst v8  }
0x45b: {  	[tilespmem:s12+$0x1DB40] =	vst v9;
	s12 =	smov.u32 s11  }
0x45c: {  	v8 =	vld.idx.msk [tilespmem:v7+s29+$0x0], $0xffff;
	_ =	sdelay $0x5  }
0x45d: {  	[tilespmem:s12+$0x1CF40] =	vst v8  }
0x45e: {  	v7 =	vld.idx.msk [tilespmem:v7+s30+$0x0], $0xffff;
	_ =	sdelay $0x5  }
0x45f: {  	vm4 =	vgt.s32 v7, $0x0  }
0x460: {  	v7 =	vnsel vm4, $0x0, v7  }
0x461: {  	v11 =	vmin.u32 v7, $0x4E1F;
	_ =	sdelay $0x2  }
0x462: {  	s11 =	sshra.s32 s0, $0x2  }
0x463: {  	v7 =	vld [tilespmem:s11+$0x1CD40];
	[tilespmem:s12+$0x1D140] =	vst v11  }
0x464: {  	v9 =	vld.idx.msk [tilespmem:v11+s31+$0x0], $0xffff  }
0x465: {  	v8 =	vld.idx.msk [tilespmem:v11+s14+$0x0], $0xffff  }
.Ltmp49:
0x466: {  	v10 =	vld.idx.msk [tilespmem:v11+s9+$0x0], $0xffff;
	(pc) =	sbr.rel @p2 .LBB2_80-.Ltmp49, $3  }
0x467: {  	v11 =	vld.idx.msk [tilespmem:v11+s3+$0x0], $0xffff  }
0x468: {  	[tilespmem:s12+$0x1DD40] =	vst v2;
	_ =	sdelay $0x1  }
0x469: {  	v12 =	vsub.s32 $0x0, v7;
	[tilespmem:s12+$0x1D340] =	vst v9  }
0x46a: {  	s1 =	smov.u32 s24  }
.LBB2_82:
0x46b: {  	vm4 =	vlt.s32 v5, v7;
	v7 =	vand.u32 $0x1FF, v12  }
0x46c: {  	v9 =	vsub.f32 @p1 v10, v9;
	v12 =	vsub.f32 @p1 v8, v11;
	v7 =	vnsel vm4, $0x0, v7  }
0x46d: {  	[tilespmem:s12+$0x1D740] =	vst @p1 v10  }
0x46e: {  	[tilespmem:s12+$0x1D540] =	vst @p1 v11;
	v9 =	vmul.f32 @p1 v12, v9  }
0x46f: {  	[tilespmem:s12+$0x1D940] =	vst @p1 v8  }
0x470: {  	[tilespmem:s12+$0x1DB40] =	vst @p1 v9  }
0x471: {  	v8 =	vld.idx.msk [tilespmem:v7+s29+$0x0], $0xffff;
	_ =	sdelay $0x4  }
0x472: {  	[tilespmem:s11+$0x1CF40] =	vst v8  }
0x473: {  	v7 =	vld.idx.msk [tilespmem:v7+s30+$0x0], $0xffff;
	_ =	sdelay $0x4  }
0x474: {  	vm4 =	vgt.s32 v7, $0x0  }
0x475: {  	v7 =	vnsel vm4, $0x0, v7  }
0x476: {  	v7 =	vmin.u32 v7, $0x4E1F;
	_ =	sdelay $0x3  }
0x477: {  	[tilespmem:s11+$0x1D140] =	vst v7  }
0x478: {  	v8 =	vld.idx.msk [tilespmem:v7+s31+$0x0], $0xffff  }
0x479: {  	v9 =	vld.idx.msk [tilespmem:v7+s14+$0x0], $0xffff  }
0x47a: {  	v10 =	vld.idx.msk [tilespmem:v7+s9+$0x0], $0xffff  }
0x47b: {  	v7 =	vld.idx.msk [tilespmem:v7+s3+$0x0], $0xffff;
	_ =	sdelay $0x3  }
0x47c: {  	p1 =	por $0x1, $0x1;
	[tilespmem:s11+$0x1DD40] =	vst v2  }
.Ltmp50:
0x47d: {  	[tilespmem:s11+$0x1D340] =	vst v8;
	v8 =	vsub.f32 v10, v8;
	v63 =	vsub.f32 v9, v7;
	(pc) =	sbr.rel @!p1 .LBB2_84-.Ltmp50, $4  }
0x47e: {  	[tilespmem:s11+$0x1D740] =	vst v10  }
0x47f: {  	[tilespmem:s11+$0x1D540] =	vst v7;
	v7 =	vmul.f32 v63, v8  }
0x480: {  	[tilespmem:s11+$0x1D940] =	vst v9  }
0x481: {  	[tilespmem:s11+$0x1DB40] =	vst v7  }
.LBB2_83:
0x482: {  	p1 =	sne.s32 s21, $0xF80;
	[tilespmem:s22+$0x1DF40] =	vst v2;
	s0 =	smov.u32 s21;
	s21 =	sadd.s32 $0x40, s21  }
.Ltmp51:
0x483: {  	(pc) =	sbr.rel @p1 .LBB2_83-.Ltmp51, $2  }
0x484: {  	_ =	sdelay $0x2  }
0x485: {  	s22 =	sshra.s32 s0, $0x2  }
.LBB2_84:
0x486: {  	p1 =	slt.s32 s20, $0x1  }
.Ltmp52:
0x487: {  	_ = 	snop;
	(pc) =	sbr.rel @p1 .LBB2_106-.Ltmp52, $2  }
0x488: {  	_ =	sdelay $0x2  }
0x489: {  	[tilespmem:s22+$0x1DF40] =	vst v2  }
.Ltmp53:
0x48a: {  	(pc) =	sbr.rel .LBB2_86-.Ltmp53, $3  }
0x48b: {  	_ =	sdelay $0x1  }
0x48c: {  	s25 =	smin.u32 s20, $0x190  }
0x48d: {  	s20 =	simm.s32 $0x0;
	s23 =	simm.s32 $0x40;
	s21 =	simm.s32 $0x0  }
.LBB2_104:
0x48e: {  	s20 =	sadd.s32 $0x1, s20  }
.LBB2_105:
0x48f: {  	s21 =	sadd.s32 $0x1, s21;
	p1 =	sgt.s32 s20, $0xC7  }
0x490: {  	p2 =	slt.s32 @!p1 s21, s25  }
0x491: {  	p1 =	por p1, !p2  }
.Ltmp54:
0x492: {  	_ = 	snop;
	(pc) =	sbr.rel @p1 .LBB2_106-.Ltmp54, $1  }
0x493: {  	_ =	sdelay $0x3  }
.LBB2_86:
0x494: {  	p1 =	slt.s32 s21, s23;
	s0 =	ssub.s32 s25, s21  }
0x495: {  	p2 =	slt.s32 @!p1 s0, $0x31  }
0x496: {  	p2 =	por p1, p2  }
.Ltmp55:
0x497: {  	_ = 	snop;
	(pc) =	sbr.rel @p2 .LBB2_87-.Ltmp55, $1  }
0x498: {  	_ =	sdelay $0x3  }
0x499: {  	s0 =	sadd.s32 $0x10, s21;
	s8 =	sand.u32 $0xF, s21;
	s10 =	sadd.s32 $0xF, s25  }
0x49a: {  	s7 =	sshra.s32 s0, $0x1F;
	p1 =	slt.s32 s0, $0x1;
	p2 =	sne.s32 s8, $0x0  }
0x49b: {  	s24 =	sand.u32 $0xF, s10;
	p6 =	slt.s32 s10, $0x1;
	s28 =	sshra.s32 s10, $0x1F  }
0x49c: {  	s8 =	simm.s32 $0x1;
	s7 =	sshrl.u32 s7, $0x1C;
	p3 =	sne.s32 s24, $0x0  }
0x49d: {  	p1 =	por !p1, !p2;
	s7 =	sadd.s32 s7, s0;
	p2 =	por !p6, !p3  }
0x49e: {  	p1 =	por !p1, !p1;
	s26 =	sshra.s32 s7, $0x4;
	s7 =	sshrl.u32 s28, $0x1C  }
0x49f: {  	p2 =	por !p2, !p2;
	s7 =	sadd.s32 s7, s10;
	s10 =	simm.s32 $0x1  }
0x4a0: {  	s8 =	simm.s32 @!p1 $0x0;
	s7 =	sshra.s32 s7, $0x4;
	s10 =	simm.s32 @!p2 $0x0  }
0x4a1: {  	s23 =	ssub.s32 s26, s8;
	s26 =	ssub.s32 s7, s10  }
0x4a2: {  	p1 =	sge.s32 s23, s26  }
.Ltmp56:
0x4a3: {  	_ = 	snop;
	(pc) =	sbr.rel @p1 .LBB2_89-.Ltmp56, $2  }
0x4a4: {  	_ =	sdelay $0x2  }
0x4a5: {  	s24 =	sshll.u32 s23, $0x6;
	s7 =	sshll.u32 s23, $0x4  }
0x4a6: {  	s0 =	sshra.s32 s24, $0x2  }
0x4a7: {  	v8 =	vmov s0;
	_ =	sdelay $0x3  }
0x4a8: {  	s15 =	simm.s32 $0x1DD40  }
0x4a9: {  	s8 =	simm.s32 $0x1CF40;
	v12 =	vld.idx.msk [tilespmem:v8+s15+$0x0 ss:$0x1], $0xffff  }
0x4aa: {  	v10 =	vld.idx.msk [tilespmem:v8+s8+$0x0 ss:$0x1], $0xffff;
	s8 =	sadd.s32 $0x1, s23  }
0x4ab: {  	s16 =	simm.s32 $0x1DB40;
	p2 =	slt.s32 s8, s26  }
.Ltmp57:
0x4ac: {  	s22 =	simm.s32 $0x1D340;
	v7 =	vld.idx.msk [tilespmem:v8+s16+$0x0 ss:$0x1], $0xffff;
	(pc) =	sbr.rel @!p2 .LBB2_91-.Ltmp57, $4  }
0x4ad: {  	v9 =	vmov s25;
	v13 =	vor.u32 s7, v0;
	s25 =	simm.s32 $0x1D740;
	v11 =	vld.idx.msk [tilespmem:v8+s22+$0x0 ss:$0x1], $0xffff  }
0x4ae: {  	s28 =	simm.s32 $0x1D940;
	vm5 =	vlt.s32 v13, v9;
	v13 =	vld.idx.msk [tilespmem:v8+s25+$0x0 ss:$0x1], $0xffff;
	vm4 =	veq.f32 v12, $0.0e+00  }
0x4af: {  	s10 =	simm.s32 $0x1D540;
	v14 =	vld.idx.msk [tilespmem:v8+s28+$0x0 ss:$0x1], $0xffff;
	vm4 =	vmand vm5, vm4  }
0x4b0: {  	p1 =	por $0x0, $0x0;
	v12 =	vld.idx.msk [tilespmem:v8+s10+$0x0 ss:$0x1], $0xffff;
	v15 =	vmpcnt.ones.xlane vm4  }
0x4b1: {  	_ = 	snop  }
0x4b2: {  	(v2sf) =	vpush v15, $0x0;
	_ =	sdelay $0x1  }
0x4b3: {  	[tilespmem:s7+$0x1CF40] =	vst.msk vm4, v10  }
0x4b4: {  	[tilespmem:s7+$0x1D340] =	vst.msk vm4, v11  }
0x4b5: {  	[tilespmem:s7+$0x1D540] =	vst.msk vm4, v12  }
0x4b6: {  	[tilespmem:s7+$0x1D740] =	vst.msk vm4, v13  }
0x4b7: {  	[tilespmem:s7+$0x1D940] =	vst.msk vm4, v14  }
0x4b8: {  	s11 =	simm.s32 $0x1DD50;
	[tilespmem:s7+$0x1DB40] =	vst.msk vm4, v7  }
0x4b9: {  	v12 =	vld.idx.msk [tilespmem:v8+s11+$0x0 ss:$0x1], $0xffff  }
0x4ba: {  	s12 =	simm.s32 $0x1DB50;
	s28 =	sadd.s32 $0x1, s8  }
0x4bb: {  	s13 =	simm.s32 $0x1CF50;
	p2 =	slt.s32 s28, s26;
	v7 =	vld.idx.msk [tilespmem:v8+s12+$0x0 ss:$0x1], $0xffff  }
.Ltmp58:
0x4bc: {  	s15 =	simm.s32 $0x1D350;
	s16 =	sadd.s32 $0x10, s7;
	v10 =	vld.idx.msk [tilespmem:v8+s13+$0x0 ss:$0x1], $0xffff;
	(pc) =	sbr.rel @!p2 .LBB2_93-.Ltmp58, $4  }
0x4bd: {  	s10 =	simm.s32 $0x1D750;
	v13 =	vor.u32 s16, v0;
	v11 =	vld.idx.msk [tilespmem:v8+s15+$0x0 ss:$0x1], $0xffff  }
0x4be: {  	s25 =	simm.s32 $0x1D550;
	vm5 =	vlt.s32 v13, v9;
	v13 =	vld.idx.msk [tilespmem:v8+s10+$0x0 ss:$0x1], $0xffff;
	vm4 =	veq.f32 v12, $0.0e+00  }
0x4bf: {  	s8 =	simm.s32 $0x1D950;
	v12 =	vld.idx.msk [tilespmem:v8+s25+$0x0 ss:$0x1], $0xffff;
	vm4 =	vmand vm5, vm4  }
0x4c0: {  	p1 =	por $0x1, $0x1;
	s22 =	smov.u32 s7;
	v14 =	vld.idx.msk [tilespmem:v8+s8+$0x0 ss:$0x1], $0xffff;
	v15 =	vmpcnt.ones.xlane vm4;
	s0 =	spop (v2sf)  }
.LBB2_94:
0x4c1: {  	s28 =	sadd.s32 $0x1, s28;
	s22 =	sadd.s32 s22, s0  }
0x4c2: {  	p2 =	slt.s32 s28, s26;
	[tilespmem:s22+$0x1CF40] =	vst.msk vm4, v10;
	(v2sf) =	vpush v15, $0x0  }
0x4c3: {  	[tilespmem:s22+$0x1D340] =	vst.msk vm4, v11  }
0x4c4: {  	[tilespmem:s22+$0x1D540] =	vst.msk vm4, v12  }
0x4c5: {  	[tilespmem:s22+$0x1D740] =	vst.msk vm4, v13  }
0x4c6: {  	[tilespmem:s22+$0x1D940] =	vst.msk vm4, v14  }
0x4c7: {  	s12 =	sadd.s32 $0x10, s12;
	[tilespmem:s22+$0x1DB40] =	vst.msk vm4, v7  }
0x4c8: {  	s11 =	sadd.s32 $0x10, s11;
	v7 =	vld.idx.msk [tilespmem:v8+s12+$0x0 ss:$0x1], $0xffff  }
0x4c9: {  	v12 =	vld.idx.msk [tilespmem:v8+s11+$0x0 ss:$0x1], $0xffff;
	_ =	sdelay $0x2  }
0x4ca: {  	s13 =	sadd.s32 $0x10, s13  }
.Ltmp59:
0x4cb: {  	s15 =	sadd.s32 $0x10, s15;
	s16 =	sadd.s32 $0x10, s16;
	v10 =	vld.idx.msk [tilespmem:v8+s13+$0x0 ss:$0x1], $0xffff;
	(pc) =	sbr.rel @p2 .LBB2_94-.Ltmp59, $4  }
0x4cc: {  	s25 =	sadd.s32 $0x10, s25;
	v13 =	vor.u32 s16, v0;
	v11 =	vld.idx.msk [tilespmem:v8+s15+$0x0 ss:$0x1], $0xffff  }
0x4cd: {  	s10 =	sadd.s32 $0x10, s10;
	vm5 =	vlt.s32 v13, v9;
	vm4 =	veq.f32 v12, $0.0e+00;
	v12 =	vld.idx.msk [tilespmem:v8+s25+$0x0 ss:$0x1], $0xffff  }
0x4ce: {  	s8 =	sadd.s32 $0x10, s8;
	vm4 =	vmand vm5, vm4;
	v13 =	vld.idx.msk [tilespmem:v8+s10+$0x0 ss:$0x1], $0xffff  }
0x4cf: {  	v15 =	vmpcnt.ones.xlane vm4;
	v14 =	vld.idx.msk [tilespmem:v8+s8+$0x0 ss:$0x1], $0xffff;
	s0 =	spop (v2sf)  }
.LBB2_95:
0x4d0: {  	_ = 	snop  }
0x4d1: {  	(v2sf) =	vpush v15, $0x0;
	_ =	sdelay $0x8  }
0x4d2: {  	s0 =	sadd.s32 @p1 s22, s0  }
0x4d3: {  	s7 =	smov.u32 @p1 s0  }
0x4d4: {  	[tilespmem:s7+$0x1CF40] =	vst.msk vm4, v10  }
.Ltmp60:
0x4d5: {  	[tilespmem:s7+$0x1D340] =	vst.msk vm4, v11;
	(pc) =	sbr.rel .LBB2_96-.Ltmp60, $4  }
0x4d6: {  	[tilespmem:s7+$0x1D540] =	vst.msk vm4, v12  }
0x4d7: {  	[tilespmem:s7+$0x1D740] =	vst.msk vm4, v13  }
0x4d8: {  	[tilespmem:s7+$0x1D940] =	vst.msk vm4, v14;
	s28 =	spop (v2sf)  }
0x4d9: {  	[tilespmem:s7+$0x1DB40] =	vst.msk vm4, v7;
	s25 =	sadd.s32 s7, s28  }
.LBB2_87:
.Ltmp61:
0x4da: {  	(pc) =	sbr.rel .LBB2_100-.Ltmp61, $2  }
0x4db: {  	_ =	sdelay $0x2  }
0x4dc: {  	s25 =	smov.u32 @p1 s25;
	s23 =	smov.u32 @p1 s23  }
.LBB2_89:
0x4dd: {  	s25 =	smov.u32 s7  }
.LBB2_96:
0x4de: {  	s0 =	sadd.s32 $0xF, s25  }
0x4df: {  	s7 =	sand.u32 $0xF, s0  }
0x4e0: {  	s8 =	sshra.s32 s0, $0x1F;
	p1 =	slt.s32 s0, $0x1;
	p2 =	sne.s32 s7, $0x0  }
0x4e1: {  	s28 =	sshrl.u32 s8, $0x1C;
	p1 =	por !p1, !p2  }
0x4e2: {  	s7 =	simm.s32 $0x1;
	s0 =	sadd.s32 s28, s0;
	p1 =	por !p1, !p1  }
0x4e3: {  	s0 =	sshra.s32 s0, $0x4;
	s7 =	simm.s32 @!p1 $0x0  }
0x4e4: {  	s7 =	ssub.s32 s0, s7  }
0x4e5: {  	p1 =	sge.s32 s23, s7  }
.Ltmp62:
0x4e6: {  	_ = 	snop;
	(pc) =	sbr.rel @p1 .LBB2_99-.Ltmp62, $1  }
0x4e7: {  	_ =	sdelay $0x3  }
0x4e8: {  	s0 =	sadd.s32 $0x1, s23  }
0x4e9: {  	p1 =	slt.s32 s0, s7  }
.Ltmp63:
0x4ea: {  	_ = 	snop;
	(pc) =	sbr.rel @!p1 .LBB2_99-.Ltmp63, $4  }
0x4eb: {  	_ = 	snop  }
0x4ec: {  	s8 =	sshra.s32 s24, $0x2  }
0x4ed: {  	s8 =	sadd.s32 $0x1DD40, s8  }
0x4ee: {  	[tilespmem:s8+$0x0] =	vst v2  }
.LBB2_98:
0x4ef: {  	s0 =	sadd.s32 $0x1, s0  }
0x4f0: {  	p1 =	slt.s32 s0, s7  }
.Ltmp64:
0x4f1: {  	_ = 	snop;
	(pc) =	sbr.rel @p1 .LBB2_98-.Ltmp64, $3  }
0x4f2: {  	_ =	sdelay $0x1  }
0x4f3: {  	s8 =	sadd.s32 $0x10, s8  }
0x4f4: {  	[tilespmem:s8+$0x0] =	vst v2  }
.LBB2_99:
0x4f5: {  	s23 =	sadd.s32 $0x40, s21  }
.LBB2_100:
0x4f6: {  	v12 =	vmov s21;
	_ =	sdelay $0x4  }
0x4f7: {  	v7 =	vld.idx.msk [tilespmem:v12+s17+$0x0], $0xffff;
	_ =	sdelay $0x4  }
0x4f8: {  	(v2sf) =	vpush v7, $0x0;
	_ =	sdelay $0xe  }
0x4f9: {  	s0 =	spop (v2sf)  }
0x4fa: {  	p1 =	sne.f32 s0, $0.0e+00  }
.Ltmp65:
0x4fb: {  	_ = 	snop;
	(pc) =	sbr.rel @p1 .LBB2_105-.Ltmp65, $1  }
0x4fc: {  	_ =	sdelay $0x3  }
0x4fd: {  	_ =	sdelay $0x1  }
0x4fe: {  	s26 =	sadd.s32 $0xF, s25  }
0x4ff: {  	s0 =	simm.s32 $0x1CF40;
	s24 =	simm.s32 $0x1D340;
	s7 =	sand.u32 $0xF, s26  }
0x500: {  	v11 =	vld.idx.msk [tilespmem:v12+s0+$0x0], $0xffff;
	s28 =	sshra.s32 s26, $0x1F;
	p2 =	slt.s32 s26, $0x1;
	p1 =	sne.s32 s7, $0x0  }
0x501: {  	v7 =	vld.idx.msk [tilespmem:v12+s24+$0x0], $0xffff;
	s7 =	sshrl.u32 s28, $0x1C;
	p1 =	por !p2, !p1  }
0x502: {  	v8 =	vld.idx.msk [tilespmem:v12+s2+$0x0], $0xffff;
	s0 =	sadd.s32 s7, s26;
	s7 =	simm.s32 $0x1;
	p1 =	por !p1, !p1  }
0x503: {  	v9 =	vld.idx.msk [tilespmem:v12+s4+$0x0], $0xffff;
	s8 =	smul.u32 $0x5, s20;
	s0 =	sshra.s32 s0, $0x4;
	s7 =	simm.s32 @!p1 $0x0  }
0x504: {  	v10 =	vld.idx.msk [tilespmem:v12+s5+$0x0], $0xffff;
	s22 =	ssub.s32 s0, s7;
	s7 =	sshrl.u32 s21, $0x4  }
0x505: {  	v13 =	vadd.s32 s8, v0;
	p1 =	sge.s32 s7, s22  }
.Ltmp66:
0x506: {  	v11 =	vsel vm0, v11, v7;
	(pc) =	sbr.rel @p1 .LBB2_104-.Ltmp66, $4  }
0x507: {  	v11 =	vsel vm1, v11, v8  }
0x508: {  	v14 =	vsel vm2, v11, v9  }
0x509: {  	v14 =	vsel vm3, v14, v10  }
0x50a: {  	v11 =	vld.idx.msk [tilespmem:v12+s6+$0x0], $0xffff;
	[tilespmem:v13+s18+$0x0] =	vst.idx.msk $0x1f, v14  }
0x50b: {  	s0 =	sshll.u32 s21, $0x2  }
0x50c: {  	s0 =	sshra.s32 s0, $0x2  }
0x50d: {  	s0 =	sand.u32 $0xFFFFFFF0, s0  }
0x50e: {  	s8 =	sadd.s32 $0x1D340, s0  }
0x50f: {  	s24 =	sadd.s32 $0x1D740, s0;
	v13 =	vld [tilespmem:s8+$0x0]  }
0x510: {  	s26 =	sadd.s32 $0x1D540, s0;
	v14 =	vld [tilespmem:s24+$0x0]  }
0x511: {  	s28 =	sadd.s32 $0x1D940, s0;
	v15 =	vld [tilespmem:s26+$0x0]  }
0x512: {  	v16 =	vld [tilespmem:s28+$0x0];
	_ =	sdelay $0x2  }
0x513: {  	s11 =	sadd.s32 $0x1DB40, s0  }
0x514: {  	v17 =	vld [tilespmem:s11+$0x0];
	v13 =	vmax.f32 v7, v13  }
0x515: {  	v15 =	vmax.f32 v8, v15;
	v14 =	vmin.f32 v9, v14;
	v16 =	vmin.f32 v10, v16  }
0x516: {  	v13 =	vsub.f32 v14, v13;
	v14 =	vsub.f32 v16, v15;
	_ =	sdelay $0x1  }
0x517: {  	v13 =	vmax.f32 v13, $0.0e+00;
	v14 =	vmax.f32 v14, $0.0e+00  }
0x518: {  	v13 =	vmul.f32 v14, v13;
	v14 =	vadd.f32 v17, v11;
	_ =	sdelay $0x1  }
0x519: {  	v14 =	vsub.f32 v14, v13;
	_ =	sdelay $0x1  }
0x51a: {  	v14 =	vmax.f32 v14, $9.999999960e-13  }
0x51b: {  	(erf) = vrcp.f32 v14;
	_ =	sdelay $0x7  }
0x51c: {  	s12 =	sadd.s32 $0x1DD40, s0  }
0x51d: {  	s15 =	sadd.s32 $0x1, s7;
	v14 =	vld [tilespmem:s12+$0x0];
	v15 =	vpop (erf)  }
0x51e: {  	s13 =	sand.u32 $0xFFFFFFF0, s21;
	p1 =	slt.s32 s15, s22;
	v13 =	vmul.f32 v15, v13  }
.Ltmp67:
0x51f: {  	v12 =	vadd.s32 v1, v12;
	v15 =	vmov s13;
	(pc) =	sbr.rel @!p1 .LBB2_104-.Ltmp67, $4  }
0x520: {  	vm5 =	vgt.s32 v15, v12;
	vm4 =	vgt.f32 v13, $4.499999880e-01  }
0x521: {  	vm4 =	vmand vm5, vm4  }
0x522: {  	v13 =	vsel vm4, $0x3F800000, v14  }
0x523: {  	s16 =	sadd.s32 $0x10, s8;
	[tilespmem:s12+$0x0] =	vst v13  }
.LBB2_103:
0x524: {  	v13 =	vld [tilespmem:s16+$0x0];
	s24 =	sadd.s32 $0x10, s24  }
0x525: {  	s26 =	sadd.s32 $0x10, s26;
	v14 =	vld [tilespmem:s24+$0x0]  }
0x526: {  	s28 =	sadd.s32 $0x10, s28;
	v15 =	vld [tilespmem:s26+$0x0]  }
0x527: {  	s15 =	sadd.s32 $0x1, s15;
	v16 =	vld [tilespmem:s28+$0x0]  }
0x528: {  	p1 =	slt.s32 s15, s22;
	_ =	sdelay $0x1  }
0x529: {  	s11 =	sadd.s32 $0x10, s11  }
0x52a: {  	v13 =	vmax.f32 v7, v13;
	v17 =	vld [tilespmem:s11+$0x0]  }
0x52b: {  	v14 =	vmin.f32 v9, v14;
	v15 =	vmax.f32 v8, v15;
	v16 =	vmin.f32 v10, v16  }
0x52c: {  	v13 =	vsub.f32 v14, v13;
	v14 =	vsub.f32 v16, v15;
	_ =	sdelay $0x1  }
0x52d: {  	v13 =	vmax.f32 v13, $0.0e+00;
	v14 =	vmax.f32 v14, $0.0e+00  }
0x52e: {  	v13 =	vmul.f32 v14, v13;
	v14 =	vadd.f32 v17, v11;
	_ =	sdelay $0x1  }
0x52f: {  	v14 =	vsub.f32 v14, v13;
	_ =	sdelay $0x1  }
0x530: {  	v14 =	vmax.f32 v14, $9.999999960e-13  }
0x531: {  	(erf) = vrcp.f32 v14;
	_ =	sdelay $0x7  }
0x532: {  	s12 =	sadd.s32 $0x10, s12  }
0x533: {  	v14 =	vld [tilespmem:s12+$0x0];
	v15 =	vpop (erf)  }
0x534: {  	s13 =	sadd.s32 $0x10, s13;
	v13 =	vmul.f32 v15, v13  }
.Ltmp68:
0x535: {  	v15 =	vmov s13;
	(pc) =	sbr.rel @p1 .LBB2_103-.Ltmp68, $4  }
0x536: {  	vm5 =	vgt.s32 v15, v12;
	vm4 =	vgt.f32 v13, $4.499999880e-01  }
0x537: {  	vm4 =	vmand vm5, vm4  }
0x538: {  	v13 =	vsel vm4, $0x3F800000, v14  }
0x539: {  	s16 =	sadd.s32 $0x10, s16;
	[tilespmem:s12+$0x0] =	vst v13  }
.Ltmp69:
0x53a: {  	_ = 	snop;
	(pc) =	sbr.rel .LBB2_104-.Ltmp69, $1  }
0x53b: {  	_ =	sdelay $0x3  }
.LBB2_91:
.Ltmp70:
0x53c: {  	(pc) =	sbr.rel .LBB2_95-.Ltmp70, $2  }
0x53d: {  	_ =	sdelay $0x2  }
0x53e: {  	s22 =	smov.u32 s7  }
.LBB2_93:
.Ltmp71:
0x53f: {  	(pc) =	sbr.rel .LBB2_95-.Ltmp71, $2  }
0x540: {  	_ =	sdelay $0x2  }
0x541: {  	s22 =	smov.u32 s7  }
.LBB2_65:
.Ltmp72:
0x542: {  	(pc) =	sbr.rel .LBB2_68-.Ltmp72, $2  }
0x543: {  	_ =	sdelay $0x2  }
0x544: {  	p3 =	por $0x0, $0x0  }
.LBB2_69:
.Ltmp73:
0x545: {  	(pc) =	sbr.rel .LBB2_72-.Ltmp73, $2  }
0x546: {  	_ =	sdelay $0x2  }
0x547: {  	_ = 	snop  }
.LBB2_77:
.Ltmp74:
0x548: {  	(pc) =	sbr.rel .LBB2_82-.Ltmp74, $2  }
0x549: {  	_ =	sdelay $0x2  }
0x54a: {  	s1 =	smov.u32 s24;
	s11 =	simm.s32 $0x0  }
.LBB2_79:
.Ltmp75:
0x54b: {  	(pc) =	sbr.rel .LBB2_82-.Ltmp75, $2  }
0x54c: {  	_ =	sdelay $0x2  }
0x54d: {  	s1 =	smov.u32 s24;
	s12 =	simm.s32 $0x0  }
.LBB2_108:
0x54e: {  	_ =	sfence.sel $0x180000  }
0x54f: {  	[bflag:$0x0] =	sbarrier.arrive $0xFFFF  }
0x550: {  	_ =	strace $0x90000047  }
0x551: {  	s0 =	stileid.u32;
	[bflag:$0x2] =	sbarrier.arrive $0xFFFF  }
0x552: {  	p0 =	sne.s32 s0, $0x0;
	s0 =	rddreg [dreg:$0xa]  }
0x553: {  	s0 =	sadd.s32 @!p0 $0x100000, s0  }
0x554: {  	[sflag:s0] =	ssyncadd.tile.s32 @!p0 $0x1;
	_ =	shalt  }
.Lfunc_end2:
_tile_overlayer_lowered:
.L_overlay_start_2:
0x555: {  	(tag) =	ssettag $0x2  }
0x556: {  	s0 =	rddreg [dreg:$0x0];
	s2 =	stileid.u32  }
0x557: {  	s1 =	rddreg [dreg:$0x1];
	p0 =	sne.s32 s2, $0x0  }
0x558: {  	s3 =	rddreg [dreg:$0x2];
	[bflag:$0x3] =	sbarrier.arrive $0xFFFF;
	s2 =	simm.s32 @!p0 $0x1C01  }
0x559: {  	[timem:s3], [sflag:s2] =	dma.local @!p0 [hbm:s0], s1  }
0x55a: {  	s0 =	simm.s32 @!p0 $0x1  }
0x55b: {  	_ =	swait.ge @!p0 [sflag:s0], s1  }
0x55c: {  	s1 =	ssub.s32 @!p0 $0x0, s1;
	[sflag:s0] =	ssyncset.done @!p0 $0x0  }
0x55d: {  	[sflag:s0] =	ssyncadd.s32 @!p0 s1  }
0x55e: {  	[bflag:$0x3] =	sbarrier.arrive $0xFFFF  }
0x55f: {  	_ =	shalt  }

</sc_bundles>
